<compile_context>
chip_gen: v7x
topology: tpu7x:2x2x1
jax: 0.10.2.dev20260603
libtpu: 0.0.44.dev20260713+nightly
codegen_flags: <defaults>
</compile_context>

<pallas_src>
import functools

import jax
import jax.numpy as jnp
from jax import lax
from jax.experimental import pallas as pl
from jax.experimental.pallas import tpu as pltpu
from jax.experimental.pallas import tpu_sc as plsc

N = 10000
E = 320000
F_IN = 128
H1 = 64
NL = 16

NTILES = 32
EPT = E // NTILES
BLK = 128
NBLK = 80
EPT_PAD = NBLK * BLK
R = 10240
W1PAD = 72
W2PAD = 24


def _phase1_body(x_ref, w1_ref, a1s_ref, a1d_ref, g1_ref, bt1_ref,
                 table_ref, s_ref, d_ref, m_ref):
    xv = x_ref[...]
    mu = jnp.mean(xv, axis=0, keepdims=True)
    var = jnp.mean((xv - mu) ** 2, axis=0, keepdims=True)
    xn = (xv - mu) * lax.rsqrt(var + 1e-5) * g1_ref[...] + bt1_ref[...]
    hw = lax.dot_general(xn, w1_ref[...], (((1,), (0,)), ((), ())),
                         preferred_element_type=jnp.float32)
    s = lax.dot_general(hw, a1s_ref[...], (((1,), (0,)), ((), ())),
                        preferred_element_type=jnp.float32)
    d = lax.dot_general(hw, a1d_ref[...], (((1,), (0,)), ((), ())),
                        preferred_element_type=jnp.float32)
    table_ref[...] = jnp.concatenate(
        [hw, s, jnp.zeros((N, W1PAD - H1 - 1), jnp.float32)], axis=1)
    s_ref[...] = s
    d_ref[...] = d
    m = jnp.max(s) + jnp.max(d)
    m = jnp.maximum(m, 0.2 * m)
    m_ref[...] = jnp.full((1, 16), m, jnp.float32)


def _phase2_body(slab_ref, b1_ref, g2_ref, bt2_ref, w2_ref, a2s_ref, a2d_ref,
                 table_ref, s_ref, d_ref, m_ref):
    acc = slab_ref[0, :N, :] + slab_ref[1, :N, :]
    num = acc[:, :H1]
    den = acc[:, H1:H1 + 1]
    h = jnp.tanh(num / (den + 1e-16) + b1_ref[...])
    mu = jnp.mean(h, axis=0, keepdims=True)
    var = jnp.mean((h - mu) ** 2, axis=0, keepdims=True)
    hn = (h - mu) * lax.rsqrt(var + 1e-5) * g2_ref[...] + bt2_ref[...]
    hw = lax.dot_general(hn, w2_ref[...], (((1,), (0,)), ((), ())),
                         preferred_element_type=jnp.float32)
    s = lax.dot_general(hw, a2s_ref[...], (((1,), (0,)), ((), ())),
                        preferred_element_type=jnp.float32)
    d = lax.dot_general(hw, a2d_ref[...], (((1,), (0,)), ((), ())),
                        preferred_element_type=jnp.float32)
    table_ref[...] = jnp.concatenate(
        [hw, s, jnp.zeros((N, W2PAD - NL - 1), jnp.float32)], axis=1)
    s_ref[...] = s
    d_ref[...] = d
    m = jnp.max(s) + jnp.max(d)
    m = jnp.maximum(m, 0.2 * m)
    m_ref[...] = jnp.full((1, 16), m, jnp.float32)


def _phase3_body(slab_ref, b2_ref, out_ref):
    acc = slab_ref[0, :N, :] + slab_ref[1, :N, :]
    num = acc[:, :NL]
    den = acc[:, NL:NL + 1]
    h = jnp.tanh(num / (den + 1e-16) + b2_ref[...])
    mx = jnp.max(h, axis=1, keepdims=True)
    lse = jnp.log(jnp.sum(jnp.exp(h - mx), axis=1, keepdims=True))
    out_ref[...] = h - mx - lse


_phase1 = pl.pallas_call(
    _phase1_body,
    out_shape=[
        jax.ShapeDtypeStruct((N, W1PAD), jnp.float32),
        jax.ShapeDtypeStruct((N, 1), jnp.float32),
        jax.ShapeDtypeStruct((N, 1), jnp.float32),
        jax.ShapeDtypeStruct((1, 16), jnp.float32),
    ],
)

_phase2 = pl.pallas_call(
    _phase2_body,
    out_shape=[
        jax.ShapeDtypeStruct((N, W2PAD), jnp.float32),
        jax.ShapeDtypeStruct((N, 1), jnp.float32),
        jax.ShapeDtypeStruct((N, 1), jnp.float32),
        jax.ShapeDtypeStruct((1, 16), jnp.float32),
    ],
)

_phase3 = pl.pallas_call(
    _phase3_body,
    out_shape=jax.ShapeDtypeStruct((N, NL), jnp.float32),
)


BLK1 = 80
NBLK1 = 126
EPT_PAD1 = NBLK1 * BLK1


def _make_edge_kernel_spmem(width: int, nfeat: int):
    rows_per_tile = R // 16
    mesh = plsc.VectorSubcoreMesh(core_axis_name="c", subcore_axis_name="s")

    @functools.partial(
        pl.kernel,
        out_type=jax.ShapeDtypeStruct((2, R, width), jnp.float32),
        mesh=mesh,
        compiler_params=pltpu.CompilerParams(needs_layout_passes=False,
                                             use_tc_tiling_on_sc=False),
        scratch_types=[
            pltpu.VMEM((N,), jnp.float32),
            pltpu.VMEM((16,), jnp.float32),
            pltpu.VMEM((BLK1,), jnp.float32),
            pltpu.VMEM((NBLK1, BLK1), jnp.int32),
            [pltpu.VMEM((BLK1,), jnp.int32) for _ in range(3)],
            [pltpu.VMEM((BLK1,), jnp.int32) for _ in range(3)],
            [pltpu.VMEM((BLK1, width), jnp.float32) for _ in range(3)],
            pltpu.VMEM_SHARED((R, width), jnp.float32),
            pltpu.VMEM_SHARED((N, width), jnp.float32),
            [pltpu.SemaphoreType.DMA for _ in range(3)],
            [pltpu.SemaphoreType.DMA for _ in range(3)],
        ],
    )
    def ek(table_hbm, d_hbm, m_hbm, pk_hbm, out_hbm,
           d_v, m_v, wbuf, pkb, src_unp, dst_unp, rows, accum, table_s,
           gsem, ssem):
        c = lax.axis_index("c")
        sub = lax.axis_index("s")
        wid = sub * 2 + c

        pltpu.sync_copy(d_hbm, d_v)
        pltpu.sync_copy(m_hbm, m_v)
        pltpu.sync_copy(pk_hbm.at[pl.ds(wid * NBLK1, NBLK1)], pkb)

        zeros16 = jnp.zeros((16,), jnp.float32)
        zoffs = [j * 16 for j in range(width // 16)]
        if width % 16:
            zoffs.append(width - 16)

        def zero_body(i, _):
            for z in zoffs:
                rows[0][i, pl.ds(z, 16)] = zeros16
            return _

        lax.fori_loop(0, BLK1, zero_body, None)

        def zcopy_body(k, _):
            pltpu.sync_copy(rows[0],
                            accum.at[pl.ds(sub * rows_per_tile + k * BLK1, BLK1)])
            return _

        lax.fori_loop(0, rows_per_tile // BLK1, zcopy_body, None)
        npt = N // 16
        pltpu.sync_copy(table_hbm.at[pl.ds(sub * npt, npt)],
                        table_s.at[pl.ds(sub * npt, npt)])
        plsc.subcore_barrier()

        mv = m_v[...]
        lane = lax.iota(jnp.int32, 16)
        c_s = jnp.zeros((16,), jnp.int32) + nfeat

        def gather_of(b, u):
            return pltpu.make_async_copy(table_s.at[src_unp[u]], rows[u], gsem[u])

        def scatter_of(b, u):
            return pltpu.make_async_copy(rows[u], accum.at[dst_unp[u]], ssem[u])

        def unpack(b, u):
            def up_body(g, _):
                pk = pkb[b, pl.ds(g * 16, 16)]
                src_unp[u][pl.ds(g * 16, 16)] = lax.shift_right_logical(pk, 16)
                dst_unp[u][pl.ds(g * 16, 16)] = jnp.bitwise_and(pk, 0xFFFF)
                return _

            lax.fori_loop(0, BLK1 // 16, up_body, None)

        unpack(0, 0)
        unpack(1, 1)
        gather_of(0, 0).start()
        gather_of(1, 1).start()

        def half(b, u):
            gather_of(b, u).wait()

            def w_body(g, _):
                e16 = g * 16 + lane
                sv = plsc.load_gather(rows[u], [e16, c_s])
                dv = plsc.load_gather(d_v, [dst_unp[u][pl.ds(g * 16, 16)]])
                t = sv + dv
                t = jnp.maximum(t, 0.2 * t)
                w16 = jnp.exp(t - mv)
                wbuf[pl.ds(g * 16, 16)] = w16
                plsc.store_scatter(rows[u], [e16, c_s], w16)
                return _

            lax.fori_loop(0, BLK1 // 16, w_body, None)

            def mul_body(i, _):
                for uu in range(4):
                    e = i * 4 + uu
                    wv = plsc.load_gather(wbuf, [jnp.zeros((16,), jnp.int32) + e])
                    for j in range(nfeat // 16):
                        rows[u][e, pl.ds(j * 16, 16)] = rows[u][e, pl.ds(j * 16, 16)] * wv
                return _

            lax.fori_loop(0, BLK1 // 4, mul_body, None)
            pltpu.async_copy(rows[u], accum.at[dst_unp[u]], ssem[u], add=True)

            @pl.when(b >= 1)
            def _drain():
                scatter_of(b - 1, (u + 2) % 3).wait()

            @pl.when(b + 2 < NBLK1)
            def _prefetch():
                unpack(b + 2, (u + 2) % 3)
                gather_of(b + 2, (u + 2) % 3).start()

        def loop_body(i, _):
            for u in range(3):
                half(3 * i + u, u)
            return _

        lax.fori_loop(0, NBLK1 // 3, loop_body, None)
        scatter_of(NBLK1 - 1, (NBLK1 - 1) % 3).wait()
        plsc.subcore_barrier()

        for k in range(rows_per_tile // 128):
            r0 = sub * rows_per_tile + k * 128
            pltpu.sync_copy(accum.at[pl.ds(r0, 128)], out_hbm.at[c, pl.ds(r0, 128)])

    return ek


_edge1 = _make_edge_kernel_spmem(W1PAD, H1)
_edge2 = _make_edge_kernel_spmem(W2PAD, NL)


def kernel(x, edge_index_all, W1, a1s, a1d, b1, g1, bt1, W2, a2s, a2d, b2, g2, bt2):
    packed = jnp.pad(
        (edge_index_all[0] << 16 | edge_index_all[1]).reshape(NTILES, EPT),
        ((0, 0), (0, EPT_PAD1 - EPT)),
        constant_values=N).reshape(NTILES * NBLK1, BLK1)

    table1, s1, d1, m1 = _phase1(
        x, W1, a1s.reshape(H1, 1), a1d.reshape(H1, 1),
        g1.reshape(1, F_IN), bt1.reshape(1, F_IN))

    slab1 = _edge1(table1, d1.reshape(N), m1.reshape(16), packed)

    table2, s2, d2, m2 = _phase2(
        slab1, b1.reshape(1, H1), g2.reshape(1, H1), bt2.reshape(1, H1),
        W2, a2s.reshape(NL, 1), a2d.reshape(NL, 1))

    slab2 = _edge2(table2, d2.reshape(N), m2.reshape(16), packed)

    return _phase3(slab2, b2.reshape(1, NL))

# --- scband reference (transcript-rebuilt; emitter-appended) ---
"""Pipeline reference for scband-graph-net-37830071943364 (READ-ONLY COPY).

The authoritative reference and input builder live on the scoring server;
editing this copy changes nothing except your own understanding.
"""

import jax, jax.numpy as jnp
import numpy as np

N = 10000
E = 320000
F_IN = 128
H1 = 64
NL = 16


def setup_inputs(seed: int = 0) -> dict:
    key = jax.random.key(seed)
    ks = jax.random.split(key, 12)
    x = jax.random.normal(ks[0], (N, F_IN), dtype=jnp.float32)
    edge_index_all = jax.random.randint(ks[1], (2, E), 0, N, dtype=jnp.int32)
    # layer 1 (GAT, single head, in=128 out=64)
    W1 = jax.random.normal(ks[2], (F_IN, H1), dtype=jnp.float32) / np.sqrt(F_IN)
    a1s = jax.random.normal(ks[3], (H1,), dtype=jnp.float32) * 0.1
    a1d = jax.random.normal(ks[4], (H1,), dtype=jnp.float32) * 0.1
    b1 = jnp.zeros((H1,), dtype=jnp.float32)
    g1 = jnp.ones((F_IN,), dtype=jnp.float32)
    bt1 = jnp.zeros((F_IN,), dtype=jnp.float32)
    # layer 2 (GAT, single head, in=64 out=16)
    W2 = jax.random.normal(ks[5], (H1, NL), dtype=jnp.float32) / np.sqrt(H1)
    a2s = jax.random.normal(ks[6], (NL,), dtype=jnp.float32) * 0.1
    a2d = jax.random.normal(ks[7], (NL,), dtype=jnp.float32) * 0.1
    b2 = jnp.zeros((NL,), dtype=jnp.float32)
    g2 = jnp.ones((H1,), dtype=jnp.float32)
    bt2 = jnp.zeros((H1,), dtype=jnp.float32)
    return {"x": x, "edge_index_all": edge_index_all,
            "W1": W1, "a1s": a1s, "a1d": a1d, "b1": b1, "g1": g1, "bt1": bt1,
            "W2": W2, "a2s": a2s, "a2d": a2d, "b2": b2, "g2": g2, "bt2": bt2}


def _batch_norm(h, g, b):
    mu = h.mean(axis=0)
    var = h.var(axis=0)
    return (h - mu) / jnp.sqrt(var + 1e-5) * g + b


def _gat_layer(h, src, dst, W, a_s, a_d, b):
    hW = h @ W  # [N, C]
    s = hW @ a_s  # [N]
    d = hW @ a_d  # [N]
    e = jax.nn.leaky_relu(s[src] + d[dst], negative_slope=0.2)  # [E]
    m = jax.lax.stop_gradient(jax.ops.segment_max(e, dst, num_segments=N))
    ex = jnp.exp(e - m[dst])
    denom = jax.ops.segment_sum(ex, dst, num_segments=N)
    alpha = ex / (denom[dst] + 1e-16)
    out = jax.ops.segment_sum(alpha[:, None] * hW[src], dst, num_segments=N)
    return out + b


def reference(x, edge_index_all, W1, a1s, a1d, b1, g1, bt1, W2, a2s, a2d, b2, g2, bt2):
    src = edge_index_all[0]
    dst = edge_index_all[1]
    h = _batch_norm(x, g1, bt1)
    h = jnp.tanh(_gat_layer(h, src, dst, W1, a1s, a1d, b1))
    h = _batch_norm(h, g2, bt2)
    h = jnp.tanh(_gat_layer(h, src, dst, W2, a2s, a2d, b2))
    return jax.nn.log_softmax(h, axis=1)

if __name__ == "__main__":
    import jax
    _d = setup_inputs()
    print(jax.jit(kernel)(*tuple(_d.values())))

</pallas_src>

<mosaic_0001>
#map = affine_map<(d0, d1) -> (0, 0)>
#map1 = affine_map<(d0, d1) -> (0)>
#map2 = affine_map<(d0, d1) -> (0, 0, 0)>
module attributes {stable_mosaic.version = 14 : i64} {
  func.func @ek(%arg0: i32, %arg1: i32, %arg2: memref<10000x72xf32, #tpu.memory_space<hbm>>, %arg3: memref<10000xf32, #tpu.memory_space<hbm>>, %arg4: memref<16xf32, #tpu.memory_space<hbm>>, %arg5: memref<4032x80xi32, #tpu.memory_space<hbm>>, %arg6: memref<2x10240x72xf32, #tpu.memory_space<hbm>>, %arg7: memref<10000xf32, #tpu.memory_space<vmem>>, %arg8: memref<16xf32, #tpu.memory_space<vmem>>, %arg9: memref<80xf32, #tpu.memory_space<vmem>>, %arg10: memref<126x80xi32, #tpu.memory_space<vmem>>, %arg11: memref<80xi32, #tpu.memory_space<vmem>>, %arg12: memref<80xi32, #tpu.memory_space<vmem>>, %arg13: memref<80xi32, #tpu.memory_space<vmem>>, %arg14: memref<80xi32, #tpu.memory_space<vmem>>, %arg15: memref<80xi32, #tpu.memory_space<vmem>>, %arg16: memref<80xi32, #tpu.memory_space<vmem>>, %arg17: memref<80x72xf32, #tpu.memory_space<vmem>>, %arg18: memref<80x72xf32, #tpu.memory_space<vmem>>, %arg19: memref<80x72xf32, #tpu.memory_space<vmem>>, %arg20: memref<10240x72xf32, #tpu.memory_space<vmem_shared>>, %arg21: memref<10000x72xf32, #tpu.memory_space<vmem_shared>>, %arg22: memref<!tpu.dma_semaphore, #tpu.memory_space<semaphore_mem>>, %arg23: memref<!tpu.dma_semaphore, #tpu.memory_space<semaphore_mem>>, %arg24: memref<!tpu.dma_semaphore, #tpu.memory_space<semaphore_mem>>, %arg25: memref<!tpu.dma_semaphore, #tpu.memory_space<semaphore_mem>>, %arg26: memref<!tpu.dma_semaphore, #tpu.memory_space<semaphore_mem>>, %arg27: memref<!tpu.dma_semaphore, #tpu.memory_space<semaphore_mem>>) attributes {dimension_semantics = [#tpu.dimension_semantics<core_parallel>, #tpu.dimension_semantics<subcore_parallel>], iteration_bounds = array<i64: 2, 16>, scalar_prefetch = 0 : i64, scratch_operands = 21 : i64, tpu.core_type = #tpu.core_type<sc_vector_subcore>, window_params = [{transform_indices = #map}, {transform_indices = #map1}, {transform_indices = #map1}, {transform_indices = #map}, {transform_indices = #map2}]} {
    %mul3A = arith.constant 2 : i32
    %mul3A_0 = arith.muli %arg1, %mul3A : i32
    %add3A = arith.addi %mul3A_0, %arg0 : i32
    "tpu.region"() ({
      %run_scoped3A = tpu.sem_alloc : memref<!tpu.dma_semaphore, #tpu.memory_space<semaphore_mem>>
      tpu.enqueue_dma source(%arg3 : memref<10000xf32, #tpu.memory_space<hbm>>) target(%arg7 : memref<10000xf32, #tpu.memory_space<vmem>>) target_semaphore(%run_scoped3A : memref<!tpu.dma_semaphore, #tpu.memory_space<semaphore_mem>>)
      tpu.wait_dma2 semaphore(%run_scoped3A : memref<!tpu.dma_semaphore, #tpu.memory_space<semaphore_mem>>) src(%arg3 : memref<10000xf32, #tpu.memory_space<hbm>>) dst(%arg7 : memref<10000xf32, #tpu.memory_space<vmem>>)
      tpu.yield
    }) : () -> ()
    "tpu.region"() ({
      %run_scoped3A = tpu.sem_alloc : memref<!tpu.dma_semaphore, #tpu.memory_space<semaphore_mem>>
      tpu.enqueue_dma source(%arg4 : memref<16xf32, #tpu.memory_space<hbm>>) target(%arg8 : memref<16xf32, #tpu.memory_space<vmem>>) target_semaphore(%run_scoped3A : memref<!tpu.dma_semaphore, #tpu.memory_space<semaphore_mem>>)
      tpu.wait_dma2 semaphore(%run_scoped3A : memref<!tpu.dma_semaphore, #tpu.memory_space<semaphore_mem>>) src(%arg4 : memref<16xf32, #tpu.memory_space<hbm>>) dst(%arg8 : memref<16xf32, #tpu.memory_space<vmem>>)
      tpu.yield
    }) : () -> ()
    %mul3A_1 = arith.constant 126 : i32
    %mul3A_2 = arith.muli %add3A, %mul3A_1 : i32
    "tpu.region"() ({
      %run_scoped3A = tpu.sem_alloc : memref<!tpu.dma_semaphore, #tpu.memory_space<semaphore_mem>>
      %dma_start3A_66 = arith.constant 0 : i32
      %dma_start3A_67 = tpu.memref_slice %arg5[%mul3A_2, %dma_start3A_66] : memref<4032x80xi32, #tpu.memory_space<hbm>> -> memref<126x80xi32, #tpu.memory_space<hbm>>
      %dma_start3A_68 = arith.constant 0 : i32
      %dma_start3A_69 = tpu.memref_slice %arg5[%mul3A_2, %dma_start3A_68] : memref<4032x80xi32, #tpu.memory_space<hbm>> -> memref<126x80xi32, #tpu.memory_space<hbm>>
      tpu.enqueue_dma source(%dma_start3A_69 : memref<126x80xi32, #tpu.memory_space<hbm>>) target(%arg10 : memref<126x80xi32, #tpu.memory_space<vmem>>) target_semaphore(%run_scoped3A : memref<!tpu.dma_semaphore, #tpu.memory_space<semaphore_mem>>)
      %dma_wait3A_70 = arith.constant 0 : i32
      %dma_wait3A_71 = tpu.memref_slice %arg5[%mul3A_2, %dma_wait3A_70] : memref<4032x80xi32, #tpu.memory_space<hbm>> -> memref<126x80xi32, #tpu.memory_space<hbm>>
      %dma_wait3A_72 = arith.constant 0 : i32
      %dma_wait3A_73 = tpu.memref_slice %arg5[%mul3A_2, %dma_wait3A_72] : memref<4032x80xi32, #tpu.memory_space<hbm>> -> memref<126x80xi32, #tpu.memory_space<hbm>>
      tpu.wait_dma2 semaphore(%run_scoped3A : memref<!tpu.dma_semaphore, #tpu.memory_space<semaphore_mem>>) src(%dma_wait3A_73 : memref<126x80xi32, #tpu.memory_space<hbm>>) dst(%arg10 : memref<126x80xi32, #tpu.memory_space<vmem>>)
      tpu.yield
    }) : () -> ()
    %broadcast_in_dim3A = arith.constant 0.000000e+00 : f32
    %broadcast_in_dim3A_3 = vector.broadcast %broadcast_in_dim3A : f32 to vector<16xf32>
    %scan3A = arith.constant 0 : i32
    %scan3A_4 = arith.constant 80 : i32
    %scan3A_5 = arith.addi %scan3A, %scan3A_4 : i32
    %scan3A_6 = arith.constant 1 : i32
    scf.for %scan3A_66 = %scan3A to %scan3A_5 step %scan3A_6  : i32 {
      %swap3A = arith.index_cast %scan3A_66 : i32 to index
      %swap3A_67 = arith.constant 0 : index
      %swap3A_68 = tpu.vector_load %arg17[%swap3A, %swap3A_67] {strides = array<i32>} : memref<80x72xf32, #tpu.memory_space<vmem>>, vector<16xf32>,
      tpu.vector_store %arg17[%swap3A, %swap3A_67], %broadcast_in_dim3A_3 {strides = array<i32>} : memref<80x72xf32, #tpu.memory_space<vmem>>, vector<16xf32>,
      %swap3A_69 = arith.index_cast %scan3A_66 : i32 to index
      %swap3A_70 = arith.constant 16 : index
      %swap3A_71 = tpu.vector_load %arg17[%swap3A_69, %swap3A_70] {strides = array<i32>} : memref<80x72xf32, #tpu.memory_space<vmem>>, vector<16xf32>,
      tpu.vector_store %arg17[%swap3A_69, %swap3A_70], %broadcast_in_dim3A_3 {strides = array<i32>} : memref<80x72xf32, #tpu.memory_space<vmem>>, vector<16xf32>,
      %swap3A_72 = arith.index_cast %scan3A_66 : i32 to index
      %swap3A_73 = arith.constant 32 : index
      %swap3A_74 = tpu.vector_load %arg17[%swap3A_72, %swap3A_73] {strides = array<i32>} : memref<80x72xf32, #tpu.memory_space<vmem>>, vector<16xf32>,
      tpu.vector_store %arg17[%swap3A_72, %swap3A_73], %broadcast_in_dim3A_3 {strides = array<i32>} : memref<80x72xf32, #tpu.memory_space<vmem>>, vector<16xf32>,
      %swap3A_75 = arith.index_cast %scan3A_66 : i32 to index
      %swap3A_76 = arith.constant 48 : index
      %swap3A_77 = tpu.vector_load %arg17[%swap3A_75, %swap3A_76] {strides = array<i32>} : memref<80x72xf32, #tpu.memory_space<vmem>>, vector<16xf32>,
      tpu.vector_store %arg17[%swap3A_75, %swap3A_76], %broadcast_in_dim3A_3 {strides = array<i32>} : memref<80x72xf32, #tpu.memory_space<vmem>>, vector<16xf32>,
      %swap3A_78 = arith.index_cast %scan3A_66 : i32 to index
      %swap3A_79 = arith.constant 56 : index
      %swap3A_80 = tpu.vector_load %arg17[%swap3A_78, %swap3A_79] {strides = array<i32>} : memref<80x72xf32, #tpu.memory_space<vmem>>, vector<16xf32>,
      tpu.vector_store %arg17[%swap3A_78, %swap3A_79], %broadcast_in_dim3A_3 {strides = array<i32>} : memref<80x72xf32, #tpu.memory_space<vmem>>, vector<16xf32>,
    }
    %scan3A_7 = arith.constant 80 : i32
    %scan3A_8 = arith.constant 0 : i32
    %scan3A_9 = arith.constant 8 : i32
    %scan3A_10 = arith.addi %scan3A_8, %scan3A_9 : i32
    %scan3A_11 = arith.constant 1 : i32
    scf.for %scan3A_66 = %scan3A_8 to %scan3A_10 step %scan3A_11  : i32 {
      %mul3A_67 = arith.constant 640 : i32
      %mul3A_68 = arith.muli %arg1, %mul3A_67 : i32
      %mul3A_69 = arith.constant 80 : i32
      %mul3A_70 = arith.muli %scan3A_66, %mul3A_69 : i32
      %add3A_71 = arith.addi %mul3A_68, %mul3A_70 : i32
      "tpu.region"() ({
        %run_scoped3A = tpu.sem_alloc : memref<!tpu.dma_semaphore, #tpu.memory_space<semaphore_mem>>
        %dma_start3A_72 = arith.constant 0 : i32
        %dma_start3A_73 = tpu.memref_slice %arg20[%add3A_71, %dma_start3A_72] : memref<10240x72xf32, #tpu.memory_space<vmem_shared>> -> memref<80x72xf32, #tpu.memory_space<vmem_shared>>
        %dma_start3A_74 = arith.constant 0 : i32
        %dma_start3A_75 = tpu.memref_slice %arg20[%add3A_71, %dma_start3A_74] : memref<10240x72xf32, #tpu.memory_space<vmem_shared>> -> memref<80x72xf32, #tpu.memory_space<vmem_shared>>
        tpu.enqueue_dma source(%arg17 : memref<80x72xf32, #tpu.memory_space<vmem>>) target(%dma_start3A_75 : memref<80x72xf32, #tpu.memory_space<vmem_shared>>) target_semaphore(%run_scoped3A : memref<!tpu.dma_semaphore, #tpu.memory_space<semaphore_mem>>)
        %dma_wait3A_76 = arith.constant 0 : i32
        %dma_wait3A_77 = tpu.memref_slice %arg20[%add3A_71, %dma_wait3A_76] : memref<10240x72xf32, #tpu.memory_space<vmem_shared>> -> memref<80x72xf32, #tpu.memory_space<vmem_shared>>
        %dma_wait3A_78 = arith.constant 0 : i32
        %dma_wait3A_79 = tpu.memref_slice %arg20[%add3A_71, %dma_wait3A_78] : memref<10240x72xf32, #tpu.memory_space<vmem_shared>> -> memref<80x72xf32, #tpu.memory_space<vmem_shared>>
        tpu.wait_dma2 semaphore(%run_scoped3A : memref<!tpu.dma_semaphore, #tpu.memory_space<semaphore_mem>>) src(%arg17 : memref<80x72xf32, #tpu.memory_space<vmem>>) dst(%dma_wait3A_79 : memref<80x72xf32, #tpu.memory_space<vmem_shared>>)
        tpu.yield
      }) : () -> ()
    }
    %scan3A_12 = arith.constant 8 : i32
    %mul3A_13 = arith.constant 625 : i32
    %mul3A_14 = arith.muli %arg1, %mul3A_13 : i32
    %mul3A_15 = arith.constant 625 : i32
    %mul3A_16 = arith.muli %arg1, %mul3A_15 : i32
    "tpu.region"() ({
      %run_scoped3A = tpu.sem_alloc : memref<!tpu.dma_semaphore, #tpu.memory_space<semaphore_mem>>
      %dma_start3A_66 = arith.constant 0 : i32
      %dma_start3A_67 = tpu.memref_slice %arg21[%mul3A_16, %dma_start3A_66] : memref<10000x72xf32, #tpu.memory_space<vmem_shared>> -> memref<625x72xf32, #tpu.memory_space<vmem_shared>>
      %dma_start3A_68 = arith.constant 0 : i32
      %dma_start3A_69 = tpu.memref_slice %arg2[%mul3A_14, %dma_start3A_68] : memref<10000x72xf32, #tpu.memory_space<hbm>> -> memref<625x72xf32, #tpu.memory_space<hbm>>
      tpu.enqueue_dma source(%dma_start3A_69 : memref<625x72xf32, #tpu.memory_space<hbm>>) target(%dma_start3A_67 : memref<625x72xf32, #tpu.memory_space<vmem_shared>>) target_semaphore(%run_scoped3A : memref<!tpu.dma_semaphore, #tpu.memory_space<semaphore_mem>>)
      %dma_wait3A_70 = arith.constant 0 : i32
      %dma_wait3A_71 = tpu.memref_slice %arg21[%mul3A_16, %dma_wait3A_70] : memref<10000x72xf32, #tpu.memory_space<vmem_shared>> -> memref<625x72xf32, #tpu.memory_space<vmem_shared>>
      %dma_wait3A_72 = arith.constant 0 : i32
      %dma_wait3A_73 = tpu.memref_slice %arg2[%mul3A_14, %dma_wait3A_72] : memref<10000x72xf32, #tpu.memory_space<hbm>> -> memref<625x72xf32, #tpu.memory_space<hbm>>
      tpu.wait_dma2 semaphore(%run_scoped3A : memref<!tpu.dma_semaphore, #tpu.memory_space<semaphore_mem>>) src(%dma_wait3A_73 : memref<625x72xf32, #tpu.memory_space<hbm>>) dst(%dma_wait3A_71 : memref<625x72xf32, #tpu.memory_space<vmem_shared>>)
      tpu.yield
    }) : () -> ()
    %barrier3A = arith.constant 0 : index
    tpu.barrier barrier_id(%barrier3A)
    %get3A = arith.constant 0 : index
    %get3A_17 = tpu.vector_load %arg8[%get3A] {strides = array<i32>} : memref<16xf32, #tpu.memory_space<vmem>>, vector<16xf32>,
    %iota3A = tpu.iota {dimensions = array<i32: 0>} : vector<16xi32>
    %broadcast_in_dim3A_18 = arith.constant 0 : i32
    %broadcast_in_dim3A_19 = vector.broadcast %broadcast_in_dim3A_18 : i32 to vector<16xi32>
    %add3A_20 = arith.constant 64 : i32
    %add3A_21 = vector.broadcast %add3A_20 : i32 to vector<16xi32>
    %add3A_22 = arith.addi %broadcast_in_dim3A_19, %add3A_21 : vector<16xi32>
    %scan3A_23 = arith.constant 0 : i32
    %scan3A_24 = arith.constant 5 : i32
    %scan3A_25 = arith.addi %scan3A_23, %scan3A_24 : i32
    %scan3A_26 = arith.constant 1 : i32
    scf.for %scan3A_66 = %scan3A_23 to %scan3A_25 step %scan3A_26  : i32 {
      %mul3A_67 = arith.constant 16 : i32
      %mul3A_68 = arith.muli %scan3A_66, %mul3A_67 : i32
      %get3A_69 = arith.constant 0 : i32
      %get3A_70 = arith.index_cast %get3A_69 : i32 to index
      %get3A_71 = arith.index_cast %mul3A_68 : i32 to index
      %get3A_72 = tpu.vector_load %arg10[%get3A_70, %get3A_71] {strides = array<i32>} : memref<126x80xi32, #tpu.memory_space<vmem>>, vector<16xi32>,
      %shift_right_logical3A = arith.constant 16 : i32
      %shift_right_logical3A_73 = vector.broadcast %shift_right_logical3A : i32 to vector<16xi32>
      %shift_right_logical3A_74 = arith.shrui %get3A_72, %shift_right_logical3A_73 : vector<16xi32>
      %mul3A_75 = arith.constant 16 : i32
      %mul3A_76 = arith.muli %scan3A_66, %mul3A_75 : i32
      %swap3A = arith.index_cast %mul3A_76 : i32 to index
      %swap3A_77 = tpu.vector_load %arg11[%swap3A] {strides = array<i32>} : memref<80xi32, #tpu.memory_space<vmem>>, vector<16xi32>,
      tpu.vector_store %arg11[%swap3A], %shift_right_logical3A_74 {strides = array<i32>} : memref<80xi32, #tpu.memory_space<vmem>>, vector<16xi32>,
      %and3A = arith.constant 65535 : i32
      %and3A_78 = vector.broadcast %and3A : i32 to vector<16xi32>
      %and3A_79 = arith.andi %get3A_72, %and3A_78 : vector<16xi32>
      %mul3A_80 = arith.constant 16 : i32
      %mul3A_81 = arith.muli %scan3A_66, %mul3A_80 : i32
      %swap3A_82 = arith.index_cast %mul3A_81 : i32 to index
      %swap3A_83 = tpu.vector_load %arg14[%swap3A_82] {strides = array<i32>} : memref<80xi32, #tpu.memory_space<vmem>>, vector<16xi32>,
      tpu.vector_store %arg14[%swap3A_82], %and3A_79 {strides = array<i32>} : memref<80xi32, #tpu.memory_space<vmem>>, vector<16xi32>,
    }
    %scan3A_27 = arith.constant 5 : i32
    %scan3A_28 = arith.constant 0 : i32
    %scan3A_29 = arith.constant 5 : i32
    %scan3A_30 = arith.addi %scan3A_28, %scan3A_29 : i32
    %scan3A_31 = arith.constant 1 : i32
    scf.for %scan3A_66 = %scan3A_28 to %scan3A_30 step %scan3A_31  : i32 {
      %mul3A_67 = arith.constant 16 : i32
      %mul3A_68 = arith.muli %scan3A_66, %mul3A_67 : i32
      %get3A_69 = arith.constant 1 : i32
      %get3A_70 = arith.index_cast %get3A_69 : i32 to index
      %get3A_71 = arith.index_cast %mul3A_68 : i32 to index
      %get3A_72 = tpu.vector_load %arg10[%get3A_70, %get3A_71] {strides = array<i32>} : memref<126x80xi32, #tpu.memory_space<vmem>>, vector<16xi32>,
      %shift_right_logical3A = arith.constant 16 : i32
      %shift_right_logical3A_73 = vector.broadcast %shift_right_logical3A : i32 to vector<16xi32>
      %shift_right_logical3A_74 = arith.shrui %get3A_72, %shift_right_logical3A_73 : vector<16xi32>
      %mul3A_75 = arith.constant 16 : i32
      %mul3A_76 = arith.muli %scan3A_66, %mul3A_75 : i32
      %swap3A = arith.index_cast %mul3A_76 : i32 to index
      %swap3A_77 = tpu.vector_load %arg12[%swap3A] {strides = array<i32>} : memref<80xi32, #tpu.memory_space<vmem>>, vector<16xi32>,
      tpu.vector_store %arg12[%swap3A], %shift_right_logical3A_74 {strides = array<i32>} : memref<80xi32, #tpu.memory_space<vmem>>, vector<16xi32>,
      %and3A = arith.constant 65535 : i32
      %and3A_78 = vector.broadcast %and3A : i32 to vector<16xi32>
      %and3A_79 = arith.andi %get3A_72, %and3A_78 : vector<16xi32>
      %mul3A_80 = arith.constant 16 : i32
      %mul3A_81 = arith.muli %scan3A_66, %mul3A_80 : i32
      %swap3A_82 = arith.index_cast %mul3A_81 : i32 to index
      %swap3A_83 = tpu.vector_load %arg15[%swap3A_82] {strides = array<i32>} : memref<80xi32, #tpu.memory_space<vmem>>, vector<16xi32>,
      tpu.vector_store %arg15[%swap3A_82], %and3A_79 {strides = array<i32>} : memref<80xi32, #tpu.memory_space<vmem>>, vector<16xi32>,
    }
    %scan3A_32 = arith.constant 5 : i32
    %dma_start3A = arith.constant 0 : i32
    %dma_start3A_33 = arith.constant 0 : i32
    %dma_start3A_34 = tpu.memref_slice %arg21[%dma_start3A, %dma_start3A_33] : memref<10000x72xf32, #tpu.memory_space<vmem_shared>> -> memref<10000x72xf32, #tpu.memory_space<vmem_shared>>
    tpu.enqueue_indirect_dma source(%dma_start3A_34 : memref<10000x72xf32, #tpu.memory_space<vmem_shared>>) target(%arg17 : memref<80x72xf32, #tpu.memory_space<vmem>>) offsets(%arg11 : memref<80xi32, #tpu.memory_space<vmem>>) semaphore(%arg22 : memref<!tpu.dma_semaphore, #tpu.memory_space<semaphore_mem>>)
    %dma_start3A_35 = arith.constant 0 : i32
    %dma_start3A_36 = arith.constant 0 : i32
    %dma_start3A_37 = tpu.memref_slice %arg21[%dma_start3A_35, %dma_start3A_36] : memref<10000x72xf32, #tpu.memory_space<vmem_shared>> -> memref<10000x72xf32, #tpu.memory_space<vmem_shared>>
    tpu.enqueue_indirect_dma source(%dma_start3A_37 : memref<10000x72xf32, #tpu.memory_space<vmem_shared>>) target(%arg18 : memref<80x72xf32, #tpu.memory_space<vmem>>) offsets(%arg12 : memref<80xi32, #tpu.memory_space<vmem>>) semaphore(%arg23 : memref<!tpu.dma_semaphore, #tpu.memory_space<semaphore_mem>>)
    %scan3A_38 = arith.constant 0 : i32
    %scan3A_39 = arith.constant 42 : i32
    %scan3A_40 = arith.addi %scan3A_38, %scan3A_39 : i32
    %scan3A_41 = arith.constant 1 : i32
    scf.for %scan3A_66 = %scan3A_38 to %scan3A_40 step %scan3A_41  : i32 {
      %mul3A_67 = arith.constant 3 : i32
      %mul3A_68 = arith.muli %mul3A_67, %scan3A_66 : i32
      %add3A_69 = arith.constant 0 : i32
      %add3A_70 = arith.addi %mul3A_68, %add3A_69 : i32
      %dma_wait3A_71 = arith.constant 0 : i32
      %dma_wait3A_72 = arith.constant 0 : i32
      %dma_wait3A_73 = tpu.memref_slice %arg21[%dma_wait3A_71, %dma_wait3A_72] : memref<10000x72xf32, #tpu.memory_space<vmem_shared>> -> memref<10000x72xf32, #tpu.memory_space<vmem_shared>>
      tpu.wait_indirect_dma semaphore(%arg22 : memref<!tpu.dma_semaphore, #tpu.memory_space<semaphore_mem>>) src(%dma_wait3A_73 : memref<10000x72xf32, #tpu.memory_space<vmem_shared>>) dst(%arg17 : memref<80x72xf32, #tpu.memory_space<vmem>>)
      %scan3A_74 = arith.constant 0 : i32
      %scan3A_75 = arith.constant 5 : i32
      %scan3A_76 = arith.addi %scan3A_74, %scan3A_75 : i32
      %scan3A_77 = arith.constant 1 : i32
      scf.for %scan3A_159 = %scan3A_74 to %scan3A_76 step %scan3A_77  : i32 {
        %mul3A_160 = arith.constant 16 : i32
        %mul3A_161 = arith.muli %scan3A_159, %mul3A_160 : i32
        %add3A_162 = vector.broadcast %mul3A_161 : i32 to vector<16xi32>
        %add3A_163 = arith.addi %add3A_162, %iota3A : vector<16xi32>
        %gather3A = tpu.vector_load_idx %arg17[%add3A_163, %add3A_22] : memref<80x72xf32, #tpu.memory_space<vmem>>[vector<16xi32>, vector<16xi32>], vector<16xf32>,
        %mul3A_164 = arith.constant 16 : i32
        %mul3A_165 = arith.muli %scan3A_159, %mul3A_164 : i32
        %get3A_166 = arith.index_cast %mul3A_165 : i32 to index
        %get3A_167 = tpu.vector_load %arg14[%get3A_166] {strides = array<i32>} : memref<80xi32, #tpu.memory_space<vmem>>, vector<16xi32>,
        %gather3A_168 = tpu.vector_load_idx %arg7[%get3A_167] : memref<10000xf32, #tpu.memory_space<vmem>>[vector<16xi32>], vector<16xf32>,
        %add3A_169 = arith.addf %gather3A, %gather3A_168 : vector<16xf32>
        %mul3A_170 = arith.constant 2.000000e-01 : f32
        %mul3A_171 = vector.broadcast %mul3A_170 : f32 to vector<16xf32>
        %mul3A_172 = arith.mulf %mul3A_171, %add3A_169 : vector<16xf32>
        %max3A = arith.maximumf %add3A_169, %mul3A_172 : vector<16xf32>
        %sub3A = arith.subf %max3A, %get3A_17 : vector<16xf32>
        %exp3A = math.exp %sub3A : vector<16xf32>
        %mul3A_173 = arith.constant 16 : i32
        %mul3A_174 = arith.muli %scan3A_159, %mul3A_173 : i32
        %swap3A = arith.index_cast %mul3A_174 : i32 to index
        %swap3A_175 = tpu.vector_load %arg9[%swap3A] {strides = array<i32>} : memref<80xf32, #tpu.memory_space<vmem>>, vector<16xf32>,
        tpu.vector_store %arg9[%swap3A], %exp3A {strides = array<i32>} : memref<80xf32, #tpu.memory_space<vmem>>, vector<16xf32>,
        tpu.vector_store_idx %arg17[%add3A_163, %add3A_22], %exp3A : memref<80x72xf32, #tpu.memory_space<vmem>>[vector<16xi32>, vector<16xi32>], vector<16xf32>,
      }
      %scan3A_78 = arith.constant 5 : i32
      %scan3A_79 = arith.constant 0 : i32
      %scan3A_80 = arith.constant 20 : i32
      %scan3A_81 = arith.addi %scan3A_79, %scan3A_80 : i32
      %scan3A_82 = arith.constant 1 : i32
      scf.for %scan3A_159 = %scan3A_79 to %scan3A_81 step %scan3A_82  : i32 {
        %mul3A_160 = arith.constant 4 : i32
        %mul3A_161 = arith.muli %scan3A_159, %mul3A_160 : i32
        %add3A_162 = arith.constant 0 : i32
        %add3A_163 = arith.addi %mul3A_161, %add3A_162 : i32
        %broadcast_in_dim3A_164 = arith.constant 0 : i32
        %broadcast_in_dim3A_165 = vector.broadcast %broadcast_in_dim3A_164 : i32 to vector<16xi32>
        %add3A_166 = vector.broadcast %add3A_163 : i32 to vector<16xi32>
        %add3A_167 = arith.addi %broadcast_in_dim3A_165, %add3A_166 : vector<16xi32>
        %gather3A = tpu.vector_load_idx %arg9[%add3A_167] : memref<80xf32, #tpu.memory_space<vmem>>[vector<16xi32>], vector<16xf32>,
        %get3A_168 = arith.index_cast %add3A_163 : i32 to index
        %get3A_169 = arith.constant 0 : index
        %get3A_170 = tpu.vector_load %arg17[%get3A_168, %get3A_169] {strides = array<i32>} : memref<80x72xf32, #tpu.memory_space<vmem>>, vector<16xf32>,
        %mul3A_171 = arith.mulf %get3A_170, %gather3A : vector<16xf32>
        %swap3A = arith.index_cast %add3A_163 : i32 to index
        %swap3A_172 = arith.constant 0 : index
        %swap3A_173 = tpu.vector_load %arg17[%swap3A, %swap3A_172] {strides = array<i32>} : memref<80x72xf32, #tpu.memory_space<vmem>>, vector<16xf32>,
        tpu.vector_store %arg17[%swap3A, %swap3A_172], %mul3A_171 {strides = array<i32>} : memref<80x72xf32, #tpu.memory_space<vmem>>, vector<16xf32>,
        %get3A_174 = arith.index_cast %add3A_163 : i32 to index
        %get3A_175 = arith.constant 16 : index
        %get3A_176 = tpu.vector_load %arg17[%get3A_174, %get3A_175] {strides = array<i32>} : memref<80x72xf32, #tpu.memory_space<vmem>>, vector<16xf32>,
        %mul3A_177 = arith.mulf %get3A_176, %gather3A : vector<16xf32>
        %swap3A_178 = arith.index_cast %add3A_163 : i32 to index
        %swap3A_179 = arith.constant 16 : index
        %swap3A_180 = tpu.vector_load %arg17[%swap3A_178, %swap3A_179] {strides = array<i32>} : memref<80x72xf32, #tpu.memory_space<vmem>>, vector<16xf32>,
        tpu.vector_store %arg17[%swap3A_178, %swap3A_179], %mul3A_177 {strides = array<i32>} : memref<80x72xf32, #tpu.memory_space<vmem>>, vector<16xf32>,
        %get3A_181 = arith.index_cast %add3A_163 : i32 to index
        %get3A_182 = arith.constant 32 : index
        %get3A_183 = tpu.vector_load %arg17[%get3A_181, %get3A_182] {strides = array<i32>} : memref<80x72xf32, #tpu.memory_space<vmem>>, vector<16xf32>,
        %mul3A_184 = arith.mulf %get3A_183, %gather3A : vector<16xf32>
        %swap3A_185 = arith.index_cast %add3A_163 : i32 to index
        %swap3A_186 = arith.constant 32 : index
        %swap3A_187 = tpu.vector_load %arg17[%swap3A_185, %swap3A_186] {strides = array<i32>} : memref<80x72xf32, #tpu.memory_space<vmem>>, vector<16xf32>,
        tpu.vector_store %arg17[%swap3A_185, %swap3A_186], %mul3A_184 {strides = array<i32>} : memref<80x72xf32, #tpu.memory_space<vmem>>, vector<16xf32>,
        %get3A_188 = arith.index_cast %add3A_163 : i32 to index
        %get3A_189 = arith.constant 48 : index
        %get3A_190 = tpu.vector_load %arg17[%get3A_188, %get3A_189] {strides = array<i32>} : memref<80x72xf32, #tpu.memory_space<vmem>>, vector<16xf32>,
        %mul3A_191 = arith.mulf %get3A_190, %gather3A : vector<16xf32>
        %swap3A_192 = arith.index_cast %add3A_163 : i32 to index
        %swap3A_193 = arith.constant 48 : index
        %swap3A_194 = tpu.vector_load %arg17[%swap3A_192, %swap3A_193] {strides = array<i32>} : memref<80x72xf32, #tpu.memory_space<vmem>>, vector<16xf32>,
        tpu.vector_store %arg17[%swap3A_192, %swap3A_193], %mul3A_191 {strides = array<i32>} : memref<80x72xf32, #tpu.memory_space<vmem>>, vector<16xf32>,
        %mul3A_195 = arith.constant 4 : i32
        %mul3A_196 = arith.muli %scan3A_159, %mul3A_195 : i32
        %add3A_197 = arith.constant 1 : i32
        %add3A_198 = arith.addi %mul3A_196, %add3A_197 : i32
        %broadcast_in_dim3A_199 = arith.constant 0 : i32
        %broadcast_in_dim3A_200 = vector.broadcast %broadcast_in_dim3A_199 : i32 to vector<16xi32>
        %add3A_201 = vector.broadcast %add3A_198 : i32 to vector<16xi32>
        %add3A_202 = arith.addi %broadcast_in_dim3A_200, %add3A_201 : vector<16xi32>
        %gather3A_203 = tpu.vector_load_idx %arg9[%add3A_202] : memref<80xf32, #tpu.memory_space<vmem>>[vector<16xi32>], vector<16xf32>,
        %get3A_204 = arith.index_cast %add3A_198 : i32 to index
        %get3A_205 = arith.constant 0 : index
        %get3A_206 = tpu.vector_load %arg17[%get3A_204, %get3A_205] {strides = array<i32>} : memref<80x72xf32, #tpu.memory_space<vmem>>, vector<16xf32>,
        %mul3A_207 = arith.mulf %get3A_206, %gather3A_203 : vector<16xf32>
        %swap3A_208 = arith.index_cast %add3A_198 : i32 to index
        %swap3A_209 = arith.constant 0 : index
        %swap3A_210 = tpu.vector_load %arg17[%swap3A_208, %swap3A_209] {strides = array<i32>} : memref<80x72xf32, #tpu.memory_space<vmem>>, vector<16xf32>,
        tpu.vector_store %arg17[%swap3A_208, %swap3A_209], %mul3A_207 {strides = array<i32>} : memref<80x72xf32, #tpu.memory_space<vmem>>, vector<16xf32>,
        %get3A_211 = arith.index_cast %add3A_198 : i32 to index
        %get3A_212 = arith.constant 16 : index
        %get3A_213 = tpu.vector_load %arg17[%get3A_211, %get3A_212] {strides = array<i32>} : memref<80x72xf32, #tpu.memory_space<vmem>>, vector<16xf32>,
        %mul3A_214 = arith.mulf %get3A_213, %gather3A_203 : vector<16xf32>
        %swap3A_215 = arith.index_cast %add3A_198 : i32 to index
        %swap3A_216 = arith.constant 16 : index
        %swap3A_217 = tpu.vector_load %arg17[%swap3A_215, %swap3A_216] {strides = array<i32>} : memref<80x72xf32, #tpu.memory_space<vmem>>, vector<16xf32>,
        tpu.vector_store %arg17[%swap3A_215, %swap3A_216], %mul3A_214 {strides = array<i32>} : memref<80x72xf32, #tpu.memory_space<vmem>>, vector<16xf32>,
        %get3A_218 = arith.index_cast %add3A_198 : i32 to index
        %get3A_219 = arith.constant 32 : index
        %get3A_220 = tpu.vector_load %arg17[%get3A_218, %get3A_219] {strides = array<i32>} : memref<80x72xf32, #tpu.memory_space<vmem>>, vector<16xf32>,
        %mul3A_221 = arith.mulf %get3A_220, %gather3A_203 : vector<16xf32>
        %swap3A_222 = arith.index_cast %add3A_198 : i32 to index
        %swap3A_223 = arith.constant 32 : index
        %swap3A_224 = tpu.vector_load %arg17[%swap3A_222, %swap3A_223] {strides = array<i32>} : memref<80x72xf32, #tpu.memory_space<vmem>>, vector<16xf32>,
        tpu.vector_store %arg17[%swap3A_222, %swap3A_223], %mul3A_221 {strides = array<i32>} : memref<80x72xf32, #tpu.memory_space<vmem>>, vector<16xf32>,
        %get3A_225 = arith.index_cast %add3A_198 : i32 to index
        %get3A_226 = arith.constant 48 : index
        %get3A_227 = tpu.vector_load %arg17[%get3A_225, %get3A_226] {strides = array<i32>} : memref<80x72xf32, #tpu.memory_space<vmem>>, vector<16xf32>,
        %mul3A_228 = arith.mulf %get3A_227, %gather3A_203 : vector<16xf32>
        %swap3A_229 = arith.index_cast %add3A_198 : i32 to index
        %swap3A_230 = arith.constant 48 : index
        %swap3A_231 = tpu.vector_load %arg17[%swap3A_229, %swap3A_230] {strides = array<i32>} : memref<80x72xf32, #tpu.memory_space<vmem>>, vector<16xf32>,
        tpu.vector_store %arg17[%swap3A_229, %swap3A_230], %mul3A_228 {strides = array<i32>} : memref<80x72xf32, #tpu.memory_space<vmem>>, vector<16xf32>,
        %mul3A_232 = arith.constant 4 : i32
        %mul3A_233 = arith.muli %scan3A_159, %mul3A_232 : i32
        %add3A_234 = arith.constant 2 : i32
        %add3A_235 = arith.addi %mul3A_233, %add3A_234 : i32
        %broadcast_in_dim3A_236 = arith.constant 0 : i32
        %broadcast_in_dim3A_237 = vector.broadcast %broadcast_in_dim3A_236 : i32 to vector<16xi32>
        %add3A_238 = vector.broadcast %add3A_235 : i32 to vector<16xi32>
        %add3A_239 = arith.addi %broadcast_in_dim3A_237, %add3A_238 : vector<16xi32>
        %gather3A_240 = tpu.vector_load_idx %arg9[%add3A_239] : memref<80xf32, #tpu.memory_space<vmem>>[vector<16xi32>], vector<16xf32>,
        %get3A_241 = arith.index_cast %add3A_235 : i32 to index
        %get3A_242 = arith.constant 0 : index
        %get3A_243 = tpu.vector_load %arg17[%get3A_241, %get3A_242] {strides = array<i32>} : memref<80x72xf32, #tpu.memory_space<vmem>>, vector<16xf32>,
        %mul3A_244 = arith.mulf %get3A_243, %gather3A_240 : vector<16xf32>
        %swap3A_245 = arith.index_cast %add3A_235 : i32 to index
        %swap3A_246 = arith.constant 0 : index
        %swap3A_247 = tpu.vector_load %arg17[%swap3A_245, %swap3A_246] {strides = array<i32>} : memref<80x72xf32, #tpu.memory_space<vmem>>, vector<16xf32>,
        tpu.vector_store %arg17[%swap3A_245, %swap3A_246], %mul3A_244 {strides = array<i32>} : memref<80x72xf32, #tpu.memory_space<vmem>>, vector<16xf32>,
        %get3A_248 = arith.index_cast %add3A_235 : i32 to index
        %get3A_249 = arith.constant 16 : index
        %get3A_250 = tpu.vector_load %arg17[%get3A_248, %get3A_249] {strides = array<i32>} : memref<80x72xf32, #tpu.memory_space<vmem>>, vector<16xf32>,
        %mul3A_251 = arith.mulf %get3A_250, %gather3A_240 : vector<16xf32>
        %swap3A_252 = arith.index_cast %add3A_235 : i32 to index
        %swap3A_253 = arith.constant 16 : index
        %swap3A_254 = tpu.vector_load %arg17[%swap3A_252, %swap3A_253] {strides = array<i32>} : memref<80x72xf32, #tpu.memory_space<vmem>>, vector<16xf32>,
        tpu.vector_store %arg17[%swap3A_252, %swap3A_253], %mul3A_251 {strides = array<i32>} : memref<80x72xf32, #tpu.memory_space<vmem>>, vector<16xf32>,
        %get3A_255 = arith.index_cast %add3A_235 : i32 to index
        %get3A_256 = arith.constant 32 : index
        %get3A_257 = tpu.vector_load %arg17[%get3A_255, %get3A_256] {strides = array<i32>} : memref<80x72xf32, #tpu.memory_space<vmem>>, vector<16xf32>,
        %mul3A_258 = arith.mulf %get3A_257, %gather3A_240 : vector<16xf32>
        %swap3A_259 = arith.index_cast %add3A_235 : i32 to index
        %swap3A_260 = arith.constant 32 : index
        %swap3A_261 = tpu.vector_load %arg17[%swap3A_259, %swap3A_260] {strides = array<i32>} : memref<80x72xf32, #tpu.memory_space<vmem>>, vector<16xf32>,
        tpu.vector_store %arg17[%swap3A_259, %swap3A_260], %mul3A_258 {strides = array<i32>} : memref<80x72xf32, #tpu.memory_space<vmem>>, vector<16xf32>,
        %get3A_262 = arith.index_cast %add3A_235 : i32 to index
        %get3A_263 = arith.constant 48 : index
        %get3A_264 = tpu.vector_load %arg17[%get3A_262, %get3A_263] {strides = array<i32>} : memref<80x72xf32, #tpu.memory_space<vmem>>, vector<16xf32>,
        %mul3A_265 = arith.mulf %get3A_264, %gather3A_240 : vector<16xf32>
        %swap3A_266 = arith.index_cast %add3A_235 : i32 to index
        %swap3A_267 = arith.constant 48 : index
        %swap3A_268 = tpu.vector_load %arg17[%swap3A_266, %swap3A_267] {strides = array<i32>} : memref<80x72xf32, #tpu.memory_space<vmem>>, vector<16xf32>,
        tpu.vector_store %arg17[%swap3A_266, %swap3A_267], %mul3A_265 {strides = array<i32>} : memref<80x72xf32, #tpu.memory_space<vmem>>, vector<16xf32>,
        %mul3A_269 = arith.constant 4 : i32
        %mul3A_270 = arith.muli %scan3A_159, %mul3A_269 : i32
        %add3A_271 = arith.constant 3 : i32
        %add3A_272 = arith.addi %mul3A_270, %add3A_271 : i32
        %broadcast_in_dim3A_273 = arith.constant 0 : i32
        %broadcast_in_dim3A_274 = vector.broadcast %broadcast_in_dim3A_273 : i32 to vector<16xi32>
        %add3A_275 = vector.broadcast %add3A_272 : i32 to vector<16xi32>
        %add3A_276 = arith.addi %broadcast_in_dim3A_274, %add3A_275 : vector<16xi32>
        %gather3A_277 = tpu.vector_load_idx %arg9[%add3A_276] : memref<80xf32, #tpu.memory_space<vmem>>[vector<16xi32>], vector<16xf32>,
        %get3A_278 = arith.index_cast %add3A_272 : i32 to index
        %get3A_279 = arith.constant 0 : index
        %get3A_280 = tpu.vector_load %arg17[%get3A_278, %get3A_279] {strides = array<i32>} : memref<80x72xf32, #tpu.memory_space<vmem>>, vector<16xf32>,
        %mul3A_281 = arith.mulf %get3A_280, %gather3A_277 : vector<16xf32>
        %swap3A_282 = arith.index_cast %add3A_272 : i32 to index
        %swap3A_283 = arith.constant 0 : index
        %swap3A_284 = tpu.vector_load %arg17[%swap3A_282, %swap3A_283] {strides = array<i32>} : memref<80x72xf32, #tpu.memory_space<vmem>>, vector<16xf32>,
        tpu.vector_store %arg17[%swap3A_282, %swap3A_283], %mul3A_281 {strides = array<i32>} : memref<80x72xf32, #tpu.memory_space<vmem>>, vector<16xf32>,
        %get3A_285 = arith.index_cast %add3A_272 : i32 to index
        %get3A_286 = arith.constant 16 : index
        %get3A_287 = tpu.vector_load %arg17[%get3A_285, %get3A_286] {strides = array<i32>} : memref<80x72xf32, #tpu.memory_space<vmem>>, vector<16xf32>,
        %mul3A_288 = arith.mulf %get3A_287, %gather3A_277 : vector<16xf32>
        %swap3A_289 = arith.index_cast %add3A_272 : i32 to index
        %swap3A_290 = arith.constant 16 : index
        %swap3A_291 = tpu.vector_load %arg17[%swap3A_289, %swap3A_290] {strides = array<i32>} : memref<80x72xf32, #tpu.memory_space<vmem>>, vector<16xf32>,
        tpu.vector_store %arg17[%swap3A_289, %swap3A_290], %mul3A_288 {strides = array<i32>} : memref<80x72xf32, #tpu.memory_space<vmem>>, vector<16xf32>,
        %get3A_292 = arith.index_cast %add3A_272 : i32 to index
        %get3A_293 = arith.constant 32 : index
        %get3A_294 = tpu.vector_load %arg17[%get3A_292, %get3A_293] {strides = array<i32>} : memref<80x72xf32, #tpu.memory_space<vmem>>, vector<16xf32>,
        %mul3A_295 = arith.mulf %get3A_294, %gather3A_277 : vector<16xf32>
        %swap3A_296 = arith.index_cast %add3A_272 : i32 to index
        %swap3A_297 = arith.constant 32 : index
        %swap3A_298 = tpu.vector_load %arg17[%swap3A_296, %swap3A_297] {strides = array<i32>} : memref<80x72xf32, #tpu.memory_space<vmem>>, vector<16xf32>,
        tpu.vector_store %arg17[%swap3A_296, %swap3A_297], %mul3A_295 {strides = array<i32>} : memref<80x72xf32, #tpu.memory_space<vmem>>, vector<16xf32>,
        %get3A_299 = arith.index_cast %add3A_272 : i32 to index
        %get3A_300 = arith.constant 48 : index
        %get3A_301 = tpu.vector_load %arg17[%get3A_299, %get3A_300] {strides = array<i32>} : memref<80x72xf32, #tpu.memory_space<vmem>>, vector<16xf32>,
        %mul3A_302 = arith.mulf %get3A_301, %gather3A_277 : vector<16xf32>
        %swap3A_303 = arith.index_cast %add3A_272 : i32 to index
        %swap3A_304 = arith.constant 48 : index
        %swap3A_305 = tpu.vector_load %arg17[%swap3A_303, %swap3A_304] {strides = array<i32>} : memref<80x72xf32, #tpu.memory_space<vmem>>, vector<16xf32>,
        tpu.vector_store %arg17[%swap3A_303, %swap3A_304], %mul3A_302 {strides = array<i32>} : memref<80x72xf32, #tpu.memory_space<vmem>>, vector<16xf32>,
      }
      %scan3A_83 = arith.constant 20 : i32
      %dma_start3A_84 = arith.constant 0 : i32
      %dma_start3A_85 = arith.constant 0 : i32
      %dma_start3A_86 = tpu.memref_slice %arg20[%dma_start3A_84, %dma_start3A_85] : memref<10240x72xf32, #tpu.memory_space<vmem_shared>> -> memref<10240x72xf32, #tpu.memory_space<vmem_shared>>
      tpu.enqueue_indirect_dma source(%arg17 : memref<80x72xf32, #tpu.memory_space<vmem>>) target(%dma_start3A_86 : memref<10240x72xf32, #tpu.memory_space<vmem_shared>>) offsets(%arg14 : memref<80xi32, #tpu.memory_space<vmem>>) semaphore(%arg25 : memref<!tpu.dma_semaphore, #tpu.memory_space<semaphore_mem>>) {add = true}
      %ge3A = arith.constant 1 : i32
      %ge3A_87 = arith.cmpi sge, %add3A_70, %ge3A : i32
      %convert_element_type3A = arith.extui %ge3A_87 : i1 to i32
      %cond3A = arith.constant 0 : i32
      %cond3A_88 = arith.cmpi ne, %convert_element_type3A, %cond3A : i32
      scf.if %cond3A_88 {
        %sub3A = arith.constant 1 : i32
        %sub3A_159 = arith.subi %add3A_70, %sub3A : i32
        %dma_wait3A_160 = arith.constant 0 : i32
        %dma_wait3A_161 = arith.constant 0 : i32
        %dma_wait3A_162 = tpu.memref_slice %arg20[%dma_wait3A_160, %dma_wait3A_161] : memref<10240x72xf32, #tpu.memory_space<vmem_shared>> -> memref<10240x72xf32, #tpu.memory_space<vmem_shared>>
        tpu.wait_indirect_dma semaphore(%arg27 : memref<!tpu.dma_semaphore, #tpu.memory_space<semaphore_mem>>) src(%arg19 : memref<80x72xf32, #tpu.memory_space<vmem>>) dst(%dma_wait3A_162 : memref<10240x72xf32, #tpu.memory_space<vmem_shared>>)
      } else {
      }
      %add3A_89 = arith.constant 2 : i32
      %add3A_90 = arith.addi %add3A_70, %add3A_89 : i32
      %lt3A = arith.constant 126 : i32
      %lt3A_91 = arith.cmpi slt, %add3A_90, %lt3A : i32
      %convert_element_type3A_92 = arith.extui %lt3A_91 : i1 to i32
      %cond3A_93 = arith.constant 0 : i32
      %cond3A_94 = arith.cmpi ne, %convert_element_type3A_92, %cond3A_93 : i32
      scf.if %cond3A_94 {
        %add3A_159 = arith.constant 2 : i32
        %add3A_160 = arith.addi %add3A_70, %add3A_159 : i32
        %scan3A_161 = arith.constant 0 : i32
        %scan3A_162 = arith.constant 5 : i32
        %scan3A_163 = arith.addi %scan3A_161, %scan3A_162 : i32
        %scan3A_164 = arith.constant 1 : i32
        scf.for %scan3A_171 = %scan3A_161 to %scan3A_163 step %scan3A_164  : i32 {
          %mul3A_172 = arith.constant 16 : i32
          %mul3A_173 = arith.muli %scan3A_171, %mul3A_172 : i32
          %get3A_174 = arith.index_cast %add3A_160 : i32 to index
          %get3A_175 = arith.index_cast %mul3A_173 : i32 to index
          %get3A_176 = tpu.vector_load %arg10[%get3A_174, %get3A_175] {strides = array<i32>} : memref<126x80xi32, #tpu.memory_space<vmem>>, vector<16xi32>,
          %shift_right_logical3A = arith.constant 16 : i32
          %shift_right_logical3A_177 = vector.broadcast %shift_right_logical3A : i32 to vector<16xi32>
          %shift_right_logical3A_178 = arith.shrui %get3A_176, %shift_right_logical3A_177 : vector<16xi32>
          %mul3A_179 = arith.constant 16 : i32
          %mul3A_180 = arith.muli %scan3A_171, %mul3A_179 : i32
          %swap3A = arith.index_cast %mul3A_180 : i32 to index
          %swap3A_181 = tpu.vector_load %arg13[%swap3A] {strides = array<i32>} : memref<80xi32, #tpu.memory_space<vmem>>, vector<16xi32>,
          tpu.vector_store %arg13[%swap3A], %shift_right_logical3A_178 {strides = array<i32>} : memref<80xi32, #tpu.memory_space<vmem>>, vector<16xi32>,
          %and3A = arith.constant 65535 : i32
          %and3A_182 = vector.broadcast %and3A : i32 to vector<16xi32>
          %and3A_183 = arith.andi %get3A_176, %and3A_182 : vector<16xi32>
          %mul3A_184 = arith.constant 16 : i32
          %mul3A_185 = arith.muli %scan3A_171, %mul3A_184 : i32
          %swap3A_186 = arith.index_cast %mul3A_185 : i32 to index
          %swap3A_187 = tpu.vector_load %arg16[%swap3A_186] {strides = array<i32>} : memref<80xi32, #tpu.memory_space<vmem>>, vector<16xi32>,
          tpu.vector_store %arg16[%swap3A_186], %and3A_183 {strides = array<i32>} : memref<80xi32, #tpu.memory_space<vmem>>, vector<16xi32>,
        }
        %scan3A_165 = arith.constant 5 : i32
        %add3A_166 = arith.constant 2 : i32
        %add3A_167 = arith.addi %add3A_70, %add3A_166 : i32
        %dma_start3A_168 = arith.constant 0 : i32
        %dma_start3A_169 = arith.constant 0 : i32
        %dma_start3A_170 = tpu.memref_slice %arg21[%dma_start3A_168, %dma_start3A_169] : memref<10000x72xf32, #tpu.memory_space<vmem_shared>> -> memref<10000x72xf32, #tpu.memory_space<vmem_shared>>
        tpu.enqueue_indirect_dma source(%dma_start3A_170 : memref<10000x72xf32, #tpu.memory_space<vmem_shared>>) target(%arg19 : memref<80x72xf32, #tpu.memory_space<vmem>>) offsets(%arg13 : memref<80xi32, #tpu.memory_space<vmem>>) semaphore(%arg24 : memref<!tpu.dma_semaphore, #tpu.memory_space<semaphore_mem>>)
      } else {
      }
      %mul3A_95 = arith.constant 3 : i32
      %mul3A_96 = arith.muli %mul3A_95, %scan3A_66 : i32
      %add3A_97 = arith.constant 1 : i32
      %add3A_98 = arith.addi %mul3A_96, %add3A_97 : i32
      %dma_wait3A_99 = arith.constant 0 : i32
      %dma_wait3A_100 = arith.constant 0 : i32
      %dma_wait3A_101 = tpu.memref_slice %arg21[%dma_wait3A_99, %dma_wait3A_100] : memref<10000x72xf32, #tpu.memory_space<vmem_shared>> -> memref<10000x72xf32, #tpu.memory_space<vmem_shared>>
      tpu.wait_indirect_dma semaphore(%arg23 : memref<!tpu.dma_semaphore, #tpu.memory_space<semaphore_mem>>) src(%dma_wait3A_101 : memref<10000x72xf32, #tpu.memory_space<vmem_shared>>) dst(%arg18 : memref<80x72xf32, #tpu.memory_space<vmem>>)
      %scan3A_102 = arith.constant 0 : i32
      %scan3A_103 = arith.constant 5 : i32
      %scan3A_104 = arith.addi %scan3A_102, %scan3A_103 : i32
      %scan3A_105 = arith.constant 1 : i32
      scf.for %scan3A_159 = %scan3A_102 to %scan3A_104 step %scan3A_105  : i32 {
        %mul3A_160 = arith.constant 16 : i32
        %mul3A_161 = arith.muli %scan3A_159, %mul3A_160 : i32
        %add3A_162 = vector.broadcast %mul3A_161 : i32 to vector<16xi32>
        %add3A_163 = arith.addi %add3A_162, %iota3A : vector<16xi32>
        %gather3A = tpu.vector_load_idx %arg18[%add3A_163, %add3A_22] : memref<80x72xf32, #tpu.memory_space<vmem>>[vector<16xi32>, vector<16xi32>], vector<16xf32>,
        %mul3A_164 = arith.constant 16 : i32
        %mul3A_165 = arith.muli %scan3A_159, %mul3A_164 : i32
        %get3A_166 = arith.index_cast %mul3A_165 : i32 to index
        %get3A_167 = tpu.vector_load %arg15[%get3A_166] {strides = array<i32>} : memref<80xi32, #tpu.memory_space<vmem>>, vector<16xi32>,
        %gather3A_168 = tpu.vector_load_idx %arg7[%get3A_167] : memref<10000xf32, #tpu.memory_space<vmem>>[vector<16xi32>], vector<16xf32>,
        %add3A_169 = arith.addf %gather3A, %gather3A_168 : vector<16xf32>
        %mul3A_170 = arith.constant 2.000000e-01 : f32
        %mul3A_171 = vector.broadcast %mul3A_170 : f32 to vector<16xf32>
        %mul3A_172 = arith.mulf %mul3A_171, %add3A_169 : vector<16xf32>
        %max3A = arith.maximumf %add3A_169, %mul3A_172 : vector<16xf32>
        %sub3A = arith.subf %max3A, %get3A_17 : vector<16xf32>
        %exp3A = math.exp %sub3A : vector<16xf32>
        %mul3A_173 = arith.constant 16 : i32
        %mul3A_174 = arith.muli %scan3A_159, %mul3A_173 : i32
        %swap3A = arith.index_cast %mul3A_174 : i32 to index
        %swap3A_175 = tpu.vector_load %arg9[%swap3A] {strides = array<i32>} : memref<80xf32, #tpu.memory_space<vmem>>, vector<16xf32>,
        tpu.vector_store %arg9[%swap3A], %exp3A {strides = array<i32>} : memref<80xf32, #tpu.memory_space<vmem>>, vector<16xf32>,
        tpu.vector_store_idx %arg18[%add3A_163, %add3A_22], %exp3A : memref<80x72xf32, #tpu.memory_space<vmem>>[vector<16xi32>, vector<16xi32>], vector<16xf32>,
      }
      %scan3A_106 = arith.constant 5 : i32
      %scan3A_107 = arith.constant 0 : i32
      %scan3A_108 = arith.constant 20 : i32
      %scan3A_109 = arith.addi %scan3A_107, %scan3A_108 : i32
      %scan3A_110 = arith.constant 1 : i32
      scf.for %scan3A_159 = %scan3A_107 to %scan3A_109 step %scan3A_110  : i32 {
        %mul3A_160 = arith.constant 4 : i32
        %mul3A_161 = arith.muli %scan3A_159, %mul3A_160 : i32
        %add3A_162 = arith.constant 0 : i32
        %add3A_163 = arith.addi %mul3A_161, %add3A_162 : i32
        %broadcast_in_dim3A_164 = arith.constant 0 : i32
        %broadcast_in_dim3A_165 = vector.broadcast %broadcast_in_dim3A_164 : i32 to vector<16xi32>
        %add3A_166 = vector.broadcast %add3A_163 : i32 to vector<16xi32>
        %add3A_167 = arith.addi %broadcast_in_dim3A_165, %add3A_166 : vector<16xi32>
        %gather3A = tpu.vector_load_idx %arg9[%add3A_167] : memref<80xf32, #tpu.memory_space<vmem>>[vector<16xi32>], vector<16xf32>,
        %get3A_168 = arith.index_cast %add3A_163 : i32 to index
        %get3A_169 = arith.constant 0 : index
        %get3A_170 = tpu.vector_load %arg18[%get3A_168, %get3A_169] {strides = array<i32>} : memref<80x72xf32, #tpu.memory_space<vmem>>, vector<16xf32>,
        %mul3A_171 = arith.mulf %get3A_170, %gather3A : vector<16xf32>
        %swap3A = arith.index_cast %add3A_163 : i32 to index
        %swap3A_172 = arith.constant 0 : index
        %swap3A_173 = tpu.vector_load %arg18[%swap3A, %swap3A_172] {strides = array<i32>} : memref<80x72xf32, #tpu.memory_space<vmem>>, vector<16xf32>,
        tpu.vector_store %arg18[%swap3A, %swap3A_172], %mul3A_171 {strides = array<i32>} : memref<80x72xf32, #tpu.memory_space<vmem>>, vector<16xf32>,
        %get3A_174 = arith.index_cast %add3A_163 : i32 to index
        %get3A_175 = arith.constant 16 : index
        %get3A_176 = tpu.vector_load %arg18[%get3A_174, %get3A_175] {strides = array<i32>} : memref<80x72xf32, #tpu.memory_space<vmem>>, vector<16xf32>,
        %mul3A_177 = arith.mulf %get3A_176, %gather3A : vector<16xf32>
        %swap3A_178 = arith.index_cast %add3A_163 : i32 to index
        %swap3A_179 = arith.constant 16 : index
        %swap3A_180 = tpu.vector_load %arg18[%swap3A_178, %swap3A_179] {strides = array<i32>} : memref<80x72xf32, #tpu.memory_space<vmem>>, vector<16xf32>,
        tpu.vector_store %arg18[%swap3A_178, %swap3A_179], %mul3A_177 {strides = array<i32>} : memref<80x72xf32, #tpu.memory_space<vmem>>, vector<16xf32>,
        %get3A_181 = arith.index_cast %add3A_163 : i32 to index
        %get3A_182 = arith.constant 32 : index
        %get3A_183 = tpu.vector_load %arg18[%get3A_181, %get3A_182] {strides = array<i32>} : memref<80x72xf32, #tpu.memory_space<vmem>>, vector<16xf32>,
        %mul3A_184 = arith.mulf %get3A_183, %gather3A : vector<16xf32>
        %swap3A_185 = arith.index_cast %add3A_163 : i32 to index
        %swap3A_186 = arith.constant 32 : index
        %swap3A_187 = tpu.vector_load %arg18[%swap3A_185, %swap3A_186] {strides = array<i32>} : memref<80x72xf32, #tpu.memory_space<vmem>>, vector<16xf32>,
        tpu.vector_store %arg18[%swap3A_185, %swap3A_186], %mul3A_184 {strides = array<i32>} : memref<80x72xf32, #tpu.memory_space<vmem>>, vector<16xf32>,
        %get3A_188 = arith.index_cast %add3A_163 : i32 to index
        %get3A_189 = arith.constant 48 : index
        %get3A_190 = tpu.vector_load %arg18[%get3A_188, %get3A_189] {strides = array<i32>} : memref<80x72xf32, #tpu.memory_space<vmem>>, vector<16xf32>,
        %mul3A_191 = arith.mulf %get3A_190, %gather3A : vector<16xf32>
        %swap3A_192 = arith.index_cast %add3A_163 : i32 to index
        %swap3A_193 = arith.constant 48 : index
        %swap3A_194 = tpu.vector_load %arg18[%swap3A_192, %swap3A_193] {strides = array<i32>} : memref<80x72xf32, #tpu.memory_space<vmem>>, vector<16xf32>,
        tpu.vector_store %arg18[%swap3A_192, %swap3A_193], %mul3A_191 {strides = array<i32>} : memref<80x72xf32, #tpu.memory_space<vmem>>, vector<16xf32>,
        %mul3A_195 = arith.constant 4 : i32
        %mul3A_196 = arith.muli %scan3A_159, %mul3A_195 : i32
        %add3A_197 = arith.constant 1 : i32
        %add3A_198 = arith.addi %mul3A_196, %add3A_197 : i32
        %broadcast_in_dim3A_199 = arith.constant 0 : i32
        %broadcast_in_dim3A_200 = vector.broadcast %broadcast_in_dim3A_199 : i32 to vector<16xi32>
        %add3A_201 = vector.broadcast %add3A_198 : i32 to vector<16xi32>
        %add3A_202 = arith.addi %broadcast_in_dim3A_200, %add3A_201 : vector<16xi32>
        %gather3A_203 = tpu.vector_load_idx %arg9[%add3A_202] : memref<80xf32, #tpu.memory_space<vmem>>[vector<16xi32>], vector<16xf32>,
        %get3A_204 = arith.index_cast %add3A_198 : i32 to index
        %get3A_205 = arith.constant 0 : index
        %get3A_206 = tpu.vector_load %arg18[%get3A_204, %get3A_205] {strides = array<i32>} : memref<80x72xf32, #tpu.memory_space<vmem>>, vector<16xf32>,
        %mul3A_207 = arith.mulf %get3A_206, %gather3A_203 : vector<16xf32>
        %swap3A_208 = arith.index_cast %add3A_198 : i32 to index
        %swap3A_209 = arith.constant 0 : index
        %swap3A_210 = tpu.vector_load %arg18[%swap3A_208, %swap3A_209] {strides = array<i32>} : memref<80x72xf32, #tpu.memory_space<vmem>>, vector<16xf32>,
        tpu.vector_store %arg18[%swap3A_208, %swap3A_209], %mul3A_207 {strides = array<i32>} : memref<80x72xf32, #tpu.memory_space<vmem>>, vector<16xf32>,
        %get3A_211 = arith.index_cast %add3A_198 : i32 to index
        %get3A_212 = arith.constant 16 : index
        %get3A_213 = tpu.vector_load %arg18[%get3A_211, %get3A_212] {strides = array<i32>} : memref<80x72xf32, #tpu.memory_space<vmem>>, vector<16xf32>,
        %mul3A_214 = arith.mulf %get3A_213, %gather3A_203 : vector<16xf32>
        %swap3A_215 = arith.index_cast %add3A_198 : i32 to index
        %swap3A_216 = arith.constant 16 : index
        %swap3A_217 = tpu.vector_load %arg18[%swap3A_215, %swap3A_216] {strides = array<i32>} : memref<80x72xf32, #tpu.memory_space<vmem>>, vector<16xf32>,
        tpu.vector_store %arg18[%swap3A_215, %swap3A_216], %mul3A_214 {strides = array<i32>} : memref<80x72xf32, #tpu.memory_space<vmem>>, vector<16xf32>,
        %get3A_218 = arith.index_cast %add3A_198 : i32 to index
        %get3A_219 = arith.constant 32 : index
        %get3A_220 = tpu.vector_load %arg18[%get3A_218, %get3A_219] {strides = array<i32>} : memref<80x72xf32, #tpu.memory_space<vmem>>, vector<16xf32>,
        %mul3A_221 = arith.mulf %get3A_220, %gather3A_203 : vector<16xf32>
        %swap3A_222 = arith.index_cast %add3A_198 : i32 to index
        %swap3A_223 = arith.constant 32 : index
        %swap3A_224 = tpu.vector_load %arg18[%swap3A_222, %swap3A_223] {strides = array<i32>} : memref<80x72xf32, #tpu.memory_space<vmem>>, vector<16xf32>,
        tpu.vector_store %arg18[%swap3A_222, %swap3A_223], %mul3A_221 {strides = array<i32>} : memref<80x72xf32, #tpu.memory_space<vmem>>, vector<16xf32>,
        %get3A_225 = arith.index_cast %add3A_198 : i32 to index
        %get3A_226 = arith.constant 48 : index
        %get3A_227 = tpu.vector_load %arg18[%get3A_225, %get3A_226] {strides = array<i32>} : memref<80x72xf32, #tpu.memory_space<vmem>>, vector<16xf32>,
        %mul3A_228 = arith.mulf %get3A_227, %gather3A_203 : vector<16xf32>
        %swap3A_229 = arith.index_cast %add3A_198 : i32 to index
        %swap3A_230 = arith.constant 48 : index
        %swap3A_231 = tpu.vector_load %arg18[%swap3A_229, %swap3A_230] {strides = array<i32>} : memref<80x72xf32, #tpu.memory_space<vmem>>, vector<16xf32>,
        tpu.vector_store %arg18[%swap3A_229, %swap3A_230], %mul3A_228 {strides = array<i32>} : memref<80x72xf32, #tpu.memory_space<vmem>>, vector<16xf32>,
        %mul3A_232 = arith.constant 4 : i32
        %mul3A_233 = arith.muli %scan3A_159, %mul3A_232 : i32
        %add3A_234 = arith.constant 2 : i32
        %add3A_235 = arith.addi %mul3A_233, %add3A_234 : i32
        %broadcast_in_dim3A_236 = arith.constant 0 : i32
        %broadcast_in_dim3A_237 = vector.broadcast %broadcast_in_dim3A_236 : i32 to vector<16xi32>
        %add3A_238 = vector.broadcast %add3A_235 : i32 to vector<16xi32>
        %add3A_239 = arith.addi %broadcast_in_dim3A_237, %add3A_238 : vector<16xi32>
        %gather3A_240 = tpu.vector_load_idx %arg9[%add3A_239] : memref<80xf32, #tpu.memory_space<vmem>>[vector<16xi32>], vector<16xf32>,
        %get3A_241 = arith.index_cast %add3A_235 : i32 to index
        %get3A_242 = arith.constant 0 : index
        %get3A_243 = tpu.vector_load %arg18[%get3A_241, %get3A_242] {strides = array<i32>} : memref<80x72xf32, #tpu.memory_space<vmem>>, vector<16xf32>,
        %mul3A_244 = arith.mulf %get3A_243, %gather3A_240 : vector<16xf32>
        %swap3A_245 = arith.index_cast %add3A_235 : i32 to index
        %swap3A_246 = arith.constant 0 : index
        %swap3A_247 = tpu.vector_load %arg18[%swap3A_245, %swap3A_246] {strides = array<i32>} : memref<80x72xf32, #tpu.memory_space<vmem>>, vector<16xf32>,
        tpu.vector_store %arg18[%swap3A_245, %swap3A_246], %mul3A_244 {strides = array<i32>} : memref<80x72xf32, #tpu.memory_space<vmem>>, vector<16xf32>,
        %get3A_248 = arith.index_cast %add3A_235 : i32 to index
        %get3A_249 = arith.constant 16 : index
        %get3A_250 = tpu.vector_load %arg18[%get3A_248, %get3A_249] {strides = array<i32>} : memref<80x72xf32, #tpu.memory_space<vmem>>, vector<16xf32>,
        %mul3A_251 = arith.mulf %get3A_250, %gather3A_240 : vector<16xf32>
        %swap3A_252 = arith.index_cast %add3A_235 : i32 to index
        %swap3A_253 = arith.constant 16 : index
        %swap3A_254 = tpu.vector_load %arg18[%swap3A_252, %swap3A_253] {strides = array<i32>} : memref<80x72xf32, #tpu.memory_space<vmem>>, vector<16xf32>,
        tpu.vector_store %arg18[%swap3A_252, %swap3A_253], %mul3A_251 {strides = array<i32>} : memref<80x72xf32, #tpu.memory_space<vmem>>, vector<16xf32>,
        %get3A_255 = arith.index_cast %add3A_235 : i32 to index
        %get3A_256 = arith.constant 32 : index
        %get3A_257 = tpu.vector_load %arg18[%get3A_255, %get3A_256] {strides = array<i32>} : memref<80x72xf32, #tpu.memory_space<vmem>>, vector<16xf32>,
        %mul3A_258 = arith.mulf %get3A_257, %gather3A_240 : vector<16xf32>
        %swap3A_259 = arith.index_cast %add3A_235 : i32 to index
        %swap3A_260 = arith.constant 32 : index
        %swap3A_261 = tpu.vector_load %arg18[%swap3A_259, %swap3A_260] {strides = array<i32>} : memref<80x72xf32, #tpu.memory_space<vmem>>, vector<16xf32>,
        tpu.vector_store %arg18[%swap3A_259, %swap3A_260], %mul3A_258 {strides = array<i32>} : memref<80x72xf32, #tpu.memory_space<vmem>>, vector<16xf32>,
        %get3A_262 = arith.index_cast %add3A_235 : i32 to index
        %get3A_263 = arith.constant 48 : index
        %get3A_264 = tpu.vector_load %arg18[%get3A_262, %get3A_263] {strides = array<i32>} : memref<80x72xf32, #tpu.memory_space<vmem>>, vector<16xf32>,
        %mul3A_265 = arith.mulf %get3A_264, %gather3A_240 : vector<16xf32>
        %swap3A_266 = arith.index_cast %add3A_235 : i32 to index
        %swap3A_267 = arith.constant 48 : index
        %swap3A_268 = tpu.vector_load %arg18[%swap3A_266, %swap3A_267] {strides = array<i32>} : memref<80x72xf32, #tpu.memory_space<vmem>>, vector<16xf32>,
        tpu.vector_store %arg18[%swap3A_266, %swap3A_267], %mul3A_265 {strides = array<i32>} : memref<80x72xf32, #tpu.memory_space<vmem>>, vector<16xf32>,
        %mul3A_269 = arith.constant 4 : i32
        %mul3A_270 = arith.muli %scan3A_159, %mul3A_269 : i32
        %add3A_271 = arith.constant 3 : i32
        %add3A_272 = arith.addi %mul3A_270, %add3A_271 : i32
        %broadcast_in_dim3A_273 = arith.constant 0 : i32
        %broadcast_in_dim3A_274 = vector.broadcast %broadcast_in_dim3A_273 : i32 to vector<16xi32>
        %add3A_275 = vector.broadcast %add3A_272 : i32 to vector<16xi32>
        %add3A_276 = arith.addi %broadcast_in_dim3A_274, %add3A_275 : vector<16xi32>
        %gather3A_277 = tpu.vector_load_idx %arg9[%add3A_276] : memref<80xf32, #tpu.memory_space<vmem>>[vector<16xi32>], vector<16xf32>,
        %get3A_278 = arith.index_cast %add3A_272 : i32 to index
        %get3A_279 = arith.constant 0 : index
        %get3A_280 = tpu.vector_load %arg18[%get3A_278, %get3A_279] {strides = array<i32>} : memref<80x72xf32, #tpu.memory_space<vmem>>, vector<16xf32>,
        %mul3A_281 = arith.mulf %get3A_280, %gather3A_277 : vector<16xf32>
        %swap3A_282 = arith.index_cast %add3A_272 : i32 to index
        %swap3A_283 = arith.constant 0 : index
        %swap3A_284 = tpu.vector_load %arg18[%swap3A_282, %swap3A_283] {strides = array<i32>} : memref<80x72xf32, #tpu.memory_space<vmem>>, vector<16xf32>,
        tpu.vector_store %arg18[%swap3A_282, %swap3A_283], %mul3A_281 {strides = array<i32>} : memref<80x72xf32, #tpu.memory_space<vmem>>, vector<16xf32>,
        %get3A_285 = arith.index_cast %add3A_272 : i32 to index
        %get3A_286 = arith.constant 16 : index
        %get3A_287 = tpu.vector_load %arg18[%get3A_285, %get3A_286] {strides = array<i32>} : memref<80x72xf32, #tpu.memory_space<vmem>>, vector<16xf32>,
        %mul3A_288 = arith.mulf %get3A_287, %gather3A_277 : vector<16xf32>
        %swap3A_289 = arith.index_cast %add3A_272 : i32 to index
        %swap3A_290 = arith.constant 16 : index
        %swap3A_291 = tpu.vector_load %arg18[%swap3A_289, %swap3A_290] {strides = array<i32>} : memref<80x72xf32, #tpu.memory_space<vmem>>, vector<16xf32>,
        tpu.vector_store %arg18[%swap3A_289, %swap3A_290], %mul3A_288 {strides = array<i32>} : memref<80x72xf32, #tpu.memory_space<vmem>>, vector<16xf32>,
        %get3A_292 = arith.index_cast %add3A_272 : i32 to index
        %get3A_293 = arith.constant 32 : index
        %get3A_294 = tpu.vector_load %arg18[%get3A_292, %get3A_293] {strides = array<i32>} : memref<80x72xf32, #tpu.memory_space<vmem>>, vector<16xf32>,
        %mul3A_295 = arith.mulf %get3A_294, %gather3A_277 : vector<16xf32>
        %swap3A_296 = arith.index_cast %add3A_272 : i32 to index
        %swap3A_297 = arith.constant 32 : index
        %swap3A_298 = tpu.vector_load %arg18[%swap3A_296, %swap3A_297] {strides = array<i32>} : memref<80x72xf32, #tpu.memory_space<vmem>>, vector<16xf32>,
        tpu.vector_store %arg18[%swap3A_296, %swap3A_297], %mul3A_295 {strides = array<i32>} : memref<80x72xf32, #tpu.memory_space<vmem>>, vector<16xf32>,
        %get3A_299 = arith.index_cast %add3A_272 : i32 to index
        %get3A_300 = arith.constant 48 : index
        %get3A_301 = tpu.vector_load %arg18[%get3A_299, %get3A_300] {strides = array<i32>} : memref<80x72xf32, #tpu.memory_space<vmem>>, vector<16xf32>,
        %mul3A_302 = arith.mulf %get3A_301, %gather3A_277 : vector<16xf32>
        %swap3A_303 = arith.index_cast %add3A_272 : i32 to index
        %swap3A_304 = arith.constant 48 : index
        %swap3A_305 = tpu.vector_load %arg18[%swap3A_303, %swap3A_304] {strides = array<i32>} : memref<80x72xf32, #tpu.memory_space<vmem>>, vector<16xf32>,
        tpu.vector_store %arg18[%swap3A_303, %swap3A_304], %mul3A_302 {strides = array<i32>} : memref<80x72xf32, #tpu.memory_space<vmem>>, vector<16xf32>,
      }
      %scan3A_111 = arith.constant 20 : i32
      %dma_start3A_112 = arith.constant 0 : i32
      %dma_start3A_113 = arith.constant 0 : i32
      %dma_start3A_114 = tpu.memref_slice %arg20[%dma_start3A_112, %dma_start3A_113] : memref<10240x72xf32, #tpu.memory_space<vmem_shared>> -> memref<10240x72xf32, #tpu.memory_space<vmem_shared>>
      tpu.enqueue_indirect_dma source(%arg18 : memref<80x72xf32, #tpu.memory_space<vmem>>) target(%dma_start3A_114 : memref<10240x72xf32, #tpu.memory_space<vmem_shared>>) offsets(%arg15 : memref<80xi32, #tpu.memory_space<vmem>>) semaphore(%arg26 : memref<!tpu.dma_semaphore, #tpu.memory_space<semaphore_mem>>) {add = true}
      %ge3A_115 = arith.constant 1 : i32
      %ge3A_116 = arith.cmpi sge, %add3A_98, %ge3A_115 : i32
      %convert_element_type3A_117 = arith.extui %ge3A_116 : i1 to i32
      %cond3A_118 = arith.constant 0 : i32
      %cond3A_119 = arith.cmpi ne, %convert_element_type3A_117, %cond3A_118 : i32
      scf.if %cond3A_119 {
        %sub3A = arith.constant 1 : i32
        %sub3A_159 = arith.subi %add3A_98, %sub3A : i32
        %dma_wait3A_160 = arith.constant 0 : i32
        %dma_wait3A_161 = arith.constant 0 : i32
        %dma_wait3A_162 = tpu.memref_slice %arg20[%dma_wait3A_160, %dma_wait3A_161] : memref<10240x72xf32, #tpu.memory_space<vmem_shared>> -> memref<10240x72xf32, #tpu.memory_space<vmem_shared>>
        tpu.wait_indirect_dma semaphore(%arg25 : memref<!tpu.dma_semaphore, #tpu.memory_space<semaphore_mem>>) src(%arg17 : memref<80x72xf32, #tpu.memory_space<vmem>>) dst(%dma_wait3A_162 : memref<10240x72xf32, #tpu.memory_space<vmem_shared>>)
      } else {
      }
      %add3A_120 = arith.constant 2 : i32
      %add3A_121 = arith.addi %add3A_98, %add3A_120 : i32
      %lt3A_122 = arith.constant 126 : i32
      %lt3A_123 = arith.cmpi slt, %add3A_121, %lt3A_122 : i32
      %convert_element_type3A_124 = arith.extui %lt3A_123 : i1 to i32
      %cond3A_125 = arith.constant 0 : i32
      %cond3A_126 = arith.cmpi ne, %convert_element_type3A_124, %cond3A_125 : i32
      scf.if %cond3A_126 {
        %add3A_159 = arith.constant 2 : i32
        %add3A_160 = arith.addi %add3A_98, %add3A_159 : i32
        %scan3A_161 = arith.constant 0 : i32
        %scan3A_162 = arith.constant 5 : i32
        %scan3A_163 = arith.addi %scan3A_161, %scan3A_162 : i32
        %scan3A_164 = arith.constant 1 : i32
        scf.for %scan3A_171 = %scan3A_161 to %scan3A_163 step %scan3A_164  : i32 {
          %mul3A_172 = arith.constant 16 : i32
          %mul3A_173 = arith.muli %scan3A_171, %mul3A_172 : i32
          %get3A_174 = arith.index_cast %add3A_160 : i32 to index
          %get3A_175 = arith.index_cast %mul3A_173 : i32 to index
          %get3A_176 = tpu.vector_load %arg10[%get3A_174, %get3A_175] {strides = array<i32>} : memref<126x80xi32, #tpu.memory_space<vmem>>, vector<16xi32>,
          %shift_right_logical3A = arith.constant 16 : i32
          %shift_right_logical3A_177 = vector.broadcast %shift_right_logical3A : i32 to vector<16xi32>
          %shift_right_logical3A_178 = arith.shrui %get3A_176, %shift_right_logical3A_177 : vector<16xi32>
          %mul3A_179 = arith.constant 16 : i32
          %mul3A_180 = arith.muli %scan3A_171, %mul3A_179 : i32
          %swap3A = arith.index_cast %mul3A_180 : i32 to index
          %swap3A_181 = tpu.vector_load %arg11[%swap3A] {strides = array<i32>} : memref<80xi32, #tpu.memory_space<vmem>>, vector<16xi32>,
          tpu.vector_store %arg11[%swap3A], %shift_right_logical3A_178 {strides = array<i32>} : memref<80xi32, #tpu.memory_space<vmem>>, vector<16xi32>,
          %and3A = arith.constant 65535 : i32
          %and3A_182 = vector.broadcast %and3A : i32 to vector<16xi32>
          %and3A_183 = arith.andi %get3A_176, %and3A_182 : vector<16xi32>
          %mul3A_184 = arith.constant 16 : i32
          %mul3A_185 = arith.muli %scan3A_171, %mul3A_184 : i32
          %swap3A_186 = arith.index_cast %mul3A_185 : i32 to index
          %swap3A_187 = tpu.vector_load %arg14[%swap3A_186] {strides = array<i32>} : memref<80xi32, #tpu.memory_space<vmem>>, vector<16xi32>,
          tpu.vector_store %arg14[%swap3A_186], %and3A_183 {strides = array<i32>} : memref<80xi32, #tpu.memory_space<vmem>>, vector<16xi32>,
        }
        %scan3A_165 = arith.constant 5 : i32
        %add3A_166 = arith.constant 2 : i32
        %add3A_167 = arith.addi %add3A_98, %add3A_166 : i32
        %dma_start3A_168 = arith.constant 0 : i32
        %dma_start3A_169 = arith.constant 0 : i32
        %dma_start3A_170 = tpu.memref_slice %arg21[%dma_start3A_168, %dma_start3A_169] : memref<10000x72xf32, #tpu.memory_space<vmem_shared>> -> memref<10000x72xf32, #tpu.memory_space<vmem_shared>>
        tpu.enqueue_indirect_dma source(%dma_start3A_170 : memref<10000x72xf32, #tpu.memory_space<vmem_shared>>) target(%arg17 : memref<80x72xf32, #tpu.memory_space<vmem>>) offsets(%arg11 : memref<80xi32, #tpu.memory_space<vmem>>) semaphore(%arg22 : memref<!tpu.dma_semaphore, #tpu.memory_space<semaphore_mem>>)
      } else {
      }
      %mul3A_127 = arith.constant 3 : i32
      %mul3A_128 = arith.muli %mul3A_127, %scan3A_66 : i32
      %add3A_129 = arith.constant 2 : i32
      %add3A_130 = arith.addi %mul3A_128, %add3A_129 : i32
      %dma_wait3A_131 = arith.constant 0 : i32
      %dma_wait3A_132 = arith.constant 0 : i32
      %dma_wait3A_133 = tpu.memref_slice %arg21[%dma_wait3A_131, %dma_wait3A_132] : memref<10000x72xf32, #tpu.memory_space<vmem_shared>> -> memref<10000x72xf32, #tpu.memory_space<vmem_shared>>
      tpu.wait_indirect_dma semaphore(%arg24 : memref<!tpu.dma_semaphore, #tpu.memory_space<semaphore_mem>>) src(%dma_wait3A_133 : memref<10000x72xf32, #tpu.memory_space<vmem_shared>>) dst(%arg19 : memref<80x72xf32, #tpu.memory_space<vmem>>)
      %scan3A_134 = arith.constant 0 : i32
      %scan3A_135 = arith.constant 5 : i32
      %scan3A_136 = arith.addi %scan3A_134, %scan3A_135 : i32
      %scan3A_137 = arith.constant 1 : i32
      scf.for %scan3A_159 = %scan3A_134 to %scan3A_136 step %scan3A_137  : i32 {
        %mul3A_160 = arith.constant 16 : i32
        %mul3A_161 = arith.muli %scan3A_159, %mul3A_160 : i32
        %add3A_162 = vector.broadcast %mul3A_161 : i32 to vector<16xi32>
        %add3A_163 = arith.addi %add3A_162, %iota3A : vector<16xi32>
        %gather3A = tpu.vector_load_idx %arg19[%add3A_163, %add3A_22] : memref<80x72xf32, #tpu.memory_space<vmem>>[vector<16xi32>, vector<16xi32>], vector<16xf32>,
        %mul3A_164 = arith.constant 16 : i32
        %mul3A_165 = arith.muli %scan3A_159, %mul3A_164 : i32
        %get3A_166 = arith.index_cast %mul3A_165 : i32 to index
        %get3A_167 = tpu.vector_load %arg16[%get3A_166] {strides = array<i32>} : memref<80xi32, #tpu.memory_space<vmem>>, vector<16xi32>,
        %gather3A_168 = tpu.vector_load_idx %arg7[%get3A_167] : memref<10000xf32, #tpu.memory_space<vmem>>[vector<16xi32>], vector<16xf32>,
        %add3A_169 = arith.addf %gather3A, %gather3A_168 : vector<16xf32>
        %mul3A_170 = arith.constant 2.000000e-01 : f32
        %mul3A_171 = vector.broadcast %mul3A_170 : f32 to vector<16xf32>
        %mul3A_172 = arith.mulf %mul3A_171, %add3A_169 : vector<16xf32>
        %max3A = arith.maximumf %add3A_169, %mul3A_172 : vector<16xf32>
        %sub3A = arith.subf %max3A, %get3A_17 : vector<16xf32>
        %exp3A = math.exp %sub3A : vector<16xf32>
        %mul3A_173 = arith.constant 16 : i32
        %mul3A_174 = arith.muli %scan3A_159, %mul3A_173 : i32
        %swap3A = arith.index_cast %mul3A_174 : i32 to index
        %swap3A_175 = tpu.vector_load %arg9[%swap3A] {strides = array<i32>} : memref<80xf32, #tpu.memory_space<vmem>>, vector<16xf32>,
        tpu.vector_store %arg9[%swap3A], %exp3A {strides = array<i32>} : memref<80xf32, #tpu.memory_space<vmem>>, vector<16xf32>,
        tpu.vector_store_idx %arg19[%add3A_163, %add3A_22], %exp3A : memref<80x72xf32, #tpu.memory_space<vmem>>[vector<16xi32>, vector<16xi32>], vector<16xf32>,
      }
      %scan3A_138 = arith.constant 5 : i32
      %scan3A_139 = arith.constant 0 : i32
      %scan3A_140 = arith.constant 20 : i32
      %scan3A_141 = arith.addi %scan3A_139, %scan3A_140 : i32
      %scan3A_142 = arith.constant 1 : i32
      scf.for %scan3A_159 = %scan3A_139 to %scan3A_141 step %scan3A_142  : i32 {
        %mul3A_160 = arith.constant 4 : i32
        %mul3A_161 = arith.muli %scan3A_159, %mul3A_160 : i32
        %add3A_162 = arith.constant 0 : i32
        %add3A_163 = arith.addi %mul3A_161, %add3A_162 : i32
        %broadcast_in_dim3A_164 = arith.constant 0 : i32
        %broadcast_in_dim3A_165 = vector.broadcast %broadcast_in_dim3A_164 : i32 to vector<16xi32>
        %add3A_166 = vector.broadcast %add3A_163 : i32 to vector<16xi32>
        %add3A_167 = arith.addi %broadcast_in_dim3A_165, %add3A_166 : vector<16xi32>
        %gather3A = tpu.vector_load_idx %arg9[%add3A_167] : memref<80xf32, #tpu.memory_space<vmem>>[vector<16xi32>], vector<16xf32>,
        %get3A_168 = arith.index_cast %add3A_163 : i32 to index
        %get3A_169 = arith.constant 0 : index
        %get3A_170 = tpu.vector_load %arg19[%get3A_168, %get3A_169] {strides = array<i32>} : memref<80x72xf32, #tpu.memory_space<vmem>>, vector<16xf32>,
        %mul3A_171 = arith.mulf %get3A_170, %gather3A : vector<16xf32>
        %swap3A = arith.index_cast %add3A_163 : i32 to index
        %swap3A_172 = arith.constant 0 : index
        %swap3A_173 = tpu.vector_load %arg19[%swap3A, %swap3A_172] {strides = array<i32>} : memref<80x72xf32, #tpu.memory_space<vmem>>, vector<16xf32>,
        tpu.vector_store %arg19[%swap3A, %swap3A_172], %mul3A_171 {strides = array<i32>} : memref<80x72xf32, #tpu.memory_space<vmem>>, vector<16xf32>,
        %get3A_174 = arith.index_cast %add3A_163 : i32 to index
        %get3A_175 = arith.constant 16 : index
        %get3A_176 = tpu.vector_load %arg19[%get3A_174, %get3A_175] {strides = array<i32>} : memref<80x72xf32, #tpu.memory_space<vmem>>, vector<16xf32>,
        %mul3A_177 = arith.mulf %get3A_176, %gather3A : vector<16xf32>
        %swap3A_178 = arith.index_cast %add3A_163 : i32 to index
        %swap3A_179 = arith.constant 16 : index
        %swap3A_180 = tpu.vector_load %arg19[%swap3A_178, %swap3A_179] {strides = array<i32>} : memref<80x72xf32, #tpu.memory_space<vmem>>, vector<16xf32>,
        tpu.vector_store %arg19[%swap3A_178, %swap3A_179], %mul3A_177 {strides = array<i32>} : memref<80x72xf32, #tpu.memory_space<vmem>>, vector<16xf32>,
        %get3A_181 = arith.index_cast %add3A_163 : i32 to index
        %get3A_182 = arith.constant 32 : index
        %get3A_183 = tpu.vector_load %arg19[%get3A_181, %get3A_182] {strides = array<i32>} : memref<80x72xf32, #tpu.memory_space<vmem>>, vector<16xf32>,
        %mul3A_184 = arith.mulf %get3A_183, %gather3A : vector<16xf32>
        %swap3A_185 = arith.index_cast %add3A_163 : i32 to index
        %swap3A_186 = arith.constant 32 : index
        %swap3A_187 = tpu.vector_load %arg19[%swap3A_185, %swap3A_186] {strides = array<i32>} : memref<80x72xf32, #tpu.memory_space<vmem>>, vector<16xf32>,
        tpu.vector_store %arg19[%swap3A_185, %swap3A_186], %mul3A_184 {strides = array<i32>} : memref<80x72xf32, #tpu.memory_space<vmem>>, vector<16xf32>,
        %get3A_188 = arith.index_cast %add3A_163 : i32 to index
        %get3A_189 = arith.constant 48 : index
        %get3A_190 = tpu.vector_load %arg19[%get3A_188, %get3A_189] {strides = array<i32>} : memref<80x72xf32, #tpu.memory_space<vmem>>, vector<16xf32>,
        %mul3A_191 = arith.mulf %get3A_190, %gather3A : vector<16xf32>
        %swap3A_192 = arith.index_cast %add3A_163 : i32 to index
        %swap3A_193 = arith.constant 48 : index
        %swap3A_194 = tpu.vector_load %arg19[%swap3A_192, %swap3A_193] {strides = array<i32>} : memref<80x72xf32, #tpu.memory_space<vmem>>, vector<16xf32>,
        tpu.vector_store %arg19[%swap3A_192, %swap3A_193], %mul3A_191 {strides = array<i32>} : memref<80x72xf32, #tpu.memory_space<vmem>>, vector<16xf32>,
        %mul3A_195 = arith.constant 4 : i32
        %mul3A_196 = arith.muli %scan3A_159, %mul3A_195 : i32
        %add3A_197 = arith.constant 1 : i32
        %add3A_198 = arith.addi %mul3A_196, %add3A_197 : i32
        %broadcast_in_dim3A_199 = arith.constant 0 : i32
        %broadcast_in_dim3A_200 = vector.broadcast %broadcast_in_dim3A_199 : i32 to vector<16xi32>
        %add3A_201 = vector.broadcast %add3A_198 : i32 to vector<16xi32>
        %add3A_202 = arith.addi %broadcast_in_dim3A_200, %add3A_201 : vector<16xi32>
        %gather3A_203 = tpu.vector_load_idx %arg9[%add3A_202] : memref<80xf32, #tpu.memory_space<vmem>>[vector<16xi32>], vector<16xf32>,
        %get3A_204 = arith.index_cast %add3A_198 : i32 to index
        %get3A_205 = arith.constant 0 : index
        %get3A_206 = tpu.vector_load %arg19[%get3A_204, %get3A_205] {strides = array<i32>} : memref<80x72xf32, #tpu.memory_space<vmem>>, vector<16xf32>,
        %mul3A_207 = arith.mulf %get3A_206, %gather3A_203 : vector<16xf32>
        %swap3A_208 = arith.index_cast %add3A_198 : i32 to index
        %swap3A_209 = arith.constant 0 : index
        %swap3A_210 = tpu.vector_load %arg19[%swap3A_208, %swap3A_209] {strides = array<i32>} : memref<80x72xf32, #tpu.memory_space<vmem>>, vector<16xf32>,
        tpu.vector_store %arg19[%swap3A_208, %swap3A_209], %mul3A_207 {strides = array<i32>} : memref<80x72xf32, #tpu.memory_space<vmem>>, vector<16xf32>,
        %get3A_211 = arith.index_cast %add3A_198 : i32 to index
        %get3A_212 = arith.constant 16 : index
        %get3A_213 = tpu.vector_load %arg19[%get3A_211, %get3A_212] {strides = array<i32>} : memref<80x72xf32, #tpu.memory_space<vmem>>, vector<16xf32>,
        %mul3A_214 = arith.mulf %get3A_213, %gather3A_203 : vector<16xf32>
        %swap3A_215 = arith.index_cast %add3A_198 : i32 to index
        %swap3A_216 = arith.constant 16 : index
        %swap3A_217 = tpu.vector_load %arg19[%swap3A_215, %swap3A_216] {strides = array<i32>} : memref<80x72xf32, #tpu.memory_space<vmem>>, vector<16xf32>,
        tpu.vector_store %arg19[%swap3A_215, %swap3A_216], %mul3A_214 {strides = array<i32>} : memref<80x72xf32, #tpu.memory_space<vmem>>, vector<16xf32>,
        %get3A_218 = arith.index_cast %add3A_198 : i32 to index
        %get3A_219 = arith.constant 32 : index
        %get3A_220 = tpu.vector_load %arg19[%get3A_218, %get3A_219] {strides = array<i32>} : memref<80x72xf32, #tpu.memory_space<vmem>>, vector<16xf32>,
        %mul3A_221 = arith.mulf %get3A_220, %gather3A_203 : vector<16xf32>
        %swap3A_222 = arith.index_cast %add3A_198 : i32 to index
        %swap3A_223 = arith.constant 32 : index
        %swap3A_224 = tpu.vector_load %arg19[%swap3A_222, %swap3A_223] {strides = array<i32>} : memref<80x72xf32, #tpu.memory_space<vmem>>, vector<16xf32>,
        tpu.vector_store %arg19[%swap3A_222, %swap3A_223], %mul3A_221 {strides = array<i32>} : memref<80x72xf32, #tpu.memory_space<vmem>>, vector<16xf32>,
        %get3A_225 = arith.index_cast %add3A_198 : i32 to index
        %get3A_226 = arith.constant 48 : index
        %get3A_227 = tpu.vector_load %arg19[%get3A_225, %get3A_226] {strides = array<i32>} : memref<80x72xf32, #tpu.memory_space<vmem>>, vector<16xf32>,
        %mul3A_228 = arith.mulf %get3A_227, %gather3A_203 : vector<16xf32>
        %swap3A_229 = arith.index_cast %add3A_198 : i32 to index
        %swap3A_230 = arith.constant 48 : index
        %swap3A_231 = tpu.vector_load %arg19[%swap3A_229, %swap3A_230] {strides = array<i32>} : memref<80x72xf32, #tpu.memory_space<vmem>>, vector<16xf32>,
        tpu.vector_store %arg19[%swap3A_229, %swap3A_230], %mul3A_228 {strides = array<i32>} : memref<80x72xf32, #tpu.memory_space<vmem>>, vector<16xf32>,
        %mul3A_232 = arith.constant 4 : i32
        %mul3A_233 = arith.muli %scan3A_159, %mul3A_232 : i32
        %add3A_234 = arith.constant 2 : i32
        %add3A_235 = arith.addi %mul3A_233, %add3A_234 : i32
        %broadcast_in_dim3A_236 = arith.constant 0 : i32
        %broadcast_in_dim3A_237 = vector.broadcast %broadcast_in_dim3A_236 : i32 to vector<16xi32>
        %add3A_238 = vector.broadcast %add3A_235 : i32 to vector<16xi32>
        %add3A_239 = arith.addi %broadcast_in_dim3A_237, %add3A_238 : vector<16xi32>
        %gather3A_240 = tpu.vector_load_idx %arg9[%add3A_239] : memref<80xf32, #tpu.memory_space<vmem>>[vector<16xi32>], vector<16xf32>,
        %get3A_241 = arith.index_cast %add3A_235 : i32 to index
        %get3A_242 = arith.constant 0 : index
        %get3A_243 = tpu.vector_load %arg19[%get3A_241, %get3A_242] {strides = array<i32>} : memref<80x72xf32, #tpu.memory_space<vmem>>, vector<16xf32>,
        %mul3A_244 = arith.mulf %get3A_243, %gather3A_240 : vector<16xf32>
        %swap3A_245 = arith.index_cast %add3A_235 : i32 to index
        %swap3A_246 = arith.constant 0 : index
        %swap3A_247 = tpu.vector_load %arg19[%swap3A_245, %swap3A_246] {strides = array<i32>} : memref<80x72xf32, #tpu.memory_space<vmem>>, vector<16xf32>,
        tpu.vector_store %arg19[%swap3A_245, %swap3A_246], %mul3A_244 {strides = array<i32>} : memref<80x72xf32, #tpu.memory_space<vmem>>, vector<16xf32>,
        %get3A_248 = arith.index_cast %add3A_235 : i32 to index
        %get3A_249 = arith.constant 16 : index
        %get3A_250 = tpu.vector_load %arg19[%get3A_248, %get3A_249] {strides = array<i32>} : memref<80x72xf32, #tpu.memory_space<vmem>>, vector<16xf32>,
        %mul3A_251 = arith.mulf %get3A_250, %gather3A_240 : vector<16xf32>
        %swap3A_252 = arith.index_cast %add3A_235 : i32 to index
        %swap3A_253 = arith.constant 16 : index
        %swap3A_254 = tpu.vector_load %arg19[%swap3A_252, %swap3A_253] {strides = array<i32>} : memref<80x72xf32, #tpu.memory_space<vmem>>, vector<16xf32>,
        tpu.vector_store %arg19[%swap3A_252, %swap3A_253], %mul3A_251 {strides = array<i32>} : memref<80x72xf32, #tpu.memory_space<vmem>>, vector<16xf32>,
        %get3A_255 = arith.index_cast %add3A_235 : i32 to index
        %get3A_256 = arith.constant 32 : index
        %get3A_257 = tpu.vector_load %arg19[%get3A_255, %get3A_256] {strides = array<i32>} : memref<80x72xf32, #tpu.memory_space<vmem>>, vector<16xf32>,
        %mul3A_258 = arith.mulf %get3A_257, %gather3A_240 : vector<16xf32>
        %swap3A_259 = arith.index_cast %add3A_235 : i32 to index
        %swap3A_260 = arith.constant 32 : index
        %swap3A_261 = tpu.vector_load %arg19[%swap3A_259, %swap3A_260] {strides = array<i32>} : memref<80x72xf32, #tpu.memory_space<vmem>>, vector<16xf32>,
        tpu.vector_store %arg19[%swap3A_259, %swap3A_260], %mul3A_258 {strides = array<i32>} : memref<80x72xf32, #tpu.memory_space<vmem>>, vector<16xf32>,
        %get3A_262 = arith.index_cast %add3A_235 : i32 to index
        %get3A_263 = arith.constant 48 : index
        %get3A_264 = tpu.vector_load %arg19[%get3A_262, %get3A_263] {strides = array<i32>} : memref<80x72xf32, #tpu.memory_space<vmem>>, vector<16xf32>,
        %mul3A_265 = arith.mulf %get3A_264, %gather3A_240 : vector<16xf32>
        %swap3A_266 = arith.index_cast %add3A_235 : i32 to index
        %swap3A_267 = arith.constant 48 : index
        %swap3A_268 = tpu.vector_load %arg19[%swap3A_266, %swap3A_267] {strides = array<i32>} : memref<80x72xf32, #tpu.memory_space<vmem>>, vector<16xf32>,
        tpu.vector_store %arg19[%swap3A_266, %swap3A_267], %mul3A_265 {strides = array<i32>} : memref<80x72xf32, #tpu.memory_space<vmem>>, vector<16xf32>,
        %mul3A_269 = arith.constant 4 : i32
        %mul3A_270 = arith.muli %scan3A_159, %mul3A_269 : i32
        %add3A_271 = arith.constant 3 : i32
        %add3A_272 = arith.addi %mul3A_270, %add3A_271 : i32
        %broadcast_in_dim3A_273 = arith.constant 0 : i32
        %broadcast_in_dim3A_274 = vector.broadcast %broadcast_in_dim3A_273 : i32 to vector<16xi32>
        %add3A_275 = vector.broadcast %add3A_272 : i32 to vector<16xi32>
        %add3A_276 = arith.addi %broadcast_in_dim3A_274, %add3A_275 : vector<16xi32>
        %gather3A_277 = tpu.vector_load_idx %arg9[%add3A_276] : memref<80xf32, #tpu.memory_space<vmem>>[vector<16xi32>], vector<16xf32>,
        %get3A_278 = arith.index_cast %add3A_272 : i32 to index
        %get3A_279 = arith.constant 0 : index
        %get3A_280 = tpu.vector_load %arg19[%get3A_278, %get3A_279] {strides = array<i32>} : memref<80x72xf32, #tpu.memory_space<vmem>>, vector<16xf32>,
        %mul3A_281 = arith.mulf %get3A_280, %gather3A_277 : vector<16xf32>
        %swap3A_282 = arith.index_cast %add3A_272 : i32 to index
        %swap3A_283 = arith.constant 0 : index
        %swap3A_284 = tpu.vector_load %arg19[%swap3A_282, %swap3A_283] {strides = array<i32>} : memref<80x72xf32, #tpu.memory_space<vmem>>, vector<16xf32>,
        tpu.vector_store %arg19[%swap3A_282, %swap3A_283], %mul3A_281 {strides = array<i32>} : memref<80x72xf32, #tpu.memory_space<vmem>>, vector<16xf32>,
        %get3A_285 = arith.index_cast %add3A_272 : i32 to index
        %get3A_286 = arith.constant 16 : index
        %get3A_287 = tpu.vector_load %arg19[%get3A_285, %get3A_286] {strides = array<i32>} : memref<80x72xf32, #tpu.memory_space<vmem>>, vector<16xf32>,
        %mul3A_288 = arith.mulf %get3A_287, %gather3A_277 : vector<16xf32>
        %swap3A_289 = arith.index_cast %add3A_272 : i32 to index
        %swap3A_290 = arith.constant 16 : index
        %swap3A_291 = tpu.vector_load %arg19[%swap3A_289, %swap3A_290] {strides = array<i32>} : memref<80x72xf32, #tpu.memory_space<vmem>>, vector<16xf32>,
        tpu.vector_store %arg19[%swap3A_289, %swap3A_290], %mul3A_288 {strides = array<i32>} : memref<80x72xf32, #tpu.memory_space<vmem>>, vector<16xf32>,
        %get3A_292 = arith.index_cast %add3A_272 : i32 to index
        %get3A_293 = arith.constant 32 : index
        %get3A_294 = tpu.vector_load %arg19[%get3A_292, %get3A_293] {strides = array<i32>} : memref<80x72xf32, #tpu.memory_space<vmem>>, vector<16xf32>,
        %mul3A_295 = arith.mulf %get3A_294, %gather3A_277 : vector<16xf32>
        %swap3A_296 = arith.index_cast %add3A_272 : i32 to index
        %swap3A_297 = arith.constant 32 : index
        %swap3A_298 = tpu.vector_load %arg19[%swap3A_296, %swap3A_297] {strides = array<i32>} : memref<80x72xf32, #tpu.memory_space<vmem>>, vector<16xf32>,
        tpu.vector_store %arg19[%swap3A_296, %swap3A_297], %mul3A_295 {strides = array<i32>} : memref<80x72xf32, #tpu.memory_space<vmem>>, vector<16xf32>,
        %get3A_299 = arith.index_cast %add3A_272 : i32 to index
        %get3A_300 = arith.constant 48 : index
        %get3A_301 = tpu.vector_load %arg19[%get3A_299, %get3A_300] {strides = array<i32>} : memref<80x72xf32, #tpu.memory_space<vmem>>, vector<16xf32>,
        %mul3A_302 = arith.mulf %get3A_301, %gather3A_277 : vector<16xf32>
        %swap3A_303 = arith.index_cast %add3A_272 : i32 to index
        %swap3A_304 = arith.constant 48 : index
        %swap3A_305 = tpu.vector_load %arg19[%swap3A_303, %swap3A_304] {strides = array<i32>} : memref<80x72xf32, #tpu.memory_space<vmem>>, vector<16xf32>,
        tpu.vector_store %arg19[%swap3A_303, %swap3A_304], %mul3A_302 {strides = array<i32>} : memref<80x72xf32, #tpu.memory_space<vmem>>, vector<16xf32>,
      }
      %scan3A_143 = arith.constant 20 : i32
      %dma_start3A_144 = arith.constant 0 : i32
      %dma_start3A_145 = arith.constant 0 : i32
      %dma_start3A_146 = tpu.memref_slice %arg20[%dma_start3A_144, %dma_start3A_145] : memref<10240x72xf32, #tpu.memory_space<vmem_shared>> -> memref<10240x72xf32, #tpu.memory_space<vmem_shared>>
      tpu.enqueue_indirect_dma source(%arg19 : memref<80x72xf32, #tpu.memory_space<vmem>>) target(%dma_start3A_146 : memref<10240x72xf32, #tpu.memory_space<vmem_shared>>) offsets(%arg16 : memref<80xi32, #tpu.memory_space<vmem>>) semaphore(%arg27 : memref<!tpu.dma_semaphore, #tpu.memory_space<semaphore_mem>>) {add = true}
      %ge3A_147 = arith.constant 1 : i32
      %ge3A_148 = arith.cmpi sge, %add3A_130, %ge3A_147 : i32
      %convert_element_type3A_149 = arith.extui %ge3A_148 : i1 to i32
      %cond3A_150 = arith.constant 0 : i32
      %cond3A_151 = arith.cmpi ne, %convert_element_type3A_149, %cond3A_150 : i32
      scf.if %cond3A_151 {
        %sub3A = arith.constant 1 : i32
        %sub3A_159 = arith.subi %add3A_130, %sub3A : i32
        %dma_wait3A_160 = arith.constant 0 : i32
        %dma_wait3A_161 = arith.constant 0 : i32
        %dma_wait3A_162 = tpu.memref_slice %arg20[%dma_wait3A_160, %dma_wait3A_161] : memref<10240x72xf32, #tpu.memory_space<vmem_shared>> -> memref<10240x72xf32, #tpu.memory_space<vmem_shared>>
        tpu.wait_indirect_dma semaphore(%arg26 : memref<!tpu.dma_semaphore, #tpu.memory_space<semaphore_mem>>) src(%arg18 : memref<80x72xf32, #tpu.memory_space<vmem>>) dst(%dma_wait3A_162 : memref<10240x72xf32, #tpu.memory_space<vmem_shared>>)
      } else {
      }
      %add3A_152 = arith.constant 2 : i32
      %add3A_153 = arith.addi %add3A_130, %add3A_152 : i32
      %lt3A_154 = arith.constant 126 : i32
      %lt3A_155 = arith.cmpi slt, %add3A_153, %lt3A_154 : i32
      %convert_element_type3A_156 = arith.extui %lt3A_155 : i1 to i32
      %cond3A_157 = arith.constant 0 : i32
      %cond3A_158 = arith.cmpi ne, %convert_element_type3A_156, %cond3A_157 : i32
      scf.if %cond3A_158 {
        %add3A_159 = arith.constant 2 : i32
        %add3A_160 = arith.addi %add3A_130, %add3A_159 : i32
        %scan3A_161 = arith.constant 0 : i32
        %scan3A_162 = arith.constant 5 : i32
        %scan3A_163 = arith.addi %scan3A_161, %scan3A_162 : i32
        %scan3A_164 = arith.constant 1 : i32
        scf.for %scan3A_171 = %scan3A_161 to %scan3A_163 step %scan3A_164  : i32 {
          %mul3A_172 = arith.constant 16 : i32
          %mul3A_173 = arith.muli %scan3A_171, %mul3A_172 : i32
          %get3A_174 = arith.index_cast %add3A_160 : i32 to index
          %get3A_175 = arith.index_cast %mul3A_173 : i32 to index
          %get3A_176 = tpu.vector_load %arg10[%get3A_174, %get3A_175] {strides = array<i32>} : memref<126x80xi32, #tpu.memory_space<vmem>>, vector<16xi32>,
          %shift_right_logical3A = arith.constant 16 : i32
          %shift_right_logical3A_177 = vector.broadcast %shift_right_logical3A : i32 to vector<16xi32>
          %shift_right_logical3A_178 = arith.shrui %get3A_176, %shift_right_logical3A_177 : vector<16xi32>
          %mul3A_179 = arith.constant 16 : i32
          %mul3A_180 = arith.muli %scan3A_171, %mul3A_179 : i32
          %swap3A = arith.index_cast %mul3A_180 : i32 to index
          %swap3A_181 = tpu.vector_load %arg12[%swap3A] {strides = array<i32>} : memref<80xi32, #tpu.memory_space<vmem>>, vector<16xi32>,
          tpu.vector_store %arg12[%swap3A], %shift_right_logical3A_178 {strides = array<i32>} : memref<80xi32, #tpu.memory_space<vmem>>, vector<16xi32>,
          %and3A = arith.constant 65535 : i32
          %and3A_182 = vector.broadcast %and3A : i32 to vector<16xi32>
          %and3A_183 = arith.andi %get3A_176, %and3A_182 : vector<16xi32>
          %mul3A_184 = arith.constant 16 : i32
          %mul3A_185 = arith.muli %scan3A_171, %mul3A_184 : i32
          %swap3A_186 = arith.index_cast %mul3A_185 : i32 to index
          %swap3A_187 = tpu.vector_load %arg15[%swap3A_186] {strides = array<i32>} : memref<80xi32, #tpu.memory_space<vmem>>, vector<16xi32>,
          tpu.vector_store %arg15[%swap3A_186], %and3A_183 {strides = array<i32>} : memref<80xi32, #tpu.memory_space<vmem>>, vector<16xi32>,
        }
        %scan3A_165 = arith.constant 5 : i32
        %add3A_166 = arith.constant 2 : i32
        %add3A_167 = arith.addi %add3A_130, %add3A_166 : i32
        %dma_start3A_168 = arith.constant 0 : i32
        %dma_start3A_169 = arith.constant 0 : i32
        %dma_start3A_170 = tpu.memref_slice %arg21[%dma_start3A_168, %dma_start3A_169] : memref<10000x72xf32, #tpu.memory_space<vmem_shared>> -> memref<10000x72xf32, #tpu.memory_space<vmem_shared>>
        tpu.enqueue_indirect_dma source(%dma_start3A_170 : memref<10000x72xf32, #tpu.memory_space<vmem_shared>>) target(%arg18 : memref<80x72xf32, #tpu.memory_space<vmem>>) offsets(%arg12 : memref<80xi32, #tpu.memory_space<vmem>>) semaphore(%arg23 : memref<!tpu.dma_semaphore, #tpu.memory_space<semaphore_mem>>)
      } else {
      }
    }
    %scan3A_42 = arith.constant 42 : i32
    %dma_wait3A = arith.constant 0 : i32
    %dma_wait3A_43 = arith.constant 0 : i32
    %dma_wait3A_44 = tpu.memref_slice %arg20[%dma_wait3A, %dma_wait3A_43] : memref<10240x72xf32, #tpu.memory_space<vmem_shared>> -> memref<10240x72xf32, #tpu.memory_space<vmem_shared>>
    tpu.wait_indirect_dma semaphore(%arg27 : memref<!tpu.dma_semaphore, #tpu.memory_space<semaphore_mem>>) src(%arg19 : memref<80x72xf32, #tpu.memory_space<vmem>>) dst(%dma_wait3A_44 : memref<10240x72xf32, #tpu.memory_space<vmem_shared>>)
    %barrier3A_45 = arith.constant 0 : index
    tpu.barrier barrier_id(%barrier3A_45)
    %mul3A_46 = arith.constant 640 : i32
    %mul3A_47 = arith.muli %arg1, %mul3A_46 : i32
    %add3A_48 = arith.constant 0 : i32
    %add3A_49 = arith.addi %mul3A_47, %add3A_48 : i32
    "tpu.region"() ({
      %run_scoped3A = tpu.sem_alloc : memref<!tpu.dma_semaphore, #tpu.memory_space<semaphore_mem>>
      %dma_start3A_66 = arith.constant 0 : i32
      %dma_start3A_67 = tpu.memref_slice %arg6[%arg0, %add3A_49, %dma_start3A_66] : memref<2x10240x72xf32, #tpu.memory_space<hbm>> -> memref<1x128x72xf32, #tpu.memory_space<hbm>>
      %dma_start3A_68 = tpu.memref_squeeze %dma_start3A_67 : memref<1x128x72xf32, #tpu.memory_space<hbm>> -> memref<128x72xf32, #tpu.memory_space<hbm>>
      %dma_start3A_69 = arith.constant 0 : i32
      %dma_start3A_70 = tpu.memref_slice %arg20[%add3A_49, %dma_start3A_69] : memref<10240x72xf32, #tpu.memory_space<vmem_shared>> -> memref<128x72xf32, #tpu.memory_space<vmem_shared>>
      tpu.enqueue_dma source(%dma_start3A_70 : memref<128x72xf32, #tpu.memory_space<vmem_shared>>) target(%dma_start3A_68 : memref<128x72xf32, #tpu.memory_space<hbm>>) target_semaphore(%run_scoped3A : memref<!tpu.dma_semaphore, #tpu.memory_space<semaphore_mem>>)
      %dma_wait3A_71 = arith.constant 0 : i32
      %dma_wait3A_72 = tpu.memref_slice %arg6[%arg0, %add3A_49, %dma_wait3A_71] : memref<2x10240x72xf32, #tpu.memory_space<hbm>> -> memref<1x128x72xf32, #tpu.memory_space<hbm>>
      %dma_wait3A_73 = tpu.memref_squeeze %dma_wait3A_72 : memref<1x128x72xf32, #tpu.memory_space<hbm>> -> memref<128x72xf32, #tpu.memory_space<hbm>>
      %dma_wait3A_74 = arith.constant 0 : i32
      %dma_wait3A_75 = tpu.memref_slice %arg20[%add3A_49, %dma_wait3A_74] : memref<10240x72xf32, #tpu.memory_space<vmem_shared>> -> memref<128x72xf32, #tpu.memory_space<vmem_shared>>
      tpu.wait_dma2 semaphore(%run_scoped3A : memref<!tpu.dma_semaphore, #tpu.memory_space<semaphore_mem>>) src(%dma_wait3A_75 : memref<128x72xf32, #tpu.memory_space<vmem_shared>>) dst(%dma_wait3A_73 : memref<128x72xf32, #tpu.memory_space<hbm>>)
      tpu.yield
    }) : () -> ()
    %mul3A_50 = arith.constant 640 : i32
    %mul3A_51 = arith.muli %arg1, %mul3A_50 : i32
    %add3A_52 = arith.constant 128 : i32
    %add3A_53 = arith.addi %mul3A_51, %add3A_52 : i32
    "tpu.region"() ({
      %run_scoped3A = tpu.sem_alloc : memref<!tpu.dma_semaphore, #tpu.memory_space<semaphore_mem>>
      %dma_start3A_66 = arith.constant 0 : i32
      %dma_start3A_67 = tpu.memref_slice %arg6[%arg0, %add3A_53, %dma_start3A_66] : memref<2x10240x72xf32, #tpu.memory_space<hbm>> -> memref<1x128x72xf32, #tpu.memory_space<hbm>>
      %dma_start3A_68 = tpu.memref_squeeze %dma_start3A_67 : memref<1x128x72xf32, #tpu.memory_space<hbm>> -> memref<128x72xf32, #tpu.memory_space<hbm>>
      %dma_start3A_69 = arith.constant 0 : i32
      %dma_start3A_70 = tpu.memref_slice %arg20[%add3A_53, %dma_start3A_69] : memref<10240x72xf32, #tpu.memory_space<vmem_shared>> -> memref<128x72xf32, #tpu.memory_space<vmem_shared>>
      tpu.enqueue_dma source(%dma_start3A_70 : memref<128x72xf32, #tpu.memory_space<vmem_shared>>) target(%dma_start3A_68 : memref<128x72xf32, #tpu.memory_space<hbm>>) target_semaphore(%run_scoped3A : memref<!tpu.dma_semaphore, #tpu.memory_space<semaphore_mem>>)
      %dma_wait3A_71 = arith.constant 0 : i32
      %dma_wait3A_72 = tpu.memref_slice %arg6[%arg0, %add3A_53, %dma_wait3A_71] : memref<2x10240x72xf32, #tpu.memory_space<hbm>> -> memref<1x128x72xf32, #tpu.memory_space<hbm>>
      %dma_wait3A_73 = tpu.memref_squeeze %dma_wait3A_72 : memref<1x128x72xf32, #tpu.memory_space<hbm>> -> memref<128x72xf32, #tpu.memory_space<hbm>>
      %dma_wait3A_74 = arith.constant 0 : i32
      %dma_wait3A_75 = tpu.memref_slice %arg20[%add3A_53, %dma_wait3A_74] : memref<10240x72xf32, #tpu.memory_space<vmem_shared>> -> memref<128x72xf32, #tpu.memory_space<vmem_shared>>
      tpu.wait_dma2 semaphore(%run_scoped3A : memref<!tpu.dma_semaphore, #tpu.memory_space<semaphore_mem>>) src(%dma_wait3A_75 : memref<128x72xf32, #tpu.memory_space<vmem_shared>>) dst(%dma_wait3A_73 : memref<128x72xf32, #tpu.memory_space<hbm>>)
      tpu.yield
    }) : () -> ()
    %mul3A_54 = arith.constant 640 : i32
    %mul3A_55 = arith.muli %arg1, %mul3A_54 : i32
    %add3A_56 = arith.constant 256 : i32
    %add3A_57 = arith.addi %mul3A_55, %add3A_56 : i32
    "tpu.region"() ({
      %run_scoped3A = tpu.sem_alloc : memref<!tpu.dma_semaphore, #tpu.memory_space<semaphore_mem>>
      %dma_start3A_66 = arith.constant 0 : i32
      %dma_start3A_67 = tpu.memref_slice %arg6[%arg0, %add3A_57, %dma_start3A_66] : memref<2x10240x72xf32, #tpu.memory_space<hbm>> -> memref<1x128x72xf32, #tpu.memory_space<hbm>>
      %dma_start3A_68 = tpu.memref_squeeze %dma_start3A_67 : memref<1x128x72xf32, #tpu.memory_space<hbm>> -> memref<128x72xf32, #tpu.memory_space<hbm>>
      %dma_start3A_69 = arith.constant 0 : i32
      %dma_start3A_70 = tpu.memref_slice %arg20[%add3A_57, %dma_start3A_69] : memref<10240x72xf32, #tpu.memory_space<vmem_shared>> -> memref<128x72xf32, #tpu.memory_space<vmem_shared>>
      tpu.enqueue_dma source(%dma_start3A_70 : memref<128x72xf32, #tpu.memory_space<vmem_shared>>) target(%dma_start3A_68 : memref<128x72xf32, #tpu.memory_space<hbm>>) target_semaphore(%run_scoped3A : memref<!tpu.dma_semaphore, #tpu.memory_space<semaphore_mem>>)
      %dma_wait3A_71 = arith.constant 0 : i32
      %dma_wait3A_72 = tpu.memref_slice %arg6[%arg0, %add3A_57, %dma_wait3A_71] : memref<2x10240x72xf32, #tpu.memory_space<hbm>> -> memref<1x128x72xf32, #tpu.memory_space<hbm>>
      %dma_wait3A_73 = tpu.memref_squeeze %dma_wait3A_72 : memref<1x128x72xf32, #tpu.memory_space<hbm>> -> memref<128x72xf32, #tpu.memory_space<hbm>>
      %dma_wait3A_74 = arith.constant 0 : i32
      %dma_wait3A_75 = tpu.memref_slice %arg20[%add3A_57, %dma_wait3A_74] : memref<10240x72xf32, #tpu.memory_space<vmem_shared>> -> memref<128x72xf32, #tpu.memory_space<vmem_shared>>
      tpu.wait_dma2 semaphore(%run_scoped3A : memref<!tpu.dma_semaphore, #tpu.memory_space<semaphore_mem>>) src(%dma_wait3A_75 : memref<128x72xf32, #tpu.memory_space<vmem_shared>>) dst(%dma_wait3A_73 : memref<128x72xf32, #tpu.memory_space<hbm>>)
      tpu.yield
    }) : () -> ()
    %mul3A_58 = arith.constant 640 : i32
    %mul3A_59 = arith.muli %arg1, %mul3A_58 : i32
    %add3A_60 = arith.constant 384 : i32
    %add3A_61 = arith.addi %mul3A_59, %add3A_60 : i32
    "tpu.region"() ({
      %run_scoped3A = tpu.sem_alloc : memref<!tpu.dma_semaphore, #tpu.memory_space<semaphore_mem>>
      %dma_start3A_66 = arith.constant 0 : i32
      %dma_start3A_67 = tpu.memref_slice %arg6[%arg0, %add3A_61, %dma_start3A_66] : memref<2x10240x72xf32, #tpu.memory_space<hbm>> -> memref<1x128x72xf32, #tpu.memory_space<hbm>>
      %dma_start3A_68 = tpu.memref_squeeze %dma_start3A_67 : memref<1x128x72xf32, #tpu.memory_space<hbm>> -> memref<128x72xf32, #tpu.memory_space<hbm>>
      %dma_start3A_69 = arith.constant 0 : i32
      %dma_start3A_70 = tpu.memref_slice %arg20[%add3A_61, %dma_start3A_69] : memref<10240x72xf32, #tpu.memory_space<vmem_shared>> -> memref<128x72xf32, #tpu.memory_space<vmem_shared>>
      tpu.enqueue_dma source(%dma_start3A_70 : memref<128x72xf32, #tpu.memory_space<vmem_shared>>) target(%dma_start3A_68 : memref<128x72xf32, #tpu.memory_space<hbm>>) target_semaphore(%run_scoped3A : memref<!tpu.dma_semaphore, #tpu.memory_space<semaphore_mem>>)
      %dma_wait3A_71 = arith.constant 0 : i32
      %dma_wait3A_72 = tpu.memref_slice %arg6[%arg0, %add3A_61, %dma_wait3A_71] : memref<2x10240x72xf32, #tpu.memory_space<hbm>> -> memref<1x128x72xf32, #tpu.memory_space<hbm>>
      %dma_wait3A_73 = tpu.memref_squeeze %dma_wait3A_72 : memref<1x128x72xf32, #tpu.memory_space<hbm>> -> memref<128x72xf32, #tpu.memory_space<hbm>>
      %dma_wait3A_74 = arith.constant 0 : i32
      %dma_wait3A_75 = tpu.memref_slice %arg20[%add3A_61, %dma_wait3A_74] : memref<10240x72xf32, #tpu.memory_space<vmem_shared>> -> memref<128x72xf32, #tpu.memory_space<vmem_shared>>
      tpu.wait_dma2 semaphore(%run_scoped3A : memref<!tpu.dma_semaphore, #tpu.memory_space<semaphore_mem>>) src(%dma_wait3A_75 : memref<128x72xf32, #tpu.memory_space<vmem_shared>>) dst(%dma_wait3A_73 : memref<128x72xf32, #tpu.memory_space<hbm>>)
      tpu.yield
    }) : () -> ()
    %mul3A_62 = arith.constant 640 : i32
    %mul3A_63 = arith.muli %arg1, %mul3A_62 : i32
    %add3A_64 = arith.constant 512 : i32
    %add3A_65 = arith.addi %mul3A_63, %add3A_64 : i32
    "tpu.region"() ({
      %run_scoped3A = tpu.sem_alloc : memref<!tpu.dma_semaphore, #tpu.memory_space<semaphore_mem>>
      %dma_start3A_66 = arith.constant 0 : i32
      %dma_start3A_67 = tpu.memref_slice %arg6[%arg0, %add3A_65, %dma_start3A_66] : memref<2x10240x72xf32, #tpu.memory_space<hbm>> -> memref<1x128x72xf32, #tpu.memory_space<hbm>>
      %dma_start3A_68 = tpu.memref_squeeze %dma_start3A_67 : memref<1x128x72xf32, #tpu.memory_space<hbm>> -> memref<128x72xf32, #tpu.memory_space<hbm>>
      %dma_start3A_69 = arith.constant 0 : i32
      %dma_start3A_70 = tpu.memref_slice %arg20[%add3A_65, %dma_start3A_69] : memref<10240x72xf32, #tpu.memory_space<vmem_shared>> -> memref<128x72xf32, #tpu.memory_space<vmem_shared>>
      tpu.enqueue_dma source(%dma_start3A_70 : memref<128x72xf32, #tpu.memory_space<vmem_shared>>) target(%dma_start3A_68 : memref<128x72xf32, #tpu.memory_space<hbm>>) target_semaphore(%run_scoped3A : memref<!tpu.dma_semaphore, #tpu.memory_space<semaphore_mem>>)
      %dma_wait3A_71 = arith.constant 0 : i32
      %dma_wait3A_72 = tpu.memref_slice %arg6[%arg0, %add3A_65, %dma_wait3A_71] : memref<2x10240x72xf32, #tpu.memory_space<hbm>> -> memref<1x128x72xf32, #tpu.memory_space<hbm>>
      %dma_wait3A_73 = tpu.memref_squeeze %dma_wait3A_72 : memref<1x128x72xf32, #tpu.memory_space<hbm>> -> memref<128x72xf32, #tpu.memory_space<hbm>>
      %dma_wait3A_74 = arith.constant 0 : i32
      %dma_wait3A_75 = tpu.memref_slice %arg20[%add3A_65, %dma_wait3A_74] : memref<10240x72xf32, #tpu.memory_space<vmem_shared>> -> memref<128x72xf32, #tpu.memory_space<vmem_shared>>
      tpu.wait_dma2 semaphore(%run_scoped3A : memref<!tpu.dma_semaphore, #tpu.memory_space<semaphore_mem>>) src(%dma_wait3A_75 : memref<128x72xf32, #tpu.memory_space<vmem_shared>>) dst(%dma_wait3A_73 : memref<128x72xf32, #tpu.memory_space<hbm>>)
      tpu.yield
    }) : () -> ()
    return
  }
}

#map = affine_map<(d0, d1) -> (0, 0)>
#map1 = affine_map<(d0, d1) -> (0)>
#map2 = affine_map<(d0, d1) -> (0, 0, 0)>
module attributes {stable_mosaic.version = 14 : i64} {
  func.func @ek(%arg0: i32, %arg1: i32, %arg2: memref<10000x24xf32, #tpu.memory_space<hbm>>, %arg3: memref<10000xf32, #tpu.memory_space<hbm>>, %arg4: memref<16xf32, #tpu.memory_space<hbm>>, %arg5: memref<4032x80xi32, #tpu.memory_space<hbm>>, %arg6: memref<2x10240x24xf32, #tpu.memory_space<hbm>>, %arg7: memref<10000xf32, #tpu.memory_space<vmem>>, %arg8: memref<16xf32, #tpu.memory_space<vmem>>, %arg9: memref<80xf32, #tpu.memory_space<vmem>>, %arg10: memref<126x80xi32, #tpu.memory_space<vmem>>, %arg11: memref<80xi32, #tpu.memory_space<vmem>>, %arg12: memref<80xi32, #tpu.memory_space<vmem>>, %arg13: memref<80xi32, #tpu.memory_space<vmem>>, %arg14: memref<80xi32, #tpu.memory_space<vmem>>, %arg15: memref<80xi32, #tpu.memory_space<vmem>>, %arg16: memref<80xi32, #tpu.memory_space<vmem>>, %arg17: memref<80x24xf32, #tpu.memory_space<vmem>>, %arg18: memref<80x24xf32, #tpu.memory_space<vmem>>, %arg19: memref<80x24xf32, #tpu.memory_space<vmem>>, %arg20: memref<10240x24xf32, #tpu.memory_space<vmem_shared>>, %arg21: memref<10000x24xf32, #tpu.memory_space<vmem_shared>>, %arg22: memref<!tpu.dma_semaphore, #tpu.memory_space<semaphore_mem>>, %arg23: memref<!tpu.dma_semaphore, #tpu.memory_space<semaphore_mem>>, %arg24: memref<!tpu.dma_semaphore, #tpu.memory_space<semaphore_mem>>, %arg25: memref<!tpu.dma_semaphore, #tpu.memory_space<semaphore_mem>>, %arg26: memref<!tpu.dma_semaphore, #tpu.memory_space<semaphore_mem>>, %arg27: memref<!tpu.dma_semaphore, #tpu.memory_space<semaphore_mem>>) attributes {dimension_semantics = [#tpu.dimension_semantics<core_parallel>, #tpu.dimension_semantics<subcore_parallel>], iteration_bounds = array<i64: 2, 16>, scalar_prefetch = 0 : i64, scratch_operands = 21 : i64, tpu.core_type = #tpu.core_type<sc_vector_subcore>, window_params = [{transform_indices = #map}, {transform_indices = #map1}, {transform_indices = #map1}, {transform_indices = #map}, {transform_indices = #map2}]} {
    %mul3A = arith.constant 2 : i32
    %mul3A_0 = arith.muli %arg1, %mul3A : i32
    %add3A = arith.addi %mul3A_0, %arg0 : i32
    "tpu.region"() ({
      %run_scoped3A = tpu.sem_alloc : memref<!tpu.dma_semaphore, #tpu.memory_space<semaphore_mem>>
      tpu.enqueue_dma source(%arg3 : memref<10000xf32, #tpu.memory_space<hbm>>) target(%arg7 : memref<10000xf32, #tpu.memory_space<vmem>>) target_semaphore(%run_scoped3A : memref<!tpu.dma_semaphore, #tpu.memory_space<semaphore_mem>>)
      tpu.wait_dma2 semaphore(%run_scoped3A : memref<!tpu.dma_semaphore, #tpu.memory_space<semaphore_mem>>) src(%arg3 : memref<10000xf32, #tpu.memory_space<hbm>>) dst(%arg7 : memref<10000xf32, #tpu.memory_space<vmem>>)
      tpu.yield
    }) : () -> ()
    "tpu.region"() ({
      %run_scoped3A = tpu.sem_alloc : memref<!tpu.dma_semaphore, #tpu.memory_space<semaphore_mem>>
      tpu.enqueue_dma source(%arg4 : memref<16xf32, #tpu.memory_space<hbm>>) target(%arg8 : memref<16xf32, #tpu.memory_space<vmem>>) target_semaphore(%run_scoped3A : memref<!tpu.dma_semaphore, #tpu.memory_space<semaphore_mem>>)
      tpu.wait_dma2 semaphore(%run_scoped3A : memref<!tpu.dma_semaphore, #tpu.memory_space<semaphore_mem>>) src(%arg4 : memref<16xf32, #tpu.memory_space<hbm>>) dst(%arg8 : memref<16xf32, #tpu.memory_space<vmem>>)
      tpu.yield
    }) : () -> ()
    %mul3A_1 = arith.constant 126 : i32
    %mul3A_2 = arith.muli %add3A, %mul3A_1 : i32
    "tpu.region"() ({
      %run_scoped3A = tpu.sem_alloc : memref<!tpu.dma_semaphore, #tpu.memory_space<semaphore_mem>>
      %dma_start3A_66 = arith.constant 0 : i32
      %dma_start3A_67 = tpu.memref_slice %arg5[%mul3A_2, %dma_start3A_66] : memref<4032x80xi32, #tpu.memory_space<hbm>> -> memref<126x80xi32, #tpu.memory_space<hbm>>
      %dma_start3A_68 = arith.constant 0 : i32
      %dma_start3A_69 = tpu.memref_slice %arg5[%mul3A_2, %dma_start3A_68] : memref<4032x80xi32, #tpu.memory_space<hbm>> -> memref<126x80xi32, #tpu.memory_space<hbm>>
      tpu.enqueue_dma source(%dma_start3A_69 : memref<126x80xi32, #tpu.memory_space<hbm>>) target(%arg10 : memref<126x80xi32, #tpu.memory_space<vmem>>) target_semaphore(%run_scoped3A : memref<!tpu.dma_semaphore, #tpu.memory_space<semaphore_mem>>)
      %dma_wait3A_70 = arith.constant 0 : i32
      %dma_wait3A_71 = tpu.memref_slice %arg5[%mul3A_2, %dma_wait3A_70] : memref<4032x80xi32, #tpu.memory_space<hbm>> -> memref<126x80xi32, #tpu.memory_space<hbm>>
      %dma_wait3A_72 = arith.constant 0 : i32
      %dma_wait3A_73 = tpu.memref_slice %arg5[%mul3A_2, %dma_wait3A_72] : memref<4032x80xi32, #tpu.memory_space<hbm>> -> memref<126x80xi32, #tpu.memory_space<hbm>>
      tpu.wait_dma2 semaphore(%run_scoped3A : memref<!tpu.dma_semaphore, #tpu.memory_space<semaphore_mem>>) src(%dma_wait3A_73 : memref<126x80xi32, #tpu.memory_space<hbm>>) dst(%arg10 : memref<126x80xi32, #tpu.memory_space<vmem>>)
      tpu.yield
    }) : () -> ()
    %broadcast_in_dim3A = arith.constant 0.000000e+00 : f32
    %broadcast_in_dim3A_3 = vector.broadcast %broadcast_in_dim3A : f32 to vector<16xf32>
    %scan3A = arith.constant 0 : i32
    %scan3A_4 = arith.constant 80 : i32
    %scan3A_5 = arith.addi %scan3A, %scan3A_4 : i32
    %scan3A_6 = arith.constant 1 : i32
    scf.for %scan3A_66 = %scan3A to %scan3A_5 step %scan3A_6  : i32 {
      %swap3A = arith.index_cast %scan3A_66 : i32 to index
      %swap3A_67 = arith.constant 0 : index
      %swap3A_68 = tpu.vector_load %arg17[%swap3A, %swap3A_67] {strides = array<i32>} : memref<80x24xf32, #tpu.memory_space<vmem>>, vector<16xf32>,
      tpu.vector_store %arg17[%swap3A, %swap3A_67], %broadcast_in_dim3A_3 {strides = array<i32>} : memref<80x24xf32, #tpu.memory_space<vmem>>, vector<16xf32>,
      %swap3A_69 = arith.index_cast %scan3A_66 : i32 to index
      %swap3A_70 = arith.constant 8 : index
      %swap3A_71 = tpu.vector_load %arg17[%swap3A_69, %swap3A_70] {strides = array<i32>} : memref<80x24xf32, #tpu.memory_space<vmem>>, vector<16xf32>,
      tpu.vector_store %arg17[%swap3A_69, %swap3A_70], %broadcast_in_dim3A_3 {strides = array<i32>} : memref<80x24xf32, #tpu.memory_space<vmem>>, vector<16xf32>,
    }
    %scan3A_7 = arith.constant 80 : i32
    %scan3A_8 = arith.constant 0 : i32
    %scan3A_9 = arith.constant 8 : i32
    %scan3A_10 = arith.addi %scan3A_8, %scan3A_9 : i32
    %scan3A_11 = arith.constant 1 : i32
    scf.for %scan3A_66 = %scan3A_8 to %scan3A_10 step %scan3A_11  : i32 {
      %mul3A_67 = arith.constant 640 : i32
      %mul3A_68 = arith.muli %arg1, %mul3A_67 : i32
      %mul3A_69 = arith.constant 80 : i32
      %mul3A_70 = arith.muli %scan3A_66, %mul3A_69 : i32
      %add3A_71 = arith.addi %mul3A_68, %mul3A_70 : i32
      "tpu.region"() ({
        %run_scoped3A = tpu.sem_alloc : memref<!tpu.dma_semaphore, #tpu.memory_space<semaphore_mem>>
        %dma_start3A_72 = arith.constant 0 : i32
        %dma_start3A_73 = tpu.memref_slice %arg20[%add3A_71, %dma_start3A_72] : memref<10240x24xf32, #tpu.memory_space<vmem_shared>> -> memref<80x24xf32, #tpu.memory_space<vmem_shared>>
        %dma_start3A_74 = arith.constant 0 : i32
        %dma_start3A_75 = tpu.memref_slice %arg20[%add3A_71, %dma_start3A_74] : memref<10240x24xf32, #tpu.memory_space<vmem_shared>> -> memref<80x24xf32, #tpu.memory_space<vmem_shared>>
        tpu.enqueue_dma source(%arg17 : memref<80x24xf32, #tpu.memory_space<vmem>>) target(%dma_start3A_75 : memref<80x24xf32, #tpu.memory_space<vmem_shared>>) target_semaphore(%run_scoped3A : memref<!tpu.dma_semaphore, #tpu.memory_space<semaphore_mem>>)
        %dma_wait3A_76 = arith.constant 0 : i32
        %dma_wait3A_77 = tpu.memref_slice %arg20[%add3A_71, %dma_wait3A_76] : memref<10240x24xf32, #tpu.memory_space<vmem_shared>> -> memref<80x24xf32, #tpu.memory_space<vmem_shared>>
        %dma_wait3A_78 = arith.constant 0 : i32
        %dma_wait3A_79 = tpu.memref_slice %arg20[%add3A_71, %dma_wait3A_78] : memref<10240x24xf32, #tpu.memory_space<vmem_shared>> -> memref<80x24xf32, #tpu.memory_space<vmem_shared>>
        tpu.wait_dma2 semaphore(%run_scoped3A : memref<!tpu.dma_semaphore, #tpu.memory_space<semaphore_mem>>) src(%arg17 : memref<80x24xf32, #tpu.memory_space<vmem>>) dst(%dma_wait3A_79 : memref<80x24xf32, #tpu.memory_space<vmem_shared>>)
        tpu.yield
      }) : () -> ()
    }
    %scan3A_12 = arith.constant 8 : i32
    %mul3A_13 = arith.constant 625 : i32
    %mul3A_14 = arith.muli %arg1, %mul3A_13 : i32
    %mul3A_15 = arith.constant 625 : i32
    %mul3A_16 = arith.muli %arg1, %mul3A_15 : i32
    "tpu.region"() ({
      %run_scoped3A = tpu.sem_alloc : memref<!tpu.dma_semaphore, #tpu.memory_space<semaphore_mem>>
      %dma_start3A_66 = arith.constant 0 : i32
      %dma_start3A_67 = tpu.memref_slice %arg21[%mul3A_16, %dma_start3A_66] : memref<10000x24xf32, #tpu.memory_space<vmem_shared>> -> memref<625x24xf32, #tpu.memory_space<vmem_shared>>
      %dma_start3A_68 = arith.constant 0 : i32
      %dma_start3A_69 = tpu.memref_slice %arg2[%mul3A_14, %dma_start3A_68] : memref<10000x24xf32, #tpu.memory_space<hbm>> -> memref<625x24xf32, #tpu.memory_space<hbm>>
      tpu.enqueue_dma source(%dma_start3A_69 : memref<625x24xf32, #tpu.memory_space<hbm>>) target(%dma_start3A_67 : memref<625x24xf32, #tpu.memory_space<vmem_shared>>) target_semaphore(%run_scoped3A : memref<!tpu.dma_semaphore, #tpu.memory_space<semaphore_mem>>)
      %dma_wait3A_70 = arith.constant 0 : i32
      %dma_wait3A_71 = tpu.memref_slice %arg21[%mul3A_16, %dma_wait3A_70] : memref<10000x24xf32, #tpu.memory_space<vmem_shared>> -> memref<625x24xf32, #tpu.memory_space<vmem_shared>>
      %dma_wait3A_72 = arith.constant 0 : i32
      %dma_wait3A_73 = tpu.memref_slice %arg2[%mul3A_14, %dma_wait3A_72] : memref<10000x24xf32, #tpu.memory_space<hbm>> -> memref<625x24xf32, #tpu.memory_space<hbm>>
      tpu.wait_dma2 semaphore(%run_scoped3A : memref<!tpu.dma_semaphore, #tpu.memory_space<semaphore_mem>>) src(%dma_wait3A_73 : memref<625x24xf32, #tpu.memory_space<hbm>>) dst(%dma_wait3A_71 : memref<625x24xf32, #tpu.memory_space<vmem_shared>>)
      tpu.yield
    }) : () -> ()
    %barrier3A = arith.constant 0 : index
    tpu.barrier barrier_id(%barrier3A)
    %get3A = arith.constant 0 : index
    %get3A_17 = tpu.vector_load %arg8[%get3A] {strides = array<i32>} : memref<16xf32, #tpu.memory_space<vmem>>, vector<16xf32>,
    %iota3A = tpu.iota {dimensions = array<i32: 0>} : vector<16xi32>
    %broadcast_in_dim3A_18 = arith.constant 0 : i32
    %broadcast_in_dim3A_19 = vector.broadcast %broadcast_in_dim3A_18 : i32 to vector<16xi32>
    %add3A_20 = arith.constant 16 : i32
    %add3A_21 = vector.broadcast %add3A_20 : i32 to vector<16xi32>
    %add3A_22 = arith.addi %broadcast_in_dim3A_19, %add3A_21 : vector<16xi32>
    %scan3A_23 = arith.constant 0 : i32
    %scan3A_24 = arith.constant 5 : i32
    %scan3A_25 = arith.addi %scan3A_23, %scan3A_24 : i32
    %scan3A_26 = arith.constant 1 : i32
    scf.for %scan3A_66 = %scan3A_23 to %scan3A_25 step %scan3A_26  : i32 {
      %mul3A_67 = arith.constant 16 : i32
      %mul3A_68 = arith.muli %scan3A_66, %mul3A_67 : i32
      %get3A_69 = arith.constant 0 : i32
      %get3A_70 = arith.index_cast %get3A_69 : i32 to index
      %get3A_71 = arith.index_cast %mul3A_68 : i32 to index
      %get3A_72 = tpu.vector_load %arg10[%get3A_70, %get3A_71] {strides = array<i32>} : memref<126x80xi32, #tpu.memory_space<vmem>>, vector<16xi32>,
      %shift_right_logical3A = arith.constant 16 : i32
      %shift_right_logical3A_73 = vector.broadcast %shift_right_logical3A : i32 to vector<16xi32>
      %shift_right_logical3A_74 = arith.shrui %get3A_72, %shift_right_logical3A_73 : vector<16xi32>
      %mul3A_75 = arith.constant 16 : i32
      %mul3A_76 = arith.muli %scan3A_66, %mul3A_75 : i32
      %swap3A = arith.index_cast %mul3A_76 : i32 to index
      %swap3A_77 = tpu.vector_load %arg11[%swap3A] {strides = array<i32>} : memref<80xi32, #tpu.memory_space<vmem>>, vector<16xi32>,
      tpu.vector_store %arg11[%swap3A], %shift_right_logical3A_74 {strides = array<i32>} : memref<80xi32, #tpu.memory_space<vmem>>, vector<16xi32>,
      %and3A = arith.constant 65535 : i32
      %and3A_78 = vector.broadcast %and3A : i32 to vector<16xi32>
      %and3A_79 = arith.andi %get3A_72, %and3A_78 : vector<16xi32>
      %mul3A_80 = arith.constant 16 : i32
      %mul3A_81 = arith.muli %scan3A_66, %mul3A_80 : i32
      %swap3A_82 = arith.index_cast %mul3A_81 : i32 to index
      %swap3A_83 = tpu.vector_load %arg14[%swap3A_82] {strides = array<i32>} : memref<80xi32, #tpu.memory_space<vmem>>, vector<16xi32>,
      tpu.vector_store %arg14[%swap3A_82], %and3A_79 {strides = array<i32>} : memref<80xi32, #tpu.memory_space<vmem>>, vector<16xi32>,
    }
    %scan3A_27 = arith.constant 5 : i32
    %scan3A_28 = arith.constant 0 : i32
    %scan3A_29 = arith.constant 5 : i32
    %scan3A_30 = arith.addi %scan3A_28, %scan3A_29 : i32
    %scan3A_31 = arith.constant 1 : i32
    scf.for %scan3A_66 = %scan3A_28 to %scan3A_30 step %scan3A_31  : i32 {
      %mul3A_67 = arith.constant 16 : i32
      %mul3A_68 = arith.muli %scan3A_66, %mul3A_67 : i32
      %get3A_69 = arith.constant 1 : i32
      %get3A_70 = arith.index_cast %get3A_69 : i32 to index
      %get3A_71 = arith.index_cast %mul3A_68 : i32 to index
      %get3A_72 = tpu.vector_load %arg10[%get3A_70, %get3A_71] {strides = array<i32>} : memref<126x80xi32, #tpu.memory_space<vmem>>, vector<16xi32>,
      %shift_right_logical3A = arith.constant 16 : i32
      %shift_right_logical3A_73 = vector.broadcast %shift_right_logical3A : i32 to vector<16xi32>
      %shift_right_logical3A_74 = arith.shrui %get3A_72, %shift_right_logical3A_73 : vector<16xi32>
      %mul3A_75 = arith.constant 16 : i32
      %mul3A_76 = arith.muli %scan3A_66, %mul3A_75 : i32
      %swap3A = arith.index_cast %mul3A_76 : i32 to index
      %swap3A_77 = tpu.vector_load %arg12[%swap3A] {strides = array<i32>} : memref<80xi32, #tpu.memory_space<vmem>>, vector<16xi32>,
      tpu.vector_store %arg12[%swap3A], %shift_right_logical3A_74 {strides = array<i32>} : memref<80xi32, #tpu.memory_space<vmem>>, vector<16xi32>,
      %and3A = arith.constant 65535 : i32
      %and3A_78 = vector.broadcast %and3A : i32 to vector<16xi32>
      %and3A_79 = arith.andi %get3A_72, %and3A_78 : vector<16xi32>
      %mul3A_80 = arith.constant 16 : i32
      %mul3A_81 = arith.muli %scan3A_66, %mul3A_80 : i32
      %swap3A_82 = arith.index_cast %mul3A_81 : i32 to index
      %swap3A_83 = tpu.vector_load %arg15[%swap3A_82] {strides = array<i32>} : memref<80xi32, #tpu.memory_space<vmem>>, vector<16xi32>,
      tpu.vector_store %arg15[%swap3A_82], %and3A_79 {strides = array<i32>} : memref<80xi32, #tpu.memory_space<vmem>>, vector<16xi32>,
    }
    %scan3A_32 = arith.constant 5 : i32
    %dma_start3A = arith.constant 0 : i32
    %dma_start3A_33 = arith.constant 0 : i32
    %dma_start3A_34 = tpu.memref_slice %arg21[%dma_start3A, %dma_start3A_33] : memref<10000x24xf32, #tpu.memory_space<vmem_shared>> -> memref<10000x24xf32, #tpu.memory_space<vmem_shared>>
    tpu.enqueue_indirect_dma source(%dma_start3A_34 : memref<10000x24xf32, #tpu.memory_space<vmem_shared>>) target(%arg17 : memref<80x24xf32, #tpu.memory_space<vmem>>) offsets(%arg11 : memref<80xi32, #tpu.memory_space<vmem>>) semaphore(%arg22 : memref<!tpu.dma_semaphore, #tpu.memory_space<semaphore_mem>>)
    %dma_start3A_35 = arith.constant 0 : i32
    %dma_start3A_36 = arith.constant 0 : i32
    %dma_start3A_37 = tpu.memref_slice %arg21[%dma_start3A_35, %dma_start3A_36] : memref<10000x24xf32, #tpu.memory_space<vmem_shared>> -> memref<10000x24xf32, #tpu.memory_space<vmem_shared>>
    tpu.enqueue_indirect_dma source(%dma_start3A_37 : memref<10000x24xf32, #tpu.memory_space<vmem_shared>>) target(%arg18 : memref<80x24xf32, #tpu.memory_space<vmem>>) offsets(%arg12 : memref<80xi32, #tpu.memory_space<vmem>>) semaphore(%arg23 : memref<!tpu.dma_semaphore, #tpu.memory_space<semaphore_mem>>)
    %scan3A_38 = arith.constant 0 : i32
    %scan3A_39 = arith.constant 42 : i32
    %scan3A_40 = arith.addi %scan3A_38, %scan3A_39 : i32
    %scan3A_41 = arith.constant 1 : i32
    scf.for %scan3A_66 = %scan3A_38 to %scan3A_40 step %scan3A_41  : i32 {
      %mul3A_67 = arith.constant 3 : i32
      %mul3A_68 = arith.muli %mul3A_67, %scan3A_66 : i32
      %add3A_69 = arith.constant 0 : i32
      %add3A_70 = arith.addi %mul3A_68, %add3A_69 : i32
      %dma_wait3A_71 = arith.constant 0 : i32
      %dma_wait3A_72 = arith.constant 0 : i32
      %dma_wait3A_73 = tpu.memref_slice %arg21[%dma_wait3A_71, %dma_wait3A_72] : memref<10000x24xf32, #tpu.memory_space<vmem_shared>> -> memref<10000x24xf32, #tpu.memory_space<vmem_shared>>
      tpu.wait_indirect_dma semaphore(%arg22 : memref<!tpu.dma_semaphore, #tpu.memory_space<semaphore_mem>>) src(%dma_wait3A_73 : memref<10000x24xf32, #tpu.memory_space<vmem_shared>>) dst(%arg17 : memref<80x24xf32, #tpu.memory_space<vmem>>)
      %scan3A_74 = arith.constant 0 : i32
      %scan3A_75 = arith.constant 5 : i32
      %scan3A_76 = arith.addi %scan3A_74, %scan3A_75 : i32
      %scan3A_77 = arith.constant 1 : i32
      scf.for %scan3A_159 = %scan3A_74 to %scan3A_76 step %scan3A_77  : i32 {
        %mul3A_160 = arith.constant 16 : i32
        %mul3A_161 = arith.muli %scan3A_159, %mul3A_160 : i32
        %add3A_162 = vector.broadcast %mul3A_161 : i32 to vector<16xi32>
        %add3A_163 = arith.addi %add3A_162, %iota3A : vector<16xi32>
        %gather3A = tpu.vector_load_idx %arg17[%add3A_163, %add3A_22] : memref<80x24xf32, #tpu.memory_space<vmem>>[vector<16xi32>, vector<16xi32>], vector<16xf32>,
        %mul3A_164 = arith.constant 16 : i32
        %mul3A_165 = arith.muli %scan3A_159, %mul3A_164 : i32
        %get3A_166 = arith.index_cast %mul3A_165 : i32 to index
        %get3A_167 = tpu.vector_load %arg14[%get3A_166] {strides = array<i32>} : memref<80xi32, #tpu.memory_space<vmem>>, vector<16xi32>,
        %gather3A_168 = tpu.vector_load_idx %arg7[%get3A_167] : memref<10000xf32, #tpu.memory_space<vmem>>[vector<16xi32>], vector<16xf32>,
        %add3A_169 = arith.addf %gather3A, %gather3A_168 : vector<16xf32>
        %mul3A_170 = arith.constant 2.000000e-01 : f32
        %mul3A_171 = vector.broadcast %mul3A_170 : f32 to vector<16xf32>
        %mul3A_172 = arith.mulf %mul3A_171, %add3A_169 : vector<16xf32>
        %max3A = arith.maximumf %add3A_169, %mul3A_172 : vector<16xf32>
        %sub3A = arith.subf %max3A, %get3A_17 : vector<16xf32>
        %exp3A = math.exp %sub3A : vector<16xf32>
        %mul3A_173 = arith.constant 16 : i32
        %mul3A_174 = arith.muli %scan3A_159, %mul3A_173 : i32
        %swap3A = arith.index_cast %mul3A_174 : i32 to index
        %swap3A_175 = tpu.vector_load %arg9[%swap3A] {strides = array<i32>} : memref<80xf32, #tpu.memory_space<vmem>>, vector<16xf32>,
        tpu.vector_store %arg9[%swap3A], %exp3A {strides = array<i32>} : memref<80xf32, #tpu.memory_space<vmem>>, vector<16xf32>,
        tpu.vector_store_idx %arg17[%add3A_163, %add3A_22], %exp3A : memref<80x24xf32, #tpu.memory_space<vmem>>[vector<16xi32>, vector<16xi32>], vector<16xf32>,
      }
      %scan3A_78 = arith.constant 5 : i32
      %scan3A_79 = arith.constant 0 : i32
      %scan3A_80 = arith.constant 20 : i32
      %scan3A_81 = arith.addi %scan3A_79, %scan3A_80 : i32
      %scan3A_82 = arith.constant 1 : i32
      scf.for %scan3A_159 = %scan3A_79 to %scan3A_81 step %scan3A_82  : i32 {
        %mul3A_160 = arith.constant 4 : i32
        %mul3A_161 = arith.muli %scan3A_159, %mul3A_160 : i32
        %add3A_162 = arith.constant 0 : i32
        %add3A_163 = arith.addi %mul3A_161, %add3A_162 : i32
        %broadcast_in_dim3A_164 = arith.constant 0 : i32
        %broadcast_in_dim3A_165 = vector.broadcast %broadcast_in_dim3A_164 : i32 to vector<16xi32>
        %add3A_166 = vector.broadcast %add3A_163 : i32 to vector<16xi32>
        %add3A_167 = arith.addi %broadcast_in_dim3A_165, %add3A_166 : vector<16xi32>
        %gather3A = tpu.vector_load_idx %arg9[%add3A_167] : memref<80xf32, #tpu.memory_space<vmem>>[vector<16xi32>], vector<16xf32>,
        %get3A_168 = arith.index_cast %add3A_163 : i32 to index
        %get3A_169 = arith.constant 0 : index
        %get3A_170 = tpu.vector_load %arg17[%get3A_168, %get3A_169] {strides = array<i32>} : memref<80x24xf32, #tpu.memory_space<vmem>>, vector<16xf32>,
        %mul3A_171 = arith.mulf %get3A_170, %gather3A : vector<16xf32>
        %swap3A = arith.index_cast %add3A_163 : i32 to index
        %swap3A_172 = arith.constant 0 : index
        %swap3A_173 = tpu.vector_load %arg17[%swap3A, %swap3A_172] {strides = array<i32>} : memref<80x24xf32, #tpu.memory_space<vmem>>, vector<16xf32>,
        tpu.vector_store %arg17[%swap3A, %swap3A_172], %mul3A_171 {strides = array<i32>} : memref<80x24xf32, #tpu.memory_space<vmem>>, vector<16xf32>,
        %mul3A_174 = arith.constant 4 : i32
        %mul3A_175 = arith.muli %scan3A_159, %mul3A_174 : i32
        %add3A_176 = arith.constant 1 : i32
        %add3A_177 = arith.addi %mul3A_175, %add3A_176 : i32
        %broadcast_in_dim3A_178 = arith.constant 0 : i32
        %broadcast_in_dim3A_179 = vector.broadcast %broadcast_in_dim3A_178 : i32 to vector<16xi32>
        %add3A_180 = vector.broadcast %add3A_177 : i32 to vector<16xi32>
        %add3A_181 = arith.addi %broadcast_in_dim3A_179, %add3A_180 : vector<16xi32>
        %gather3A_182 = tpu.vector_load_idx %arg9[%add3A_181] : memref<80xf32, #tpu.memory_space<vmem>>[vector<16xi32>], vector<16xf32>,
        %get3A_183 = arith.index_cast %add3A_177 : i32 to index
        %get3A_184 = arith.constant 0 : index
        %get3A_185 = tpu.vector_load %arg17[%get3A_183, %get3A_184] {strides = array<i32>} : memref<80x24xf32, #tpu.memory_space<vmem>>, vector<16xf32>,
        %mul3A_186 = arith.mulf %get3A_185, %gather3A_182 : vector<16xf32>
        %swap3A_187 = arith.index_cast %add3A_177 : i32 to index
        %swap3A_188 = arith.constant 0 : index
        %swap3A_189 = tpu.vector_load %arg17[%swap3A_187, %swap3A_188] {strides = array<i32>} : memref<80x24xf32, #tpu.memory_space<vmem>>, vector<16xf32>,
        tpu.vector_store %arg17[%swap3A_187, %swap3A_188], %mul3A_186 {strides = array<i32>} : memref<80x24xf32, #tpu.memory_space<vmem>>, vector<16xf32>,
        %mul3A_190 = arith.constant 4 : i32
        %mul3A_191 = arith.muli %scan3A_159, %mul3A_190 : i32
        %add3A_192 = arith.constant 2 : i32
        %add3A_193 = arith.addi %mul3A_191, %add3A_192 : i32
        %broadcast_in_dim3A_194 = arith.constant 0 : i32
        %broadcast_in_dim3A_195 = vector.broadcast %broadcast_in_dim3A_194 : i32 to vector<16xi32>
        %add3A_196 = vector.broadcast %add3A_193 : i32 to vector<16xi32>
        %add3A_197 = arith.addi %broadcast_in_dim3A_195, %add3A_196 : vector<16xi32>
        %gather3A_198 = tpu.vector_load_idx %arg9[%add3A_197] : memref<80xf32, #tpu.memory_space<vmem>>[vector<16xi32>], vector<16xf32>,
        %get3A_199 = arith.index_cast %add3A_193 : i32 to index
        %get3A_200 = arith.constant 0 : index
        %get3A_201 = tpu.vector_load %arg17[%get3A_199, %get3A_200] {strides = array<i32>} : memref<80x24xf32, #tpu.memory_space<vmem>>, vector<16xf32>,
        %mul3A_202 = arith.mulf %get3A_201, %gather3A_198 : vector<16xf32>
        %swap3A_203 = arith.index_cast %add3A_193 : i32 to index
        %swap3A_204 = arith.constant 0 : index
        %swap3A_205 = tpu.vector_load %arg17[%swap3A_203, %swap3A_204] {strides = array<i32>} : memref<80x24xf32, #tpu.memory_space<vmem>>, vector<16xf32>,
        tpu.vector_store %arg17[%swap3A_203, %swap3A_204], %mul3A_202 {strides = array<i32>} : memref<80x24xf32, #tpu.memory_space<vmem>>, vector<16xf32>,
        %mul3A_206 = arith.constant 4 : i32
        %mul3A_207 = arith.muli %scan3A_159, %mul3A_206 : i32
        %add3A_208 = arith.constant 3 : i32
        %add3A_209 = arith.addi %mul3A_207, %add3A_208 : i32
        %broadcast_in_dim3A_210 = arith.constant 0 : i32
        %broadcast_in_dim3A_211 = vector.broadcast %broadcast_in_dim3A_210 : i32 to vector<16xi32>
        %add3A_212 = vector.broadcast %add3A_209 : i32 to vector<16xi32>
        %add3A_213 = arith.addi %broadcast_in_dim3A_211, %add3A_212 : vector<16xi32>
        %gather3A_214 = tpu.vector_load_idx %arg9[%add3A_213] : memref<80xf32, #tpu.memory_space<vmem>>[vector<16xi32>], vector<16xf32>,
        %get3A_215 = arith.index_cast %add3A_209 : i32 to index
        %get3A_216 = arith.constant 0 : index
        %get3A_217 = tpu.vector_load %arg17[%get3A_215, %get3A_216] {strides = array<i32>} : memref<80x24xf32, #tpu.memory_space<vmem>>, vector<16xf32>,
        %mul3A_218 = arith.mulf %get3A_217, %gather3A_214 : vector<16xf32>
        %swap3A_219 = arith.index_cast %add3A_209 : i32 to index
        %swap3A_220 = arith.constant 0 : index
        %swap3A_221 = tpu.vector_load %arg17[%swap3A_219, %swap3A_220] {strides = array<i32>} : memref<80x24xf32, #tpu.memory_space<vmem>>, vector<16xf32>,
        tpu.vector_store %arg17[%swap3A_219, %swap3A_220], %mul3A_218 {strides = array<i32>} : memref<80x24xf32, #tpu.memory_space<vmem>>, vector<16xf32>,
      }
      %scan3A_83 = arith.constant 20 : i32
      %dma_start3A_84 = arith.constant 0 : i32
      %dma_start3A_85 = arith.constant 0 : i32
      %dma_start3A_86 = tpu.memref_slice %arg20[%dma_start3A_84, %dma_start3A_85] : memref<10240x24xf32, #tpu.memory_space<vmem_shared>> -> memref<10240x24xf32, #tpu.memory_space<vmem_shared>>
      tpu.enqueue_indirect_dma source(%arg17 : memref<80x24xf32, #tpu.memory_space<vmem>>) target(%dma_start3A_86 : memref<10240x24xf32, #tpu.memory_space<vmem_shared>>) offsets(%arg14 : memref<80xi32, #tpu.memory_space<vmem>>) semaphore(%arg25 : memref<!tpu.dma_semaphore, #tpu.memory_space<semaphore_mem>>) {add = true}
      %ge3A = arith.constant 1 : i32
      %ge3A_87 = arith.cmpi sge, %add3A_70, %ge3A : i32
      %convert_element_type3A = arith.extui %ge3A_87 : i1 to i32
      %cond3A = arith.constant 0 : i32
      %cond3A_88 = arith.cmpi ne, %convert_element_type3A, %cond3A : i32
      scf.if %cond3A_88 {
        %sub3A = arith.constant 1 : i32
        %sub3A_159 = arith.subi %add3A_70, %sub3A : i32
        %dma_wait3A_160 = arith.constant 0 : i32
        %dma_wait3A_161 = arith.constant 0 : i32
        %dma_wait3A_162 = tpu.memref_slice %arg20[%dma_wait3A_160, %dma_wait3A_161] : memref<10240x24xf32, #tpu.memory_space<vmem_shared>> -> memref<10240x24xf32, #tpu.memory_space<vmem_shared>>
        tpu.wait_indirect_dma semaphore(%arg27 : memref<!tpu.dma_semaphore, #tpu.memory_space<semaphore_mem>>) src(%arg19 : memref<80x24xf32, #tpu.memory_space<vmem>>) dst(%dma_wait3A_162 : memref<10240x24xf32, #tpu.memory_space<vmem_shared>>)
      } else {
      }
      %add3A_89 = arith.constant 2 : i32
      %add3A_90 = arith.addi %add3A_70, %add3A_89 : i32
      %lt3A = arith.constant 126 : i32
      %lt3A_91 = arith.cmpi slt, %add3A_90, %lt3A : i32
      %convert_element_type3A_92 = arith.extui %lt3A_91 : i1 to i32
      %cond3A_93 = arith.constant 0 : i32
      %cond3A_94 = arith.cmpi ne, %convert_element_type3A_92, %cond3A_93 : i32
      scf.if %cond3A_94 {
        %add3A_159 = arith.constant 2 : i32
        %add3A_160 = arith.addi %add3A_70, %add3A_159 : i32
        %scan3A_161 = arith.constant 0 : i32
        %scan3A_162 = arith.constant 5 : i32
        %scan3A_163 = arith.addi %scan3A_161, %scan3A_162 : i32
        %scan3A_164 = arith.constant 1 : i32
        scf.for %scan3A_171 = %scan3A_161 to %scan3A_163 step %scan3A_164  : i32 {
          %mul3A_172 = arith.constant 16 : i32
          %mul3A_173 = arith.muli %scan3A_171, %mul3A_172 : i32
          %get3A_174 = arith.index_cast %add3A_160 : i32 to index
          %get3A_175 = arith.index_cast %mul3A_173 : i32 to index
          %get3A_176 = tpu.vector_load %arg10[%get3A_174, %get3A_175] {strides = array<i32>} : memref<126x80xi32, #tpu.memory_space<vmem>>, vector<16xi32>,
          %shift_right_logical3A = arith.constant 16 : i32
          %shift_right_logical3A_177 = vector.broadcast %shift_right_logical3A : i32 to vector<16xi32>
          %shift_right_logical3A_178 = arith.shrui %get3A_176, %shift_right_logical3A_177 : vector<16xi32>
          %mul3A_179 = arith.constant 16 : i32
          %mul3A_180 = arith.muli %scan3A_171, %mul3A_179 : i32
          %swap3A = arith.index_cast %mul3A_180 : i32 to index
          %swap3A_181 = tpu.vector_load %arg13[%swap3A] {strides = array<i32>} : memref<80xi32, #tpu.memory_space<vmem>>, vector<16xi32>,
          tpu.vector_store %arg13[%swap3A], %shift_right_logical3A_178 {strides = array<i32>} : memref<80xi32, #tpu.memory_space<vmem>>, vector<16xi32>,
          %and3A = arith.constant 65535 : i32
          %and3A_182 = vector.broadcast %and3A : i32 to vector<16xi32>
          %and3A_183 = arith.andi %get3A_176, %and3A_182 : vector<16xi32>
          %mul3A_184 = arith.constant 16 : i32
          %mul3A_185 = arith.muli %scan3A_171, %mul3A_184 : i32
          %swap3A_186 = arith.index_cast %mul3A_185 : i32 to index
          %swap3A_187 = tpu.vector_load %arg16[%swap3A_186] {strides = array<i32>} : memref<80xi32, #tpu.memory_space<vmem>>, vector<16xi32>,
          tpu.vector_store %arg16[%swap3A_186], %and3A_183 {strides = array<i32>} : memref<80xi32, #tpu.memory_space<vmem>>, vector<16xi32>,
        }
        %scan3A_165 = arith.constant 5 : i32
        %add3A_166 = arith.constant 2 : i32
        %add3A_167 = arith.addi %add3A_70, %add3A_166 : i32
        %dma_start3A_168 = arith.constant 0 : i32
        %dma_start3A_169 = arith.constant 0 : i32
        %dma_start3A_170 = tpu.memref_slice %arg21[%dma_start3A_168, %dma_start3A_169] : memref<10000x24xf32, #tpu.memory_space<vmem_shared>> -> memref<10000x24xf32, #tpu.memory_space<vmem_shared>>
        tpu.enqueue_indirect_dma source(%dma_start3A_170 : memref<10000x24xf32, #tpu.memory_space<vmem_shared>>) target(%arg19 : memref<80x24xf32, #tpu.memory_space<vmem>>) offsets(%arg13 : memref<80xi32, #tpu.memory_space<vmem>>) semaphore(%arg24 : memref<!tpu.dma_semaphore, #tpu.memory_space<semaphore_mem>>)
      } else {
      }
      %mul3A_95 = arith.constant 3 : i32
      %mul3A_96 = arith.muli %mul3A_95, %scan3A_66 : i32
      %add3A_97 = arith.constant 1 : i32
      %add3A_98 = arith.addi %mul3A_96, %add3A_97 : i32
      %dma_wait3A_99 = arith.constant 0 : i32
      %dma_wait3A_100 = arith.constant 0 : i32
      %dma_wait3A_101 = tpu.memref_slice %arg21[%dma_wait3A_99, %dma_wait3A_100] : memref<10000x24xf32, #tpu.memory_space<vmem_shared>> -> memref<10000x24xf32, #tpu.memory_space<vmem_shared>>
      tpu.wait_indirect_dma semaphore(%arg23 : memref<!tpu.dma_semaphore, #tpu.memory_space<semaphore_mem>>) src(%dma_wait3A_101 : memref<10000x24xf32, #tpu.memory_space<vmem_shared>>) dst(%arg18 : memref<80x24xf32, #tpu.memory_space<vmem>>)
      %scan3A_102 = arith.constant 0 : i32
      %scan3A_103 = arith.constant 5 : i32
      %scan3A_104 = arith.addi %scan3A_102, %scan3A_103 : i32
      %scan3A_105 = arith.constant 1 : i32
      scf.for %scan3A_159 = %scan3A_102 to %scan3A_104 step %scan3A_105  : i32 {
        %mul3A_160 = arith.constant 16 : i32
        %mul3A_161 = arith.muli %scan3A_159, %mul3A_160 : i32
        %add3A_162 = vector.broadcast %mul3A_161 : i32 to vector<16xi32>
        %add3A_163 = arith.addi %add3A_162, %iota3A : vector<16xi32>
        %gather3A = tpu.vector_load_idx %arg18[%add3A_163, %add3A_22] : memref<80x24xf32, #tpu.memory_space<vmem>>[vector<16xi32>, vector<16xi32>], vector<16xf32>,
        %mul3A_164 = arith.constant 16 : i32
        %mul3A_165 = arith.muli %scan3A_159, %mul3A_164 : i32
        %get3A_166 = arith.index_cast %mul3A_165 : i32 to index
        %get3A_167 = tpu.vector_load %arg15[%get3A_166] {strides = array<i32>} : memref<80xi32, #tpu.memory_space<vmem>>, vector<16xi32>,
        %gather3A_168 = tpu.vector_load_idx %arg7[%get3A_167] : memref<10000xf32, #tpu.memory_space<vmem>>[vector<16xi32>], vector<16xf32>,
        %add3A_169 = arith.addf %gather3A, %gather3A_168 : vector<16xf32>
        %mul3A_170 = arith.constant 2.000000e-01 : f32
        %mul3A_171 = vector.broadcast %mul3A_170 : f32 to vector<16xf32>
        %mul3A_172 = arith.mulf %mul3A_171, %add3A_169 : vector<16xf32>
        %max3A = arith.maximumf %add3A_169, %mul3A_172 : vector<16xf32>
        %sub3A = arith.subf %max3A, %get3A_17 : vector<16xf32>
        %exp3A = math.exp %sub3A : vector<16xf32>
        %mul3A_173 = arith.constant 16 : i32
        %mul3A_174 = arith.muli %scan3A_159, %mul3A_173 : i32
        %swap3A = arith.index_cast %mul3A_174 : i32 to index
        %swap3A_175 = tpu.vector_load %arg9[%swap3A] {strides = array<i32>} : memref<80xf32, #tpu.memory_space<vmem>>, vector<16xf32>,
        tpu.vector_store %arg9[%swap3A], %exp3A {strides = array<i32>} : memref<80xf32, #tpu.memory_space<vmem>>, vector<16xf32>,
        tpu.vector_store_idx %arg18[%add3A_163, %add3A_22], %exp3A : memref<80x24xf32, #tpu.memory_space<vmem>>[vector<16xi32>, vector<16xi32>], vector<16xf32>,
      }
      %scan3A_106 = arith.constant 5 : i32
      %scan3A_107 = arith.constant 0 : i32
      %scan3A_108 = arith.constant 20 : i32
      %scan3A_109 = arith.addi %scan3A_107, %scan3A_108 : i32
      %scan3A_110 = arith.constant 1 : i32
      scf.for %scan3A_159 = %scan3A_107 to %scan3A_109 step %scan3A_110  : i32 {
        %mul3A_160 = arith.constant 4 : i32
        %mul3A_161 = arith.muli %scan3A_159, %mul3A_160 : i32
        %add3A_162 = arith.constant 0 : i32
        %add3A_163 = arith.addi %mul3A_161, %add3A_162 : i32
        %broadcast_in_dim3A_164 = arith.constant 0 : i32
        %broadcast_in_dim3A_165 = vector.broadcast %broadcast_in_dim3A_164 : i32 to vector<16xi32>
        %add3A_166 = vector.broadcast %add3A_163 : i32 to vector<16xi32>
        %add3A_167 = arith.addi %broadcast_in_dim3A_165, %add3A_166 : vector<16xi32>
        %gather3A = tpu.vector_load_idx %arg9[%add3A_167] : memref<80xf32, #tpu.memory_space<vmem>>[vector<16xi32>], vector<16xf32>,
        %get3A_168 = arith.index_cast %add3A_163 : i32 to index
        %get3A_169 = arith.constant 0 : index
        %get3A_170 = tpu.vector_load %arg18[%get3A_168, %get3A_169] {strides = array<i32>} : memref<80x24xf32, #tpu.memory_space<vmem>>, vector<16xf32>,
        %mul3A_171 = arith.mulf %get3A_170, %gather3A : vector<16xf32>
        %swap3A = arith.index_cast %add3A_163 : i32 to index
        %swap3A_172 = arith.constant 0 : index
        %swap3A_173 = tpu.vector_load %arg18[%swap3A, %swap3A_172] {strides = array<i32>} : memref<80x24xf32, #tpu.memory_space<vmem>>, vector<16xf32>,
        tpu.vector_store %arg18[%swap3A, %swap3A_172], %mul3A_171 {strides = array<i32>} : memref<80x24xf32, #tpu.memory_space<vmem>>, vector<16xf32>,
        %mul3A_174 = arith.constant 4 : i32
        %mul3A_175 = arith.muli %scan3A_159, %mul3A_174 : i32
        %add3A_176 = arith.constant 1 : i32
        %add3A_177 = arith.addi %mul3A_175, %add3A_176 : i32
        %broadcast_in_dim3A_178 = arith.constant 0 : i32
        %broadcast_in_dim3A_179 = vector.broadcast %broadcast_in_dim3A_178 : i32 to vector<16xi32>
        %add3A_180 = vector.broadcast %add3A_177 : i32 to vector<16xi32>
        %add3A_181 = arith.addi %broadcast_in_dim3A_179, %add3A_180 : vector<16xi32>
        %gather3A_182 = tpu.vector_load_idx %arg9[%add3A_181] : memref<80xf32, #tpu.memory_space<vmem>>[vector<16xi32>], vector<16xf32>,
        %get3A_183 = arith.index_cast %add3A_177 : i32 to index
        %get3A_184 = arith.constant 0 : index
        %get3A_185 = tpu.vector_load %arg18[%get3A_183, %get3A_184] {strides = array<i32>} : memref<80x24xf32, #tpu.memory_space<vmem>>, vector<16xf32>,
        %mul3A_186 = arith.mulf %get3A_185, %gather3A_182 : vector<16xf32>
        %swap3A_187 = arith.index_cast %add3A_177 : i32 to index
        %swap3A_188 = arith.constant 0 : index
        %swap3A_189 = tpu.vector_load %arg18[%swap3A_187, %swap3A_188] {strides = array<i32>} : memref<80x24xf32, #tpu.memory_space<vmem>>, vector<16xf32>,
        tpu.vector_store %arg18[%swap3A_187, %swap3A_188], %mul3A_186 {strides = array<i32>} : memref<80x24xf32, #tpu.memory_space<vmem>>, vector<16xf32>,
        %mul3A_190 = arith.constant 4 : i32
        %mul3A_191 = arith.muli %scan3A_159, %mul3A_190 : i32
        %add3A_192 = arith.constant 2 : i32
        %add3A_193 = arith.addi %mul3A_191, %add3A_192 : i32
        %broadcast_in_dim3A_194 = arith.constant 0 : i32
        %broadcast_in_dim3A_195 = vector.broadcast %broadcast_in_dim3A_194 : i32 to vector<16xi32>
        %add3A_196 = vector.broadcast %add3A_193 : i32 to vector<16xi32>
        %add3A_197 = arith.addi %broadcast_in_dim3A_195, %add3A_196 : vector<16xi32>
        %gather3A_198 = tpu.vector_load_idx %arg9[%add3A_197] : memref<80xf32, #tpu.memory_space<vmem>>[vector<16xi32>], vector<16xf32>,
        %get3A_199 = arith.index_cast %add3A_193 : i32 to index
        %get3A_200 = arith.constant 0 : index
        %get3A_201 = tpu.vector_load %arg18[%get3A_199, %get3A_200] {strides = array<i32>} : memref<80x24xf32, #tpu.memory_space<vmem>>, vector<16xf32>,
        %mul3A_202 = arith.mulf %get3A_201, %gather3A_198 : vector<16xf32>
        %swap3A_203 = arith.index_cast %add3A_193 : i32 to index
        %swap3A_204 = arith.constant 0 : index
        %swap3A_205 = tpu.vector_load %arg18[%swap3A_203, %swap3A_204] {strides = array<i32>} : memref<80x24xf32, #tpu.memory_space<vmem>>, vector<16xf32>,
        tpu.vector_store %arg18[%swap3A_203, %swap3A_204], %mul3A_202 {strides = array<i32>} : memref<80x24xf32, #tpu.memory_space<vmem>>, vector<16xf32>,
        %mul3A_206 = arith.constant 4 : i32
        %mul3A_207 = arith.muli %scan3A_159, %mul3A_206 : i32
        %add3A_208 = arith.constant 3 : i32
        %add3A_209 = arith.addi %mul3A_207, %add3A_208 : i32
        %broadcast_in_dim3A_210 = arith.constant 0 : i32
        %broadcast_in_dim3A_211 = vector.broadcast %broadcast_in_dim3A_210 : i32 to vector<16xi32>
        %add3A_212 = vector.broadcast %add3A_209 : i32 to vector<16xi32>
        %add3A_213 = arith.addi %broadcast_in_dim3A_211, %add3A_212 : vector<16xi32>
        %gather3A_214 = tpu.vector_load_idx %arg9[%add3A_213] : memref<80xf32, #tpu.memory_space<vmem>>[vector<16xi32>], vector<16xf32>,
        %get3A_215 = arith.index_cast %add3A_209 : i32 to index
        %get3A_216 = arith.constant 0 : index
        %get3A_217 = tpu.vector_load %arg18[%get3A_215, %get3A_216] {strides = array<i32>} : memref<80x24xf32, #tpu.memory_space<vmem>>, vector<16xf32>,
        %mul3A_218 = arith.mulf %get3A_217, %gather3A_214 : vector<16xf32>
        %swap3A_219 = arith.index_cast %add3A_209 : i32 to index
        %swap3A_220 = arith.constant 0 : index
        %swap3A_221 = tpu.vector_load %arg18[%swap3A_219, %swap3A_220] {strides = array<i32>} : memref<80x24xf32, #tpu.memory_space<vmem>>, vector<16xf32>,
        tpu.vector_store %arg18[%swap3A_219, %swap3A_220], %mul3A_218 {strides = array<i32>} : memref<80x24xf32, #tpu.memory_space<vmem>>, vector<16xf32>,
      }
      %scan3A_111 = arith.constant 20 : i32
      %dma_start3A_112 = arith.constant 0 : i32
      %dma_start3A_113 = arith.constant 0 : i32
      %dma_start3A_114 = tpu.memref_slice %arg20[%dma_start3A_112, %dma_start3A_113] : memref<10240x24xf32, #tpu.memory_space<vmem_shared>> -> memref<10240x24xf32, #tpu.memory_space<vmem_shared>>
      tpu.enqueue_indirect_dma source(%arg18 : memref<80x24xf32, #tpu.memory_space<vmem>>) target(%dma_start3A_114 : memref<10240x24xf32, #tpu.memory_space<vmem_shared>>) offsets(%arg15 : memref<80xi32, #tpu.memory_space<vmem>>) semaphore(%arg26 : memref<!tpu.dma_semaphore, #tpu.memory_space<semaphore_mem>>) {add = true}
      %ge3A_115 = arith.constant 1 : i32
      %ge3A_116 = arith.cmpi sge, %add3A_98, %ge3A_115 : i32
      %convert_element_type3A_117 = arith.extui %ge3A_116 : i1 to i32
      %cond3A_118 = arith.constant 0 : i32
      %cond3A_119 = arith.cmpi ne, %convert_element_type3A_117, %cond3A_118 : i32
      scf.if %cond3A_119 {
        %sub3A = arith.constant 1 : i32
        %sub3A_159 = arith.subi %add3A_98, %sub3A : i32
        %dma_wait3A_160 = arith.constant 0 : i32
        %dma_wait3A_161 = arith.constant 0 : i32
        %dma_wait3A_162 = tpu.memref_slice %arg20[%dma_wait3A_160, %dma_wait3A_161] : memref<10240x24xf32, #tpu.memory_space<vmem_shared>> -> memref<10240x24xf32, #tpu.memory_space<vmem_shared>>
        tpu.wait_indirect_dma semaphore(%arg25 : memref<!tpu.dma_semaphore, #tpu.memory_space<semaphore_mem>>) src(%arg17 : memref<80x24xf32, #tpu.memory_space<vmem>>) dst(%dma_wait3A_162 : memref<10240x24xf32, #tpu.memory_space<vmem_shared>>)
      } else {
      }
      %add3A_120 = arith.constant 2 : i32
      %add3A_121 = arith.addi %add3A_98, %add3A_120 : i32
      %lt3A_122 = arith.constant 126 : i32
      %lt3A_123 = arith.cmpi slt, %add3A_121, %lt3A_122 : i32
      %convert_element_type3A_124 = arith.extui %lt3A_123 : i1 to i32
      %cond3A_125 = arith.constant 0 : i32
      %cond3A_126 = arith.cmpi ne, %convert_element_type3A_124, %cond3A_125 : i32
      scf.if %cond3A_126 {
        %add3A_159 = arith.constant 2 : i32
        %add3A_160 = arith.addi %add3A_98, %add3A_159 : i32
        %scan3A_161 = arith.constant 0 : i32
        %scan3A_162 = arith.constant 5 : i32
        %scan3A_163 = arith.addi %scan3A_161, %scan3A_162 : i32
        %scan3A_164 = arith.constant 1 : i32
        scf.for %scan3A_171 = %scan3A_161 to %scan3A_163 step %scan3A_164  : i32 {
          %mul3A_172 = arith.constant 16 : i32
          %mul3A_173 = arith.muli %scan3A_171, %mul3A_172 : i32
          %get3A_174 = arith.index_cast %add3A_160 : i32 to index
          %get3A_175 = arith.index_cast %mul3A_173 : i32 to index
          %get3A_176 = tpu.vector_load %arg10[%get3A_174, %get3A_175] {strides = array<i32>} : memref<126x80xi32, #tpu.memory_space<vmem>>, vector<16xi32>,
          %shift_right_logical3A = arith.constant 16 : i32
          %shift_right_logical3A_177 = vector.broadcast %shift_right_logical3A : i32 to vector<16xi32>
          %shift_right_logical3A_178 = arith.shrui %get3A_176, %shift_right_logical3A_177 : vector<16xi32>
          %mul3A_179 = arith.constant 16 : i32
          %mul3A_180 = arith.muli %scan3A_171, %mul3A_179 : i32
          %swap3A = arith.index_cast %mul3A_180 : i32 to index
          %swap3A_181 = tpu.vector_load %arg11[%swap3A] {strides = array<i32>} : memref<80xi32, #tpu.memory_space<vmem>>, vector<16xi32>,
          tpu.vector_store %arg11[%swap3A], %shift_right_logical3A_178 {strides = array<i32>} : memref<80xi32, #tpu.memory_space<vmem>>, vector<16xi32>,
          %and3A = arith.constant 65535 : i32
          %and3A_182 = vector.broadcast %and3A : i32 to vector<16xi32>
          %and3A_183 = arith.andi %get3A_176, %and3A_182 : vector<16xi32>
          %mul3A_184 = arith.constant 16 : i32
          %mul3A_185 = arith.muli %scan3A_171, %mul3A_184 : i32
          %swap3A_186 = arith.index_cast %mul3A_185 : i32 to index
          %swap3A_187 = tpu.vector_load %arg14[%swap3A_186] {strides = array<i32>} : memref<80xi32, #tpu.memory_space<vmem>>, vector<16xi32>,
          tpu.vector_store %arg14[%swap3A_186], %and3A_183 {strides = array<i32>} : memref<80xi32, #tpu.memory_space<vmem>>, vector<16xi32>,
        }
        %scan3A_165 = arith.constant 5 : i32
        %add3A_166 = arith.constant 2 : i32
        %add3A_167 = arith.addi %add3A_98, %add3A_166 : i32
        %dma_start3A_168 = arith.constant 0 : i32
        %dma_start3A_169 = arith.constant 0 : i32
        %dma_start3A_170 = tpu.memref_slice %arg21[%dma_start3A_168, %dma_start3A_169] : memref<10000x24xf32, #tpu.memory_space<vmem_shared>> -> memref<10000x24xf32, #tpu.memory_space<vmem_shared>>
        tpu.enqueue_indirect_dma source(%dma_start3A_170 : memref<10000x24xf32, #tpu.memory_space<vmem_shared>>) target(%arg17 : memref<80x24xf32, #tpu.memory_space<vmem>>) offsets(%arg11 : memref<80xi32, #tpu.memory_space<vmem>>) semaphore(%arg22 : memref<!tpu.dma_semaphore, #tpu.memory_space<semaphore_mem>>)
      } else {
      }
      %mul3A_127 = arith.constant 3 : i32
      %mul3A_128 = arith.muli %mul3A_127, %scan3A_66 : i32
      %add3A_129 = arith.constant 2 : i32
      %add3A_130 = arith.addi %mul3A_128, %add3A_129 : i32
      %dma_wait3A_131 = arith.constant 0 : i32
      %dma_wait3A_132 = arith.constant 0 : i32
      %dma_wait3A_133 = tpu.memref_slice %arg21[%dma_wait3A_131, %dma_wait3A_132] : memref<10000x24xf32, #tpu.memory_space<vmem_shared>> -> memref<10000x24xf32, #tpu.memory_space<vmem_shared>>
      tpu.wait_indirect_dma semaphore(%arg24 : memref<!tpu.dma_semaphore, #tpu.memory_space<semaphore_mem>>) src(%dma_wait3A_133 : memref<10000x24xf32, #tpu.memory_space<vmem_shared>>) dst(%arg19 : memref<80x24xf32, #tpu.memory_space<vmem>>)
      %scan3A_134 = arith.constant 0 : i32
      %scan3A_135 = arith.constant 5 : i32
      %scan3A_136 = arith.addi %scan3A_134, %scan3A_135 : i32
      %scan3A_137 = arith.constant 1 : i32
      scf.for %scan3A_159 = %scan3A_134 to %scan3A_136 step %scan3A_137  : i32 {
        %mul3A_160 = arith.constant 16 : i32
        %mul3A_161 = arith.muli %scan3A_159, %mul3A_160 : i32
        %add3A_162 = vector.broadcast %mul3A_161 : i32 to vector<16xi32>
        %add3A_163 = arith.addi %add3A_162, %iota3A : vector<16xi32>
        %gather3A = tpu.vector_load_idx %arg19[%add3A_163, %add3A_22] : memref<80x24xf32, #tpu.memory_space<vmem>>[vector<16xi32>, vector<16xi32>], vector<16xf32>,
        %mul3A_164 = arith.constant 16 : i32
        %mul3A_165 = arith.muli %scan3A_159, %mul3A_164 : i32
        %get3A_166 = arith.index_cast %mul3A_165 : i32 to index
        %get3A_167 = tpu.vector_load %arg16[%get3A_166] {strides = array<i32>} : memref<80xi32, #tpu.memory_space<vmem>>, vector<16xi32>,
        %gather3A_168 = tpu.vector_load_idx %arg7[%get3A_167] : memref<10000xf32, #tpu.memory_space<vmem>>[vector<16xi32>], vector<16xf32>,
        %add3A_169 = arith.addf %gather3A, %gather3A_168 : vector<16xf32>
        %mul3A_170 = arith.constant 2.000000e-01 : f32
        %mul3A_171 = vector.broadcast %mul3A_170 : f32 to vector<16xf32>
        %mul3A_172 = arith.mulf %mul3A_171, %add3A_169 : vector<16xf32>
        %max3A = arith.maximumf %add3A_169, %mul3A_172 : vector<16xf32>
        %sub3A = arith.subf %max3A, %get3A_17 : vector<16xf32>
        %exp3A = math.exp %sub3A : vector<16xf32>
        %mul3A_173 = arith.constant 16 : i32
        %mul3A_174 = arith.muli %scan3A_159, %mul3A_173 : i32
        %swap3A = arith.index_cast %mul3A_174 : i32 to index
        %swap3A_175 = tpu.vector_load %arg9[%swap3A] {strides = array<i32>} : memref<80xf32, #tpu.memory_space<vmem>>, vector<16xf32>,
        tpu.vector_store %arg9[%swap3A], %exp3A {strides = array<i32>} : memref<80xf32, #tpu.memory_space<vmem>>, vector<16xf32>,
        tpu.vector_store_idx %arg19[%add3A_163, %add3A_22], %exp3A : memref<80x24xf32, #tpu.memory_space<vmem>>[vector<16xi32>, vector<16xi32>], vector<16xf32>,
      }
      %scan3A_138 = arith.constant 5 : i32
      %scan3A_139 = arith.constant 0 : i32
      %scan3A_140 = arith.constant 20 : i32
      %scan3A_141 = arith.addi %scan3A_139, %scan3A_140 : i32
      %scan3A_142 = arith.constant 1 : i32
      scf.for %scan3A_159 = %scan3A_139 to %scan3A_141 step %scan3A_142  : i32 {
        %mul3A_160 = arith.constant 4 : i32
        %mul3A_161 = arith.muli %scan3A_159, %mul3A_160 : i32
        %add3A_162 = arith.constant 0 : i32
        %add3A_163 = arith.addi %mul3A_161, %add3A_162 : i32
        %broadcast_in_dim3A_164 = arith.constant 0 : i32
        %broadcast_in_dim3A_165 = vector.broadcast %broadcast_in_dim3A_164 : i32 to vector<16xi32>
        %add3A_166 = vector.broadcast %add3A_163 : i32 to vector<16xi32>
        %add3A_167 = arith.addi %broadcast_in_dim3A_165, %add3A_166 : vector<16xi32>
        %gather3A = tpu.vector_load_idx %arg9[%add3A_167] : memref<80xf32, #tpu.memory_space<vmem>>[vector<16xi32>], vector<16xf32>,
        %get3A_168 = arith.index_cast %add3A_163 : i32 to index
        %get3A_169 = arith.constant 0 : index
        %get3A_170 = tpu.vector_load %arg19[%get3A_168, %get3A_169] {strides = array<i32>} : memref<80x24xf32, #tpu.memory_space<vmem>>, vector<16xf32>,
        %mul3A_171 = arith.mulf %get3A_170, %gather3A : vector<16xf32>
        %swap3A = arith.index_cast %add3A_163 : i32 to index
        %swap3A_172 = arith.constant 0 : index
        %swap3A_173 = tpu.vector_load %arg19[%swap3A, %swap3A_172] {strides = array<i32>} : memref<80x24xf32, #tpu.memory_space<vmem>>, vector<16xf32>,
        tpu.vector_store %arg19[%swap3A, %swap3A_172], %mul3A_171 {strides = array<i32>} : memref<80x24xf32, #tpu.memory_space<vmem>>, vector<16xf32>,
        %mul3A_174 = arith.constant 4 : i32
        %mul3A_175 = arith.muli %scan3A_159, %mul3A_174 : i32
        %add3A_176 = arith.constant 1 : i32
        %add3A_177 = arith.addi %mul3A_175, %add3A_176 : i32
        %broadcast_in_dim3A_178 = arith.constant 0 : i32
        %broadcast_in_dim3A_179 = vector.broadcast %broadcast_in_dim3A_178 : i32 to vector<16xi32>
        %add3A_180 = vector.broadcast %add3A_177 : i32 to vector<16xi32>
        %add3A_181 = arith.addi %broadcast_in_dim3A_179, %add3A_180 : vector<16xi32>
        %gather3A_182 = tpu.vector_load_idx %arg9[%add3A_181] : memref<80xf32, #tpu.memory_space<vmem>>[vector<16xi32>], vector<16xf32>,
        %get3A_183 = arith.index_cast %add3A_177 : i32 to index
        %get3A_184 = arith.constant 0 : index
        %get3A_185 = tpu.vector_load %arg19[%get3A_183, %get3A_184] {strides = array<i32>} : memref<80x24xf32, #tpu.memory_space<vmem>>, vector<16xf32>,
        %mul3A_186 = arith.mulf %get3A_185, %gather3A_182 : vector<16xf32>
        %swap3A_187 = arith.index_cast %add3A_177 : i32 to index
        %swap3A_188 = arith.constant 0 : index
        %swap3A_189 = tpu.vector_load %arg19[%swap3A_187, %swap3A_188] {strides = array<i32>} : memref<80x24xf32, #tpu.memory_space<vmem>>, vector<16xf32>,
        tpu.vector_store %arg19[%swap3A_187, %swap3A_188], %mul3A_186 {strides = array<i32>} : memref<80x24xf32, #tpu.memory_space<vmem>>, vector<16xf32>,
        %mul3A_190 = arith.constant 4 : i32
        %mul3A_191 = arith.muli %scan3A_159, %mul3A_190 : i32
        %add3A_192 = arith.constant 2 : i32
        %add3A_193 = arith.addi %mul3A_191, %add3A_192 : i32
        %broadcast_in_dim3A_194 = arith.constant 0 : i32
        %broadcast_in_dim3A_195 = vector.broadcast %broadcast_in_dim3A_194 : i32 to vector<16xi32>
        %add3A_196 = vector.broadcast %add3A_193 : i32 to vector<16xi32>
        %add3A_197 = arith.addi %broadcast_in_dim3A_195, %add3A_196 : vector<16xi32>
        %gather3A_198 = tpu.vector_load_idx %arg9[%add3A_197] : memref<80xf32, #tpu.memory_space<vmem>>[vector<16xi32>], vector<16xf32>,
        %get3A_199 = arith.index_cast %add3A_193 : i32 to index
        %get3A_200 = arith.constant 0 : index
        %get3A_201 = tpu.vector_load %arg19[%get3A_199, %get3A_200] {strides = array<i32>} : memref<80x24xf32, #tpu.memory_space<vmem>>, vector<16xf32>,
        %mul3A_202 = arith.mulf %get3A_201, %gather3A_198 : vector<16xf32>
        %swap3A_203 = arith.index_cast %add3A_193 : i32 to index
        %swap3A_204 = arith.constant 0 : index
        %swap3A_205 = tpu.vector_load %arg19[%swap3A_203, %swap3A_204] {strides = array<i32>} : memref<80x24xf32, #tpu.memory_space<vmem>>, vector<16xf32>,
        tpu.vector_store %arg19[%swap3A_203, %swap3A_204], %mul3A_202 {strides = array<i32>} : memref<80x24xf32, #tpu.memory_space<vmem>>, vector<16xf32>,
        %mul3A_206 = arith.constant 4 : i32
        %mul3A_207 = arith.muli %scan3A_159, %mul3A_206 : i32
        %add3A_208 = arith.constant 3 : i32
        %add3A_209 = arith.addi %mul3A_207, %add3A_208 : i32
        %broadcast_in_dim3A_210 = arith.constant 0 : i32
        %broadcast_in_dim3A_211 = vector.broadcast %broadcast_in_dim3A_210 : i32 to vector<16xi32>
        %add3A_212 = vector.broadcast %add3A_209 : i32 to vector<16xi32>
        %add3A_213 = arith.addi %broadcast_in_dim3A_211, %add3A_212 : vector<16xi32>
        %gather3A_214 = tpu.vector_load_idx %arg9[%add3A_213] : memref<80xf32, #tpu.memory_space<vmem>>[vector<16xi32>], vector<16xf32>,
        %get3A_215 = arith.index_cast %add3A_209 : i32 to index
        %get3A_216 = arith.constant 0 : index
        %get3A_217 = tpu.vector_load %arg19[%get3A_215, %get3A_216] {strides = array<i32>} : memref<80x24xf32, #tpu.memory_space<vmem>>, vector<16xf32>,
        %mul3A_218 = arith.mulf %get3A_217, %gather3A_214 : vector<16xf32>
        %swap3A_219 = arith.index_cast %add3A_209 : i32 to index
        %swap3A_220 = arith.constant 0 : index
        %swap3A_221 = tpu.vector_load %arg19[%swap3A_219, %swap3A_220] {strides = array<i32>} : memref<80x24xf32, #tpu.memory_space<vmem>>, vector<16xf32>,
        tpu.vector_store %arg19[%swap3A_219, %swap3A_220], %mul3A_218 {strides = array<i32>} : memref<80x24xf32, #tpu.memory_space<vmem>>, vector<16xf32>,
      }
      %scan3A_143 = arith.constant 20 : i32
      %dma_start3A_144 = arith.constant 0 : i32
      %dma_start3A_145 = arith.constant 0 : i32
      %dma_start3A_146 = tpu.memref_slice %arg20[%dma_start3A_144, %dma_start3A_145] : memref<10240x24xf32, #tpu.memory_space<vmem_shared>> -> memref<10240x24xf32, #tpu.memory_space<vmem_shared>>
      tpu.enqueue_indirect_dma source(%arg19 : memref<80x24xf32, #tpu.memory_space<vmem>>) target(%dma_start3A_146 : memref<10240x24xf32, #tpu.memory_space<vmem_shared>>) offsets(%arg16 : memref<80xi32, #tpu.memory_space<vmem>>) semaphore(%arg27 : memref<!tpu.dma_semaphore, #tpu.memory_space<semaphore_mem>>) {add = true}
      %ge3A_147 = arith.constant 1 : i32
      %ge3A_148 = arith.cmpi sge, %add3A_130, %ge3A_147 : i32
      %convert_element_type3A_149 = arith.extui %ge3A_148 : i1 to i32
      %cond3A_150 = arith.constant 0 : i32
      %cond3A_151 = arith.cmpi ne, %convert_element_type3A_149, %cond3A_150 : i32
      scf.if %cond3A_151 {
        %sub3A = arith.constant 1 : i32
        %sub3A_159 = arith.subi %add3A_130, %sub3A : i32
        %dma_wait3A_160 = arith.constant 0 : i32
        %dma_wait3A_161 = arith.constant 0 : i32
        %dma_wait3A_162 = tpu.memref_slice %arg20[%dma_wait3A_160, %dma_wait3A_161] : memref<10240x24xf32, #tpu.memory_space<vmem_shared>> -> memref<10240x24xf32, #tpu.memory_space<vmem_shared>>
        tpu.wait_indirect_dma semaphore(%arg26 : memref<!tpu.dma_semaphore, #tpu.memory_space<semaphore_mem>>) src(%arg18 : memref<80x24xf32, #tpu.memory_space<vmem>>) dst(%dma_wait3A_162 : memref<10240x24xf32, #tpu.memory_space<vmem_shared>>)
      } else {
      }
      %add3A_152 = arith.constant 2 : i32
      %add3A_153 = arith.addi %add3A_130, %add3A_152 : i32
      %lt3A_154 = arith.constant 126 : i32
      %lt3A_155 = arith.cmpi slt, %add3A_153, %lt3A_154 : i32
      %convert_element_type3A_156 = arith.extui %lt3A_155 : i1 to i32
      %cond3A_157 = arith.constant 0 : i32
      %cond3A_158 = arith.cmpi ne, %convert_element_type3A_156, %cond3A_157 : i32
      scf.if %cond3A_158 {
        %add3A_159 = arith.constant 2 : i32
        %add3A_160 = arith.addi %add3A_130, %add3A_159 : i32
        %scan3A_161 = arith.constant 0 : i32
        %scan3A_162 = arith.constant 5 : i32
        %scan3A_163 = arith.addi %scan3A_161, %scan3A_162 : i32
        %scan3A_164 = arith.constant 1 : i32
        scf.for %scan3A_171 = %scan3A_161 to %scan3A_163 step %scan3A_164  : i32 {
          %mul3A_172 = arith.constant 16 : i32
          %mul3A_173 = arith.muli %scan3A_171, %mul3A_172 : i32
          %get3A_174 = arith.index_cast %add3A_160 : i32 to index
          %get3A_175 = arith.index_cast %mul3A_173 : i32 to index
          %get3A_176 = tpu.vector_load %arg10[%get3A_174, %get3A_175] {strides = array<i32>} : memref<126x80xi32, #tpu.memory_space<vmem>>, vector<16xi32>,
          %shift_right_logical3A = arith.constant 16 : i32
          %shift_right_logical3A_177 = vector.broadcast %shift_right_logical3A : i32 to vector<16xi32>
          %shift_right_logical3A_178 = arith.shrui %get3A_176, %shift_right_logical3A_177 : vector<16xi32>
          %mul3A_179 = arith.constant 16 : i32
          %mul3A_180 = arith.muli %scan3A_171, %mul3A_179 : i32
          %swap3A = arith.index_cast %mul3A_180 : i32 to index
          %swap3A_181 = tpu.vector_load %arg12[%swap3A] {strides = array<i32>} : memref<80xi32, #tpu.memory_space<vmem>>, vector<16xi32>,
          tpu.vector_store %arg12[%swap3A], %shift_right_logical3A_178 {strides = array<i32>} : memref<80xi32, #tpu.memory_space<vmem>>, vector<16xi32>,
          %and3A = arith.constant 65535 : i32
          %and3A_182 = vector.broadcast %and3A : i32 to vector<16xi32>
          %and3A_183 = arith.andi %get3A_176, %and3A_182 : vector<16xi32>
          %mul3A_184 = arith.constant 16 : i32
          %mul3A_185 = arith.muli %scan3A_171, %mul3A_184 : i32
          %swap3A_186 = arith.index_cast %mul3A_185 : i32 to index
          %swap3A_187 = tpu.vector_load %arg15[%swap3A_186] {strides = array<i32>} : memref<80xi32, #tpu.memory_space<vmem>>, vector<16xi32>,
          tpu.vector_store %arg15[%swap3A_186], %and3A_183 {strides = array<i32>} : memref<80xi32, #tpu.memory_space<vmem>>, vector<16xi32>,
        }
        %scan3A_165 = arith.constant 5 : i32
        %add3A_166 = arith.constant 2 : i32
        %add3A_167 = arith.addi %add3A_130, %add3A_166 : i32
        %dma_start3A_168 = arith.constant 0 : i32
        %dma_start3A_169 = arith.constant 0 : i32
        %dma_start3A_170 = tpu.memref_slice %arg21[%dma_start3A_168, %dma_start3A_169] : memref<10000x24xf32, #tpu.memory_space<vmem_shared>> -> memref<10000x24xf32, #tpu.memory_space<vmem_shared>>
        tpu.enqueue_indirect_dma source(%dma_start3A_170 : memref<10000x24xf32, #tpu.memory_space<vmem_shared>>) target(%arg18 : memref<80x24xf32, #tpu.memory_space<vmem>>) offsets(%arg12 : memref<80xi32, #tpu.memory_space<vmem>>) semaphore(%arg23 : memref<!tpu.dma_semaphore, #tpu.memory_space<semaphore_mem>>)
      } else {
      }
    }
    %scan3A_42 = arith.constant 42 : i32
    %dma_wait3A = arith.constant 0 : i32
    %dma_wait3A_43 = arith.constant 0 : i32
    %dma_wait3A_44 = tpu.memref_slice %arg20[%dma_wait3A, %dma_wait3A_43] : memref<10240x24xf32, #tpu.memory_space<vmem_shared>> -> memref<10240x24xf32, #tpu.memory_space<vmem_shared>>
    tpu.wait_indirect_dma semaphore(%arg27 : memref<!tpu.dma_semaphore, #tpu.memory_space<semaphore_mem>>) src(%arg19 : memref<80x24xf32, #tpu.memory_space<vmem>>) dst(%dma_wait3A_44 : memref<10240x24xf32, #tpu.memory_space<vmem_shared>>)
    %barrier3A_45 = arith.constant 0 : index
    tpu.barrier barrier_id(%barrier3A_45)
    %mul3A_46 = arith.constant 640 : i32
    %mul3A_47 = arith.muli %arg1, %mul3A_46 : i32
    %add3A_48 = arith.constant 0 : i32
    %add3A_49 = arith.addi %mul3A_47, %add3A_48 : i32
    "tpu.region"() ({
      %run_scoped3A = tpu.sem_alloc : memref<!tpu.dma_semaphore, #tpu.memory_space<semaphore_mem>>
      %dma_start3A_66 = arith.constant 0 : i32
      %dma_start3A_67 = tpu.memref_slice %arg6[%arg0, %add3A_49, %dma_start3A_66] : memref<2x10240x24xf32, #tpu.memory_space<hbm>> -> memref<1x128x24xf32, #tpu.memory_space<hbm>>
      %dma_start3A_68 = tpu.memref_squeeze %dma_start3A_67 : memref<1x128x24xf32, #tpu.memory_space<hbm>> -> memref<128x24xf32, #tpu.memory_space<hbm>>
      %dma_start3A_69 = arith.constant 0 : i32
      %dma_start3A_70 = tpu.memref_slice %arg20[%add3A_49, %dma_start3A_69] : memref<10240x24xf32, #tpu.memory_space<vmem_shared>> -> memref<128x24xf32, #tpu.memory_space<vmem_shared>>
      tpu.enqueue_dma source(%dma_start3A_70 : memref<128x24xf32, #tpu.memory_space<vmem_shared>>) target(%dma_start3A_68 : memref<128x24xf32, #tpu.memory_space<hbm>>) target_semaphore(%run_scoped3A : memref<!tpu.dma_semaphore, #tpu.memory_space<semaphore_mem>>)
      %dma_wait3A_71 = arith.constant 0 : i32
      %dma_wait3A_72 = tpu.memref_slice %arg6[%arg0, %add3A_49, %dma_wait3A_71] : memref<2x10240x24xf32, #tpu.memory_space<hbm>> -> memref<1x128x24xf32, #tpu.memory_space<hbm>>
      %dma_wait3A_73 = tpu.memref_squeeze %dma_wait3A_72 : memref<1x128x24xf32, #tpu.memory_space<hbm>> -> memref<128x24xf32, #tpu.memory_space<hbm>>
      %dma_wait3A_74 = arith.constant 0 : i32
      %dma_wait3A_75 = tpu.memref_slice %arg20[%add3A_49, %dma_wait3A_74] : memref<10240x24xf32, #tpu.memory_space<vmem_shared>> -> memref<128x24xf32, #tpu.memory_space<vmem_shared>>
      tpu.wait_dma2 semaphore(%run_scoped3A : memref<!tpu.dma_semaphore, #tpu.memory_space<semaphore_mem>>) src(%dma_wait3A_75 : memref<128x24xf32, #tpu.memory_space<vmem_shared>>) dst(%dma_wait3A_73 : memref<128x24xf32, #tpu.memory_space<hbm>>)
      tpu.yield
    }) : () -> ()
    %mul3A_50 = arith.constant 640 : i32
    %mul3A_51 = arith.muli %arg1, %mul3A_50 : i32
    %add3A_52 = arith.constant 128 : i32
    %add3A_53 = arith.addi %mul3A_51, %add3A_52 : i32
    "tpu.region"() ({
      %run_scoped3A = tpu.sem_alloc : memref<!tpu.dma_semaphore, #tpu.memory_space<semaphore_mem>>
      %dma_start3A_66 = arith.constant 0 : i32
      %dma_start3A_67 = tpu.memref_slice %arg6[%arg0, %add3A_53, %dma_start3A_66] : memref<2x10240x24xf32, #tpu.memory_space<hbm>> -> memref<1x128x24xf32, #tpu.memory_space<hbm>>
      %dma_start3A_68 = tpu.memref_squeeze %dma_start3A_67 : memref<1x128x24xf32, #tpu.memory_space<hbm>> -> memref<128x24xf32, #tpu.memory_space<hbm>>
      %dma_start3A_69 = arith.constant 0 : i32
      %dma_start3A_70 = tpu.memref_slice %arg20[%add3A_53, %dma_start3A_69] : memref<10240x24xf32, #tpu.memory_space<vmem_shared>> -> memref<128x24xf32, #tpu.memory_space<vmem_shared>>
      tpu.enqueue_dma source(%dma_start3A_70 : memref<128x24xf32, #tpu.memory_space<vmem_shared>>) target(%dma_start3A_68 : memref<128x24xf32, #tpu.memory_space<hbm>>) target_semaphore(%run_scoped3A : memref<!tpu.dma_semaphore, #tpu.memory_space<semaphore_mem>>)
      %dma_wait3A_71 = arith.constant 0 : i32
      %dma_wait3A_72 = tpu.memref_slice %arg6[%arg0, %add3A_53, %dma_wait3A_71] : memref<2x10240x24xf32, #tpu.memory_space<hbm>> -> memref<1x128x24xf32, #tpu.memory_space<hbm>>
      %dma_wait3A_73 = tpu.memref_squeeze %dma_wait3A_72 : memref<1x128x24xf32, #tpu.memory_space<hbm>> -> memref<128x24xf32, #tpu.memory_space<hbm>>
      %dma_wait3A_74 = arith.constant 0 : i32
      %dma_wait3A_75 = tpu.memref_slice %arg20[%add3A_53, %dma_wait3A_74] : memref<10240x24xf32, #tpu.memory_space<vmem_shared>> -> memref<128x24xf32, #tpu.memory_space<vmem_shared>>
      tpu.wait_dma2 semaphore(%run_scoped3A : memref<!tpu.dma_semaphore, #tpu.memory_space<semaphore_mem>>) src(%dma_wait3A_75 : memref<128x24xf32, #tpu.memory_space<vmem_shared>>) dst(%dma_wait3A_73 : memref<128x24xf32, #tpu.memory_space<hbm>>)
      tpu.yield
    }) : () -> ()
    %mul3A_54 = arith.constant 640 : i32
    %mul3A_55 = arith.muli %arg1, %mul3A_54 : i32
    %add3A_56 = arith.constant 256 : i32
    %add3A_57 = arith.addi %mul3A_55, %add3A_56 : i32
    "tpu.region"() ({
      %run_scoped3A = tpu.sem_alloc : memref<!tpu.dma_semaphore, #tpu.memory_space<semaphore_mem>>
      %dma_start3A_66 = arith.constant 0 : i32
      %dma_start3A_67 = tpu.memref_slice %arg6[%arg0, %add3A_57, %dma_start3A_66] : memref<2x10240x24xf32, #tpu.memory_space<hbm>> -> memref<1x128x24xf32, #tpu.memory_space<hbm>>
      %dma_start3A_68 = tpu.memref_squeeze %dma_start3A_67 : memref<1x128x24xf32, #tpu.memory_space<hbm>> -> memref<128x24xf32, #tpu.memory_space<hbm>>
      %dma_start3A_69 = arith.constant 0 : i32
      %dma_start3A_70 = tpu.memref_slice %arg20[%add3A_57, %dma_start3A_69] : memref<10240x24xf32, #tpu.memory_space<vmem_shared>> -> memref<128x24xf32, #tpu.memory_space<vmem_shared>>
      tpu.enqueue_dma source(%dma_start3A_70 : memref<128x24xf32, #tpu.memory_space<vmem_shared>>) target(%dma_start3A_68 : memref<128x24xf32, #tpu.memory_space<hbm>>) target_semaphore(%run_scoped3A : memref<!tpu.dma_semaphore, #tpu.memory_space<semaphore_mem>>)
      %dma_wait3A_71 = arith.constant 0 : i32
      %dma_wait3A_72 = tpu.memref_slice %arg6[%arg0, %add3A_57, %dma_wait3A_71] : memref<2x10240x24xf32, #tpu.memory_space<hbm>> -> memref<1x128x24xf32, #tpu.memory_space<hbm>>
      %dma_wait3A_73 = tpu.memref_squeeze %dma_wait3A_72 : memref<1x128x24xf32, #tpu.memory_space<hbm>> -> memref<128x24xf32, #tpu.memory_space<hbm>>
      %dma_wait3A_74 = arith.constant 0 : i32
      %dma_wait3A_75 = tpu.memref_slice %arg20[%add3A_57, %dma_wait3A_74] : memref<10240x24xf32, #tpu.memory_space<vmem_shared>> -> memref<128x24xf32, #tpu.memory_space<vmem_shared>>
      tpu.wait_dma2 semaphore(%run_scoped3A : memref<!tpu.dma_semaphore, #tpu.memory_space<semaphore_mem>>) src(%dma_wait3A_75 : memref<128x24xf32, #tpu.memory_space<vmem_shared>>) dst(%dma_wait3A_73 : memref<128x24xf32, #tpu.memory_space<hbm>>)
      tpu.yield
    }) : () -> ()
    %mul3A_58 = arith.constant 640 : i32
    %mul3A_59 = arith.muli %arg1, %mul3A_58 : i32
    %add3A_60 = arith.constant 384 : i32
    %add3A_61 = arith.addi %mul3A_59, %add3A_60 : i32
    "tpu.region"() ({
      %run_scoped3A = tpu.sem_alloc : memref<!tpu.dma_semaphore, #tpu.memory_space<semaphore_mem>>
      %dma_start3A_66 = arith.constant 0 : i32
      %dma_start3A_67 = tpu.memref_slice %arg6[%arg0, %add3A_61, %dma_start3A_66] : memref<2x10240x24xf32, #tpu.memory_space<hbm>> -> memref<1x128x24xf32, #tpu.memory_space<hbm>>
      %dma_start3A_68 = tpu.memref_squeeze %dma_start3A_67 : memref<1x128x24xf32, #tpu.memory_space<hbm>> -> memref<128x24xf32, #tpu.memory_space<hbm>>
      %dma_start3A_69 = arith.constant 0 : i32
      %dma_start3A_70 = tpu.memref_slice %arg20[%add3A_61, %dma_start3A_69] : memref<10240x24xf32, #tpu.memory_space<vmem_shared>> -> memref<128x24xf32, #tpu.memory_space<vmem_shared>>
      tpu.enqueue_dma source(%dma_start3A_70 : memref<128x24xf32, #tpu.memory_space<vmem_shared>>) target(%dma_start3A_68 : memref<128x24xf32, #tpu.memory_space<hbm>>) target_semaphore(%run_scoped3A : memref<!tpu.dma_semaphore, #tpu.memory_space<semaphore_mem>>)
      %dma_wait3A_71 = arith.constant 0 : i32
      %dma_wait3A_72 = tpu.memref_slice %arg6[%arg0, %add3A_61, %dma_wait3A_71] : memref<2x10240x24xf32, #tpu.memory_space<hbm>> -> memref<1x128x24xf32, #tpu.memory_space<hbm>>
      %dma_wait3A_73 = tpu.memref_squeeze %dma_wait3A_72 : memref<1x128x24xf32, #tpu.memory_space<hbm>> -> memref<128x24xf32, #tpu.memory_space<hbm>>
      %dma_wait3A_74 = arith.constant 0 : i32
      %dma_wait3A_75 = tpu.memref_slice %arg20[%add3A_61, %dma_wait3A_74] : memref<10240x24xf32, #tpu.memory_space<vmem_shared>> -> memref<128x24xf32, #tpu.memory_space<vmem_shared>>
      tpu.wait_dma2 semaphore(%run_scoped3A : memref<!tpu.dma_semaphore, #tpu.memory_space<semaphore_mem>>) src(%dma_wait3A_75 : memref<128x24xf32, #tpu.memory_space<vmem_shared>>) dst(%dma_wait3A_73 : memref<128x24xf32, #tpu.memory_space<hbm>>)
      tpu.yield
    }) : () -> ()
    %mul3A_62 = arith.constant 640 : i32
    %mul3A_63 = arith.muli %arg1, %mul3A_62 : i32
    %add3A_64 = arith.constant 512 : i32
    %add3A_65 = arith.addi %mul3A_63, %add3A_64 : i32
    "tpu.region"() ({
      %run_scoped3A = tpu.sem_alloc : memref<!tpu.dma_semaphore, #tpu.memory_space<semaphore_mem>>
      %dma_start3A_66 = arith.constant 0 : i32
      %dma_start3A_67 = tpu.memref_slice %arg6[%arg0, %add3A_65, %dma_start3A_66] : memref<2x10240x24xf32, #tpu.memory_space<hbm>> -> memref<1x128x24xf32, #tpu.memory_space<hbm>>
      %dma_start3A_68 = tpu.memref_squeeze %dma_start3A_67 : memref<1x128x24xf32, #tpu.memory_space<hbm>> -> memref<128x24xf32, #tpu.memory_space<hbm>>
      %dma_start3A_69 = arith.constant 0 : i32
      %dma_start3A_70 = tpu.memref_slice %arg20[%add3A_65, %dma_start3A_69] : memref<10240x24xf32, #tpu.memory_space<vmem_shared>> -> memref<128x24xf32, #tpu.memory_space<vmem_shared>>
      tpu.enqueue_dma source(%dma_start3A_70 : memref<128x24xf32, #tpu.memory_space<vmem_shared>>) target(%dma_start3A_68 : memref<128x24xf32, #tpu.memory_space<hbm>>) target_semaphore(%run_scoped3A : memref<!tpu.dma_semaphore, #tpu.memory_space<semaphore_mem>>)
      %dma_wait3A_71 = arith.constant 0 : i32
      %dma_wait3A_72 = tpu.memref_slice %arg6[%arg0, %add3A_65, %dma_wait3A_71] : memref<2x10240x24xf32, #tpu.memory_space<hbm>> -> memref<1x128x24xf32, #tpu.memory_space<hbm>>
      %dma_wait3A_73 = tpu.memref_squeeze %dma_wait3A_72 : memref<1x128x24xf32, #tpu.memory_space<hbm>> -> memref<128x24xf32, #tpu.memory_space<hbm>>
      %dma_wait3A_74 = arith.constant 0 : i32
      %dma_wait3A_75 = tpu.memref_slice %arg20[%add3A_65, %dma_wait3A_74] : memref<10240x24xf32, #tpu.memory_space<vmem_shared>> -> memref<128x24xf32, #tpu.memory_space<vmem_shared>>
      tpu.wait_dma2 semaphore(%run_scoped3A : memref<!tpu.dma_semaphore, #tpu.memory_space<semaphore_mem>>) src(%dma_wait3A_75 : memref<128x24xf32, #tpu.memory_space<vmem_shared>>) dst(%dma_wait3A_73 : memref<128x24xf32, #tpu.memory_space<hbm>>)
      tpu.yield
    }) : () -> ()
    return
  }
}

module attributes {stable_mosaic.version = 14 : i64} {
  func.func @_phase1_body(%arg0: memref<10000x128xf32, #tpu.memory_space<vmem>>, %arg1: memref<128x64xf32, #tpu.memory_space<vmem>>, %arg2: memref<64x1xf32, #tpu.memory_space<vmem>>, %arg3: memref<64x1xf32, #tpu.memory_space<vmem>>, %arg4: memref<1x128xf32, #tpu.memory_space<vmem>>, %arg5: memref<1x128xf32, #tpu.memory_space<vmem>>, %arg6: memref<10000x72xf32, #tpu.memory_space<vmem>>, %arg7: memref<10000x1xf32, #tpu.memory_space<vmem>>, %arg8: memref<10000x1xf32, #tpu.memory_space<vmem>>, %arg9: memref<1x16xf32, #tpu.memory_space<vmem>>) attributes {dimension_semantics = [], scalar_prefetch = 0 : i64, scratch_operands = 0 : i64, tpu.core_type = #tpu.core_type<tc>} {
    %get3A = arith.constant 0 : index
    %get3A_0 = arith.constant 0 : index
    %get3A_1 = vector.load %arg0[%get3A, %get3A_0] : memref<10000x128xf32, #tpu.memory_space<vmem>>, vector<10000x128xf32>
    %reduce_sum3A = arith.constant dense<0.000000e+00> : vector<128xf32>
    %reduce_sum3A_2 = vector.multi_reduction <add>, %get3A_1, %reduce_sum3A [0] : vector<10000x128xf32> to vector<128xf32>
    %broadcast_in_dim3A = vector.shape_cast %reduce_sum3A_2 : vector<128xf32> to vector<1x128xf32>
    %div3A = arith.constant 1.000000e+04 : f32
    %div3A_3 = vector.broadcast %div3A : f32 to vector<1x128xf32>
    %div3A_4 = arith.divf %broadcast_in_dim3A, %div3A_3 : vector<1x128xf32>
    %sub3A = vector.broadcast %div3A_4 : vector<1x128xf32> to vector<10000x128xf32>
    %sub3A_5 = arith.subf %get3A_1, %sub3A : vector<10000x128xf32>
    %integer_pow3A = arith.mulf %sub3A_5, %sub3A_5 : vector<10000x128xf32>
    %reduce_sum3A_6 = arith.constant dense<0.000000e+00> : vector<128xf32>
    %reduce_sum3A_7 = vector.multi_reduction <add>, %integer_pow3A, %reduce_sum3A_6 [0] : vector<10000x128xf32> to vector<128xf32>
    %broadcast_in_dim3A_8 = vector.shape_cast %reduce_sum3A_7 : vector<128xf32> to vector<1x128xf32>
    %div3A_9 = arith.constant 1.000000e+04 : f32
    %div3A_10 = vector.broadcast %div3A_9 : f32 to vector<1x128xf32>
    %div3A_11 = arith.divf %broadcast_in_dim3A_8, %div3A_10 : vector<1x128xf32>
    %sub3A_12 = vector.broadcast %div3A_4 : vector<1x128xf32> to vector<10000x128xf32>
    %sub3A_13 = arith.subf %get3A_1, %sub3A_12 : vector<10000x128xf32>
    %add3A = arith.constant 9.99999974E-6 : f32
    %add3A_14 = vector.broadcast %add3A : f32 to vector<1x128xf32>
    %add3A_15 = arith.addf %div3A_11, %add3A_14 : vector<1x128xf32>
    %rsqrt3A = math.rsqrt %add3A_15 : vector<1x128xf32>
    %mul3A = vector.broadcast %rsqrt3A : vector<1x128xf32> to vector<10000x128xf32>
    %mul3A_16 = arith.mulf %sub3A_13, %mul3A : vector<10000x128xf32>
    %get3A_17 = arith.constant 0 : index
    %get3A_18 = arith.constant 0 : index
    %get3A_19 = vector.load %arg4[%get3A_17, %get3A_18] : memref<1x128xf32, #tpu.memory_space<vmem>>, vector<1x128xf32>
    %mul3A_20 = vector.broadcast %get3A_19 : vector<1x128xf32> to vector<10000x128xf32>
    %mul3A_21 = arith.mulf %mul3A_16, %mul3A_20 : vector<10000x128xf32>
    %get3A_22 = arith.constant 0 : index
    %get3A_23 = arith.constant 0 : index
    %get3A_24 = vector.load %arg5[%get3A_22, %get3A_23] : memref<1x128xf32, #tpu.memory_space<vmem>>, vector<1x128xf32>
    %add3A_25 = vector.broadcast %get3A_24 : vector<1x128xf32> to vector<10000x128xf32>
    %add3A_26 = arith.addf %mul3A_21, %add3A_25 : vector<10000x128xf32>
    %get3A_27 = arith.constant 0 : index
    %get3A_28 = arith.constant 0 : index
    %get3A_29 = vector.load %arg1[%get3A_27, %get3A_28] : memref<128x64xf32, #tpu.memory_space<vmem>>, vector<128x64xf32>
    %dot_general3A = arith.constant dense<0.000000e+00> : vector<10000x64xf32>
    %dot_general3A_30 = tpu.matmul %add3A_26, %get3A_29, %dot_general3A {dimension_numbers = #tpu.dot_dimension_numbers<[1], [0], [0], [1], [0, 0, 1, 1], [], []>, transpose_lhs_hint = false} : vector<10000x128xf32>, vector<128x64xf32>, vector<10000x64xf32> -> vector<10000x64xf32>
    %get3A_31 = arith.constant 0 : index
    %get3A_32 = arith.constant 0 : index
    %get3A_33 = vector.load %arg2[%get3A_31, %get3A_32] : memref<64x1xf32, #tpu.memory_space<vmem>>, vector<64x1xf32>
    %dot_general3A_34 = arith.constant dense<0.000000e+00> : vector<10000x1xf32>
    %dot_general3A_35 = tpu.matmul %dot_general3A_30, %get3A_33, %dot_general3A_34 {dimension_numbers = #tpu.dot_dimension_numbers<[1], [0], [0], [1], [0, 0, 1, 1], [], []>, transpose_lhs_hint = false} : vector<10000x64xf32>, vector<64x1xf32>, vector<10000x1xf32> -> vector<10000x1xf32>
    %get3A_36 = arith.constant 0 : index
    %get3A_37 = arith.constant 0 : index
    %get3A_38 = vector.load %arg3[%get3A_36, %get3A_37] : memref<64x1xf32, #tpu.memory_space<vmem>>, vector<64x1xf32>
    %dot_general3A_39 = arith.constant dense<0.000000e+00> : vector<10000x1xf32>
    %dot_general3A_40 = tpu.matmul %dot_general3A_30, %get3A_38, %dot_general3A_39 {dimension_numbers = #tpu.dot_dimension_numbers<[1], [0], [0], [1], [0, 0, 1, 1], [], []>, transpose_lhs_hint = false} : vector<10000x64xf32>, vector<64x1xf32>, vector<10000x1xf32> -> vector<10000x1xf32>
    %broadcast_in_dim3A_41 = arith.constant 0.000000e+00 : f32
    %broadcast_in_dim3A_42 = vector.broadcast %broadcast_in_dim3A_41 : f32 to vector<10000x7xf32>
    %concatenate3A = tpu.concatenate %dot_general3A_30, %dot_general3A_35, %broadcast_in_dim3A_42 in 1 : vector<10000x64xf32>, vector<10000x1xf32>, vector<10000x7xf32> -> vector<10000x72xf32>
    %swap3A = arith.constant 0 : index
    %swap3A_43 = arith.constant 0 : index
    %swap3A_44 = vector.load %arg6[%swap3A, %swap3A_43] : memref<10000x72xf32, #tpu.memory_space<vmem>>, vector<10000x72xf32>
    tpu.vector_store %arg6[%swap3A, %swap3A_43], %concatenate3A {strides = array<i32>} : memref<10000x72xf32, #tpu.memory_space<vmem>>, vector<10000x72xf32>,
    %swap3A_45 = arith.constant 0 : index
    %swap3A_46 = arith.constant 0 : index
    %swap3A_47 = vector.load %arg7[%swap3A_45, %swap3A_46] : memref<10000x1xf32, #tpu.memory_space<vmem>>, vector<10000x1xf32>
    tpu.vector_store %arg7[%swap3A_45, %swap3A_46], %dot_general3A_35 {strides = array<i32>} : memref<10000x1xf32, #tpu.memory_space<vmem>>, vector<10000x1xf32>,
    %swap3A_48 = arith.constant 0 : index
    %swap3A_49 = arith.constant 0 : index
    %swap3A_50 = vector.load %arg8[%swap3A_48, %swap3A_49] : memref<10000x1xf32, #tpu.memory_space<vmem>>, vector<10000x1xf32>
    tpu.vector_store %arg8[%swap3A_48, %swap3A_49], %dot_general3A_40 {strides = array<i32>} : memref<10000x1xf32, #tpu.memory_space<vmem>>, vector<10000x1xf32>,
    %reduce_max3A = vector.shape_cast %dot_general3A_35 : vector<10000x1xf32> to vector<1x10000x1xf32>
    %reduce_max3A_51 = arith.constant dense<0xFF800000> : vector<1xf32>
    %reduce_max3A_52 = vector.multi_reduction <maximumf>, %reduce_max3A, %reduce_max3A_51 [1, 2] : vector<1x10000x1xf32> to vector<1xf32>
    %reduce_max3A_53 = vector.shape_cast %reduce_max3A_52 : vector<1xf32> to vector<1x1x1xf32>
    %reduce_max3A_54 = vector.extract %reduce_max3A_53[0, 0, 0] : f32 from vector<1x1x1xf32>
    %reduce_max3A_55 = vector.shape_cast %dot_general3A_40 : vector<10000x1xf32> to vector<1x10000x1xf32>
    %reduce_max3A_56 = arith.constant dense<0xFF800000> : vector<1xf32>
    %reduce_max3A_57 = vector.multi_reduction <maximumf>, %reduce_max3A_55, %reduce_max3A_56 [1, 2] : vector<1x10000x1xf32> to vector<1xf32>
    %reduce_max3A_58 = vector.shape_cast %reduce_max3A_57 : vector<1xf32> to vector<1x1x1xf32>
    %reduce_max3A_59 = vector.extract %reduce_max3A_58[0, 0, 0] : f32 from vector<1x1x1xf32>
    %add3A_60 = arith.addf %reduce_max3A_54, %reduce_max3A_59 : f32
    %mul3A_61 = arith.constant 2.000000e-01 : f32
    %mul3A_62 = arith.mulf %mul3A_61, %add3A_60 : f32
    %max3A = arith.maximumf %add3A_60, %mul3A_62 : f32
    %broadcast_in_dim3A_63 = vector.broadcast %max3A : f32 to vector<1x16xf32>
    %swap3A_64 = arith.constant 0 : index
    %swap3A_65 = arith.constant 0 : index
    %swap3A_66 = vector.load %arg9[%swap3A_64, %swap3A_65] : memref<1x16xf32, #tpu.memory_space<vmem>>, vector<1x16xf32>
    tpu.vector_store %arg9[%swap3A_64, %swap3A_65], %broadcast_in_dim3A_63 {strides = array<i32>} : memref<1x16xf32, #tpu.memory_space<vmem>>, vector<1x16xf32>,
    return
  }
}

module attributes {stable_mosaic.version = 14 : i64} {
  func.func @_phase2_body(%arg0: memref<2x10240x72xf32, #tpu.memory_space<vmem>>, %arg1: memref<1x64xf32, #tpu.memory_space<vmem>>, %arg2: memref<1x64xf32, #tpu.memory_space<vmem>>, %arg3: memref<1x64xf32, #tpu.memory_space<vmem>>, %arg4: memref<64x16xf32, #tpu.memory_space<vmem>>, %arg5: memref<16x1xf32, #tpu.memory_space<vmem>>, %arg6: memref<16x1xf32, #tpu.memory_space<vmem>>, %arg7: memref<10000x24xf32, #tpu.memory_space<vmem>>, %arg8: memref<10000x1xf32, #tpu.memory_space<vmem>>, %arg9: memref<10000x1xf32, #tpu.memory_space<vmem>>, %arg10: memref<1x16xf32, #tpu.memory_space<vmem>>) attributes {dimension_semantics = [], scalar_prefetch = 0 : i64, scratch_operands = 0 : i64, tpu.core_type = #tpu.core_type<tc>} {
    %get3A = arith.constant 0 : index
    %get3A_0 = arith.constant 0 : index
    %get3A_1 = arith.constant 0 : index
    %get3A_2 = vector.load %arg0[%get3A, %get3A_0, %get3A_1] : memref<2x10240x72xf32, #tpu.memory_space<vmem>>, vector<1x10000x72xf32>
    %get3A_3 = vector.shape_cast %get3A_2 : vector<1x10000x72xf32> to vector<10000x72xf32>
    %get3A_4 = arith.constant 1 : index
    %get3A_5 = arith.constant 0 : index
    %get3A_6 = arith.constant 0 : index
    %get3A_7 = vector.load %arg0[%get3A_4, %get3A_5, %get3A_6] : memref<2x10240x72xf32, #tpu.memory_space<vmem>>, vector<1x10000x72xf32>
    %get3A_8 = vector.shape_cast %get3A_7 : vector<1x10000x72xf32> to vector<10000x72xf32>
    %add3A = arith.addf %get3A_3, %get3A_8 : vector<10000x72xf32>
    %slice3A = vector.extract_strided_slice %add3A {offsets = [0, 0], sizes = [10000, 64], strides = [1, 1]} : vector<10000x72xf32> to vector<10000x64xf32>
    %slice3A_9 = vector.extract_strided_slice %add3A {offsets = [0, 64], sizes = [10000, 1], strides = [1, 1]} : vector<10000x72xf32> to vector<10000x1xf32>
    %add3A_10 = arith.constant 1.000000e-16 : f32
    %add3A_11 = vector.broadcast %add3A_10 : f32 to vector<10000x1xf32>
    %add3A_12 = arith.addf %slice3A_9, %add3A_11 : vector<10000x1xf32>
    %div3A = vector.broadcast %add3A_12 : vector<10000x1xf32> to vector<10000x64xf32>
    %div3A_13 = arith.divf %slice3A, %div3A : vector<10000x64xf32>
    %get3A_14 = arith.constant 0 : index
    %get3A_15 = arith.constant 0 : index
    %get3A_16 = vector.load %arg1[%get3A_14, %get3A_15] : memref<1x64xf32, #tpu.memory_space<vmem>>, vector<1x64xf32>
    %add3A_17 = vector.broadcast %get3A_16 : vector<1x64xf32> to vector<10000x64xf32>
    %add3A_18 = arith.addf %div3A_13, %add3A_17 : vector<10000x64xf32>
    %tanh3A = math.tanh %add3A_18 : vector<10000x64xf32>
    %reduce_sum3A = arith.constant dense<0.000000e+00> : vector<64xf32>
    %reduce_sum3A_19 = vector.multi_reduction <add>, %tanh3A, %reduce_sum3A [0] : vector<10000x64xf32> to vector<64xf32>
    %broadcast_in_dim3A = vector.shape_cast %reduce_sum3A_19 : vector<64xf32> to vector<1x64xf32>
    %div3A_20 = arith.constant 1.000000e+04 : f32
    %div3A_21 = vector.broadcast %div3A_20 : f32 to vector<1x64xf32>
    %div3A_22 = arith.divf %broadcast_in_dim3A, %div3A_21 : vector<1x64xf32>
    %sub3A = vector.broadcast %div3A_22 : vector<1x64xf32> to vector<10000x64xf32>
    %sub3A_23 = arith.subf %tanh3A, %sub3A : vector<10000x64xf32>
    %integer_pow3A = arith.mulf %sub3A_23, %sub3A_23 : vector<10000x64xf32>
    %reduce_sum3A_24 = arith.constant dense<0.000000e+00> : vector<64xf32>
    %reduce_sum3A_25 = vector.multi_reduction <add>, %integer_pow3A, %reduce_sum3A_24 [0] : vector<10000x64xf32> to vector<64xf32>
    %broadcast_in_dim3A_26 = vector.shape_cast %reduce_sum3A_25 : vector<64xf32> to vector<1x64xf32>
    %div3A_27 = arith.constant 1.000000e+04 : f32
    %div3A_28 = vector.broadcast %div3A_27 : f32 to vector<1x64xf32>
    %div3A_29 = arith.divf %broadcast_in_dim3A_26, %div3A_28 : vector<1x64xf32>
    %sub3A_30 = vector.broadcast %div3A_22 : vector<1x64xf32> to vector<10000x64xf32>
    %sub3A_31 = arith.subf %tanh3A, %sub3A_30 : vector<10000x64xf32>
    %add3A_32 = arith.constant 9.99999974E-6 : f32
    %add3A_33 = vector.broadcast %add3A_32 : f32 to vector<1x64xf32>
    %add3A_34 = arith.addf %div3A_29, %add3A_33 : vector<1x64xf32>
    %rsqrt3A = math.rsqrt %add3A_34 : vector<1x64xf32>
    %mul3A = vector.broadcast %rsqrt3A : vector<1x64xf32> to vector<10000x64xf32>
    %mul3A_35 = arith.mulf %sub3A_31, %mul3A : vector<10000x64xf32>
    %get3A_36 = arith.constant 0 : index
    %get3A_37 = arith.constant 0 : index
    %get3A_38 = vector.load %arg2[%get3A_36, %get3A_37] : memref<1x64xf32, #tpu.memory_space<vmem>>, vector<1x64xf32>
    %mul3A_39 = vector.broadcast %get3A_38 : vector<1x64xf32> to vector<10000x64xf32>
    %mul3A_40 = arith.mulf %mul3A_35, %mul3A_39 : vector<10000x64xf32>
    %get3A_41 = arith.constant 0 : index
    %get3A_42 = arith.constant 0 : index
    %get3A_43 = vector.load %arg3[%get3A_41, %get3A_42] : memref<1x64xf32, #tpu.memory_space<vmem>>, vector<1x64xf32>
    %add3A_44 = vector.broadcast %get3A_43 : vector<1x64xf32> to vector<10000x64xf32>
    %add3A_45 = arith.addf %mul3A_40, %add3A_44 : vector<10000x64xf32>
    %get3A_46 = arith.constant 0 : index
    %get3A_47 = arith.constant 0 : index
    %get3A_48 = vector.load %arg4[%get3A_46, %get3A_47] : memref<64x16xf32, #tpu.memory_space<vmem>>, vector<64x16xf32>
    %dot_general3A = arith.constant dense<0.000000e+00> : vector<10000x16xf32>
    %dot_general3A_49 = tpu.matmul %add3A_45, %get3A_48, %dot_general3A {dimension_numbers = #tpu.dot_dimension_numbers<[1], [0], [0], [1], [0, 0, 1, 1], [], []>, transpose_lhs_hint = false} : vector<10000x64xf32>, vector<64x16xf32>, vector<10000x16xf32> -> vector<10000x16xf32>
    %get3A_50 = arith.constant 0 : index
    %get3A_51 = arith.constant 0 : index
    %get3A_52 = vector.load %arg5[%get3A_50, %get3A_51] : memref<16x1xf32, #tpu.memory_space<vmem>>, vector<16x1xf32>
    %dot_general3A_53 = arith.constant dense<0.000000e+00> : vector<10000x1xf32>
    %dot_general3A_54 = tpu.matmul %dot_general3A_49, %get3A_52, %dot_general3A_53 {dimension_numbers = #tpu.dot_dimension_numbers<[1], [0], [0], [1], [0, 0, 1, 1], [], []>, transpose_lhs_hint = false} : vector<10000x16xf32>, vector<16x1xf32>, vector<10000x1xf32> -> vector<10000x1xf32>
    %get3A_55 = arith.constant 0 : index
    %get3A_56 = arith.constant 0 : index
    %get3A_57 = vector.load %arg6[%get3A_55, %get3A_56] : memref<16x1xf32, #tpu.memory_space<vmem>>, vector<16x1xf32>
    %dot_general3A_58 = arith.constant dense<0.000000e+00> : vector<10000x1xf32>
    %dot_general3A_59 = tpu.matmul %dot_general3A_49, %get3A_57, %dot_general3A_58 {dimension_numbers = #tpu.dot_dimension_numbers<[1], [0], [0], [1], [0, 0, 1, 1], [], []>, transpose_lhs_hint = false} : vector<10000x16xf32>, vector<16x1xf32>, vector<10000x1xf32> -> vector<10000x1xf32>
    %broadcast_in_dim3A_60 = arith.constant 0.000000e+00 : f32
    %broadcast_in_dim3A_61 = vector.broadcast %broadcast_in_dim3A_60 : f32 to vector<10000x7xf32>
    %concatenate3A = tpu.concatenate %dot_general3A_49, %dot_general3A_54, %broadcast_in_dim3A_61 in 1 : vector<10000x16xf32>, vector<10000x1xf32>, vector<10000x7xf32> -> vector<10000x24xf32>
    %swap3A = arith.constant 0 : index
    %swap3A_62 = arith.constant 0 : index
    %swap3A_63 = vector.load %arg7[%swap3A, %swap3A_62] : memref<10000x24xf32, #tpu.memory_space<vmem>>, vector<10000x24xf32>
    tpu.vector_store %arg7[%swap3A, %swap3A_62], %concatenate3A {strides = array<i32>} : memref<10000x24xf32, #tpu.memory_space<vmem>>, vector<10000x24xf32>,
    %swap3A_64 = arith.constant 0 : index
    %swap3A_65 = arith.constant 0 : index
    %swap3A_66 = vector.load %arg8[%swap3A_64, %swap3A_65] : memref<10000x1xf32, #tpu.memory_space<vmem>>, vector<10000x1xf32>
    tpu.vector_store %arg8[%swap3A_64, %swap3A_65], %dot_general3A_54 {strides = array<i32>} : memref<10000x1xf32, #tpu.memory_space<vmem>>, vector<10000x1xf32>,
    %swap3A_67 = arith.constant 0 : index
    %swap3A_68 = arith.constant 0 : index
    %swap3A_69 = vector.load %arg9[%swap3A_67, %swap3A_68] : memref<10000x1xf32, #tpu.memory_space<vmem>>, vector<10000x1xf32>
    tpu.vector_store %arg9[%swap3A_67, %swap3A_68], %dot_general3A_59 {strides = array<i32>} : memref<10000x1xf32, #tpu.memory_space<vmem>>, vector<10000x1xf32>,
    %reduce_max3A = vector.shape_cast %dot_general3A_54 : vector<10000x1xf32> to vector<1x10000x1xf32>
    %reduce_max3A_70 = arith.constant dense<0xFF800000> : vector<1xf32>
    %reduce_max3A_71 = vector.multi_reduction <maximumf>, %reduce_max3A, %reduce_max3A_70 [1, 2] : vector<1x10000x1xf32> to vector<1xf32>
    %reduce_max3A_72 = vector.shape_cast %reduce_max3A_71 : vector<1xf32> to vector<1x1x1xf32>
    %reduce_max3A_73 = vector.extract %reduce_max3A_72[0, 0, 0] : f32 from vector<1x1x1xf32>
    %reduce_max3A_74 = vector.shape_cast %dot_general3A_59 : vector<10000x1xf32> to vector<1x10000x1xf32>
    %reduce_max3A_75 = arith.constant dense<0xFF800000> : vector<1xf32>
    %reduce_max3A_76 = vector.multi_reduction <maximumf>, %reduce_max3A_74, %reduce_max3A_75 [1, 2] : vector<1x10000x1xf32> to vector<1xf32>
    %reduce_max3A_77 = vector.shape_cast %reduce_max3A_76 : vector<1xf32> to vector<1x1x1xf32>
    %reduce_max3A_78 = vector.extract %reduce_max3A_77[0, 0, 0] : f32 from vector<1x1x1xf32>
    %add3A_79 = arith.addf %reduce_max3A_73, %reduce_max3A_78 : f32
    %mul3A_80 = arith.constant 2.000000e-01 : f32
    %mul3A_81 = arith.mulf %mul3A_80, %add3A_79 : f32
    %max3A = arith.maximumf %add3A_79, %mul3A_81 : f32
    %broadcast_in_dim3A_82 = vector.broadcast %max3A : f32 to vector<1x16xf32>
    %swap3A_83 = arith.constant 0 : index
    %swap3A_84 = arith.constant 0 : index
    %swap3A_85 = vector.load %arg10[%swap3A_83, %swap3A_84] : memref<1x16xf32, #tpu.memory_space<vmem>>, vector<1x16xf32>
    tpu.vector_store %arg10[%swap3A_83, %swap3A_84], %broadcast_in_dim3A_82 {strides = array<i32>} : memref<1x16xf32, #tpu.memory_space<vmem>>, vector<1x16xf32>,
    return
  }
}

module attributes {stable_mosaic.version = 14 : i64} {
  func.func @_phase3_body(%arg0: memref<2x10240x24xf32, #tpu.memory_space<vmem>>, %arg1: memref<1x16xf32, #tpu.memory_space<vmem>>, %arg2: memref<10000x16xf32, #tpu.memory_space<vmem>>) attributes {dimension_semantics = [], scalar_prefetch = 0 : i64, scratch_operands = 0 : i64, tpu.core_type = #tpu.core_type<tc>} {
    %get3A = arith.constant 0 : index
    %get3A_0 = arith.constant 0 : index
    %get3A_1 = arith.constant 0 : index
    %get3A_2 = vector.load %arg0[%get3A, %get3A_0, %get3A_1] : memref<2x10240x24xf32, #tpu.memory_space<vmem>>, vector<1x10000x24xf32>
    %get3A_3 = vector.shape_cast %get3A_2 : vector<1x10000x24xf32> to vector<10000x24xf32>
    %get3A_4 = arith.constant 1 : index
    %get3A_5 = arith.constant 0 : index
    %get3A_6 = arith.constant 0 : index
    %get3A_7 = vector.load %arg0[%get3A_4, %get3A_5, %get3A_6] : memref<2x10240x24xf32, #tpu.memory_space<vmem>>, vector<1x10000x24xf32>
    %get3A_8 = vector.shape_cast %get3A_7 : vector<1x10000x24xf32> to vector<10000x24xf32>
    %add3A = arith.addf %get3A_3, %get3A_8 : vector<10000x24xf32>
    %slice3A = vector.extract_strided_slice %add3A {offsets = [0, 0], sizes = [10000, 16], strides = [1, 1]} : vector<10000x24xf32> to vector<10000x16xf32>
    %slice3A_9 = vector.extract_strided_slice %add3A {offsets = [0, 16], sizes = [10000, 1], strides = [1, 1]} : vector<10000x24xf32> to vector<10000x1xf32>
    %add3A_10 = arith.constant 1.000000e-16 : f32
    %add3A_11 = vector.broadcast %add3A_10 : f32 to vector<10000x1xf32>
    %add3A_12 = arith.addf %slice3A_9, %add3A_11 : vector<10000x1xf32>
    %div3A = vector.broadcast %add3A_12 : vector<10000x1xf32> to vector<10000x16xf32>
    %div3A_13 = arith.divf %slice3A, %div3A : vector<10000x16xf32>
    %get3A_14 = arith.constant 0 : index
    %get3A_15 = arith.constant 0 : index
    %get3A_16 = vector.load %arg1[%get3A_14, %get3A_15] : memref<1x16xf32, #tpu.memory_space<vmem>>, vector<1x16xf32>
    %add3A_17 = vector.broadcast %get3A_16 : vector<1x16xf32> to vector<10000x16xf32>
    %add3A_18 = arith.addf %div3A_13, %add3A_17 : vector<10000x16xf32>
    %tanh3A = math.tanh %add3A_18 : vector<10000x16xf32>
    %reduce_max3A = arith.constant dense<0xFF800000> : vector<10000xf32>
    %reduce_max3A_19 = vector.multi_reduction <maximumf>, %tanh3A, %reduce_max3A [1] : vector<10000x16xf32> to vector<10000xf32>
    %broadcast_in_dim3A = vector.shape_cast %reduce_max3A_19 : vector<10000xf32> to vector<10000x1xf32>
    %sub3A = vector.broadcast %broadcast_in_dim3A : vector<10000x1xf32> to vector<10000x16xf32>
    %sub3A_20 = arith.subf %tanh3A, %sub3A : vector<10000x16xf32>
    %exp3A = math.exp %sub3A_20 : vector<10000x16xf32>
    %reduce_sum3A = arith.constant dense<0.000000e+00> : vector<10000xf32>
    %reduce_sum3A_21 = vector.multi_reduction <add>, %exp3A, %reduce_sum3A [1] : vector<10000x16xf32> to vector<10000xf32>
    %broadcast_in_dim3A_22 = vector.shape_cast %reduce_sum3A_21 : vector<10000xf32> to vector<10000x1xf32>
    %log3A = math.log %broadcast_in_dim3A_22 : vector<10000x1xf32>
    %sub3A_23 = vector.broadcast %broadcast_in_dim3A : vector<10000x1xf32> to vector<10000x16xf32>
    %sub3A_24 = arith.subf %tanh3A, %sub3A_23 : vector<10000x16xf32>
    %sub3A_25 = vector.broadcast %log3A : vector<10000x1xf32> to vector<10000x16xf32>
    %sub3A_26 = arith.subf %sub3A_24, %sub3A_25 : vector<10000x16xf32>
    %swap3A = arith.constant 0 : index
    %swap3A_27 = arith.constant 0 : index
    %swap3A_28 = vector.load %arg2[%swap3A, %swap3A_27] : memref<10000x16xf32, #tpu.memory_space<vmem>>, vector<10000x16xf32>
    tpu.vector_store %arg2[%swap3A, %swap3A_27], %sub3A_26 {strides = array<i32>} : memref<10000x16xf32, #tpu.memory_space<vmem>>, vector<10000x16xf32>,
    return
  }
}

</mosaic_0001>

<sc_bundles>
// kernel: kernel.10.cloned.1.call-start
scs
__scs_entry_jumppad:
0x0: {  	(pc) =	sbr.rel $0x88, $3  }
0x1: {  	(tag) =	ssettag $0x0;
	lr =	simm.s32 $0x1  }
0x2: {  	[smem:$0x3F93] =	sst lr;
	_ =	strace $0xD0000000  }
0x3: {  	_ = 	snop  }
0x4: {  	_ = 	snop  }
0x5: {  	_ = 	snop  }
0x6: {  	_ = 	snop  }
0x7: {  	_ = 	snop  }
__scs_overlays_trampoline_lowered:
0x8: {  	[smem:$0x3FA2] =	sst s0  }
0x9: {  	[smem:$0x3FA3] =	sst s1  }
0xa: {  	[smem:$0x3FA4] =	sst s2  }
0xb: {  	[smem:$0x3FA5] =	sst s3  }
0xc: {  	[smem:$0x3FA6] =	sst s4  }
0xd: {  	[smem:$0x3FA7] =	sst s5  }
0xe: {  	[smem:$0x3FA8] =	sst s6  }
0xf: {  	[smem:$0x3FA9] =	sst s7  }
0x10: {  	[smem:$0x3FAA] =	sst s8  }
0x11: {  	[smem:$0x3FAB] =	sst s9;
	s0 =	simm.s32 @!p0 $0x0  }
0x12: {  	s1 =	sld [smem:$0x3F91];
	s0 =	simm.s32 @p0 $0x1  }
0x13: {  	[smem:$0x3FAC] =	sst s0;
	s0 =	simm.s32 @!p1 $0x0  }
0x14: {  	s2 =	sld [smem:$0x3F90];
	s0 =	simm.s32 @p1 $0x1  }
0x15: {  	[smem:$0x3FAD] =	sst s0;
	s0 =	simm.s32 @!p2 $0x0  }
0x16: {  	s3 =	sld [smem:$0x3FDB];
	s0 =	simm.s32 @p2 $0x1  }
0x17: {  	s4 =	simm.s32 $0x1BF5;
	[smem:$0x3FAF] =	sst s0  }
0x18: {  	s0 =	sld [smem:$0x3F92];
	_ =	swait.ge [sflag:s4], $0x0  }
0x19: {  	s7 =	sld [smem:$0x3F93]  }
0x1a: {  	s8 =	sadd.s32 $0xFFFFE003, lr  }
0x1b: {  	s9 =	sadd.s32 $0xFFFFFEF7, lr;
	s5 =	simm.s32 $0xFFFFFFFF;
	p2 =	slt.u32 s8, $0xFFFFF086  }
0x1c: {  	p1 =	slt.u32 s9, $0xF7A;
	s5 =	simm.s32 @!p2 $0x0  }
0x1d: {  	s5 =	simm.s32 @p1 $0x1;
	p0 =	seq.s32 s7, s2  }
0x1e: {  	s7 =	smul.u32 @!p0 $0xF7A, s2;
	p2 =	seq.s32 @!p0 s5, $0x0  }
0x1f: {  	s9 =	smul.u32 $0xF7A, s1;
	s8 =	simm.s32 @!p0 $0x1BF5;
	p2 =	por !p2, p0  }
0x20: {  	[sflag:s8] =	ssyncset.s32 @!p0 $0xFFFFF086;
	s6 =	sadd.s32 @!p0 s3, s7;
	s7 =	simm.s32 @!p0 $0x108  }
0x21: {  	s3 =	sadd.s32 s3, s9;
	s6 =	sadd.s32 @!p0 $0x88, s6;
	s7 =	simm.s32 @p2 $0x1082  }
0x22: {  	[simem:s7], [sflag:s8] =	dma.local @!p0 [hbm:s6], $0xF7A  }
0x23: {  	s9 =	sor.u32 $0xD0000000, s2;
	s6 =	simm.s32 $0x108;
	_ =	swait.ge @!p0 [sflag:s8], $0x0  }
0x24: {  	s3 =	sadd.s32 $0x88, s3;
	s6 =	simm.s32 @!p1 $0x1082;
	[sflag:s4] =	ssyncset.s32 $0xFFFFF086  }
0x25: {  	[simem:s6], [sflag:s4] =	dma.local [hbm:s3], $0xF7A  }
0x26: {  	[smem:$0x3F93] =	sst s1;
	(tag) =	ssettag s2;
	_ =	strace s9  }
0x27: {  	s1 =	sld [smem:$0x3FA3]  }
0x28: {  	s2 =	sld [smem:$0x3FA4]  }
0x29: {  	s4 =	sld [smem:$0x3FA6]  }
0x2a: {  	p0 =	seq.s32 s5, $0x0;
	s5 =	sld [smem:$0x3FA7]  }
0x2b: {  	s6 =	sld [smem:$0x3FA8]  }
0x2c: {  	s7 =	sld [smem:$0x3FA9]  }
0x2d: {  	s3 =	simm.s32 $0x108;
	s8 =	sld [smem:$0x3FAA]  }
0x2e: {  	s3 =	simm.s32 @!p0 $0x1082;
	s9 =	sld [smem:$0x3FAB]  }
0x2f: {  	lr =	sadd.s32 s0, s3;
	s0 =	sld [smem:$0x3FA2]  }
0x30: {  	s3 =	sld [smem:$0x3FA5]  }
0x31: {  	[smem:$0x3FAE] =	sst s10  }
0x32: {  	s10 =	sld [smem:$0x3FAC];
	_ =	sdelay $0x3  }
0x33: {  	p0 =	seq.s32 s10, $0x1;
	s10 =	sld [smem:$0x3FAE];
	_ =	sdelay $0x3  }
0x34: {  	[smem:$0x3FAE] =	sst s10  }
0x35: {  	s10 =	sld [smem:$0x3FAD];
	_ =	sdelay $0x3  }
0x36: {  	p1 =	seq.s32 s10, $0x1;
	s10 =	sld [smem:$0x3FAE];
	_ =	sdelay $0x3  }
0x37: {  	[smem:$0x3FAE] =	sst s10  }
0x38: {  	s10 =	sld [smem:$0x3FAF]  }
0x39: {  	_ = 	snop;
	(pc) =	sbr.ind lr, $3  }
0x3a: {  	_ = 	snop  }
0x3b: {  	_ = 	snop  }
0x3c: {  	p2 =	seq.s32 s10, $0x1;
	s10 =	sld [smem:$0x3FAE]  }
0x3d: {  	_ =	shalt  }
0x3e: {  	_ =	shalt  }
0x3f: {  	_ =	shalt  }
0x40: {  	_ =	shalt  }
0x41: {  	_ =	shalt  }
0x42: {  	_ =	shalt  }
0x43: {  	_ =	shalt  }
0x44: {  	_ =	shalt  }
0x45: {  	_ =	shalt  }
0x46: {  	_ =	shalt  }
0x47: {  	_ =	shalt  }
0x48: {  	_ =	shalt  }
0x49: {  	_ =	shalt  }
0x4a: {  	_ =	shalt  }
0x4b: {  	_ =	shalt  }
0x4c: {  	_ =	shalt  }
0x4d: {  	_ =	shalt  }
0x4e: {  	_ =	shalt  }
0x4f: {  	_ =	shalt  }
0x50: {  	_ =	shalt  }
0x51: {  	_ =	shalt  }
0x52: {  	_ =	shalt  }
0x53: {  	_ =	shalt  }
0x54: {  	_ =	shalt  }
0x55: {  	_ =	shalt  }
0x56: {  	_ =	shalt  }
0x57: {  	_ =	shalt  }
0x58: {  	_ =	shalt  }
0x59: {  	_ =	shalt  }
0x5a: {  	_ =	shalt  }
0x5b: {  	_ =	shalt  }
0x5c: {  	_ =	shalt  }
0x5d: {  	_ =	shalt  }
0x5e: {  	_ =	shalt  }
0x5f: {  	_ =	shalt  }
0x60: {  	_ =	shalt  }
0x61: {  	_ =	shalt  }
0x62: {  	_ =	shalt  }
0x63: {  	_ =	shalt  }
0x64: {  	_ =	shalt  }
0x65: {  	_ =	shalt  }
0x66: {  	_ =	shalt  }
0x67: {  	_ =	shalt  }
0x68: {  	_ =	shalt  }
0x69: {  	_ =	shalt  }
0x6a: {  	_ =	shalt  }
0x6b: {  	_ =	shalt  }
0x6c: {  	_ =	shalt  }
0x6d: {  	_ =	shalt  }
0x6e: {  	_ =	shalt  }
0x6f: {  	_ =	shalt  }
0x70: {  	_ =	shalt  }
0x71: {  	_ =	shalt  }
0x72: {  	_ =	shalt  }
0x73: {  	_ =	shalt  }
0x74: {  	_ =	shalt  }
0x75: {  	_ =	shalt  }
0x76: {  	_ =	shalt  }
0x77: {  	_ =	shalt  }
0x78: {  	_ =	shalt  }
0x79: {  	_ =	shalt  }
0x7a: {  	_ =	shalt  }
0x7b: {  	_ =	shalt  }
0x7c: {  	_ =	shalt  }
0x7d: {  	_ =	shalt  }
0x7e: {  	_ =	shalt  }
0x7f: {  	_ =	shalt  }
0x80: {  	_ =	shalt  }
0x81: {  	_ =	shalt  }
0x82: {  	_ =	shalt  }
0x83: {  	_ =	shalt  }
0x84: {  	_ =	shalt  }
0x85: {  	_ =	shalt  }
0x86: {  	_ =	shalt  }
0x87: {  	_ =	shalt  }
.Lfunc_end0:
.L_simem_size_0:
called_computation.1_lowered:
.L_overlay_start_0:
0x88: {  	s2 =	sld [smem:$0x3FD9]  }
0x89: {  	s3 =	sld [smem:$0x3FFE];
	_ =	sdelay $0x1  }
0x8a: {  	s1 =	srdreg.scid  }
0x8b: {  	s0 =	sand.u32 $0x1, s1  }
0x8c: {  	s17 =	sshll.u32 s0, $0xA;
	s2 =	sadd.s32 s3, s2  }
0x8d: {  	s2 =	sadd.s32 s2, s17  }
0x8e: {  	[smem:$0x3FBA] =	sst s2  }
0x8f: {  	_ = 	snop  }
0x90: {  	s2 =	sld [smem:$0x3FD0];
	(tm) =	ssettm $0x1  }
0x91: {  	s18 =	sld [smem:$0x3FFB];
	_ =	sdelay $0x3  }
0x92: {  	_ =	strace s18  }
0x93: {  	s3 =	sld [smem:$0x3FFC];
	_ =	sdelay $0x3  }
0x94: {  	_ =	strace s3  }
0x95: {  	s3 =	sld [smem:$0x3FFD];
	_ =	sdelay $0x3  }
0x96: {  	_ =	strace s3  }
0x97: {  	_ =	strace $0x8FFFFFFF  }
0x98: {  	s19 =	sld [smem:$0x3FDB];
	_ =	sdelay $0x1  }
0x99: {  	s4 =	simm.s32 $_scs_section_size  }
0x9a: {  	s5 =	simm.s32 $_size__tile_overlayer_lowered;
	s6 =	simm.s32 $_tile_overlayer_lowered  }
0x9b: {  	s22 =	simm.s32 $0x1BFF;
	s21 =	sshll.u32 s6, $0x1;
	s3 =	sadd.s32 s4, s19  }
0x9c: {  	s7 =	simm.s32 $0x0;
	s20 =	sshll.u32 s5, $0x1;
	s5 =	sadd.s32 s21, s3  }
0x9d: {  	[timem:s7], [sflag:s22] =	dma.local [hbm:s5], s20  }
0x9e: {  	_ =	swait.ge [sflag:s22], s20  }
0x9f: {  	s4 =	ssub.s32 $0x0, s20;
	[sflag:s22] =	ssyncset.done $0x0  }
0xa0: {  	[sflag:s22] =	ssyncadd.s32 s4;
	_ =	sdelay $0x1  }
0xa1: {  	s23 =	simm.s32 $0x1B8B  }
0xa2: {  	_ =	swait.ge [sflag:s23], $0x1  }
0xa3: {  	[sflag:s23] =	ssyncset.done $0x0  }
0xa4: {  	s25 =	simm.s32 $0x1B8E;
	s24 =	sld [smem:$0x3FFE];
	[sflag:s23] =	ssyncadd.s32 $0xFFFFFFFF  }
0xa5: {  	s26 =	simm.s32 $execute0_lowered;
	[smem:$0x3FD2] =	sst s25  }
0xa6: {  	s5 =	sshll.u32 s26, $0x1;
	_ =	strace $0x80000049;
	[dreg:$0x1] =	wrdreg $0xFFFFFFFF  }
0xa7: {  	s28 =	simm.s32 $_size_execute0_lowered;
	s3 =	sadd.s32 s3, s5;
	[dreg:$0x0] =	wrdreg $0x0  }
0xa8: {  	s5 =	sshll.u32 s28, $0x1;
	[dreg:$0x2] =	wrdreg s3  }
0xa9: {  	[dreg:$0x3] =	wrdreg s5  }
0xaa: {  	[dreg:$0x4] =	wrdreg $0xC0  }
0xab: {  	_ =	task [dreg:s7], $0x5FFFF  }
0xac: {  	[dreg:$0x1] =	wrdreg $0xFFFFFFFF  }
0xad: {  	[dreg:$0x0] =	wrdreg $0x60  }
0xae: {  	[dreg:$0x2] =	wrdreg s24  }
0xaf: {  	[dreg:$0x3] =	wrdreg s2  }
0xb0: {  	[dreg:$0x4] =	wrdreg $0x67300  }
0xb1: {  	[dreg:$0x5] =	wrdreg $0xA3300  }
0xb2: {  	[dreg:$0x6] =	wrdreg $0x9  }
0xb3: {  	_ =	task.clear_ibuf [dreg:s7], $0x7FFFF;
	_ =	strace $0x90000049  }
0xb4: {  	s29 =	simm.s32 $0x9;
	_ =	strace $0x8000004B  }
0xb5: {  	_ =	swait.ge [sflag:s29], $0x1  }
0xb6: {  	[sflag:s29] =	ssyncadd.s32 $0xFFFFFFFF  }
0xb7: {  	_ =	strace $0x9000004B  }
0xb8: {  	_ =	sfence  }
0xb9: {  	s30 =	sld [smem:$0x0];
	_ =	sdelay $0x2  }
0xba: {  	s31 =	sshll.u32 s1, $0xD;
	s1 =	sshrl.u32 s1, $0x2  }
0xbb: {  	s3 =	sand.u32 $0x4000, s31;
	s1 =	sadd.s32 s1, s30  }
0xbc: {  	s0 =	sor.u32 s3, s0;
	s1 =	sshll.u32 s1, $0x11  }
0xbd: {  	s0 =	sor.u32 s1, s0  }
0xbe: {  	s0 =	sadd.s32 $0x8F2B, s0  }
0xbf: {  	[sflag:s0] =	ssyncadd.remote.s32 $0x1  }
0xc0: {  	_ =	sfence.sel $0xFFFF  }
0xc1: {  	[dreg:$0x0] =	wrdreg $0xFFFFFFFF;
	(pc) =	sbr.abs _section_cstart, $3  }
0xc2: {  	[dreg:$0x1] =	wrdreg $0xFFFFFFFF  }
0xc3: {  	_ =	task.clear_ibuf [dreg:s7], $0x2FFFF;
	_ =	strace $0x9FFFFFFF  }
0xc4: {  	(tm) =	ssettm $0x7FFFFFFF  }
0xc5: {  	_ =	shalt  }
tec
execute0_lowered:
.L_overlay_start_1:
0x0: {  	(tag) =	ssettag $0x1  }
0x1: {  	s0 =	rddreg [dreg:$0x0]  }
0x2: {  	s3 =	rddreg [dreg:$0x2]  }
0x3: {  	s4 =	rddreg [dreg:$0x3]  }
0x4: {  	s13 =	stileid.u32;
	s2 =	srdreg.scid  }
0x5: {  	s5 =	simm.s32 $0x0;
	s30 =	simm.s32 $0x7;
	s31 =	simm.s32 $0x50  }
0x6: {  	s1 =	smul.u32 $0x3A98, s13;
	s2 =	sand.u32 $0x1, s2;
	s6 =	sshll.u32 s13, $0x1  }
0x7: {  	[smem:$0x7FF] =	sst s5;
	s8 =	sadd.s32 $0xB800, s0;
	s10 =	smul.u32 $0x3C00, s13  }
0x8: {  	s13 =	smul.u32 $0xF000, s13;
	s6 =	sor.u32 s2, s6;
	_ =	strace $0x8000004A  }
0x9: {  	[dreg:$0x5] =	wrdreg s8;
	s19 =	ssub.s32 $0x2, s2;
	s2 =	smul.u32 $0x3C000, s2  }
0xa: {  	s7 =	sshrl.u32 s1, $0x3;
	s6 =	smul.u32 $0x4EC, s6;
	s9 =	sshrl.u32 s19, $0x1  }
0xb: {  	s1 =	sadd.s32 s1, s4;
	s21 =	sadd.s32 $0xC00, s10;
	s24 =	sadd.s32 $0x1800, s10  }
0xc: {  	s11 =	sadd.s32 s10, s3;
	s12 =	sadd.s32 $0x2400, s10;
	s16 =	sshrl.u32 s13, $0x2  }
0xd: {  	s13 =	simm.s32 $0x4;
	s7 =	sadd.s32 s7, s0;
	s8 =	ssub.s32 s19, s9  }
0xe: {  	s20 =	sadd.s32 s10, s2;
	s22 =	sadd.s32 s2, s21;
	s25 =	sadd.s32 s2, s24  }
0xf: {  	s9 =	sadd.s32 s21, s3;
	s26 =	sadd.s32 s2, s12;
	s10 =	sadd.s32 $0x3000, s10  }
0x10: {  	s14 =	sadd.s32 s12, s3;
	s15 =	sadd.s32 s16, s3;
	s21 =	sshrl.u32 s1, $0x3  }
0x11: {  	s1 =	simm.s32 $0x5830;
	s12 =	simm.s32 $0x5010;
	s16 =	simm.s32 $0x5  }
0x12: {  	s6 =	sadd.s32 s6, s0;
	s0 =	sadd.s32 $0x13000, s0;
	s7 =	sadd.s32 $0xBA00, s7  }
0x13: {  	s23 =	sshrl.u32 s22, $0x3;
	s2 =	sadd.s32 s2, s10;
	[dreg:$0x12] =	wrdreg s21  }
0x14: {  	s17 =	sadd.s32 s10, s3;
	s8 =	smax.u32 s8, $0x1;
	[dreg:$0x7] =	wrdreg s7  }
0x15: {  	s18 =	sadd.s32 $0xF00, s15;
	s19 =	sadd.s32 $0x1680, s15;
	[dreg:$0xd] =	wrdreg s8  }
0x16: {  	s22 =	sshrl.u32 s11, $0x3;
	s28 =	sadd.s32 $0x2D00, s15;
	[dreg:$0xf] =	wrdreg s18  }
0x17: {  	s29 =	sadd.s32 $0x3480, s15;
	s10 =	simm.s32 $0x5FB0;
	[dreg:$0x10] =	wrdreg s19  }
0x18: {  	s6 =	sadd.s32 $0x1A00, s6;
	s7 =	sadd.s32 s24, s3;
	[dreg:$0x13] =	wrdreg s22  }
0x19: {  	[dreg:$0x6] =	wrdreg s6;
	s6 =	sshrl.u32 s20, $0x3;
	s20 =	sadd.s32 $0x1E00, s15  }
0x1a: {  	s11 =	simm.s32 $0x2;
	s24 =	sshrl.u32 s7, $0x3;
	[dreg:$0x11] =	wrdreg s20  }
0x1b: {  	s2 =	sshrl.u32 s2, $0x3;
	s6 =	sadd.s32 s0, s6;
	[dreg:$0x15] =	wrdreg s24  }
0x1c: {  	s8 =	simm.s32 $0x4FC0;
	[dreg:$0x8] =	wrdreg s6;
	s6 =	sadd.s32 s0, s23  }
0x1d: {  	s18 =	simm.s32 $0x0;
	s23 =	sshrl.u32 s9, $0x3;
	[dreg:$0x9] =	wrdreg s6  }
0x1e: {  	s6 =	sshrl.u32 s25, $0x3;
	[dreg:$0x14] =	wrdreg s23;
	s25 =	sshrl.u32 s14, $0x3  }
0x1f: {  	s7 =	simm.s32 $0x2720;
	s6 =	sadd.s32 s0, s6;
	[dreg:$0x16] =	wrdreg s25  }
0x20: {  	s9 =	simm.s32 $0x4F70;
	s14 =	simm.s32 $0x5060;
	[dreg:$0xa] =	wrdreg s6  }
.Ltmp0:
0x21: {  	v0 =	vlaneseq.u32;
	s6 =	sshrl.u32 s26, $0x3;
	s26 =	sshrl.u32 s17, $0x3;
	(pc) =	sbr.rel .LBB2_1-.Ltmp0, $4  }
0x22: {  	v5 =	vmul.u32 $0x18, v0;
	s17 =	simm.s32 $0x6;
	s6 =	sadd.s32 s0, s6;
	[dreg:$0x17] =	wrdreg s26  }
0x23: {  	s0 =	sadd.s32 s0, s2;
	s26 =	sadd.s32 $0x2580, s15;
	[dreg:$0xb] =	wrdreg s6  }
0x24: {  	v0 =	vimm.f32 $0.0e+00;
	v1 =	vadd.s32 $0x10, v5;
	v2 =	vadd.s32 $0x190, v5;
	s2 =	simm.s32 $0x50B0;
	[dreg:$0xc] =	wrdreg s0;
	s0 =	sadd.s32 $0x780, s15  }
0x25: {  	v3 =	vadd.s32 $0x310, v5;
	v4 =	vadd.s32 $0x490, v5;
	v5 =	vadd.s32 $0x610, v5;
	s6 =	simm.s32 $0x1;
	[dreg:$0xe] =	wrdreg s0;
	s0 =	simm.s32 $0x4F20  }
.LBB2_12:
0x26: {  	_ =	swait.ge [sflag:s17], $0x780  }
0x27: {  	[sflag:s17] =	ssyncset.done $0x0  }
0x28: {  	[sflag:s17] =	ssyncadd.s32 $0xFFFFF880  }
0x29: {  	[bflag:$0x0] =	sbarrier.arrive $0xFFFF  }
0x2a: {  	s20 =	rddreg [dreg:$0x8]  }
0x2b: {  	s21 =	rddreg [dreg:$0x13]  }
0x2c: {  	[hbm:s20], [sflag:s19] =	dma.local [spmem:s21], $0x180  }
0x2d: {  	_ =	swait.ge [sflag:s30], $0x180  }
0x2e: {  	[sflag:s30] =	ssyncset.done $0x0;
	s22 =	rddreg [dreg:$0x9]  }
0x2f: {  	s23 =	rddreg [dreg:$0x14];
	[sflag:s30] =	ssyncadd.s32 $0xFFFFFE80  }
0x30: {  	[hbm:s22], [sflag:s19] =	dma.local [spmem:s23], $0x180  }
0x31: {  	_ =	swait.ge [sflag:s30], $0x180  }
0x32: {  	[sflag:s30] =	ssyncset.done $0x0;
	s24 =	rddreg [dreg:$0xa]  }
0x33: {  	s25 =	rddreg [dreg:$0x15];
	[sflag:s30] =	ssyncadd.s32 $0xFFFFFE80  }
0x34: {  	[hbm:s24], [sflag:s19] =	dma.local [spmem:s25], $0x180  }
0x35: {  	_ =	swait.ge [sflag:s30], $0x180  }
0x36: {  	[sflag:s30] =	ssyncset.done $0x0;
	s21 =	rddreg [dreg:$0xb]  }
0x37: {  	s22 =	rddreg [dreg:$0x16];
	[sflag:s30] =	ssyncadd.s32 $0xFFFFFE80  }
0x38: {  	[hbm:s21], [sflag:s19] =	dma.local [spmem:s22], $0x180  }
0x39: {  	_ =	swait.ge [sflag:s30], $0x180  }
0x3a: {  	[sflag:s30] =	ssyncset.done $0x0;
	s23 =	rddreg [dreg:$0xc]  }
0x3b: {  	s24 =	rddreg [dreg:$0x17];
	[sflag:s30] =	ssyncadd.s32 $0xFFFFFE80  }
0x3c: {  	[hbm:s23], [sflag:s19] =	dma.local [spmem:s24], $0x180  }
0x3d: {  	_ =	swait.ge [sflag:s30], $0x180  }
0x3e: {  	s18 =	sadd.s32 $0x1, s18;
	s25 =	rddreg [dreg:$0xd]  }
0x3f: {  	p0 =	sne.s32 s18, s25  }
.Ltmp1:
0x40: {  	_ = 	snop;
	(pc) =	sbr.rel @!p0 .LBB2_13-.Ltmp1, $3  }
0x41: {  	_ =	sdelay $0x1  }
0x42: {  	[sflag:s30] =	ssyncset.done $0x0  }
0x43: {  	[sflag:s30] =	ssyncadd.s32 $0xFFFFFE80  }
.LBB2_1:
0x44: {  	s19 =	rddreg [dreg:$0x1]  }
0x45: {  	[tilespmem:s5], [sflag:$0x7] =	stream.linear.gather [hbm4b:s19+s5], $0x2710, $0x38;
	[tilespmem:$0xDDC8] =	vst v63  }
0x46: {  	_ =	swait.ge [sflag:s30], $0x2710  }
0x47: {  	[sflag:s30] =	ssyncset.done $0x0  }
0x48: {  	s20 =	simm.s32 $0x2710;
	s23 =	rddreg [dreg:$0x5];
	[sflag:s30] =	ssyncadd.s32 $0xFFFFD8F0  }
0x49: {  	[tilespmem:s20], [sflag:$0x7] =	stream.linear.gather [hbm4b:s23+s5], $0x10, $0x38;
	[tilespmem:$0xDDC8] =	vst v63  }
0x4a: {  	_ =	swait.ge [sflag:s30], $0x10  }
0x4b: {  	[sflag:s30] =	ssyncset.done $0x0  }
0x4c: {  	s25 =	simm.s32 $0x2770;
	s24 =	rddreg [dreg:$0x6];
	[sflag:s30] =	ssyncadd.s32 $0xFFFFFFF0  }
0x4d: {  	[tilespmem:s25], [sflag:$0x7] =	stream.linear.gather [hbm4b:s24+s5], $0x2760, $0x38;
	[tilespmem:$0xDDC8] =	vst v63  }
0x4e: {  	_ =	swait.ge [sflag:s30], $0x2760  }
0x4f: {  	[sflag:s30] =	ssyncset.done $0x0  }
0x50: {  	s20 =	simm.s32 $0x0;
	[sflag:s30] =	ssyncadd.s32 $0xFFFFD8A0  }
0x51: {  	s19 =	simm.s32 $0x60;
	[tilespmem:s20+$0x50B0] =	vst v0  }
.LBB2_2:
0x52: {  	p0 =	sne.s32 s19, $0x1DA0;
	[tilespmem:s20+$0x50B8] =	vst v0;
	s20 =	smov.u32 s19;
	s19 =	sadd.s32 $0x60, s19  }
.Ltmp2:
0x53: {  	(pc) =	sbr.rel @p0 .LBB2_2-.Ltmp2, $3  }
0x54: {  	_ =	sdelay $0x1  }
0x55: {  	s20 =	sshra.s32 s20, $0x2  }
0x56: {  	[tilespmem:s20+$0x50B0] =	vst v0  }
0x57: {  	[tilespmem:s20+$0x50B8] =	vst v0  }
0x58: {  	[spmem:s15] =	stream.linear.scatter [tilespmem:s2], [sflag:$0x7], $0x780, $0x38;
	[tilespmem:$0xDDC8] =	vst v63  }
0x59: {  	_ =	swait.ge [sflag:s30], $0x780  }
0x5a: {  	[sflag:s30] =	ssyncset.done $0x0  }
0x5b: {  	s19 =	rddreg [dreg:$0xe];
	[sflag:s30] =	ssyncadd.s32 $0xFFFFF880  }
0x5c: {  	[spmem:s19] =	stream.linear.scatter [tilespmem:s2], [sflag:$0x7], $0x780, $0x38;
	[tilespmem:$0xDDC8] =	vst v63  }
0x5d: {  	_ =	swait.ge [sflag:s30], $0x780  }
0x5e: {  	[sflag:s30] =	ssyncset.done $0x0  }
0x5f: {  	s20 =	rddreg [dreg:$0xf];
	[sflag:s30] =	ssyncadd.s32 $0xFFFFF880  }
0x60: {  	[spmem:s20] =	stream.linear.scatter [tilespmem:s2], [sflag:$0x7], $0x780, $0x38;
	[tilespmem:$0xDDC8] =	vst v63  }
0x61: {  	_ =	swait.ge [sflag:s30], $0x780  }
0x62: {  	[sflag:s30] =	ssyncset.done $0x0  }
0x63: {  	s21 =	rddreg [dreg:$0x10];
	[sflag:s30] =	ssyncadd.s32 $0xFFFFF880  }
0x64: {  	[spmem:s21] =	stream.linear.scatter [tilespmem:s2], [sflag:$0x7], $0x780, $0x38;
	[tilespmem:$0xDDC8] =	vst v63  }
0x65: {  	_ =	swait.ge [sflag:s30], $0x780  }
0x66: {  	[sflag:s30] =	ssyncset.done $0x0  }
0x67: {  	s22 =	rddreg [dreg:$0x11];
	[sflag:s30] =	ssyncadd.s32 $0xFFFFF880  }
0x68: {  	[spmem:s22] =	stream.linear.scatter [tilespmem:s2], [sflag:$0x7], $0x780, $0x38;
	[tilespmem:$0xDDC8] =	vst v63  }
0x69: {  	_ =	swait.ge [sflag:s30], $0x780  }
0x6a: {  	[sflag:s30] =	ssyncset.done $0x0  }
0x6b: {  	[sflag:s30] =	ssyncadd.s32 $0xFFFFF880  }
0x6c: {  	[spmem:s26] =	stream.linear.scatter [tilespmem:s2], [sflag:$0x7], $0x780, $0x38;
	[tilespmem:$0xDDC8] =	vst v63  }
0x6d: {  	_ =	swait.ge [sflag:s30], $0x780  }
0x6e: {  	[sflag:s30] =	ssyncset.done $0x0  }
0x6f: {  	[sflag:s30] =	ssyncadd.s32 $0xFFFFF880  }
0x70: {  	[spmem:s28] =	stream.linear.scatter [tilespmem:s2], [sflag:$0x7], $0x780, $0x38;
	[tilespmem:$0xDDC8] =	vst v63  }
0x71: {  	_ =	swait.ge [sflag:s30], $0x780  }
0x72: {  	[sflag:s30] =	ssyncset.done $0x0  }
0x73: {  	[sflag:s30] =	ssyncadd.s32 $0xFFFFF880  }
0x74: {  	[spmem:s29] =	stream.linear.scatter [tilespmem:s2], [sflag:$0x7], $0x780, $0x38;
	[tilespmem:$0xDDC8] =	vst v63  }
0x75: {  	s23 =	stileid.u32;
	_ =	swait.ge [sflag:s30], $0x780  }
0x76: {  	s19 =	sshll.u32 s23, $0x6;
	[sflag:s30] =	ssyncset.done $0x0;
	s24 =	rddreg [dreg:$0x7]  }
0x77: {  	s19 =	sor.u32 $0x1C07, s19;
	s21 =	rddreg [dreg:$0x12];
	[sflag:s30] =	ssyncadd.s32 $0xFFFFF880  }
0x78: {  	[spmem:s21], [sflag:s19] =	dma.local [hbm:s24], $0x753  }
0x79: {  	_ =	swait.ge [sflag:s30], $0x753  }
0x7a: {  	[sflag:s30] =	ssyncset.done $0x0  }
0x7b: {  	[sflag:s30] =	ssyncadd.s32 $0xFFFFF8AD  }
0x7c: {  	[bflag:$0x0] =	sbarrier.arrive $0xFFFF  }
0x7d: {  	v6 =	vld [tilespmem:$0x2770];
	_ =	sdelay $0x1  }
0x7e: {  	v7 =	vld [tilespmem:$0x2780];
	_ =	sdelay $0x1  }
0x7f: {  	v8 =	vld [tilespmem:$0x2790]  }
0x80: {  	v9 =	vshrl.u32 v6, $0x10  }
0x81: {  	v61 =	vld [tilespmem:$0x27A0];
	v6 =	vand.u32 $0xFFFF, v6;
	[tilespmem:$0x4ED0] =	vst v9  }
0x82: {  	[tilespmem:$0x4FC0] =	vst v6;
	v6 =	vshrl.u32 v7, $0x10  }
0x83: {  	[tilespmem:$0x4EE0] =	vst v6;
	v6 =	vand.u32 $0xFFFF, v7;
	v7 =	vld [tilespmem:$0x27B0]  }
0x84: {  	[tilespmem:$0x4FD0] =	vst v6;
	v6 =	vshrl.u32 v8, $0x10  }
0x85: {  	[tilespmem:$0x4EF0] =	vst v6;
	v6 =	vand.u32 $0xFFFF, v8;
	v8 =	vld [tilespmem:$0x27C0]  }
0x86: {  	[tilespmem:$0x4FE0] =	vst v6;
	v6 =	vshrl.u32 v61, $0x10  }
0x87: {  	v62 =	vld [tilespmem:$0x27D0];
	[tilespmem:$0x4F00] =	vst v6;
	v6 =	vand.u32 $0xFFFF, v61  }
0x88: {  	[tilespmem:$0x4FF0] =	vst v6;
	v6 =	vshrl.u32 v7, $0x10  }
0x89: {  	[tilespmem:$0x4F10] =	vst v6;
	v6 =	vand.u32 $0xFFFF, v7;
	v7 =	vld [tilespmem:$0x27E0]  }
0x8a: {  	[tilespmem:$0x5000] =	vst v6;
	v6 =	vshrl.u32 v8, $0x10  }
0x8b: {  	v63 =	vld [tilespmem:$0x2800];
	[tilespmem:$0x4F20] =	vst v6;
	v6 =	vand.u32 $0xFFFF, v8  }
0x8c: {  	v8 =	vld [tilespmem:$0x27F0];
	[tilespmem:$0x5010] =	vst v6;
	v6 =	vshrl.u32 v62, $0x10  }
0x8d: {  	[tilespmem:$0x4F30] =	vst v6;
	v6 =	vand.u32 $0xFFFF, v62  }
0x8e: {  	[tilespmem:$0x5020] =	vst v6;
	v6 =	vshrl.u32 v7, $0x10  }
0x8f: {  	[tilespmem:$0x4F40] =	vst v6;
	v6 =	vand.u32 $0xFFFF, v7  }
0x90: {  	v7 =	vand.u32 $0xFFFF, v63;
	[tilespmem:$0x5030] =	vst v6  }
0x91: {  	v6 =	vshrl.u32 v8, $0x10;
	[tilespmem:$0x5050] =	vst v7  }
0x92: {  	[tilespmem:$0x4F50] =	vst v6;
	v6 =	vand.u32 $0xFFFF, v8  }
0x93: {  	[tilespmem:$0x5040] =	vst v6;
	v6 =	vshrl.u32 v63, $0x10  }
0x94: {  	s25 =	simm.s32 $0x4ED0;
	[tilespmem:$0x4F60] =	vst v6  }
0x95: {  	v6 =	vld [tilespmem:$0x2710];
	[tilespmem:s2], [sflag:$0x1] =	stream.indirect.gather [spmem:s4], $0x18, s25, s31, $0xb8  }
0x96: {  	s20 =	simm.s32 $0x0  }
0x97: {  	[tilespmem:s1], [sflag:$0x2] =	stream.indirect.gather [spmem:s4], $0x18, s0, s31, $0xb8;
	[tilespmem:$0xDDC8] =	vst v63  }
.LBB2_4:
0x98: {  	_ =	swait.ge [sflag:s6], $0x780  }
0x99: {  	[sflag:s6] =	ssyncset.done $0x0  }
0x9a: {  	[sflag:s6] =	ssyncadd.s32 $0xFFFFF880  }
0x9b: {  	v7 =	vld [tilespmem:$0x4FC0];
	_ =	sdelay $0x6  }
0x9c: {  	v8 =	vld.idx.msk [tilespmem:v1+s2+$0x0], $0xffff  }
0x9d: {  	v7 =	vld.idx.msk [tilespmem:v7+s5+$0x0], $0xffff;
	_ =	sdelay $0x4  }
0x9e: {  	v7 =	vadd.f32 v7, v8;
	_ =	sdelay $0x1  }
0x9f: {  	v8 =	vmul.f32 $2.000000030e-01, v7;
	_ =	sdelay $0x1  }
0xa0: {  	v7 =	vmax.f32 v7, v8  }
0xa1: {  	v7 =	vsub.f32 v7, v6;
	_ =	sdelay $0x1  }
0xa2: {  	v7 =	vmul.f32 $1.442695020e+00, v7;
	_ =	sdelay $0x1  }
0xa3: {  	(erf) = vpow2.f32 v7;
	_ =	sdelay $0x8  }
0xa4: {  	v7 =	vpop (erf)  }
0xa5: {  	[tilespmem:$0x2720] =	vst v7  }
0xa6: {  	[tilespmem:v1+s2+$0x0] =	vst.idx.msk $0xffff, v7  }
0xa7: {  	v7 =	vld [tilespmem:$0x4FD0];
	_ =	sdelay $0x6  }
0xa8: {  	v8 =	vld.idx.msk [tilespmem:v2+s2+$0x0], $0xffff  }
0xa9: {  	v7 =	vld.idx.msk [tilespmem:v7+s5+$0x0], $0xffff;
	_ =	sdelay $0x4  }
0xaa: {  	v7 =	vadd.f32 v7, v8;
	_ =	sdelay $0x1  }
0xab: {  	v8 =	vmul.f32 $2.000000030e-01, v7;
	_ =	sdelay $0x1  }
0xac: {  	v7 =	vmax.f32 v7, v8  }
0xad: {  	v7 =	vsub.f32 v7, v6;
	_ =	sdelay $0x1  }
0xae: {  	v7 =	vmul.f32 $1.442695020e+00, v7;
	_ =	sdelay $0x1  }
0xaf: {  	(erf) = vpow2.f32 v7;
	_ =	sdelay $0x8  }
0xb0: {  	v7 =	vpop (erf)  }
0xb1: {  	[tilespmem:$0x2730] =	vst v7  }
0xb2: {  	[tilespmem:v2+s2+$0x0] =	vst.idx.msk $0xffff, v7  }
0xb3: {  	v7 =	vld [tilespmem:$0x4FE0];
	_ =	sdelay $0x6  }
0xb4: {  	v8 =	vld.idx.msk [tilespmem:v3+s2+$0x0], $0xffff  }
0xb5: {  	v7 =	vld.idx.msk [tilespmem:v7+s5+$0x0], $0xffff;
	_ =	sdelay $0x4  }
0xb6: {  	v7 =	vadd.f32 v7, v8;
	_ =	sdelay $0x1  }
0xb7: {  	v8 =	vmul.f32 $2.000000030e-01, v7;
	_ =	sdelay $0x1  }
0xb8: {  	v7 =	vmax.f32 v7, v8  }
0xb9: {  	v7 =	vsub.f32 v7, v6;
	_ =	sdelay $0x1  }
0xba: {  	v7 =	vmul.f32 $1.442695020e+00, v7;
	_ =	sdelay $0x1  }
0xbb: {  	(erf) = vpow2.f32 v7;
	_ =	sdelay $0x8  }
0xbc: {  	v7 =	vpop (erf)  }
0xbd: {  	[tilespmem:$0x2740] =	vst v7  }
0xbe: {  	[tilespmem:v3+s2+$0x0] =	vst.idx.msk $0xffff, v7  }
0xbf: {  	v7 =	vld [tilespmem:$0x4FF0];
	_ =	sdelay $0x6  }
0xc0: {  	v8 =	vld.idx.msk [tilespmem:v4+s2+$0x0], $0xffff  }
0xc1: {  	v7 =	vld.idx.msk [tilespmem:v7+s5+$0x0], $0xffff;
	_ =	sdelay $0x4  }
0xc2: {  	v7 =	vadd.f32 v7, v8;
	_ =	sdelay $0x1  }
0xc3: {  	v8 =	vmul.f32 $2.000000030e-01, v7;
	_ =	sdelay $0x1  }
0xc4: {  	v7 =	vmax.f32 v7, v8  }
0xc5: {  	v7 =	vsub.f32 v7, v6;
	_ =	sdelay $0x1  }
0xc6: {  	v7 =	vmul.f32 $1.442695020e+00, v7;
	_ =	sdelay $0x1  }
0xc7: {  	(erf) = vpow2.f32 v7;
	_ =	sdelay $0x8  }
0xc8: {  	v7 =	vpop (erf)  }
0xc9: {  	[tilespmem:$0x2750] =	vst v7  }
0xca: {  	[tilespmem:v4+s2+$0x0] =	vst.idx.msk $0xffff, v7  }
0xcb: {  	v7 =	vld [tilespmem:$0x5000];
	_ =	sdelay $0x6  }
0xcc: {  	v8 =	vld.idx.msk [tilespmem:v5+s2+$0x0], $0xffff  }
0xcd: {  	v7 =	vld.idx.msk [tilespmem:v7+s5+$0x0], $0xffff;
	_ =	sdelay $0x4  }
0xce: {  	v7 =	vadd.f32 v7, v8;
	_ =	sdelay $0x1  }
0xcf: {  	v8 =	vmul.f32 $2.000000030e-01, v7;
	_ =	sdelay $0x1  }
0xd0: {  	v7 =	vmax.f32 v7, v8  }
0xd1: {  	v7 =	vsub.f32 v7, v6;
	_ =	sdelay $0x1  }
0xd2: {  	v7 =	vmul.f32 $1.442695020e+00, v7;
	_ =	sdelay $0x1  }
0xd3: {  	(erf) = vpow2.f32 v7;
	_ =	sdelay $0x2  }
0xd4: {  	s21 =	simm.s32 $0x0  }
0xd5: {  	v7 =	vmov s21  }
0xd6: {  	v7 =	vand.u32 $0xFFFFFFFC, v7  }
0xd7: {  	v7 =	vbroadcast v7, $0x0;
	_ =	sdelay $0x2  }
0xd8: {  	v8 =	vpop (erf)  }
0xd9: {  	[tilespmem:$0x2760] =	vst v8  }
0xda: {  	[tilespmem:v5+s2+$0x0] =	vst.idx.msk $0xffff, v8  }
0xdb: {  	s22 =	simm.s32 $0x1;
	s21 =	simm.s32 $0x50E0;
	v7 =	vld.idx.msk [tilespmem:v7+s7+$0x0], $0xffff  }
0xdc: {  	v9 =	vmov s22;
	v8 =	vld [tilespmem:s21+$0xFFFFFFD0]  }
0xdd: {  	v9 =	vand.u32 $0xFFFFFFFD, v9  }
0xde: {  	v9 =	vbroadcast v9, $0x0;
	_ =	sdelay $0x2  }
0xdf: {  	v7 =	vmul.f32 v8, v7;
	_ =	sdelay $0x1  }
0xe0: {  	s24 =	simm.s32 $0x2;
	v8 =	vld [tilespmem:s21+$0xFFFFFFE8];
	[tilespmem:s21+$0xFFFFFFD0] =	vst v7  }
0xe1: {  	v62 =	vmov s24;
	v7 =	vld.idx.msk [tilespmem:v9+s7+$0x0], $0xffff  }
0xe2: {  	v9 =	vand.u32 $0xFFFFFFFE, v62  }
0xe3: {  	v9 =	vbroadcast v9, $0x0;
	_ =	sdelay $0x2  }
0xe4: {  	v7 =	vmul.f32 v8, v7;
	_ =	sdelay $0x1  }
0xe5: {  	v8 =	vld [tilespmem:s21+$0x0];
	[tilespmem:s21+$0xFFFFFFE8] =	vst v7  }
0xe6: {  	v7 =	vld.idx.msk [tilespmem:v9+s7+$0x0], $0xffff;
	_ =	sdelay $0x1  }
0xe7: {  	s25 =	simm.s32 $0x3  }
0xe8: {  	v63 =	vmov s25;
	_ =	sdelay $0x1  }
0xe9: {  	v7 =	vmul.f32 v8, v7;
	_ =	sdelay $0x1  }
0xea: {  	[tilespmem:s21+$0x0] =	vst v7  }
0xeb: {  	s23 =	simm.s32 $0xB;
	s22 =	simm.s32 $0x7;
	s24 =	simm.s32 $0x4;
	v7 =	vld.idx.msk [tilespmem:v63+s7+$0x0], $0xffff  }
.LBB2_5:
0xec: {  	p0 =	sne.s32 s23, $0x4F;
	v8 =	vmov s24;
	v9 =	vld [tilespmem:s21+$0x18]  }
0xed: {  	v8 =	vand.u32 $0xFFFFFFFC, v8  }
0xee: {  	v8 =	vbroadcast v8, $0x0;
	_ =	sdelay $0x2  }
0xef: {  	v7 =	vmul.f32 v9, v7;
	_ =	sdelay $0x1  }
0xf0: {  	[tilespmem:s21+$0x18] =	vst v7  }
0xf1: {  	s24 =	sadd.s32 $0xFFFFFFFE, s22;
	s21 =	sadd.s32 $0x60, s21;
	v7 =	vld.idx.msk [tilespmem:v8+s7+$0x0], $0xffff  }
0xf2: {  	v9 =	vmov s24;
	v8 =	vld [tilespmem:s21+$0xFFFFFFD0]  }
0xf3: {  	v9 =	vand.u32 $0xFFFFFFFD, v9  }
0xf4: {  	v9 =	vbroadcast v9, $0x0;
	_ =	sdelay $0x2  }
0xf5: {  	v7 =	vmul.f32 v8, v7;
	_ =	sdelay $0x1  }
0xf6: {  	[tilespmem:s21+$0xFFFFFFD0] =	vst v7  }
0xf7: {  	s24 =	sadd.s32 $0xFFFFFFFF, s22;
	v7 =	vld.idx.msk [tilespmem:v9+s7+$0x0], $0xffff  }
0xf8: {  	v9 =	vmov s24;
	v8 =	vld [tilespmem:s21+$0xFFFFFFE8]  }
0xf9: {  	v9 =	vand.u32 $0xFFFFFFFE, v9  }
0xfa: {  	v9 =	vbroadcast v9, $0x0;
	_ =	sdelay $0x2  }
0xfb: {  	v7 =	vmul.f32 v8, v7;
	_ =	sdelay $0x1  }
0xfc: {  	[tilespmem:s21+$0xFFFFFFE8] =	vst v7  }
0xfd: {  	v7 =	vld.idx.msk [tilespmem:v9+s7+$0x0], $0xffff  }
0xfe: {  	v8 =	vld [tilespmem:s21+$0x0];
	_ =	sdelay $0x2  }
0xff: {  	v9 =	vmov s22;
	s22 =	smov.u32 s23  }
.Ltmp3:
0x100: {  	(pc) =	sbr.rel @p0 .LBB2_5-.Ltmp3, $3  }
0x101: {  	v7 =	vmul.f32 v8, v7;
	_ =	sdelay $0x1  }
0x102: {  	[tilespmem:s21+$0x0] =	vst v7  }
0x103: {  	s23 =	sadd.s32 $0x4, s23;
	s24 =	sadd.s32 $0xFFFFFFFD, s22;
	v7 =	vld.idx.msk [tilespmem:v9+s7+$0x0], $0xffff  }
0x104: {  	v8 =	vmov s24;
	v9 =	vld [tilespmem:s21+$0x18]  }
0x105: {  	v8 =	vand.u32 $0xFFFFFFFC, v8  }
0x106: {  	v8 =	vbroadcast v8, $0x0;
	_ =	sdelay $0x2  }
0x107: {  	v7 =	vmul.f32 v9, v7;
	_ =	sdelay $0x1  }
0x108: {  	[tilespmem:s21+$0x18] =	vst v7  }
0x109: {  	s23 =	sadd.s32 $0xFFFFFFFE, s22;
	s24 =	sadd.s32 $0x60, s21;
	v7 =	vld.idx.msk [tilespmem:v8+s7+$0x0], $0xffff  }
0x10a: {  	v58 =	vmov s23;
	v8 =	vld [tilespmem:s24+$0xFFFFFFD0]  }
0x10b: {  	v9 =	vand.u32 $0xFFFFFFFD, v58  }
0x10c: {  	v9 =	vbroadcast v9, $0x0;
	_ =	sdelay $0x2  }
0x10d: {  	v7 =	vmul.f32 v8, v7;
	_ =	sdelay $0x1  }
0x10e: {  	s25 =	sadd.s32 $0xFFFFFFFF, s22;
	v8 =	vld [tilespmem:s24+$0xFFFFFFE8];
	[tilespmem:s24+$0xFFFFFFD0] =	vst v7  }
0x10f: {  	v59 =	vmov s25;
	v7 =	vld.idx.msk [tilespmem:v9+s7+$0x0], $0xffff  }
0x110: {  	v9 =	vand.u32 $0xFFFFFFFE, v59  }
0x111: {  	v9 =	vbroadcast v9, $0x0;
	_ =	sdelay $0x2  }
0x112: {  	v7 =	vmul.f32 v8, v7;
	_ =	sdelay $0x1  }
0x113: {  	v8 =	vld [tilespmem:s24+$0x0];
	[tilespmem:s24+$0xFFFFFFE8] =	vst v7  }
0x114: {  	v7 =	vld.idx.msk [tilespmem:v9+s7+$0x0], $0xffff;
	_ =	sdelay $0x2  }
0x115: {  	v60 =	vmov s22;
	_ =	sdelay $0x1  }
0x116: {  	v7 =	vmul.f32 v8, v7;
	_ =	sdelay $0x1  }
0x117: {  	v8 =	vld [tilespmem:s24+$0x18];
	[tilespmem:s24+$0x0] =	vst v7  }
0x118: {  	v7 =	vld.idx.msk [tilespmem:v60+s7+$0x0], $0xffff;
	_ =	sdelay $0x4  }
0x119: {  	v7 =	vmul.f32 v8, v7  }
0x11a: {  	p0 =	seq.s32 s20, $0x0  }
0x11b: {  	s21 =	simm.s32 @!p0 $0x6;
	[tilespmem:s24+$0x18] =	vst v7  }
0x11c: {  	[spmem:s3] =	stream.indirect.scatter.add.f32 [tilespmem:s2], [sflag:$0x4], $0x18, s8, s31, $0xb8;
	[tilespmem:$0xDDC8] =	vst v63  }
0x11d: {  	s23 =	smul.u32 $0x3C0, s20;
	_ =	swait.ge @!p0 [sflag:s21], $0x780  }
0x11e: {  	[sflag:s21] =	ssyncset.done @!p0 $0x0  }
0x11f: {  	[sflag:s21] =	ssyncadd.s32 @!p0 $0xFFFFF880;
	s21 =	sshra.s32 s23, $0x2  }
0x120: {  	v7 =	vld [tilespmem:s21+$0x2810];
	_ =	sdelay $0x4  }
0x121: {  	v8 =	vshrl.u32 v7, $0x10  }
0x122: {  	v7 =	vand.u32 $0xFFFF, v7;
	[tilespmem:$0x4F70] =	vst v8  }
0x123: {  	[tilespmem:$0x5060] =	vst v7  }
0x124: {  	v7 =	vld [tilespmem:s21+$0x2820];
	_ =	sdelay $0x4  }
0x125: {  	v8 =	vshrl.u32 v7, $0x10  }
0x126: {  	v7 =	vand.u32 $0xFFFF, v7;
	[tilespmem:$0x4F80] =	vst v8  }
0x127: {  	[tilespmem:$0x5070] =	vst v7  }
0x128: {  	v7 =	vld [tilespmem:s21+$0x2830];
	_ =	sdelay $0x4  }
0x129: {  	v8 =	vshrl.u32 v7, $0x10  }
0x12a: {  	v7 =	vand.u32 $0xFFFF, v7;
	[tilespmem:$0x4F90] =	vst v8  }
0x12b: {  	[tilespmem:$0x5080] =	vst v7  }
0x12c: {  	v7 =	vld [tilespmem:s21+$0x2840];
	_ =	sdelay $0x4  }
0x12d: {  	v8 =	vshrl.u32 v7, $0x10  }
0x12e: {  	v7 =	vand.u32 $0xFFFF, v7;
	[tilespmem:$0x4FA0] =	vst v8  }
0x12f: {  	[tilespmem:$0x5090] =	vst v7  }
0x130: {  	v7 =	vld [tilespmem:s21+$0x2850];
	_ =	sdelay $0x4  }
0x131: {  	v8 =	vshrl.u32 v7, $0x10  }
0x132: {  	v7 =	vand.u32 $0xFFFF, v7;
	[tilespmem:$0x4FB0] =	vst v8  }
0x133: {  	[tilespmem:$0x50A0] =	vst v7  }
0x134: {  	[tilespmem:s10], [sflag:$0x3] =	stream.indirect.gather [spmem:s4], $0x18, s9, s31, $0xb8;
	[tilespmem:$0xDDC8] =	vst v63  }
0x135: {  	_ =	swait.ge [sflag:s11], $0x780  }
0x136: {  	[sflag:s11] =	ssyncset.done $0x0  }
0x137: {  	[sflag:s11] =	ssyncadd.s32 $0xFFFFF880  }
0x138: {  	v7 =	vld [tilespmem:$0x5010];
	_ =	sdelay $0x6  }
0x139: {  	v8 =	vld.idx.msk [tilespmem:v1+s1+$0x0], $0xffff  }
0x13a: {  	v7 =	vld.idx.msk [tilespmem:v7+s5+$0x0], $0xffff;
	_ =	sdelay $0x4  }
0x13b: {  	v7 =	vadd.f32 v7, v8;
	_ =	sdelay $0x1  }
0x13c: {  	v8 =	vmul.f32 $2.000000030e-01, v7;
	_ =	sdelay $0x1  }
0x13d: {  	v7 =	vmax.f32 v7, v8  }
0x13e: {  	v7 =	vsub.f32 v7, v6;
	_ =	sdelay $0x1  }
0x13f: {  	v7 =	vmul.f32 $1.442695020e+00, v7;
	_ =	sdelay $0x1  }
0x140: {  	(erf) = vpow2.f32 v7;
	_ =	sdelay $0x8  }
0x141: {  	v7 =	vpop (erf)  }
0x142: {  	[tilespmem:$0x2720] =	vst v7  }
0x143: {  	[tilespmem:v1+s1+$0x0] =	vst.idx.msk $0xffff, v7  }
0x144: {  	v7 =	vld [tilespmem:$0x5020];
	_ =	sdelay $0x6  }
0x145: {  	v8 =	vld.idx.msk [tilespmem:v2+s1+$0x0], $0xffff  }
0x146: {  	v7 =	vld.idx.msk [tilespmem:v7+s5+$0x0], $0xffff;
	_ =	sdelay $0x4  }
0x147: {  	v7 =	vadd.f32 v7, v8;
	_ =	sdelay $0x1  }
0x148: {  	v8 =	vmul.f32 $2.000000030e-01, v7;
	_ =	sdelay $0x1  }
0x149: {  	v7 =	vmax.f32 v7, v8  }
0x14a: {  	v7 =	vsub.f32 v7, v6;
	_ =	sdelay $0x1  }
0x14b: {  	v7 =	vmul.f32 $1.442695020e+00, v7;
	_ =	sdelay $0x1  }
0x14c: {  	(erf) = vpow2.f32 v7;
	_ =	sdelay $0x8  }
0x14d: {  	v7 =	vpop (erf)  }
0x14e: {  	[tilespmem:$0x2730] =	vst v7  }
0x14f: {  	[tilespmem:v2+s1+$0x0] =	vst.idx.msk $0xffff, v7  }
0x150: {  	v7 =	vld [tilespmem:$0x5030];
	_ =	sdelay $0x6  }
0x151: {  	v8 =	vld.idx.msk [tilespmem:v3+s1+$0x0], $0xffff  }
0x152: {  	v7 =	vld.idx.msk [tilespmem:v7+s5+$0x0], $0xffff;
	_ =	sdelay $0x4  }
0x153: {  	v7 =	vadd.f32 v7, v8;
	_ =	sdelay $0x1  }
0x154: {  	v8 =	vmul.f32 $2.000000030e-01, v7;
	_ =	sdelay $0x1  }
0x155: {  	v7 =	vmax.f32 v7, v8  }
0x156: {  	v7 =	vsub.f32 v7, v6;
	_ =	sdelay $0x1  }
0x157: {  	v7 =	vmul.f32 $1.442695020e+00, v7;
	_ =	sdelay $0x1  }
0x158: {  	(erf) = vpow2.f32 v7;
	_ =	sdelay $0x8  }
0x159: {  	v7 =	vpop (erf)  }
0x15a: {  	[tilespmem:$0x2740] =	vst v7  }
0x15b: {  	[tilespmem:v3+s1+$0x0] =	vst.idx.msk $0xffff, v7  }
0x15c: {  	v7 =	vld [tilespmem:$0x5040];
	_ =	sdelay $0x6  }
0x15d: {  	v8 =	vld.idx.msk [tilespmem:v4+s1+$0x0], $0xffff  }
0x15e: {  	v7 =	vld.idx.msk [tilespmem:v7+s5+$0x0], $0xffff;
	_ =	sdelay $0x4  }
0x15f: {  	v7 =	vadd.f32 v7, v8;
	_ =	sdelay $0x1  }
0x160: {  	v8 =	vmul.f32 $2.000000030e-01, v7;
	_ =	sdelay $0x1  }
0x161: {  	v7 =	vmax.f32 v7, v8  }
0x162: {  	v7 =	vsub.f32 v7, v6;
	_ =	sdelay $0x1  }
0x163: {  	v7 =	vmul.f32 $1.442695020e+00, v7;
	_ =	sdelay $0x1  }
0x164: {  	(erf) = vpow2.f32 v7;
	_ =	sdelay $0x8  }
0x165: {  	v7 =	vpop (erf)  }
0x166: {  	[tilespmem:$0x2750] =	vst v7  }
0x167: {  	[tilespmem:v4+s1+$0x0] =	vst.idx.msk $0xffff, v7  }
0x168: {  	v7 =	vld [tilespmem:$0x5050];
	_ =	sdelay $0x6  }
0x169: {  	v8 =	vld.idx.msk [tilespmem:v5+s1+$0x0], $0xffff  }
0x16a: {  	v7 =	vld.idx.msk [tilespmem:v7+s5+$0x0], $0xffff;
	_ =	sdelay $0x4  }
0x16b: {  	v7 =	vadd.f32 v7, v8;
	_ =	sdelay $0x1  }
0x16c: {  	v8 =	vmul.f32 $2.000000030e-01, v7;
	_ =	sdelay $0x1  }
0x16d: {  	v7 =	vmax.f32 v7, v8  }
0x16e: {  	v7 =	vsub.f32 v7, v6;
	_ =	sdelay $0x1  }
0x16f: {  	v7 =	vmul.f32 $1.442695020e+00, v7;
	_ =	sdelay $0x1  }
0x170: {  	(erf) = vpow2.f32 v7;
	_ =	sdelay $0x2  }
0x171: {  	s24 =	simm.s32 $0x0  }
0x172: {  	v7 =	vmov s24  }
0x173: {  	v7 =	vand.u32 $0xFFFFFFFC, v7  }
0x174: {  	v7 =	vbroadcast v7, $0x0;
	_ =	sdelay $0x2  }
0x175: {  	v8 =	vpop (erf)  }
0x176: {  	[tilespmem:$0x2760] =	vst v8  }
0x177: {  	[tilespmem:v5+s1+$0x0] =	vst.idx.msk $0xffff, v8  }
0x178: {  	s22 =	simm.s32 $0x5860;
	s25 =	simm.s32 $0x1;
	v7 =	vld.idx.msk [tilespmem:v7+s7+$0x0], $0xffff  }
0x179: {  	v61 =	vmov s25;
	v8 =	vld [tilespmem:s22+$0xFFFFFFD0]  }
0x17a: {  	v9 =	vand.u32 $0xFFFFFFFD, v61  }
0x17b: {  	v9 =	vbroadcast v9, $0x0;
	_ =	sdelay $0x2  }
0x17c: {  	v7 =	vmul.f32 v8, v7;
	_ =	sdelay $0x1  }
0x17d: {  	s24 =	simm.s32 $0x2;
	v8 =	vld [tilespmem:s22+$0xFFFFFFE8];
	[tilespmem:s22+$0xFFFFFFD0] =	vst v7  }
0x17e: {  	v62 =	vmov s24;
	v7 =	vld.idx.msk [tilespmem:v9+s7+$0x0], $0xffff  }
0x17f: {  	v9 =	vand.u32 $0xFFFFFFFE, v62  }
0x180: {  	v9 =	vbroadcast v9, $0x0;
	_ =	sdelay $0x2  }
0x181: {  	v7 =	vmul.f32 v8, v7;
	_ =	sdelay $0x1  }
0x182: {  	v8 =	vld [tilespmem:s22+$0x0];
	[tilespmem:s22+$0xFFFFFFE8] =	vst v7  }
0x183: {  	v7 =	vld.idx.msk [tilespmem:v9+s7+$0x0], $0xffff;
	_ =	sdelay $0x1  }
0x184: {  	s25 =	simm.s32 $0x3  }
0x185: {  	v63 =	vmov s25;
	_ =	sdelay $0x1  }
0x186: {  	v7 =	vmul.f32 v8, v7;
	_ =	sdelay $0x1  }
0x187: {  	[tilespmem:s22+$0x0] =	vst v7  }
0x188: {  	s25 =	simm.s32 $0x4;
	s23 =	simm.s32 $0x7;
	s24 =	simm.s32 $0xB;
	v7 =	vld.idx.msk [tilespmem:v63+s7+$0x0], $0xffff  }
.LBB2_7:
0x189: {  	p0 =	sne.s32 s24, $0x4F;
	v8 =	vmov s25;
	v9 =	vld [tilespmem:s22+$0x18]  }
0x18a: {  	v8 =	vand.u32 $0xFFFFFFFC, v8  }
0x18b: {  	v8 =	vbroadcast v8, $0x0;
	_ =	sdelay $0x2  }
0x18c: {  	v7 =	vmul.f32 v9, v7;
	_ =	sdelay $0x1  }
0x18d: {  	[tilespmem:s22+$0x18] =	vst v7  }
0x18e: {  	s25 =	sadd.s32 $0xFFFFFFFE, s23;
	s22 =	sadd.s32 $0x60, s22;
	v7 =	vld.idx.msk [tilespmem:v8+s7+$0x0], $0xffff  }
0x18f: {  	v9 =	vmov s25;
	v8 =	vld [tilespmem:s22+$0xFFFFFFD0]  }
0x190: {  	v9 =	vand.u32 $0xFFFFFFFD, v9  }
0x191: {  	v9 =	vbroadcast v9, $0x0;
	_ =	sdelay $0x2  }
0x192: {  	v7 =	vmul.f32 v8, v7;
	_ =	sdelay $0x1  }
0x193: {  	[tilespmem:s22+$0xFFFFFFD0] =	vst v7  }
0x194: {  	s25 =	sadd.s32 $0xFFFFFFFF, s23;
	v7 =	vld.idx.msk [tilespmem:v9+s7+$0x0], $0xffff  }
0x195: {  	v9 =	vmov s25;
	v8 =	vld [tilespmem:s22+$0xFFFFFFE8]  }
0x196: {  	v9 =	vand.u32 $0xFFFFFFFE, v9  }
0x197: {  	v9 =	vbroadcast v9, $0x0;
	_ =	sdelay $0x2  }
0x198: {  	v7 =	vmul.f32 v8, v7;
	_ =	sdelay $0x1  }
0x199: {  	[tilespmem:s22+$0xFFFFFFE8] =	vst v7  }
0x19a: {  	v7 =	vld.idx.msk [tilespmem:v9+s7+$0x0], $0xffff  }
0x19b: {  	v8 =	vld [tilespmem:s22+$0x0];
	_ =	sdelay $0x2  }
0x19c: {  	v9 =	vmov s23;
	s23 =	smov.u32 s24  }
.Ltmp4:
0x19d: {  	(pc) =	sbr.rel @p0 .LBB2_7-.Ltmp4, $3  }
0x19e: {  	v7 =	vmul.f32 v8, v7;
	_ =	sdelay $0x1  }
0x19f: {  	[tilespmem:s22+$0x0] =	vst v7  }
0x1a0: {  	s24 =	sadd.s32 $0x4, s24;
	s25 =	sadd.s32 $0xFFFFFFFD, s23;
	v7 =	vld.idx.msk [tilespmem:v9+s7+$0x0], $0xffff  }
0x1a1: {  	v8 =	vmov s25;
	v9 =	vld [tilespmem:s22+$0x18]  }
0x1a2: {  	v8 =	vand.u32 $0xFFFFFFFC, v8  }
0x1a3: {  	v8 =	vbroadcast v8, $0x0;
	_ =	sdelay $0x2  }
0x1a4: {  	v7 =	vmul.f32 v9, v7;
	_ =	sdelay $0x1  }
0x1a5: {  	[tilespmem:s22+$0x18] =	vst v7  }
0x1a6: {  	s24 =	sadd.s32 $0xFFFFFFFE, s23;
	s22 =	sadd.s32 $0x60, s22;
	v7 =	vld.idx.msk [tilespmem:v8+s7+$0x0], $0xffff  }
0x1a7: {  	v58 =	vmov s24;
	v8 =	vld [tilespmem:s22+$0xFFFFFFD0]  }
0x1a8: {  	v9 =	vand.u32 $0xFFFFFFFD, v58  }
0x1a9: {  	v9 =	vbroadcast v9, $0x0;
	_ =	sdelay $0x2  }
0x1aa: {  	v7 =	vmul.f32 v8, v7;
	_ =	sdelay $0x1  }
0x1ab: {  	s25 =	sadd.s32 $0xFFFFFFFF, s23;
	v8 =	vld [tilespmem:s22+$0xFFFFFFE8];
	[tilespmem:s22+$0xFFFFFFD0] =	vst v7  }
0x1ac: {  	v59 =	vmov s25;
	v7 =	vld.idx.msk [tilespmem:v9+s7+$0x0], $0xffff  }
0x1ad: {  	v9 =	vand.u32 $0xFFFFFFFE, v59  }
0x1ae: {  	v9 =	vbroadcast v9, $0x0;
	_ =	sdelay $0x2  }
0x1af: {  	v7 =	vmul.f32 v8, v7;
	_ =	sdelay $0x1  }
0x1b0: {  	v8 =	vld [tilespmem:s22+$0x0];
	[tilespmem:s22+$0xFFFFFFE8] =	vst v7  }
0x1b1: {  	v7 =	vld.idx.msk [tilespmem:v9+s7+$0x0], $0xffff;
	_ =	sdelay $0x2  }
0x1b2: {  	v60 =	vmov s23;
	_ =	sdelay $0x1  }
0x1b3: {  	v7 =	vmul.f32 v8, v7;
	_ =	sdelay $0x1  }
0x1b4: {  	v8 =	vld [tilespmem:s22+$0x18];
	[tilespmem:s22+$0x0] =	vst v7  }
0x1b5: {  	v7 =	vld.idx.msk [tilespmem:v60+s7+$0x0], $0xffff;
	_ =	sdelay $0x4  }
0x1b6: {  	v7 =	vmul.f32 v8, v7;
	_ =	sdelay $0x1  }
0x1b7: {  	[tilespmem:s22+$0x18] =	vst v7  }
0x1b8: {  	[spmem:s3] =	stream.indirect.scatter.add.f32 [tilespmem:s1], [sflag:$0x5], $0x18, s12, s31, $0xb8;
	[tilespmem:$0xDDC8] =	vst v63  }
0x1b9: {  	_ =	swait.ge [sflag:s13], $0x780  }
0x1ba: {  	[sflag:s13] =	ssyncset.done $0x0  }
0x1bb: {  	p0 =	seq.s32 s20, $0x29;
	[sflag:s13] =	ssyncadd.s32 $0xFFFFF880  }
0x1bc: {  	v7 =	vld @!p0 [tilespmem:s21+$0x2860];
	_ =	sdelay $0x4  }
0x1bd: {  	v8 =	vshrl.u32 @!p0 v7, $0x10  }
0x1be: {  	v7 =	vand.u32 @!p0 $0xFFFF, v7;
	[tilespmem:$0x4ED0] =	vst @!p0 v8  }
0x1bf: {  	[tilespmem:$0x4FC0] =	vst @!p0 v7  }
0x1c0: {  	v7 =	vld @!p0 [tilespmem:s21+$0x2870];
	_ =	sdelay $0x4  }
0x1c1: {  	v8 =	vshrl.u32 @!p0 v7, $0x10  }
0x1c2: {  	v7 =	vand.u32 @!p0 $0xFFFF, v7;
	[tilespmem:$0x4EE0] =	vst @!p0 v8  }
0x1c3: {  	[tilespmem:$0x4FD0] =	vst @!p0 v7  }
0x1c4: {  	v7 =	vld @!p0 [tilespmem:s21+$0x2880];
	_ =	sdelay $0x4  }
0x1c5: {  	v8 =	vshrl.u32 @!p0 v7, $0x10  }
0x1c6: {  	v7 =	vand.u32 @!p0 $0xFFFF, v7;
	[tilespmem:$0x4EF0] =	vst @!p0 v8  }
0x1c7: {  	[tilespmem:$0x4FE0] =	vst @!p0 v7  }
0x1c8: {  	v7 =	vld @!p0 [tilespmem:s21+$0x2890];
	_ =	sdelay $0x4  }
0x1c9: {  	v8 =	vshrl.u32 @!p0 v7, $0x10  }
0x1ca: {  	v7 =	vand.u32 @!p0 $0xFFFF, v7;
	[tilespmem:$0x4F00] =	vst @!p0 v8  }
0x1cb: {  	[tilespmem:$0x4FF0] =	vst @!p0 v7  }
0x1cc: {  	v7 =	vld @!p0 [tilespmem:s21+$0x28A0];
	_ =	sdelay $0x4  }
0x1cd: {  	v8 =	vshrl.u32 @!p0 v7, $0x10  }
0x1ce: {  	v7 =	vand.u32 @!p0 $0xFFFF, v7;
	[tilespmem:$0x4F10] =	vst @!p0 v8  }
0x1cf: {  	s23 =	simm.s32 @!p0 $0x4ED0;
	s24 =	simm.s32 @!p0 $0x50B0;
	s22 =	simm.s32 @!p0 $0x50;
	[tilespmem:$0x5000] =	vst @!p0 v7  }
0x1d0: {  	[tilespmem:s24], [sflag:$0x1] =	stream.indirect.gather @!p0 [spmem:s4], $0x18, s23, s22, $0xb8;
	[tilespmem:$0xDDC8] =	vst v63  }
0x1d1: {  	s23 =	simm.s32 $0x3  }
0x1d2: {  	_ =	swait.ge [sflag:s23], $0x780  }
0x1d3: {  	[sflag:s23] =	ssyncset.done $0x0  }
0x1d4: {  	[sflag:s23] =	ssyncadd.s32 $0xFFFFF880  }
0x1d5: {  	v7 =	vld [tilespmem:$0x5060];
	_ =	sdelay $0x6  }
0x1d6: {  	v8 =	vld.idx.msk [tilespmem:v1+s10+$0x0], $0xffff  }
0x1d7: {  	v7 =	vld.idx.msk [tilespmem:v7+s5+$0x0], $0xffff;
	_ =	sdelay $0x4  }
0x1d8: {  	v7 =	vadd.f32 v7, v8;
	_ =	sdelay $0x1  }
0x1d9: {  	v8 =	vmul.f32 $2.000000030e-01, v7;
	_ =	sdelay $0x1  }
0x1da: {  	v7 =	vmax.f32 v7, v8  }
0x1db: {  	v7 =	vsub.f32 v7, v6;
	_ =	sdelay $0x1  }
0x1dc: {  	v7 =	vmul.f32 $1.442695020e+00, v7;
	_ =	sdelay $0x1  }
0x1dd: {  	(erf) = vpow2.f32 v7;
	_ =	sdelay $0x8  }
0x1de: {  	v7 =	vpop (erf)  }
0x1df: {  	[tilespmem:$0x2720] =	vst v7  }
0x1e0: {  	[tilespmem:v1+s10+$0x0] =	vst.idx.msk $0xffff, v7  }
0x1e1: {  	v7 =	vld [tilespmem:$0x5070];
	_ =	sdelay $0x6  }
0x1e2: {  	v8 =	vld.idx.msk [tilespmem:v2+s10+$0x0], $0xffff  }
0x1e3: {  	v7 =	vld.idx.msk [tilespmem:v7+s5+$0x0], $0xffff;
	_ =	sdelay $0x4  }
0x1e4: {  	v7 =	vadd.f32 v7, v8;
	_ =	sdelay $0x1  }
0x1e5: {  	v8 =	vmul.f32 $2.000000030e-01, v7;
	_ =	sdelay $0x1  }
0x1e6: {  	v7 =	vmax.f32 v7, v8  }
0x1e7: {  	v7 =	vsub.f32 v7, v6;
	_ =	sdelay $0x1  }
0x1e8: {  	v7 =	vmul.f32 $1.442695020e+00, v7;
	_ =	sdelay $0x1  }
0x1e9: {  	(erf) = vpow2.f32 v7;
	_ =	sdelay $0x8  }
0x1ea: {  	v7 =	vpop (erf)  }
0x1eb: {  	[tilespmem:$0x2730] =	vst v7  }
0x1ec: {  	[tilespmem:v2+s10+$0x0] =	vst.idx.msk $0xffff, v7  }
0x1ed: {  	v7 =	vld [tilespmem:$0x5080];
	_ =	sdelay $0x6  }
0x1ee: {  	v8 =	vld.idx.msk [tilespmem:v3+s10+$0x0], $0xffff  }
0x1ef: {  	v7 =	vld.idx.msk [tilespmem:v7+s5+$0x0], $0xffff;
	_ =	sdelay $0x4  }
0x1f0: {  	v7 =	vadd.f32 v7, v8;
	_ =	sdelay $0x1  }
0x1f1: {  	v8 =	vmul.f32 $2.000000030e-01, v7;
	_ =	sdelay $0x1  }
0x1f2: {  	v7 =	vmax.f32 v7, v8  }
0x1f3: {  	v7 =	vsub.f32 v7, v6;
	_ =	sdelay $0x1  }
0x1f4: {  	v7 =	vmul.f32 $1.442695020e+00, v7;
	_ =	sdelay $0x1  }
0x1f5: {  	(erf) = vpow2.f32 v7;
	_ =	sdelay $0x8  }
0x1f6: {  	v7 =	vpop (erf)  }
0x1f7: {  	[tilespmem:$0x2740] =	vst v7  }
0x1f8: {  	[tilespmem:v3+s10+$0x0] =	vst.idx.msk $0xffff, v7  }
0x1f9: {  	v7 =	vld [tilespmem:$0x5090];
	_ =	sdelay $0x6  }
0x1fa: {  	v8 =	vld.idx.msk [tilespmem:v4+s10+$0x0], $0xffff  }
0x1fb: {  	v7 =	vld.idx.msk [tilespmem:v7+s5+$0x0], $0xffff;
	_ =	sdelay $0x4  }
0x1fc: {  	v7 =	vadd.f32 v7, v8;
	_ =	sdelay $0x1  }
0x1fd: {  	v8 =	vmul.f32 $2.000000030e-01, v7;
	_ =	sdelay $0x1  }
0x1fe: {  	v7 =	vmax.f32 v7, v8  }
0x1ff: {  	v7 =	vsub.f32 v7, v6;
	_ =	sdelay $0x1  }
0x200: {  	v7 =	vmul.f32 $1.442695020e+00, v7;
	_ =	sdelay $0x1  }
0x201: {  	(erf) = vpow2.f32 v7;
	_ =	sdelay $0x8  }
0x202: {  	v7 =	vpop (erf)  }
0x203: {  	[tilespmem:$0x2750] =	vst v7  }
0x204: {  	[tilespmem:v4+s10+$0x0] =	vst.idx.msk $0xffff, v7  }
0x205: {  	v7 =	vld [tilespmem:$0x50A0];
	_ =	sdelay $0x6  }
0x206: {  	v8 =	vld.idx.msk [tilespmem:v5+s10+$0x0], $0xffff  }
0x207: {  	v7 =	vld.idx.msk [tilespmem:v7+s5+$0x0], $0xffff;
	_ =	sdelay $0x4  }
0x208: {  	v7 =	vadd.f32 v7, v8;
	_ =	sdelay $0x1  }
0x209: {  	v8 =	vmul.f32 $2.000000030e-01, v7;
	_ =	sdelay $0x1  }
0x20a: {  	v7 =	vmax.f32 v7, v8  }
0x20b: {  	v7 =	vsub.f32 v7, v6;
	_ =	sdelay $0x1  }
0x20c: {  	v7 =	vmul.f32 $1.442695020e+00, v7;
	_ =	sdelay $0x1  }
0x20d: {  	(erf) = vpow2.f32 v7;
	_ =	sdelay $0x2  }
0x20e: {  	s24 =	simm.s32 $0x0  }
0x20f: {  	v7 =	vmov s24  }
0x210: {  	v7 =	vand.u32 $0xFFFFFFFC, v7  }
0x211: {  	v7 =	vbroadcast v7, $0x0;
	_ =	sdelay $0x2  }
0x212: {  	v8 =	vpop (erf)  }
0x213: {  	[tilespmem:$0x2760] =	vst v8  }
0x214: {  	[tilespmem:v5+s10+$0x0] =	vst.idx.msk $0xffff, v8  }
0x215: {  	s25 =	simm.s32 $0x1;
	s22 =	simm.s32 $0x5FE0;
	v7 =	vld.idx.msk [tilespmem:v7+s7+$0x0], $0xffff  }
0x216: {  	v61 =	vmov s25;
	v8 =	vld [tilespmem:s22+$0xFFFFFFD0]  }
0x217: {  	v9 =	vand.u32 $0xFFFFFFFD, v61  }
0x218: {  	v9 =	vbroadcast v9, $0x0;
	_ =	sdelay $0x2  }
0x219: {  	v7 =	vmul.f32 v8, v7;
	_ =	sdelay $0x1  }
0x21a: {  	s25 =	simm.s32 $0x2;
	v8 =	vld [tilespmem:s22+$0xFFFFFFE8];
	[tilespmem:s22+$0xFFFFFFD0] =	vst v7  }
0x21b: {  	v62 =	vmov s25;
	v7 =	vld.idx.msk [tilespmem:v9+s7+$0x0], $0xffff  }
0x21c: {  	v9 =	vand.u32 $0xFFFFFFFE, v62  }
0x21d: {  	v9 =	vbroadcast v9, $0x0;
	_ =	sdelay $0x2  }
0x21e: {  	v7 =	vmul.f32 v8, v7;
	_ =	sdelay $0x1  }
0x21f: {  	v8 =	vld [tilespmem:s22+$0x0];
	[tilespmem:s22+$0xFFFFFFE8] =	vst v7  }
0x220: {  	v7 =	vld.idx.msk [tilespmem:v9+s7+$0x0], $0xffff;
	_ =	sdelay $0x2  }
0x221: {  	v63 =	vmov s23;
	_ =	sdelay $0x1  }
0x222: {  	v7 =	vmul.f32 v8, v7;
	_ =	sdelay $0x1  }
0x223: {  	[tilespmem:s22+$0x0] =	vst v7  }
0x224: {  	s25 =	simm.s32 $0x4;
	s23 =	simm.s32 $0x7;
	s24 =	simm.s32 $0xB;
	v7 =	vld.idx.msk [tilespmem:v63+s7+$0x0], $0xffff  }
.LBB2_9:
0x225: {  	p1 =	sne.s32 s24, $0x4F;
	v8 =	vmov s25;
	v9 =	vld [tilespmem:s22+$0x18]  }
0x226: {  	v8 =	vand.u32 $0xFFFFFFFC, v8  }
0x227: {  	v8 =	vbroadcast v8, $0x0;
	_ =	sdelay $0x2  }
0x228: {  	v7 =	vmul.f32 v9, v7;
	_ =	sdelay $0x1  }
0x229: {  	[tilespmem:s22+$0x18] =	vst v7  }
0x22a: {  	s25 =	sadd.s32 $0xFFFFFFFE, s23;
	s22 =	sadd.s32 $0x60, s22;
	v7 =	vld.idx.msk [tilespmem:v8+s7+$0x0], $0xffff  }
0x22b: {  	v9 =	vmov s25;
	v8 =	vld [tilespmem:s22+$0xFFFFFFD0]  }
0x22c: {  	v9 =	vand.u32 $0xFFFFFFFD, v9  }
0x22d: {  	v9 =	vbroadcast v9, $0x0;
	_ =	sdelay $0x2  }
0x22e: {  	v7 =	vmul.f32 v8, v7;
	_ =	sdelay $0x1  }
0x22f: {  	[tilespmem:s22+$0xFFFFFFD0] =	vst v7  }
0x230: {  	s25 =	sadd.s32 $0xFFFFFFFF, s23;
	v7 =	vld.idx.msk [tilespmem:v9+s7+$0x0], $0xffff  }
0x231: {  	v9 =	vmov s25;
	v8 =	vld [tilespmem:s22+$0xFFFFFFE8]  }
0x232: {  	v9 =	vand.u32 $0xFFFFFFFE, v9  }
0x233: {  	v9 =	vbroadcast v9, $0x0;
	_ =	sdelay $0x2  }
0x234: {  	v7 =	vmul.f32 v8, v7;
	_ =	sdelay $0x1  }
0x235: {  	[tilespmem:s22+$0xFFFFFFE8] =	vst v7  }
0x236: {  	v7 =	vld.idx.msk [tilespmem:v9+s7+$0x0], $0xffff  }
0x237: {  	v8 =	vld [tilespmem:s22+$0x0];
	_ =	sdelay $0x2  }
0x238: {  	v9 =	vmov s23;
	s23 =	smov.u32 s24  }
.Ltmp5:
0x239: {  	(pc) =	sbr.rel @p1 .LBB2_9-.Ltmp5, $3  }
0x23a: {  	v7 =	vmul.f32 v8, v7;
	_ =	sdelay $0x1  }
0x23b: {  	[tilespmem:s22+$0x0] =	vst v7  }
0x23c: {  	s24 =	sadd.s32 $0x4, s24;
	s25 =	sadd.s32 $0xFFFFFFFD, s23;
	v7 =	vld.idx.msk [tilespmem:v9+s7+$0x0], $0xffff  }
0x23d: {  	v8 =	vmov s25;
	v9 =	vld [tilespmem:s22+$0x18]  }
0x23e: {  	v8 =	vand.u32 $0xFFFFFFFC, v8  }
0x23f: {  	v8 =	vbroadcast v8, $0x0;
	_ =	sdelay $0x2  }
0x240: {  	v7 =	vmul.f32 v9, v7;
	_ =	sdelay $0x1  }
0x241: {  	[tilespmem:s22+$0x18] =	vst v7  }
0x242: {  	s24 =	sadd.s32 $0xFFFFFFFE, s23;
	s22 =	sadd.s32 $0x60, s22;
	v7 =	vld.idx.msk [tilespmem:v8+s7+$0x0], $0xffff  }
0x243: {  	v61 =	vmov s24;
	v8 =	vld [tilespmem:s22+$0xFFFFFFD0]  }
0x244: {  	v9 =	vand.u32 $0xFFFFFFFD, v61  }
0x245: {  	v9 =	vbroadcast v9, $0x0;
	_ =	sdelay $0x2  }
0x246: {  	v7 =	vmul.f32 v8, v7;
	_ =	sdelay $0x1  }
0x247: {  	s25 =	sadd.s32 $0xFFFFFFFF, s23;
	v8 =	vld [tilespmem:s22+$0xFFFFFFE8];
	[tilespmem:s22+$0xFFFFFFD0] =	vst v7  }
0x248: {  	v62 =	vmov s25;
	v7 =	vld.idx.msk [tilespmem:v9+s7+$0x0], $0xffff  }
0x249: {  	v9 =	vand.u32 $0xFFFFFFFE, v62  }
0x24a: {  	v9 =	vbroadcast v9, $0x0;
	_ =	sdelay $0x2  }
0x24b: {  	v7 =	vmul.f32 v8, v7;
	_ =	sdelay $0x1  }
0x24c: {  	v8 =	vld [tilespmem:s22+$0x0];
	[tilespmem:s22+$0xFFFFFFE8] =	vst v7  }
0x24d: {  	v7 =	vld.idx.msk [tilespmem:v9+s7+$0x0], $0xffff;
	_ =	sdelay $0x2  }
0x24e: {  	v63 =	vmov s23;
	_ =	sdelay $0x1  }
0x24f: {  	v7 =	vmul.f32 v8, v7;
	_ =	sdelay $0x1  }
0x250: {  	v8 =	vld [tilespmem:s22+$0x18];
	[tilespmem:s22+$0x0] =	vst v7  }
0x251: {  	v7 =	vld.idx.msk [tilespmem:v63+s7+$0x0], $0xffff;
	_ =	sdelay $0x4  }
0x252: {  	v7 =	vmul.f32 v8, v7;
	_ =	sdelay $0x1  }
.Ltmp6:
0x253: {  	[tilespmem:s22+$0x18] =	vst v7;
	(pc) =	sbr.rel @p0 .LBB2_12-.Ltmp6, $4  }
0x254: {  	[spmem:s3] =	stream.indirect.scatter.add.f32 [tilespmem:s10], [sflag:$0x6], $0x18, s14, s31, $0xb8;
	[tilespmem:$0xDDC8] =	vst v63  }
0x255: {  	_ =	swait.ge [sflag:s16], $0x780  }
0x256: {  	[sflag:s16] =	ssyncset.done $0x0  }
0x257: {  	[sflag:s16] =	ssyncadd.s32 $0xFFFFF880  }
0x258: {  	v7 =	vld [tilespmem:s21+$0x28B0];
	_ =	sdelay $0x4  }
0x259: {  	v8 =	vshrl.u32 v7, $0x10  }
0x25a: {  	v7 =	vand.u32 $0xFFFF, v7;
	[tilespmem:$0x4F20] =	vst v8  }
0x25b: {  	[tilespmem:$0x5010] =	vst v7  }
0x25c: {  	v7 =	vld [tilespmem:s21+$0x28C0];
	_ =	sdelay $0x4  }
0x25d: {  	v8 =	vshrl.u32 v7, $0x10  }
0x25e: {  	v7 =	vand.u32 $0xFFFF, v7;
	[tilespmem:$0x4F30] =	vst v8  }
0x25f: {  	[tilespmem:$0x5020] =	vst v7  }
0x260: {  	v7 =	vld [tilespmem:s21+$0x28D0];
	_ =	sdelay $0x4  }
0x261: {  	v8 =	vshrl.u32 v7, $0x10  }
0x262: {  	v7 =	vand.u32 $0xFFFF, v7;
	[tilespmem:$0x4F40] =	vst v8  }
0x263: {  	[tilespmem:$0x5030] =	vst v7  }
0x264: {  	v7 =	vld [tilespmem:s21+$0x28E0];
	_ =	sdelay $0x4  }
0x265: {  	v8 =	vshrl.u32 v7, $0x10  }
0x266: {  	v7 =	vand.u32 $0xFFFF, v7;
	[tilespmem:$0x4F50] =	vst v8  }
0x267: {  	[tilespmem:$0x5040] =	vst v7  }
0x268: {  	v7 =	vld [tilespmem:s21+$0x28F0];
	_ =	sdelay $0x3  }
.Ltmp7:
0x269: {  	_ = 	snop;
	(pc) =	sbr.rel .LBB2_4-.Ltmp7, $4  }
0x26a: {  	v8 =	vshrl.u32 v7, $0x10  }
0x26b: {  	v7 =	vand.u32 $0xFFFF, v7;
	[tilespmem:$0x4F60] =	vst v8  }
0x26c: {  	s20 =	sadd.s32 $0x1, s20;
	[tilespmem:$0x5050] =	vst v7  }
0x26d: {  	[tilespmem:s1], [sflag:$0x2] =	stream.indirect.gather [spmem:s4], $0x18, s0, s31, $0xb8;
	[tilespmem:$0xDDC8] =	vst v63  }
.LBB2_13:
0x26e: {  	_ =	sfence.sel $0x180000  }
0x26f: {  	[bflag:$0x0] =	sbarrier.arrive $0xFFFF  }
0x270: {  	_ =	strace $0x9000004A  }
0x271: {  	s0 =	stileid.u32;
	[bflag:$0x2] =	sbarrier.arrive $0xFFFF  }
0x272: {  	p0 =	sne.s32 s0, $0x0;
	s0 =	rddreg [dreg:$0x4]  }
0x273: {  	s0 =	sadd.s32 @!p0 $0x100000, s0  }
0x274: {  	[sflag:s0] =	ssyncadd.tile.s32 @!p0 $0x1;
	_ =	shalt  }
.Lfunc_end2:
_tile_overlayer_lowered:
.L_overlay_start_2:
0x275: {  	(tag) =	ssettag $0x2  }
0x276: {  	s0 =	rddreg [dreg:$0x0];
	s2 =	stileid.u32  }
0x277: {  	s1 =	rddreg [dreg:$0x1];
	p0 =	sne.s32 s2, $0x0  }
0x278: {  	s3 =	rddreg [dreg:$0x2];
	[bflag:$0x3] =	sbarrier.arrive $0xFFFF;
	s2 =	simm.s32 @!p0 $0x1C07  }
0x279: {  	[timem:s3], [sflag:s2] =	dma.local @!p0 [hbm:s0], s1  }
0x27a: {  	s0 =	simm.s32 @!p0 $0x7  }
0x27b: {  	_ =	swait.ge @!p0 [sflag:s0], s1  }
0x27c: {  	s1 =	ssub.s32 @!p0 $0x0, s1;
	[sflag:s0] =	ssyncset.done @!p0 $0x0  }
0x27d: {  	[sflag:s0] =	ssyncadd.s32 @!p0 s1  }
0x27e: {  	[bflag:$0x3] =	sbarrier.arrive $0xFFFF  }
0x27f: {  	_ =	shalt  }

// kernel: kernel.7.cloned.1.call-start
scs
__scs_entry_jumppad:
0x0: {  	(pc) =	sbr.rel $0x88, $3  }
0x1: {  	(tag) =	ssettag $0x0;
	lr =	simm.s32 $0x1  }
0x2: {  	[smem:$0x3F93] =	sst lr;
	_ =	strace $0xD0000000  }
0x3: {  	_ = 	snop  }
0x4: {  	_ = 	snop  }
0x5: {  	_ = 	snop  }
0x6: {  	_ = 	snop  }
0x7: {  	_ = 	snop  }
__scs_overlays_trampoline_lowered:
0x8: {  	[smem:$0x3FA2] =	sst s0  }
0x9: {  	[smem:$0x3FA3] =	sst s1  }
0xa: {  	[smem:$0x3FA4] =	sst s2  }
0xb: {  	[smem:$0x3FA5] =	sst s3  }
0xc: {  	[smem:$0x3FA6] =	sst s4  }
0xd: {  	[smem:$0x3FA7] =	sst s5  }
0xe: {  	[smem:$0x3FA8] =	sst s6  }
0xf: {  	[smem:$0x3FA9] =	sst s7  }
0x10: {  	[smem:$0x3FAA] =	sst s8  }
0x11: {  	[smem:$0x3FAB] =	sst s9;
	s0 =	simm.s32 @!p0 $0x0  }
0x12: {  	s1 =	sld [smem:$0x3F91];
	s0 =	simm.s32 @p0 $0x1  }
0x13: {  	[smem:$0x3FAC] =	sst s0;
	s0 =	simm.s32 @!p1 $0x0  }
0x14: {  	s2 =	sld [smem:$0x3F90];
	s0 =	simm.s32 @p1 $0x1  }
0x15: {  	[smem:$0x3FAD] =	sst s0;
	s0 =	simm.s32 @!p2 $0x0  }
0x16: {  	s3 =	sld [smem:$0x3FDB];
	s0 =	simm.s32 @p2 $0x1  }
0x17: {  	s4 =	simm.s32 $0x1BF5;
	[smem:$0x3FAF] =	sst s0  }
0x18: {  	s0 =	sld [smem:$0x3F92];
	_ =	swait.ge [sflag:s4], $0x0  }
0x19: {  	s7 =	sld [smem:$0x3F93]  }
0x1a: {  	s8 =	sadd.s32 $0xFFFFE003, lr  }
0x1b: {  	s9 =	sadd.s32 $0xFFFFFEF7, lr;
	s5 =	simm.s32 $0xFFFFFFFF;
	p2 =	slt.u32 s8, $0xFFFFF086  }
0x1c: {  	p1 =	slt.u32 s9, $0xF7A;
	s5 =	simm.s32 @!p2 $0x0  }
0x1d: {  	s5 =	simm.s32 @p1 $0x1;
	p0 =	seq.s32 s7, s2  }
0x1e: {  	s7 =	smul.u32 @!p0 $0xF7A, s2;
	p2 =	seq.s32 @!p0 s5, $0x0  }
0x1f: {  	s9 =	smul.u32 $0xF7A, s1;
	s8 =	simm.s32 @!p0 $0x1BF5;
	p2 =	por !p2, p0  }
0x20: {  	[sflag:s8] =	ssyncset.s32 @!p0 $0xFFFFF086;
	s6 =	sadd.s32 @!p0 s3, s7;
	s7 =	simm.s32 @!p0 $0x108  }
0x21: {  	s3 =	sadd.s32 s3, s9;
	s6 =	sadd.s32 @!p0 $0x88, s6;
	s7 =	simm.s32 @p2 $0x1082  }
0x22: {  	[simem:s7], [sflag:s8] =	dma.local @!p0 [hbm:s6], $0xF7A  }
0x23: {  	s9 =	sor.u32 $0xD0000000, s2;
	s6 =	simm.s32 $0x108;
	_ =	swait.ge @!p0 [sflag:s8], $0x0  }
0x24: {  	s3 =	sadd.s32 $0x88, s3;
	s6 =	simm.s32 @!p1 $0x1082;
	[sflag:s4] =	ssyncset.s32 $0xFFFFF086  }
0x25: {  	[simem:s6], [sflag:s4] =	dma.local [hbm:s3], $0xF7A  }
0x26: {  	[smem:$0x3F93] =	sst s1;
	(tag) =	ssettag s2;
	_ =	strace s9  }
0x27: {  	s1 =	sld [smem:$0x3FA3]  }
0x28: {  	s2 =	sld [smem:$0x3FA4]  }
0x29: {  	s4 =	sld [smem:$0x3FA6]  }
0x2a: {  	p0 =	seq.s32 s5, $0x0;
	s5 =	sld [smem:$0x3FA7]  }
0x2b: {  	s6 =	sld [smem:$0x3FA8]  }
0x2c: {  	s7 =	sld [smem:$0x3FA9]  }
0x2d: {  	s3 =	simm.s32 $0x108;
	s8 =	sld [smem:$0x3FAA]  }
0x2e: {  	s3 =	simm.s32 @!p0 $0x1082;
	s9 =	sld [smem:$0x3FAB]  }
0x2f: {  	lr =	sadd.s32 s0, s3;
	s0 =	sld [smem:$0x3FA2]  }
0x30: {  	s3 =	sld [smem:$0x3FA5]  }
0x31: {  	[smem:$0x3FAE] =	sst s10  }
0x32: {  	s10 =	sld [smem:$0x3FAC];
	_ =	sdelay $0x3  }
0x33: {  	p0 =	seq.s32 s10, $0x1;
	s10 =	sld [smem:$0x3FAE];
	_ =	sdelay $0x3  }
0x34: {  	[smem:$0x3FAE] =	sst s10  }
0x35: {  	s10 =	sld [smem:$0x3FAD];
	_ =	sdelay $0x3  }
0x36: {  	p1 =	seq.s32 s10, $0x1;
	s10 =	sld [smem:$0x3FAE];
	_ =	sdelay $0x3  }
0x37: {  	[smem:$0x3FAE] =	sst s10  }
0x38: {  	s10 =	sld [smem:$0x3FAF]  }
0x39: {  	_ = 	snop;
	(pc) =	sbr.ind lr, $3  }
0x3a: {  	_ = 	snop  }
0x3b: {  	_ = 	snop  }
0x3c: {  	p2 =	seq.s32 s10, $0x1;
	s10 =	sld [smem:$0x3FAE]  }
0x3d: {  	_ =	shalt  }
0x3e: {  	_ =	shalt  }
0x3f: {  	_ =	shalt  }
0x40: {  	_ =	shalt  }
0x41: {  	_ =	shalt  }
0x42: {  	_ =	shalt  }
0x43: {  	_ =	shalt  }
0x44: {  	_ =	shalt  }
0x45: {  	_ =	shalt  }
0x46: {  	_ =	shalt  }
0x47: {  	_ =	shalt  }
0x48: {  	_ =	shalt  }
0x49: {  	_ =	shalt  }
0x4a: {  	_ =	shalt  }
0x4b: {  	_ =	shalt  }
0x4c: {  	_ =	shalt  }
0x4d: {  	_ =	shalt  }
0x4e: {  	_ =	shalt  }
0x4f: {  	_ =	shalt  }
0x50: {  	_ =	shalt  }
0x51: {  	_ =	shalt  }
0x52: {  	_ =	shalt  }
0x53: {  	_ =	shalt  }
0x54: {  	_ =	shalt  }
0x55: {  	_ =	shalt  }
0x56: {  	_ =	shalt  }
0x57: {  	_ =	shalt  }
0x58: {  	_ =	shalt  }
0x59: {  	_ =	shalt  }
0x5a: {  	_ =	shalt  }
0x5b: {  	_ =	shalt  }
0x5c: {  	_ =	shalt  }
0x5d: {  	_ =	shalt  }
0x5e: {  	_ =	shalt  }
0x5f: {  	_ =	shalt  }
0x60: {  	_ =	shalt  }
0x61: {  	_ =	shalt  }
0x62: {  	_ =	shalt  }
0x63: {  	_ =	shalt  }
0x64: {  	_ =	shalt  }
0x65: {  	_ =	shalt  }
0x66: {  	_ =	shalt  }
0x67: {  	_ =	shalt  }
0x68: {  	_ =	shalt  }
0x69: {  	_ =	shalt  }
0x6a: {  	_ =	shalt  }
0x6b: {  	_ =	shalt  }
0x6c: {  	_ =	shalt  }
0x6d: {  	_ =	shalt  }
0x6e: {  	_ =	shalt  }
0x6f: {  	_ =	shalt  }
0x70: {  	_ =	shalt  }
0x71: {  	_ =	shalt  }
0x72: {  	_ =	shalt  }
0x73: {  	_ =	shalt  }
0x74: {  	_ =	shalt  }
0x75: {  	_ =	shalt  }
0x76: {  	_ =	shalt  }
0x77: {  	_ =	shalt  }
0x78: {  	_ =	shalt  }
0x79: {  	_ =	shalt  }
0x7a: {  	_ =	shalt  }
0x7b: {  	_ =	shalt  }
0x7c: {  	_ =	shalt  }
0x7d: {  	_ =	shalt  }
0x7e: {  	_ =	shalt  }
0x7f: {  	_ =	shalt  }
0x80: {  	_ =	shalt  }
0x81: {  	_ =	shalt  }
0x82: {  	_ =	shalt  }
0x83: {  	_ =	shalt  }
0x84: {  	_ =	shalt  }
0x85: {  	_ =	shalt  }
0x86: {  	_ =	shalt  }
0x87: {  	_ =	shalt  }
.Lfunc_end0:
.L_simem_size_0:
called_computation_lowered:
.L_overlay_start_0:
0x88: {  	s2 =	sld [smem:$0x3FD9]  }
0x89: {  	s3 =	sld [smem:$0x3FFE];
	_ =	sdelay $0x1  }
0x8a: {  	s1 =	srdreg.scid  }
0x8b: {  	s0 =	sand.u32 $0x1, s1  }
0x8c: {  	s17 =	sshll.u32 s0, $0xA;
	s2 =	sadd.s32 s3, s2  }
0x8d: {  	s2 =	sadd.s32 s2, s17  }
0x8e: {  	[smem:$0x3FBA] =	sst s2  }
0x8f: {  	_ = 	snop  }
0x90: {  	s2 =	sld [smem:$0x3FD0];
	(tm) =	ssettm $0x1  }
0x91: {  	s18 =	sld [smem:$0x3FFB];
	_ =	sdelay $0x3  }
0x92: {  	_ =	strace s18  }
0x93: {  	s3 =	sld [smem:$0x3FFC];
	_ =	sdelay $0x3  }
0x94: {  	_ =	strace s3  }
0x95: {  	s3 =	sld [smem:$0x3FFD];
	_ =	sdelay $0x3  }
0x96: {  	_ =	strace s3  }
0x97: {  	_ =	strace $0x8FFFFFFF  }
0x98: {  	s19 =	sld [smem:$0x3FDB];
	_ =	sdelay $0x1  }
0x99: {  	s4 =	simm.s32 $_scs_section_size  }
0x9a: {  	s5 =	simm.s32 $_size__tile_overlayer_lowered;
	s6 =	simm.s32 $_tile_overlayer_lowered  }
0x9b: {  	s22 =	simm.s32 $0x1BFF;
	s21 =	sshll.u32 s6, $0x1;
	s3 =	sadd.s32 s4, s19  }
0x9c: {  	s7 =	simm.s32 $0x0;
	s20 =	sshll.u32 s5, $0x1;
	s5 =	sadd.s32 s21, s3  }
0x9d: {  	[timem:s7], [sflag:s22] =	dma.local [hbm:s5], s20  }
0x9e: {  	_ =	swait.ge [sflag:s22], s20  }
0x9f: {  	s4 =	ssub.s32 $0x0, s20;
	[sflag:s22] =	ssyncset.done $0x0  }
0xa0: {  	[sflag:s22] =	ssyncadd.s32 s4;
	_ =	sdelay $0x1  }
0xa1: {  	s23 =	simm.s32 $0x1B8B  }
0xa2: {  	_ =	swait.ge [sflag:s23], $0x1  }
0xa3: {  	[sflag:s23] =	ssyncset.done $0x0  }
0xa4: {  	s25 =	simm.s32 $0x1B8E;
	s24 =	sld [smem:$0x3FFE];
	[sflag:s23] =	ssyncadd.s32 $0xFFFFFFFF  }
0xa5: {  	s26 =	simm.s32 $execute0_lowered;
	[smem:$0x3FD2] =	sst s25  }
0xa6: {  	s5 =	sshll.u32 s26, $0x1;
	_ =	strace $0x80000046;
	[dreg:$0x1] =	wrdreg $0xFFFFFFFF  }
0xa7: {  	s28 =	simm.s32 $_size_execute0_lowered;
	s3 =	sadd.s32 s3, s5;
	[dreg:$0x0] =	wrdreg $0x0  }
0xa8: {  	s5 =	sshll.u32 s28, $0x1;
	[dreg:$0x2] =	wrdreg s3  }
0xa9: {  	[dreg:$0x3] =	wrdreg s5  }
0xaa: {  	[dreg:$0x4] =	wrdreg $0xC0  }
0xab: {  	_ =	task [dreg:s7], $0x5FFFF  }
0xac: {  	[dreg:$0x1] =	wrdreg $0xFFFFFFFF  }
0xad: {  	[dreg:$0x0] =	wrdreg $0x60  }
0xae: {  	[dreg:$0x2] =	wrdreg s24  }
0xaf: {  	[dreg:$0x3] =	wrdreg s2  }
0xb0: {  	[dreg:$0x4] =	wrdreg $0x94300  }
0xb1: {  	[dreg:$0x5] =	wrdreg $0x148300  }
0xb2: {  	[dreg:$0x6] =	wrdreg $0x9  }
0xb3: {  	_ =	task.clear_ibuf [dreg:s7], $0x7FFFF;
	_ =	strace $0x90000046  }
0xb4: {  	s29 =	simm.s32 $0x9;
	_ =	strace $0x80000048  }
0xb5: {  	_ =	swait.ge [sflag:s29], $0x1  }
0xb6: {  	[sflag:s29] =	ssyncadd.s32 $0xFFFFFFFF  }
0xb7: {  	_ =	strace $0x90000048  }
0xb8: {  	_ =	sfence  }
0xb9: {  	s30 =	sld [smem:$0x0];
	_ =	sdelay $0x2  }
0xba: {  	s31 =	sshll.u32 s1, $0xD;
	s1 =	sshrl.u32 s1, $0x2  }
0xbb: {  	s3 =	sand.u32 $0x4000, s31;
	s1 =	sadd.s32 s1, s30  }
0xbc: {  	s0 =	sor.u32 s3, s0;
	s1 =	sshll.u32 s1, $0x11  }
0xbd: {  	s0 =	sor.u32 s1, s0  }
0xbe: {  	s0 =	sadd.s32 $0x8F2B, s0  }
0xbf: {  	[sflag:s0] =	ssyncadd.remote.s32 $0x1  }
0xc0: {  	_ =	sfence.sel $0xFFFF  }
0xc1: {  	[dreg:$0x0] =	wrdreg $0xFFFFFFFF;
	(pc) =	sbr.abs _section_cstart, $3  }
0xc2: {  	[dreg:$0x1] =	wrdreg $0xFFFFFFFF  }
0xc3: {  	_ =	task.clear_ibuf [dreg:s7], $0x2FFFF;
	_ =	strace $0x9FFFFFFF  }
0xc4: {  	(tm) =	ssettm $0x7FFFFFFF  }
0xc5: {  	_ =	shalt  }
tec
execute0_lowered:
.L_overlay_start_1:
0x0: {  	(tag) =	ssettag $0x1  }
0x1: {  	s0 =	rddreg [dreg:$0x0]  }
0x2: {  	s3 =	rddreg [dreg:$0x2]  }
0x3: {  	s4 =	rddreg [dreg:$0x3]  }
0x4: {  	s13 =	stileid.u32;
	s2 =	srdreg.scid;
	s5 =	simm.s32 $0x0  }
0x5: {  	s30 =	simm.s32 $0x7;
	s31 =	simm.s32 $0x50;
	s1 =	smul.u32 $0xAFC8, s13  }
0x6: {  	s2 =	sand.u32 $0x1, s2;
	s6 =	sshll.u32 s13, $0x1;
	s10 =	smul.u32 $0xB400, s13  }
0x7: {  	[smem:$0x7FF] =	sst s5;
	s8 =	sadd.s32 $0xB800, s0;
	s13 =	smul.u32 $0x2D000, s13  }
0x8: {  	s6 =	sor.u32 s2, s6;
	_ =	strace $0x80000047;
	[dreg:$0x5] =	wrdreg s8  }
0x9: {  	s19 =	ssub.s32 $0x2, s2;
	s2 =	smul.u32 $0xB4000, s2;
	s7 =	sshrl.u32 s1, $0x3  }
0xa: {  	s6 =	smul.u32 $0x4EC, s6;
	s9 =	sshrl.u32 s19, $0x1;
	s1 =	sadd.s32 s1, s4  }
0xb: {  	s21 =	sadd.s32 $0x2400, s10;
	s24 =	sadd.s32 $0x4800, s10;
	s11 =	sadd.s32 s10, s3  }
0xc: {  	s12 =	sadd.s32 $0x6C00, s10;
	s15 =	sshrl.u32 s13, $0x2;
	s13 =	simm.s32 $0x4  }
0xd: {  	s7 =	sadd.s32 s7, s0;
	s8 =	ssub.s32 s19, s9;
	s20 =	sadd.s32 s10, s2  }
0xe: {  	s22 =	sadd.s32 s2, s21;
	s25 =	sadd.s32 s2, s24;
	s9 =	sadd.s32 s21, s3  }
0xf: {  	s26 =	sadd.s32 s2, s12;
	s10 =	sadd.s32 $0x9000, s10;
	s14 =	sadd.s32 s12, s3  }
0x10: {  	s15 =	sadd.s32 s15, s3;
	s21 =	sshrl.u32 s11, $0x3;
	s11 =	simm.s32 $0x2  }
0x11: {  	s12 =	simm.s32 $0x5010;
	s6 =	sadd.s32 s6, s0;
	s0 =	sadd.s32 $0x21A00, s0  }
0x12: {  	s7 =	sadd.s32 $0xBA00, s7;
	s23 =	sshrl.u32 s22, $0x3;
	[dreg:$0x13] =	wrdreg s21  }
0x13: {  	s2 =	sadd.s32 s2, s10;
	s8 =	smax.u32 s8, $0x1;
	[dreg:$0x7] =	wrdreg s7  }
0x14: {  	s16 =	sadd.s32 s10, s3;
	s17 =	sadd.s32 $0x2D00, s15;
	[dreg:$0xd] =	wrdreg s8  }
0x15: {  	s18 =	sadd.s32 $0x4380, s15;
	s19 =	sadd.s32 $0x5A00, s15;
	[dreg:$0xf] =	wrdreg s17  }
0x16: {  	s22 =	sshrl.u32 s9, $0x3;
	s28 =	sadd.s32 $0x8700, s15;
	[dreg:$0x10] =	wrdreg s18  }
0x17: {  	s29 =	sadd.s32 $0x9D80, s15;
	s9 =	simm.s32 $0x4F70;
	[dreg:$0x11] =	wrdreg s19  }
0x18: {  	s10 =	simm.s32 $0x7DB0;
	s6 =	sadd.s32 $0x1A00, s6;
	[dreg:$0x14] =	wrdreg s22  }
0x19: {  	s7 =	sadd.s32 s24, s3;
	s24 =	sshrl.u32 s14, $0x3;
	[dreg:$0x6] =	wrdreg s6  }
0x1a: {  	s6 =	sshrl.u32 s20, $0x3;
	s20 =	sshrl.u32 s1, $0x3;
	[dreg:$0x16] =	wrdreg s24  }
0x1b: {  	s2 =	sshrl.u32 s2, $0x3;
	s6 =	sadd.s32 s0, s6;
	[dreg:$0x12] =	wrdreg s20  }
0x1c: {  	s8 =	simm.s32 $0x4FC0;
	[dreg:$0x8] =	wrdreg s6;
	s6 =	sadd.s32 s0, s23  }
0x1d: {  	s14 =	simm.s32 $0x5060;
	s23 =	sshrl.u32 s7, $0x3;
	[dreg:$0x9] =	wrdreg s6  }
0x1e: {  	s6 =	sshrl.u32 s25, $0x3;
	[dreg:$0x15] =	wrdreg s23;
	s25 =	sshrl.u32 s16, $0x3  }
0x1f: {  	s17 =	simm.s32 $0x6;
	s6 =	sadd.s32 s0, s6;
	[dreg:$0x17] =	wrdreg s25  }
0x20: {  	s18 =	simm.s32 $0x0;
	s1 =	simm.s32 $0x6730;
	[dreg:$0xa] =	wrdreg s6  }
.Ltmp0:
0x21: {  	v0 =	vlaneseq.u32;
	s6 =	sshrl.u32 s26, $0x3;
	s26 =	sadd.s32 $0x7080, s15;
	(pc) =	sbr.rel .LBB2_1-.Ltmp0, $4  }
0x22: {  	v5 =	vmul.u32 $0x48, v0;
	s7 =	simm.s32 $0x2720;
	s6 =	sadd.s32 s0, s6;
	[dreg:$0x18] =	wrdreg s26  }
0x23: {  	s16 =	simm.s32 $0x5;
	s0 =	sadd.s32 s0, s2;
	[dreg:$0xb] =	wrdreg s6  }
0x24: {  	v0 =	vimm.f32 $0.0e+00;
	v1 =	vadd.s32 $0x40, v5;
	v2 =	vadd.s32 $0x4C0, v5;
	s2 =	simm.s32 $0x50B0;
	[dreg:$0xc] =	wrdreg s0;
	s0 =	sadd.s32 $0x1680, s15  }
0x25: {  	v3 =	vadd.s32 $0x940, v5;
	v4 =	vadd.s32 $0xDC0, v5;
	v5 =	vadd.s32 $0x1240, v5;
	s6 =	simm.s32 $0x1;
	[dreg:$0xe] =	wrdreg s0;
	s0 =	simm.s32 $0x4F20  }
.LBB2_12:
0x26: {  	_ =	swait.ge [sflag:s17], $0x1680  }
0x27: {  	[sflag:s17] =	ssyncset.done $0x0  }
0x28: {  	[sflag:s17] =	ssyncadd.s32 $0xFFFFE980  }
0x29: {  	[bflag:$0x0] =	sbarrier.arrive $0xFFFF  }
0x2a: {  	s20 =	rddreg [dreg:$0x8]  }
0x2b: {  	s21 =	rddreg [dreg:$0x13]  }
0x2c: {  	[hbm:s20], [sflag:s19] =	dma.local [spmem:s21], $0x480  }
0x2d: {  	_ =	swait.ge [sflag:s30], $0x480  }
0x2e: {  	[sflag:s30] =	ssyncset.done $0x0;
	s23 =	rddreg [dreg:$0x9]  }
0x2f: {  	s24 =	rddreg [dreg:$0x14];
	[sflag:s30] =	ssyncadd.s32 $0xFFFFFB80  }
0x30: {  	[hbm:s23], [sflag:s19] =	dma.local [spmem:s24], $0x480  }
0x31: {  	_ =	swait.ge [sflag:s30], $0x480  }
0x32: {  	[sflag:s30] =	ssyncset.done $0x0;
	s25 =	rddreg [dreg:$0xa]  }
0x33: {  	s26 =	rddreg [dreg:$0x15];
	[sflag:s30] =	ssyncadd.s32 $0xFFFFFB80  }
0x34: {  	[hbm:s25], [sflag:s19] =	dma.local [spmem:s26], $0x480  }
0x35: {  	_ =	swait.ge [sflag:s30], $0x480  }
0x36: {  	[sflag:s30] =	ssyncset.done $0x0;
	s22 =	rddreg [dreg:$0xb]  }
0x37: {  	s23 =	rddreg [dreg:$0x16];
	[sflag:s30] =	ssyncadd.s32 $0xFFFFFB80  }
0x38: {  	[hbm:s22], [sflag:s19] =	dma.local [spmem:s23], $0x480  }
0x39: {  	_ =	swait.ge [sflag:s30], $0x480  }
0x3a: {  	[sflag:s30] =	ssyncset.done $0x0;
	s24 =	rddreg [dreg:$0xc]  }
0x3b: {  	s25 =	rddreg [dreg:$0x17];
	[sflag:s30] =	ssyncadd.s32 $0xFFFFFB80  }
0x3c: {  	[hbm:s24], [sflag:s19] =	dma.local [spmem:s25], $0x480  }
0x3d: {  	_ =	swait.ge [sflag:s30], $0x480  }
0x3e: {  	s18 =	sadd.s32 $0x1, s18;
	s26 =	rddreg [dreg:$0xd]  }
0x3f: {  	p0 =	sne.s32 s18, s26  }
.Ltmp1:
0x40: {  	_ = 	snop;
	(pc) =	sbr.rel @!p0 .LBB2_13-.Ltmp1, $3  }
0x41: {  	_ =	sdelay $0x1  }
0x42: {  	[sflag:s30] =	ssyncset.done $0x0  }
0x43: {  	[sflag:s30] =	ssyncadd.s32 $0xFFFFFB80  }
.LBB2_1:
0x44: {  	s19 =	rddreg [dreg:$0x1]  }
0x45: {  	[tilespmem:s5], [sflag:$0x7] =	stream.linear.gather [hbm4b:s19+s5], $0x2710, $0x38;
	[tilespmem:$0x1F7F8] =	vst v63  }
0x46: {  	_ =	swait.ge [sflag:s30], $0x2710  }
0x47: {  	[sflag:s30] =	ssyncset.done $0x0  }
0x48: {  	s20 =	simm.s32 $0x2710;
	s24 =	rddreg [dreg:$0x5];
	[sflag:s30] =	ssyncadd.s32 $0xFFFFD8F0  }
0x49: {  	[tilespmem:s20], [sflag:$0x7] =	stream.linear.gather [hbm4b:s24+s5], $0x10, $0x38;
	[tilespmem:$0x1F7F8] =	vst v63  }
0x4a: {  	_ =	swait.ge [sflag:s30], $0x10  }
0x4b: {  	[sflag:s30] =	ssyncset.done $0x0  }
0x4c: {  	s26 =	simm.s32 $0x2770;
	s25 =	rddreg [dreg:$0x6];
	[sflag:s30] =	ssyncadd.s32 $0xFFFFFFF0  }
0x4d: {  	[tilespmem:s26], [sflag:$0x7] =	stream.linear.gather [hbm4b:s25+s5], $0x2760, $0x38;
	[tilespmem:$0x1F7F8] =	vst v63  }
0x4e: {  	_ =	swait.ge [sflag:s30], $0x2760  }
0x4f: {  	[sflag:s30] =	ssyncset.done $0x0  }
0x50: {  	s19 =	simm.s32 $0x0;
	[sflag:s30] =	ssyncadd.s32 $0xFFFFD8A0  }
0x51: {  	s20 =	simm.s32 $0x120;
	[tilespmem:s19+$0x50D0] =	vst v0  }
.LBB2_2:
0x52: {  	p0 =	sne.s32 s20, $0x58E0;
	[tilespmem:s19+$0x50C0] =	vst v0;
	s21 =	smov.u32 s20;
	s20 =	sadd.s32 $0x120, s20  }
.Ltmp2:
0x53: {  	[tilespmem:s19+$0x50E0] =	vst v0;
	(pc) =	sbr.rel @p0 .LBB2_2-.Ltmp2, $4  }
0x54: {  	[tilespmem:s19+$0x50E8] =	vst v0  }
0x55: {  	[tilespmem:s19+$0x50B0] =	vst v0  }
0x56: {  	s19 =	sshra.s32 s21, $0x2  }
0x57: {  	[tilespmem:s19+$0x50D0] =	vst v0  }
0x58: {  	[tilespmem:s19+$0x50C0] =	vst v0  }
0x59: {  	[tilespmem:s19+$0x50E0] =	vst v0  }
0x5a: {  	[tilespmem:s19+$0x50B0] =	vst v0  }
0x5b: {  	[tilespmem:s19+$0x50E8] =	vst v0  }
0x5c: {  	[spmem:s15] =	stream.linear.scatter [tilespmem:s2], [sflag:$0x7], $0x1680, $0x38;
	[tilespmem:$0x1F7F8] =	vst v63  }
0x5d: {  	_ =	swait.ge [sflag:s30], $0x1680  }
0x5e: {  	[sflag:s30] =	ssyncset.done $0x0  }
0x5f: {  	s20 =	rddreg [dreg:$0xe];
	[sflag:s30] =	ssyncadd.s32 $0xFFFFE980  }
0x60: {  	[spmem:s20] =	stream.linear.scatter [tilespmem:s2], [sflag:$0x7], $0x1680, $0x38;
	[tilespmem:$0x1F7F8] =	vst v63  }
0x61: {  	_ =	swait.ge [sflag:s30], $0x1680  }
0x62: {  	[sflag:s30] =	ssyncset.done $0x0  }
0x63: {  	s21 =	rddreg [dreg:$0xf];
	[sflag:s30] =	ssyncadd.s32 $0xFFFFE980  }
0x64: {  	[spmem:s21] =	stream.linear.scatter [tilespmem:s2], [sflag:$0x7], $0x1680, $0x38;
	[tilespmem:$0x1F7F8] =	vst v63  }
0x65: {  	_ =	swait.ge [sflag:s30], $0x1680  }
0x66: {  	[sflag:s30] =	ssyncset.done $0x0  }
0x67: {  	s22 =	rddreg [dreg:$0x10];
	[sflag:s30] =	ssyncadd.s32 $0xFFFFE980  }
0x68: {  	[spmem:s22] =	stream.linear.scatter [tilespmem:s2], [sflag:$0x7], $0x1680, $0x38;
	[tilespmem:$0x1F7F8] =	vst v63  }
0x69: {  	_ =	swait.ge [sflag:s30], $0x1680  }
0x6a: {  	[sflag:s30] =	ssyncset.done $0x0  }
0x6b: {  	s23 =	rddreg [dreg:$0x11];
	[sflag:s30] =	ssyncadd.s32 $0xFFFFE980  }
0x6c: {  	[spmem:s23] =	stream.linear.scatter [tilespmem:s2], [sflag:$0x7], $0x1680, $0x38;
	[tilespmem:$0x1F7F8] =	vst v63  }
0x6d: {  	_ =	swait.ge [sflag:s30], $0x1680  }
0x6e: {  	[sflag:s30] =	ssyncset.done $0x0  }
0x6f: {  	s24 =	rddreg [dreg:$0x18];
	[sflag:s30] =	ssyncadd.s32 $0xFFFFE980  }
0x70: {  	[spmem:s24] =	stream.linear.scatter [tilespmem:s2], [sflag:$0x7], $0x1680, $0x38;
	[tilespmem:$0x1F7F8] =	vst v63  }
0x71: {  	_ =	swait.ge [sflag:s30], $0x1680  }
0x72: {  	[sflag:s30] =	ssyncset.done $0x0  }
0x73: {  	[sflag:s30] =	ssyncadd.s32 $0xFFFFE980  }
0x74: {  	[spmem:s28] =	stream.linear.scatter [tilespmem:s2], [sflag:$0x7], $0x1680, $0x38;
	[tilespmem:$0x1F7F8] =	vst v63  }
0x75: {  	_ =	swait.ge [sflag:s30], $0x1680  }
0x76: {  	[sflag:s30] =	ssyncset.done $0x0  }
0x77: {  	[sflag:s30] =	ssyncadd.s32 $0xFFFFE980  }
0x78: {  	[spmem:s29] =	stream.linear.scatter [tilespmem:s2], [sflag:$0x7], $0x1680, $0x38;
	[tilespmem:$0x1F7F8] =	vst v63  }
0x79: {  	s25 =	stileid.u32;
	_ =	swait.ge [sflag:s30], $0x1680  }
0x7a: {  	s19 =	sshll.u32 s25, $0x6;
	[sflag:s30] =	ssyncset.done $0x0;
	s20 =	rddreg [dreg:$0x7]  }
0x7b: {  	s19 =	sor.u32 $0x1C07, s19;
	s21 =	rddreg [dreg:$0x12];
	[sflag:s30] =	ssyncadd.s32 $0xFFFFE980  }
0x7c: {  	[spmem:s21], [sflag:s19] =	dma.local [hbm:s20], $0x15F9  }
0x7d: {  	_ =	swait.ge [sflag:s30], $0x15F9  }
0x7e: {  	[sflag:s30] =	ssyncset.done $0x0  }
0x7f: {  	[sflag:s30] =	ssyncadd.s32 $0xFFFFEA07  }
0x80: {  	[bflag:$0x0] =	sbarrier.arrive $0xFFFF  }
0x81: {  	v6 =	vld [tilespmem:$0x2770];
	_ =	sdelay $0x1  }
0x82: {  	v7 =	vld [tilespmem:$0x2780];
	_ =	sdelay $0x1  }
0x83: {  	v8 =	vld [tilespmem:$0x2790]  }
0x84: {  	v9 =	vshrl.u32 v6, $0x10  }
0x85: {  	v61 =	vld [tilespmem:$0x27A0];
	v6 =	vand.u32 $0xFFFF, v6;
	[tilespmem:$0x4ED0] =	vst v9  }
0x86: {  	[tilespmem:$0x4FC0] =	vst v6;
	v6 =	vshrl.u32 v7, $0x10  }
0x87: {  	[tilespmem:$0x4EE0] =	vst v6;
	v6 =	vand.u32 $0xFFFF, v7;
	v7 =	vld [tilespmem:$0x27B0]  }
0x88: {  	[tilespmem:$0x4FD0] =	vst v6;
	v6 =	vshrl.u32 v8, $0x10  }
0x89: {  	[tilespmem:$0x4EF0] =	vst v6;
	v6 =	vand.u32 $0xFFFF, v8;
	v8 =	vld [tilespmem:$0x27C0]  }
0x8a: {  	[tilespmem:$0x4FE0] =	vst v6;
	v6 =	vshrl.u32 v61, $0x10  }
0x8b: {  	v62 =	vld [tilespmem:$0x27D0];
	[tilespmem:$0x4F00] =	vst v6;
	v6 =	vand.u32 $0xFFFF, v61  }
0x8c: {  	[tilespmem:$0x4FF0] =	vst v6;
	v6 =	vshrl.u32 v7, $0x10  }
0x8d: {  	[tilespmem:$0x4F10] =	vst v6;
	v6 =	vand.u32 $0xFFFF, v7;
	v7 =	vld [tilespmem:$0x27E0]  }
0x8e: {  	[tilespmem:$0x5000] =	vst v6;
	v6 =	vshrl.u32 v8, $0x10  }
0x8f: {  	v63 =	vld [tilespmem:$0x2800];
	[tilespmem:$0x4F20] =	vst v6;
	v6 =	vand.u32 $0xFFFF, v8  }
0x90: {  	v8 =	vld [tilespmem:$0x27F0];
	[tilespmem:$0x5010] =	vst v6;
	v6 =	vshrl.u32 v62, $0x10  }
0x91: {  	[tilespmem:$0x4F30] =	vst v6;
	v6 =	vand.u32 $0xFFFF, v62  }
0x92: {  	[tilespmem:$0x5020] =	vst v6;
	v6 =	vshrl.u32 v7, $0x10  }
0x93: {  	[tilespmem:$0x4F40] =	vst v6;
	v6 =	vand.u32 $0xFFFF, v7  }
0x94: {  	v7 =	vand.u32 $0xFFFF, v63;
	[tilespmem:$0x5030] =	vst v6  }
0x95: {  	v6 =	vshrl.u32 v8, $0x10;
	[tilespmem:$0x5050] =	vst v7  }
0x96: {  	[tilespmem:$0x4F50] =	vst v6;
	v6 =	vand.u32 $0xFFFF, v8  }
0x97: {  	[tilespmem:$0x5040] =	vst v6;
	v6 =	vshrl.u32 v63, $0x10  }
0x98: {  	s26 =	simm.s32 $0x4ED0;
	[tilespmem:$0x4F60] =	vst v6  }
0x99: {  	v6 =	vld [tilespmem:$0x2710];
	[tilespmem:s2], [sflag:$0x1] =	stream.indirect.gather [spmem:s4], $0x48, s26, s31, $0xb8  }
0x9a: {  	s20 =	simm.s32 $0x0  }
0x9b: {  	[tilespmem:s1], [sflag:$0x2] =	stream.indirect.gather [spmem:s4], $0x48, s0, s31, $0xb8;
	[tilespmem:$0x1F7F8] =	vst v63  }
.LBB2_4:
0x9c: {  	_ =	swait.ge [sflag:s6], $0x1680  }
0x9d: {  	[sflag:s6] =	ssyncset.done $0x0  }
0x9e: {  	[sflag:s6] =	ssyncadd.s32 $0xFFFFE980  }
0x9f: {  	v7 =	vld [tilespmem:$0x4FC0];
	_ =	sdelay $0x6  }
0xa0: {  	v8 =	vld.idx.msk [tilespmem:v1+s2+$0x0], $0xffff  }
0xa1: {  	v7 =	vld.idx.msk [tilespmem:v7+s5+$0x0], $0xffff;
	_ =	sdelay $0x4  }
0xa2: {  	v7 =	vadd.f32 v7, v8;
	_ =	sdelay $0x1  }
0xa3: {  	v8 =	vmul.f32 $2.000000030e-01, v7;
	_ =	sdelay $0x1  }
0xa4: {  	v7 =	vmax.f32 v7, v8  }
0xa5: {  	v7 =	vsub.f32 v7, v6;
	_ =	sdelay $0x1  }
0xa6: {  	v7 =	vmul.f32 $1.442695020e+00, v7;
	_ =	sdelay $0x1  }
0xa7: {  	(erf) = vpow2.f32 v7;
	_ =	sdelay $0x8  }
0xa8: {  	v7 =	vpop (erf)  }
0xa9: {  	[tilespmem:$0x2720] =	vst v7  }
0xaa: {  	[tilespmem:v1+s2+$0x0] =	vst.idx.msk $0xffff, v7  }
0xab: {  	v7 =	vld [tilespmem:$0x4FD0];
	_ =	sdelay $0x6  }
0xac: {  	v8 =	vld.idx.msk [tilespmem:v2+s2+$0x0], $0xffff  }
0xad: {  	v7 =	vld.idx.msk [tilespmem:v7+s5+$0x0], $0xffff;
	_ =	sdelay $0x4  }
0xae: {  	v7 =	vadd.f32 v7, v8;
	_ =	sdelay $0x1  }
0xaf: {  	v8 =	vmul.f32 $2.000000030e-01, v7;
	_ =	sdelay $0x1  }
0xb0: {  	v7 =	vmax.f32 v7, v8  }
0xb1: {  	v7 =	vsub.f32 v7, v6;
	_ =	sdelay $0x1  }
0xb2: {  	v7 =	vmul.f32 $1.442695020e+00, v7;
	_ =	sdelay $0x1  }
0xb3: {  	(erf) = vpow2.f32 v7;
	_ =	sdelay $0x8  }
0xb4: {  	v7 =	vpop (erf)  }
0xb5: {  	[tilespmem:$0x2730] =	vst v7  }
0xb6: {  	[tilespmem:v2+s2+$0x0] =	vst.idx.msk $0xffff, v7  }
0xb7: {  	v7 =	vld [tilespmem:$0x4FE0];
	_ =	sdelay $0x6  }
0xb8: {  	v8 =	vld.idx.msk [tilespmem:v3+s2+$0x0], $0xffff  }
0xb9: {  	v7 =	vld.idx.msk [tilespmem:v7+s5+$0x0], $0xffff;
	_ =	sdelay $0x4  }
0xba: {  	v7 =	vadd.f32 v7, v8;
	_ =	sdelay $0x1  }
0xbb: {  	v8 =	vmul.f32 $2.000000030e-01, v7;
	_ =	sdelay $0x1  }
0xbc: {  	v7 =	vmax.f32 v7, v8  }
0xbd: {  	v7 =	vsub.f32 v7, v6;
	_ =	sdelay $0x1  }
0xbe: {  	v7 =	vmul.f32 $1.442695020e+00, v7;
	_ =	sdelay $0x1  }
0xbf: {  	(erf) = vpow2.f32 v7;
	_ =	sdelay $0x8  }
0xc0: {  	v7 =	vpop (erf)  }
0xc1: {  	[tilespmem:$0x2740] =	vst v7  }
0xc2: {  	[tilespmem:v3+s2+$0x0] =	vst.idx.msk $0xffff, v7  }
0xc3: {  	v7 =	vld [tilespmem:$0x4FF0];
	_ =	sdelay $0x6  }
0xc4: {  	v8 =	vld.idx.msk [tilespmem:v4+s2+$0x0], $0xffff  }
0xc5: {  	v7 =	vld.idx.msk [tilespmem:v7+s5+$0x0], $0xffff;
	_ =	sdelay $0x4  }
0xc6: {  	v7 =	vadd.f32 v7, v8;
	_ =	sdelay $0x1  }
0xc7: {  	v8 =	vmul.f32 $2.000000030e-01, v7;
	_ =	sdelay $0x1  }
0xc8: {  	v7 =	vmax.f32 v7, v8  }
0xc9: {  	v7 =	vsub.f32 v7, v6;
	_ =	sdelay $0x1  }
0xca: {  	v7 =	vmul.f32 $1.442695020e+00, v7;
	_ =	sdelay $0x1  }
0xcb: {  	(erf) = vpow2.f32 v7;
	_ =	sdelay $0x8  }
0xcc: {  	v7 =	vpop (erf)  }
0xcd: {  	[tilespmem:$0x2750] =	vst v7  }
0xce: {  	[tilespmem:v4+s2+$0x0] =	vst.idx.msk $0xffff, v7  }
0xcf: {  	v7 =	vld [tilespmem:$0x5000];
	_ =	sdelay $0x6  }
0xd0: {  	v8 =	vld.idx.msk [tilespmem:v5+s2+$0x0], $0xffff  }
0xd1: {  	v7 =	vld.idx.msk [tilespmem:v7+s5+$0x0], $0xffff;
	_ =	sdelay $0x4  }
0xd2: {  	v7 =	vadd.f32 v7, v8;
	_ =	sdelay $0x1  }
0xd3: {  	v8 =	vmul.f32 $2.000000030e-01, v7;
	_ =	sdelay $0x1  }
0xd4: {  	v7 =	vmax.f32 v7, v8  }
0xd5: {  	v7 =	vsub.f32 v7, v6;
	_ =	sdelay $0x1  }
0xd6: {  	v7 =	vmul.f32 $1.442695020e+00, v7;
	_ =	sdelay $0x1  }
0xd7: {  	(erf) = vpow2.f32 v7;
	_ =	sdelay $0x2  }
0xd8: {  	s21 =	simm.s32 $0x0  }
0xd9: {  	v7 =	vmov s21  }
0xda: {  	v7 =	vand.u32 $0xFFFFFFFC, v7  }
0xdb: {  	v7 =	vbroadcast v7, $0x0;
	_ =	sdelay $0x2  }
0xdc: {  	v8 =	vpop (erf)  }
0xdd: {  	[tilespmem:$0x2760] =	vst v8  }
0xde: {  	[tilespmem:v5+s2+$0x0] =	vst.idx.msk $0xffff, v8  }
0xdf: {  	s21 =	simm.s32 $0x5140;
	v7 =	vld.idx.msk [tilespmem:v7+s7+$0x0], $0xffff  }
0xe0: {  	v8 =	vld [tilespmem:s21+$0xFFFFFF70]  }
0xe1: {  	v9 =	vld [tilespmem:s21+$0xFFFFFFA0]  }
0xe2: {  	s22 =	simm.s32 $0x1;
	v10 =	vld [tilespmem:s21+$0xFFFFFF80]  }
0xe3: {  	v12 =	vmov s22;
	v11 =	vld [tilespmem:s21+$0xFFFFFF90]  }
0xe4: {  	v12 =	vand.u32 $0xFFFFFFFD, v12  }
0xe5: {  	v12 =	vbroadcast v12, $0x0;
	v8 =	vmul.f32 v8, v7  }
0xe6: {  	v9 =	vmul.f32 v9, v7  }
0xe7: {  	[tilespmem:s21+$0xFFFFFF70] =	vst v8;
	v8 =	vmul.f32 v10, v7  }
0xe8: {  	v7 =	vmul.f32 v11, v7;
	[tilespmem:s21+$0xFFFFFFA0] =	vst v9  }
0xe9: {  	[tilespmem:s21+$0xFFFFFF80] =	vst v8  }
0xea: {  	[tilespmem:s21+$0xFFFFFF90] =	vst v7;
	v8 =	vld [tilespmem:s21+$0xFFFFFFB8]  }
0xeb: {  	v7 =	vld.idx.msk [tilespmem:v12+s7+$0x0], $0xffff  }
0xec: {  	v9 =	vld [tilespmem:s21+$0xFFFFFFD8]  }
0xed: {  	s26 =	simm.s32 $0x2;
	v10 =	vld [tilespmem:s21+$0xFFFFFFE8]  }
0xee: {  	v63 =	vmov s26;
	v11 =	vld [tilespmem:s21+$0xFFFFFFC8]  }
0xef: {  	v12 =	vand.u32 $0xFFFFFFFE, v63  }
0xf0: {  	v12 =	vbroadcast v12, $0x0;
	v8 =	vmul.f32 v8, v7  }
0xf1: {  	v9 =	vmul.f32 v9, v7  }
0xf2: {  	v10 =	vmul.f32 v10, v7;
	[tilespmem:s21+$0xFFFFFFB8] =	vst v8  }
0xf3: {  	v7 =	vmul.f32 v11, v7;
	[tilespmem:s21+$0xFFFFFFD8] =	vst v9  }
0xf4: {  	[tilespmem:s21+$0xFFFFFFE8] =	vst v10  }
0xf5: {  	[tilespmem:s21+$0xFFFFFFC8] =	vst v7;
	v7 =	vld [tilespmem:s21+$0x0]  }
0xf6: {  	v8 =	vld.idx.msk [tilespmem:v12+s7+$0x0], $0xffff  }
0xf7: {  	v9 =	vld [tilespmem:s21+$0x10]  }
0xf8: {  	v10 =	vld [tilespmem:s21+$0x30];
	_ =	sdelay $0x1  }
0xf9: {  	v11 =	vld [tilespmem:s21+$0x20]  }
0xfa: {  	v7 =	vmul.f32 v7, v8  }
0xfb: {  	s23 =	simm.s32 $0x3;
	v9 =	vmul.f32 v9, v8  }
0xfc: {  	v10 =	vmul.f32 v10, v8;
	[tilespmem:s21+$0x0] =	vst v7;
	v7 =	vmov s23  }
0xfd: {  	[tilespmem:s21+$0x10] =	vst v9  }
0xfe: {  	s22 =	simm.s32 $0x7;
	v8 =	vmul.f32 v11, v8;
	[tilespmem:s21+$0x30] =	vst v10;
	s23 =	simm.s32 $0x5140  }
.LBB2_5:
0xff: {  	p0 =	sne.s32 s22, $0x4F  }
0x100: {  	[tilespmem:s21+$0x20] =	vst v8;
	v8 =	vld [tilespmem:s21+$0x68];
	s23 =	sadd.s32 $0x120, s23;
	s24 =	smov.u32 s22;
	s22 =	sadd.s32 $0x4, s22  }
0x101: {  	v7 =	vld.idx.msk [tilespmem:v7+s7+$0x0], $0xffff  }
0x102: {  	v9 =	vld [tilespmem:s21+$0x48]  }
0x103: {  	v10 =	vld [tilespmem:s21+$0x58]  }
0x104: {  	s25 =	sadd.s32 $0xFFFFFFFD, s24;
	v11 =	vld [tilespmem:s21+$0x78]  }
0x105: {  	v12 =	vmov s25  }
0x106: {  	v12 =	vand.u32 $0xFFFFFFFC, v12  }
0x107: {  	v12 =	vbroadcast v12, $0x0;
	v9 =	vmul.f32 v9, v7  }
0x108: {  	v8 =	vmul.f32 v8, v7;
	v10 =	vmul.f32 v10, v7  }
0x109: {  	[tilespmem:s21+$0x48] =	vst v9;
	v7 =	vmul.f32 v11, v7  }
0x10a: {  	[tilespmem:s21+$0x68] =	vst v8  }
0x10b: {  	v8 =	vld [tilespmem:s23+$0xFFFFFF90];
	[tilespmem:s21+$0x78] =	vst v7  }
0x10c: {  	v7 =	vld [tilespmem:s23+$0xFFFFFFA0];
	[tilespmem:s21+$0x58] =	vst v10;
	s21 =	smov.u32 s23  }
0x10d: {  	v9 =	vld.idx.msk [tilespmem:v12+s7+$0x0], $0xffff  }
0x10e: {  	v10 =	vld [tilespmem:s23+$0xFFFFFF70]  }
0x10f: {  	v11 =	vld [tilespmem:s23+$0xFFFFFF80]  }
0x110: {  	s25 =	sadd.s32 $0xFFFFFFFE, s24  }
0x111: {  	v12 =	vmov s25  }
0x112: {  	v12 =	vand.u32 $0xFFFFFFFD, v12  }
0x113: {  	v12 =	vbroadcast v12, $0x0;
	v10 =	vmul.f32 v10, v9  }
0x114: {  	v8 =	vmul.f32 v8, v9;
	v7 =	vmul.f32 v7, v9  }
0x115: {  	v9 =	vmul.f32 v11, v9;
	[tilespmem:s23+$0xFFFFFF70] =	vst v10  }
0x116: {  	[tilespmem:s23+$0xFFFFFFA0] =	vst v7  }
0x117: {  	[tilespmem:s23+$0xFFFFFF80] =	vst v9;
	v7 =	vld [tilespmem:s23+$0xFFFFFFE8]  }
0x118: {  	[tilespmem:s23+$0xFFFFFF90] =	vst v8;
	v8 =	vld [tilespmem:s23+$0xFFFFFFC8]  }
0x119: {  	v9 =	vld.idx.msk [tilespmem:v12+s7+$0x0], $0xffff  }
0x11a: {  	v10 =	vld [tilespmem:s23+$0xFFFFFFB8]  }
0x11b: {  	v11 =	vld [tilespmem:s23+$0xFFFFFFD8]  }
0x11c: {  	s25 =	sadd.s32 $0xFFFFFFFF, s24  }
0x11d: {  	v12 =	vmov s25  }
0x11e: {  	v12 =	vand.u32 $0xFFFFFFFE, v12  }
0x11f: {  	v12 =	vbroadcast v12, $0x0;
	v10 =	vmul.f32 v10, v9  }
0x120: {  	v7 =	vmul.f32 v7, v9;
	v11 =	vmul.f32 v11, v9  }
0x121: {  	v8 =	vmul.f32 v8, v9;
	[tilespmem:s23+$0xFFFFFFB8] =	vst v10  }
0x122: {  	[tilespmem:s23+$0xFFFFFFD8] =	vst v11  }
0x123: {  	[tilespmem:s23+$0xFFFFFFE8] =	vst v7;
	v7 =	vld [tilespmem:s23+$0x30]  }
0x124: {  	[tilespmem:s23+$0xFFFFFFC8] =	vst v8;
	v8 =	vld [tilespmem:s23+$0x0]  }
0x125: {  	v9 =	vld.idx.msk [tilespmem:v12+s7+$0x0], $0xffff  }
0x126: {  	v10 =	vld [tilespmem:s23+$0x10]  }
0x127: {  	v11 =	vld [tilespmem:s23+$0x20];
	_ =	sdelay $0x3  }
.Ltmp3:
0x128: {  	v12 =	vmul.f32 v8, v9;
	v10 =	vmul.f32 v10, v9;
	(pc) =	sbr.rel @p0 .LBB2_5-.Ltmp3, $4  }
0x129: {  	v8 =	vmul.f32 v11, v9;
	v9 =	vmul.f32 v7, v9;
	v7 =	vmov s24  }
0x12a: {  	[tilespmem:s23+$0x0] =	vst v12  }
0x12b: {  	[tilespmem:s23+$0x10] =	vst v10  }
0x12c: {  	[tilespmem:s23+$0x30] =	vst v9  }
0x12d: {  	_ =	sdelay $0x2  }
0x12e: {  	[tilespmem:s21+$0x20] =	vst v8;
	v8 =	vld [tilespmem:s21+$0x48]  }
0x12f: {  	v7 =	vld.idx.msk [tilespmem:v7+s7+$0x0], $0xffff  }
0x130: {  	v9 =	vld [tilespmem:s21+$0x68]  }
0x131: {  	v10 =	vld [tilespmem:s21+$0x78]  }
0x132: {  	v11 =	vld [tilespmem:s21+$0x58];
	_ =	sdelay $0x1  }
0x133: {  	v8 =	vmul.f32 v8, v7  }
0x134: {  	v9 =	vmul.f32 v9, v7  }
0x135: {  	[tilespmem:s21+$0x48] =	vst v8;
	v8 =	vmul.f32 v10, v7  }
0x136: {  	v7 =	vmul.f32 v11, v7;
	[tilespmem:s21+$0x68] =	vst v9  }
0x137: {  	p0 =	seq.s32 s20, $0x0;
	[tilespmem:s21+$0x78] =	vst v8  }
0x138: {  	[tilespmem:s21+$0x58] =	vst v7;
	s21 =	simm.s32 @!p0 $0x6  }
0x139: {  	[spmem:s3] =	stream.indirect.scatter.add.f32 [tilespmem:s2], [sflag:$0x4], $0x48, s8, s31, $0xb8;
	[tilespmem:$0x1F7F8] =	vst v63  }
0x13a: {  	s22 =	smul.u32 $0x3C0, s20;
	_ =	swait.ge @!p0 [sflag:s21], $0x1680  }
0x13b: {  	[sflag:s21] =	ssyncset.done @!p0 $0x0  }
0x13c: {  	[sflag:s21] =	ssyncadd.s32 @!p0 $0xFFFFE980;
	s21 =	sshra.s32 s22, $0x2  }
0x13d: {  	v7 =	vld [tilespmem:s21+$0x2810];
	_ =	sdelay $0x4  }
0x13e: {  	v8 =	vshrl.u32 v7, $0x10  }
0x13f: {  	v7 =	vand.u32 $0xFFFF, v7;
	[tilespmem:$0x4F70] =	vst v8  }
0x140: {  	[tilespmem:$0x5060] =	vst v7  }
0x141: {  	v7 =	vld [tilespmem:s21+$0x2820];
	_ =	sdelay $0x4  }
0x142: {  	v8 =	vshrl.u32 v7, $0x10  }
0x143: {  	v7 =	vand.u32 $0xFFFF, v7;
	[tilespmem:$0x4F80] =	vst v8  }
0x144: {  	[tilespmem:$0x5070] =	vst v7  }
0x145: {  	v7 =	vld [tilespmem:s21+$0x2830];
	_ =	sdelay $0x4  }
0x146: {  	v8 =	vshrl.u32 v7, $0x10  }
0x147: {  	v7 =	vand.u32 $0xFFFF, v7;
	[tilespmem:$0x4F90] =	vst v8  }
0x148: {  	[tilespmem:$0x5080] =	vst v7  }
0x149: {  	v7 =	vld [tilespmem:s21+$0x2840];
	_ =	sdelay $0x4  }
0x14a: {  	v8 =	vshrl.u32 v7, $0x10  }
0x14b: {  	v7 =	vand.u32 $0xFFFF, v7;
	[tilespmem:$0x4FA0] =	vst v8  }
0x14c: {  	[tilespmem:$0x5090] =	vst v7  }
0x14d: {  	v7 =	vld [tilespmem:s21+$0x2850];
	_ =	sdelay $0x4  }
0x14e: {  	v8 =	vshrl.u32 v7, $0x10  }
0x14f: {  	v7 =	vand.u32 $0xFFFF, v7;
	[tilespmem:$0x4FB0] =	vst v8  }
0x150: {  	[tilespmem:$0x50A0] =	vst v7  }
0x151: {  	[tilespmem:s10], [sflag:$0x3] =	stream.indirect.gather [spmem:s4], $0x48, s9, s31, $0xb8;
	[tilespmem:$0x1F7F8] =	vst v63  }
0x152: {  	_ =	swait.ge [sflag:s11], $0x1680  }
0x153: {  	[sflag:s11] =	ssyncset.done $0x0  }
0x154: {  	[sflag:s11] =	ssyncadd.s32 $0xFFFFE980  }
0x155: {  	v7 =	vld [tilespmem:$0x5010];
	_ =	sdelay $0x6  }
0x156: {  	v8 =	vld.idx.msk [tilespmem:v1+s1+$0x0], $0xffff  }
0x157: {  	v7 =	vld.idx.msk [tilespmem:v7+s5+$0x0], $0xffff;
	_ =	sdelay $0x4  }
0x158: {  	v7 =	vadd.f32 v7, v8;
	_ =	sdelay $0x1  }
0x159: {  	v8 =	vmul.f32 $2.000000030e-01, v7;
	_ =	sdelay $0x1  }
0x15a: {  	v7 =	vmax.f32 v7, v8  }
0x15b: {  	v7 =	vsub.f32 v7, v6;
	_ =	sdelay $0x1  }
0x15c: {  	v7 =	vmul.f32 $1.442695020e+00, v7;
	_ =	sdelay $0x1  }
0x15d: {  	(erf) = vpow2.f32 v7;
	_ =	sdelay $0x8  }
0x15e: {  	v7 =	vpop (erf)  }
0x15f: {  	[tilespmem:$0x2720] =	vst v7  }
0x160: {  	[tilespmem:v1+s1+$0x0] =	vst.idx.msk $0xffff, v7  }
0x161: {  	v7 =	vld [tilespmem:$0x5020];
	_ =	sdelay $0x6  }
0x162: {  	v8 =	vld.idx.msk [tilespmem:v2+s1+$0x0], $0xffff  }
0x163: {  	v7 =	vld.idx.msk [tilespmem:v7+s5+$0x0], $0xffff;
	_ =	sdelay $0x4  }
0x164: {  	v7 =	vadd.f32 v7, v8;
	_ =	sdelay $0x1  }
0x165: {  	v8 =	vmul.f32 $2.000000030e-01, v7;
	_ =	sdelay $0x1  }
0x166: {  	v7 =	vmax.f32 v7, v8  }
0x167: {  	v7 =	vsub.f32 v7, v6;
	_ =	sdelay $0x1  }
0x168: {  	v7 =	vmul.f32 $1.442695020e+00, v7;
	_ =	sdelay $0x1  }
0x169: {  	(erf) = vpow2.f32 v7;
	_ =	sdelay $0x8  }
0x16a: {  	v7 =	vpop (erf)  }
0x16b: {  	[tilespmem:$0x2730] =	vst v7  }
0x16c: {  	[tilespmem:v2+s1+$0x0] =	vst.idx.msk $0xffff, v7  }
0x16d: {  	v7 =	vld [tilespmem:$0x5030];
	_ =	sdelay $0x6  }
0x16e: {  	v8 =	vld.idx.msk [tilespmem:v3+s1+$0x0], $0xffff  }
0x16f: {  	v7 =	vld.idx.msk [tilespmem:v7+s5+$0x0], $0xffff;
	_ =	sdelay $0x4  }
0x170: {  	v7 =	vadd.f32 v7, v8;
	_ =	sdelay $0x1  }
0x171: {  	v8 =	vmul.f32 $2.000000030e-01, v7;
	_ =	sdelay $0x1  }
0x172: {  	v7 =	vmax.f32 v7, v8  }
0x173: {  	v7 =	vsub.f32 v7, v6;
	_ =	sdelay $0x1  }
0x174: {  	v7 =	vmul.f32 $1.442695020e+00, v7;
	_ =	sdelay $0x1  }
0x175: {  	(erf) = vpow2.f32 v7;
	_ =	sdelay $0x8  }
0x176: {  	v7 =	vpop (erf)  }
0x177: {  	[tilespmem:$0x2740] =	vst v7  }
0x178: {  	[tilespmem:v3+s1+$0x0] =	vst.idx.msk $0xffff, v7  }
0x179: {  	v7 =	vld [tilespmem:$0x5040];
	_ =	sdelay $0x6  }
0x17a: {  	v8 =	vld.idx.msk [tilespmem:v4+s1+$0x0], $0xffff  }
0x17b: {  	v7 =	vld.idx.msk [tilespmem:v7+s5+$0x0], $0xffff;
	_ =	sdelay $0x4  }
0x17c: {  	v7 =	vadd.f32 v7, v8;
	_ =	sdelay $0x1  }
0x17d: {  	v8 =	vmul.f32 $2.000000030e-01, v7;
	_ =	sdelay $0x1  }
0x17e: {  	v7 =	vmax.f32 v7, v8  }
0x17f: {  	v7 =	vsub.f32 v7, v6;
	_ =	sdelay $0x1  }
0x180: {  	v7 =	vmul.f32 $1.442695020e+00, v7;
	_ =	sdelay $0x1  }
0x181: {  	(erf) = vpow2.f32 v7;
	_ =	sdelay $0x8  }
0x182: {  	v7 =	vpop (erf)  }
0x183: {  	[tilespmem:$0x2750] =	vst v7  }
0x184: {  	[tilespmem:v4+s1+$0x0] =	vst.idx.msk $0xffff, v7  }
0x185: {  	v7 =	vld [tilespmem:$0x5050];
	_ =	sdelay $0x6  }
0x186: {  	v8 =	vld.idx.msk [tilespmem:v5+s1+$0x0], $0xffff  }
0x187: {  	v7 =	vld.idx.msk [tilespmem:v7+s5+$0x0], $0xffff;
	_ =	sdelay $0x4  }
0x188: {  	v7 =	vadd.f32 v7, v8;
	_ =	sdelay $0x1  }
0x189: {  	v8 =	vmul.f32 $2.000000030e-01, v7;
	_ =	sdelay $0x1  }
0x18a: {  	v7 =	vmax.f32 v7, v8  }
0x18b: {  	v7 =	vsub.f32 v7, v6;
	_ =	sdelay $0x1  }
0x18c: {  	v7 =	vmul.f32 $1.442695020e+00, v7;
	_ =	sdelay $0x1  }
0x18d: {  	(erf) = vpow2.f32 v7;
	_ =	sdelay $0x2  }
0x18e: {  	s25 =	simm.s32 $0x0  }
0x18f: {  	v7 =	vmov s25  }
0x190: {  	v7 =	vand.u32 $0xFFFFFFFC, v7  }
0x191: {  	v7 =	vbroadcast v7, $0x0;
	_ =	sdelay $0x2  }
0x192: {  	v8 =	vpop (erf)  }
0x193: {  	[tilespmem:$0x2760] =	vst v8  }
0x194: {  	[tilespmem:v5+s1+$0x0] =	vst.idx.msk $0xffff, v8  }
0x195: {  	s22 =	simm.s32 $0x67C0;
	v7 =	vld.idx.msk [tilespmem:v7+s7+$0x0], $0xffff  }
0x196: {  	v8 =	vld [tilespmem:s22+$0xFFFFFF70]  }
0x197: {  	v9 =	vld [tilespmem:s22+$0xFFFFFFA0]  }
0x198: {  	s23 =	simm.s32 $0x1;
	v10 =	vld [tilespmem:s22+$0xFFFFFF80]  }
0x199: {  	v12 =	vmov s23;
	v11 =	vld [tilespmem:s22+$0xFFFFFF90]  }
0x19a: {  	v12 =	vand.u32 $0xFFFFFFFD, v12  }
0x19b: {  	v12 =	vbroadcast v12, $0x0;
	v8 =	vmul.f32 v8, v7  }
0x19c: {  	v9 =	vmul.f32 v9, v7  }
0x19d: {  	[tilespmem:s22+$0xFFFFFF70] =	vst v8;
	v8 =	vmul.f32 v10, v7  }
0x19e: {  	v7 =	vmul.f32 v11, v7;
	[tilespmem:s22+$0xFFFFFFA0] =	vst v9  }
0x19f: {  	[tilespmem:s22+$0xFFFFFF80] =	vst v8  }
0x1a0: {  	[tilespmem:s22+$0xFFFFFF90] =	vst v7;
	v8 =	vld [tilespmem:s22+$0xFFFFFFB8]  }
0x1a1: {  	v7 =	vld.idx.msk [tilespmem:v12+s7+$0x0], $0xffff  }
0x1a2: {  	v9 =	vld [tilespmem:s22+$0xFFFFFFD8]  }
0x1a3: {  	s26 =	simm.s32 $0x2;
	v10 =	vld [tilespmem:s22+$0xFFFFFFE8]  }
0x1a4: {  	v63 =	vmov s26;
	v11 =	vld [tilespmem:s22+$0xFFFFFFC8]  }
0x1a5: {  	v12 =	vand.u32 $0xFFFFFFFE, v63  }
0x1a6: {  	v12 =	vbroadcast v12, $0x0;
	v8 =	vmul.f32 v8, v7  }
0x1a7: {  	v9 =	vmul.f32 v9, v7  }
0x1a8: {  	v10 =	vmul.f32 v10, v7;
	[tilespmem:s22+$0xFFFFFFB8] =	vst v8  }
0x1a9: {  	v7 =	vmul.f32 v11, v7;
	[tilespmem:s22+$0xFFFFFFD8] =	vst v9  }
0x1aa: {  	[tilespmem:s22+$0xFFFFFFE8] =	vst v10  }
0x1ab: {  	[tilespmem:s22+$0xFFFFFFC8] =	vst v7;
	v7 =	vld [tilespmem:s22+$0x0]  }
0x1ac: {  	v8 =	vld.idx.msk [tilespmem:v12+s7+$0x0], $0xffff  }
0x1ad: {  	v9 =	vld [tilespmem:s22+$0x10]  }
0x1ae: {  	v10 =	vld [tilespmem:s22+$0x30];
	_ =	sdelay $0x1  }
0x1af: {  	v11 =	vld [tilespmem:s22+$0x20]  }
0x1b0: {  	v7 =	vmul.f32 v7, v8  }
0x1b1: {  	s24 =	simm.s32 $0x3;
	v9 =	vmul.f32 v9, v8  }
0x1b2: {  	v10 =	vmul.f32 v10, v8;
	[tilespmem:s22+$0x0] =	vst v7;
	v7 =	vmov s24  }
0x1b3: {  	[tilespmem:s22+$0x10] =	vst v9  }
0x1b4: {  	s23 =	simm.s32 $0x7;
	v8 =	vmul.f32 v11, v8;
	[tilespmem:s22+$0x30] =	vst v10;
	s24 =	simm.s32 $0x67C0  }
.LBB2_7:
0x1b5: {  	p0 =	sne.s32 s23, $0x4F  }
0x1b6: {  	[tilespmem:s22+$0x20] =	vst v8;
	v8 =	vld [tilespmem:s22+$0x68];
	s24 =	sadd.s32 $0x120, s24;
	s25 =	smov.u32 s23;
	s23 =	sadd.s32 $0x4, s23  }
0x1b7: {  	v7 =	vld.idx.msk [tilespmem:v7+s7+$0x0], $0xffff  }
0x1b8: {  	v9 =	vld [tilespmem:s22+$0x48]  }
0x1b9: {  	v10 =	vld [tilespmem:s22+$0x58]  }
0x1ba: {  	s26 =	sadd.s32 $0xFFFFFFFD, s25;
	v11 =	vld [tilespmem:s22+$0x78]  }
0x1bb: {  	v12 =	vmov s26  }
0x1bc: {  	v12 =	vand.u32 $0xFFFFFFFC, v12  }
0x1bd: {  	v12 =	vbroadcast v12, $0x0;
	v9 =	vmul.f32 v9, v7  }
0x1be: {  	v8 =	vmul.f32 v8, v7;
	v10 =	vmul.f32 v10, v7  }
0x1bf: {  	[tilespmem:s22+$0x48] =	vst v9;
	v7 =	vmul.f32 v11, v7  }
0x1c0: {  	[tilespmem:s22+$0x68] =	vst v8  }
0x1c1: {  	v8 =	vld [tilespmem:s24+$0xFFFFFF90];
	[tilespmem:s22+$0x78] =	vst v7  }
0x1c2: {  	v7 =	vld [tilespmem:s24+$0xFFFFFFA0];
	[tilespmem:s22+$0x58] =	vst v10;
	s22 =	smov.u32 s24  }
0x1c3: {  	v9 =	vld.idx.msk [tilespmem:v12+s7+$0x0], $0xffff  }
0x1c4: {  	v10 =	vld [tilespmem:s24+$0xFFFFFF70]  }
0x1c5: {  	v11 =	vld [tilespmem:s24+$0xFFFFFF80]  }
0x1c6: {  	s26 =	sadd.s32 $0xFFFFFFFE, s25  }
0x1c7: {  	v12 =	vmov s26  }
0x1c8: {  	v12 =	vand.u32 $0xFFFFFFFD, v12  }
0x1c9: {  	v12 =	vbroadcast v12, $0x0;
	v10 =	vmul.f32 v10, v9  }
0x1ca: {  	v8 =	vmul.f32 v8, v9;
	v7 =	vmul.f32 v7, v9  }
0x1cb: {  	v9 =	vmul.f32 v11, v9;
	[tilespmem:s24+$0xFFFFFF70] =	vst v10  }
0x1cc: {  	[tilespmem:s24+$0xFFFFFFA0] =	vst v7  }
0x1cd: {  	[tilespmem:s24+$0xFFFFFF80] =	vst v9;
	v7 =	vld [tilespmem:s24+$0xFFFFFFE8]  }
0x1ce: {  	[tilespmem:s24+$0xFFFFFF90] =	vst v8;
	v8 =	vld [tilespmem:s24+$0xFFFFFFC8]  }
0x1cf: {  	v9 =	vld.idx.msk [tilespmem:v12+s7+$0x0], $0xffff  }
0x1d0: {  	v10 =	vld [tilespmem:s24+$0xFFFFFFB8]  }
0x1d1: {  	v11 =	vld [tilespmem:s24+$0xFFFFFFD8]  }
0x1d2: {  	s26 =	sadd.s32 $0xFFFFFFFF, s25  }
0x1d3: {  	v12 =	vmov s26  }
0x1d4: {  	v12 =	vand.u32 $0xFFFFFFFE, v12  }
0x1d5: {  	v12 =	vbroadcast v12, $0x0;
	v10 =	vmul.f32 v10, v9  }
0x1d6: {  	v7 =	vmul.f32 v7, v9;
	v11 =	vmul.f32 v11, v9  }
0x1d7: {  	v8 =	vmul.f32 v8, v9;
	[tilespmem:s24+$0xFFFFFFB8] =	vst v10  }
0x1d8: {  	[tilespmem:s24+$0xFFFFFFD8] =	vst v11  }
0x1d9: {  	[tilespmem:s24+$0xFFFFFFE8] =	vst v7;
	v7 =	vld [tilespmem:s24+$0x30]  }
0x1da: {  	[tilespmem:s24+$0xFFFFFFC8] =	vst v8;
	v8 =	vld [tilespmem:s24+$0x0]  }
0x1db: {  	v9 =	vld.idx.msk [tilespmem:v12+s7+$0x0], $0xffff  }
0x1dc: {  	v10 =	vld [tilespmem:s24+$0x10]  }
0x1dd: {  	v11 =	vld [tilespmem:s24+$0x20];
	_ =	sdelay $0x3  }
.Ltmp4:
0x1de: {  	v12 =	vmul.f32 v8, v9;
	v10 =	vmul.f32 v10, v9;
	(pc) =	sbr.rel @p0 .LBB2_7-.Ltmp4, $4  }
0x1df: {  	v8 =	vmul.f32 v11, v9;
	v9 =	vmul.f32 v7, v9;
	v7 =	vmov s25  }
0x1e0: {  	[tilespmem:s24+$0x0] =	vst v12  }
0x1e1: {  	[tilespmem:s24+$0x10] =	vst v10  }
0x1e2: {  	[tilespmem:s24+$0x30] =	vst v9  }
0x1e3: {  	_ =	sdelay $0x2  }
0x1e4: {  	[tilespmem:s22+$0x20] =	vst v8;
	v8 =	vld [tilespmem:s22+$0x48]  }
0x1e5: {  	v7 =	vld.idx.msk [tilespmem:v7+s7+$0x0], $0xffff  }
0x1e6: {  	v9 =	vld [tilespmem:s22+$0x68]  }
0x1e7: {  	v10 =	vld [tilespmem:s22+$0x78]  }
0x1e8: {  	v11 =	vld [tilespmem:s22+$0x58];
	_ =	sdelay $0x1  }
0x1e9: {  	v8 =	vmul.f32 v8, v7  }
0x1ea: {  	v9 =	vmul.f32 v9, v7  }
0x1eb: {  	[tilespmem:s22+$0x48] =	vst v8;
	v8 =	vmul.f32 v10, v7  }
0x1ec: {  	v7 =	vmul.f32 v11, v7;
	[tilespmem:s22+$0x68] =	vst v9  }
0x1ed: {  	[tilespmem:s22+$0x78] =	vst v8  }
0x1ee: {  	[tilespmem:s22+$0x58] =	vst v7  }
0x1ef: {  	[spmem:s3] =	stream.indirect.scatter.add.f32 [tilespmem:s1], [sflag:$0x5], $0x48, s12, s31, $0xb8;
	[tilespmem:$0x1F7F8] =	vst v63  }
0x1f0: {  	_ =	swait.ge [sflag:s13], $0x1680  }
0x1f1: {  	[sflag:s13] =	ssyncset.done $0x0  }
0x1f2: {  	p0 =	seq.s32 s20, $0x29;
	[sflag:s13] =	ssyncadd.s32 $0xFFFFE980  }
0x1f3: {  	v7 =	vld @!p0 [tilespmem:s21+$0x2860];
	_ =	sdelay $0x4  }
0x1f4: {  	v8 =	vshrl.u32 @!p0 v7, $0x10  }
0x1f5: {  	v7 =	vand.u32 @!p0 $0xFFFF, v7;
	[tilespmem:$0x4ED0] =	vst @!p0 v8  }
0x1f6: {  	[tilespmem:$0x4FC0] =	vst @!p0 v7  }
0x1f7: {  	v7 =	vld @!p0 [tilespmem:s21+$0x2870];
	_ =	sdelay $0x4  }
0x1f8: {  	v8 =	vshrl.u32 @!p0 v7, $0x10  }
0x1f9: {  	v7 =	vand.u32 @!p0 $0xFFFF, v7;
	[tilespmem:$0x4EE0] =	vst @!p0 v8  }
0x1fa: {  	[tilespmem:$0x4FD0] =	vst @!p0 v7  }
0x1fb: {  	v7 =	vld @!p0 [tilespmem:s21+$0x2880];
	_ =	sdelay $0x4  }
0x1fc: {  	v8 =	vshrl.u32 @!p0 v7, $0x10  }
0x1fd: {  	v7 =	vand.u32 @!p0 $0xFFFF, v7;
	[tilespmem:$0x4EF0] =	vst @!p0 v8  }
0x1fe: {  	[tilespmem:$0x4FE0] =	vst @!p0 v7  }
0x1ff: {  	v7 =	vld @!p0 [tilespmem:s21+$0x2890];
	_ =	sdelay $0x4  }
0x200: {  	v8 =	vshrl.u32 @!p0 v7, $0x10  }
0x201: {  	v7 =	vand.u32 @!p0 $0xFFFF, v7;
	[tilespmem:$0x4F00] =	vst @!p0 v8  }
0x202: {  	[tilespmem:$0x4FF0] =	vst @!p0 v7  }
0x203: {  	v7 =	vld @!p0 [tilespmem:s21+$0x28A0];
	_ =	sdelay $0x4  }
0x204: {  	v8 =	vshrl.u32 @!p0 v7, $0x10  }
0x205: {  	v7 =	vand.u32 @!p0 $0xFFFF, v7;
	[tilespmem:$0x4F10] =	vst @!p0 v8  }
0x206: {  	s23 =	simm.s32 @!p0 $0x4ED0;
	s24 =	simm.s32 @!p0 $0x50B0;
	s22 =	simm.s32 @!p0 $0x50;
	[tilespmem:$0x5000] =	vst @!p0 v7  }
0x207: {  	[tilespmem:s24], [sflag:$0x1] =	stream.indirect.gather @!p0 [spmem:s4], $0x48, s23, s22, $0xb8;
	[tilespmem:$0x1F7F8] =	vst v63  }
0x208: {  	s24 =	simm.s32 $0x3  }
0x209: {  	_ =	swait.ge [sflag:s24], $0x1680  }
0x20a: {  	[sflag:s24] =	ssyncset.done $0x0  }
0x20b: {  	[sflag:s24] =	ssyncadd.s32 $0xFFFFE980  }
0x20c: {  	v7 =	vld [tilespmem:$0x5060];
	_ =	sdelay $0x6  }
0x20d: {  	v8 =	vld.idx.msk [tilespmem:v1+s10+$0x0], $0xffff  }
0x20e: {  	v7 =	vld.idx.msk [tilespmem:v7+s5+$0x0], $0xffff;
	_ =	sdelay $0x4  }
0x20f: {  	v7 =	vadd.f32 v7, v8;
	_ =	sdelay $0x1  }
0x210: {  	v8 =	vmul.f32 $2.000000030e-01, v7;
	_ =	sdelay $0x1  }
0x211: {  	v7 =	vmax.f32 v7, v8  }
0x212: {  	v7 =	vsub.f32 v7, v6;
	_ =	sdelay $0x1  }
0x213: {  	v7 =	vmul.f32 $1.442695020e+00, v7;
	_ =	sdelay $0x1  }
0x214: {  	(erf) = vpow2.f32 v7;
	_ =	sdelay $0x8  }
0x215: {  	v7 =	vpop (erf)  }
0x216: {  	[tilespmem:$0x2720] =	vst v7  }
0x217: {  	[tilespmem:v1+s10+$0x0] =	vst.idx.msk $0xffff, v7  }
0x218: {  	v7 =	vld [tilespmem:$0x5070];
	_ =	sdelay $0x6  }
0x219: {  	v8 =	vld.idx.msk [tilespmem:v2+s10+$0x0], $0xffff  }
0x21a: {  	v7 =	vld.idx.msk [tilespmem:v7+s5+$0x0], $0xffff;
	_ =	sdelay $0x4  }
0x21b: {  	v7 =	vadd.f32 v7, v8;
	_ =	sdelay $0x1  }
0x21c: {  	v8 =	vmul.f32 $2.000000030e-01, v7;
	_ =	sdelay $0x1  }
0x21d: {  	v7 =	vmax.f32 v7, v8  }
0x21e: {  	v7 =	vsub.f32 v7, v6;
	_ =	sdelay $0x1  }
0x21f: {  	v7 =	vmul.f32 $1.442695020e+00, v7;
	_ =	sdelay $0x1  }
0x220: {  	(erf) = vpow2.f32 v7;
	_ =	sdelay $0x8  }
0x221: {  	v7 =	vpop (erf)  }
0x222: {  	[tilespmem:$0x2730] =	vst v7  }
0x223: {  	[tilespmem:v2+s10+$0x0] =	vst.idx.msk $0xffff, v7  }
0x224: {  	v7 =	vld [tilespmem:$0x5080];
	_ =	sdelay $0x6  }
0x225: {  	v8 =	vld.idx.msk [tilespmem:v3+s10+$0x0], $0xffff  }
0x226: {  	v7 =	vld.idx.msk [tilespmem:v7+s5+$0x0], $0xffff;
	_ =	sdelay $0x4  }
0x227: {  	v7 =	vadd.f32 v7, v8;
	_ =	sdelay $0x1  }
0x228: {  	v8 =	vmul.f32 $2.000000030e-01, v7;
	_ =	sdelay $0x1  }
0x229: {  	v7 =	vmax.f32 v7, v8  }
0x22a: {  	v7 =	vsub.f32 v7, v6;
	_ =	sdelay $0x1  }
0x22b: {  	v7 =	vmul.f32 $1.442695020e+00, v7;
	_ =	sdelay $0x1  }
0x22c: {  	(erf) = vpow2.f32 v7;
	_ =	sdelay $0x8  }
0x22d: {  	v7 =	vpop (erf)  }
0x22e: {  	[tilespmem:$0x2740] =	vst v7  }
0x22f: {  	[tilespmem:v3+s10+$0x0] =	vst.idx.msk $0xffff, v7  }
0x230: {  	v7 =	vld [tilespmem:$0x5090];
	_ =	sdelay $0x6  }
0x231: {  	v8 =	vld.idx.msk [tilespmem:v4+s10+$0x0], $0xffff  }
0x232: {  	v7 =	vld.idx.msk [tilespmem:v7+s5+$0x0], $0xffff;
	_ =	sdelay $0x4  }
0x233: {  	v7 =	vadd.f32 v7, v8;
	_ =	sdelay $0x1  }
0x234: {  	v8 =	vmul.f32 $2.000000030e-01, v7;
	_ =	sdelay $0x1  }
0x235: {  	v7 =	vmax.f32 v7, v8  }
0x236: {  	v7 =	vsub.f32 v7, v6;
	_ =	sdelay $0x1  }
0x237: {  	v7 =	vmul.f32 $1.442695020e+00, v7;
	_ =	sdelay $0x1  }
0x238: {  	(erf) = vpow2.f32 v7;
	_ =	sdelay $0x8  }
0x239: {  	v7 =	vpop (erf)  }
0x23a: {  	[tilespmem:$0x2750] =	vst v7  }
0x23b: {  	[tilespmem:v4+s10+$0x0] =	vst.idx.msk $0xffff, v7  }
0x23c: {  	v7 =	vld [tilespmem:$0x50A0];
	_ =	sdelay $0x6  }
0x23d: {  	v8 =	vld.idx.msk [tilespmem:v5+s10+$0x0], $0xffff  }
0x23e: {  	v7 =	vld.idx.msk [tilespmem:v7+s5+$0x0], $0xffff;
	_ =	sdelay $0x4  }
0x23f: {  	v7 =	vadd.f32 v7, v8;
	_ =	sdelay $0x1  }
0x240: {  	v8 =	vmul.f32 $2.000000030e-01, v7;
	_ =	sdelay $0x1  }
0x241: {  	v7 =	vmax.f32 v7, v8  }
0x242: {  	v7 =	vsub.f32 v7, v6;
	_ =	sdelay $0x1  }
0x243: {  	v7 =	vmul.f32 $1.442695020e+00, v7;
	_ =	sdelay $0x1  }
0x244: {  	(erf) = vpow2.f32 v7;
	_ =	sdelay $0x2  }
0x245: {  	s23 =	simm.s32 $0x0  }
0x246: {  	v7 =	vmov s23  }
0x247: {  	v7 =	vand.u32 $0xFFFFFFFC, v7  }
0x248: {  	v7 =	vbroadcast v7, $0x0;
	_ =	sdelay $0x2  }
0x249: {  	v8 =	vpop (erf)  }
0x24a: {  	[tilespmem:$0x2760] =	vst v8  }
0x24b: {  	[tilespmem:v5+s10+$0x0] =	vst.idx.msk $0xffff, v8  }
0x24c: {  	s22 =	simm.s32 $0x7E40;
	v7 =	vld.idx.msk [tilespmem:v7+s7+$0x0], $0xffff  }
0x24d: {  	v8 =	vld [tilespmem:s22+$0xFFFFFF70]  }
0x24e: {  	v9 =	vld [tilespmem:s22+$0xFFFFFFA0]  }
0x24f: {  	s25 =	simm.s32 $0x1;
	v10 =	vld [tilespmem:s22+$0xFFFFFF80]  }
0x250: {  	v12 =	vmov s25;
	v11 =	vld [tilespmem:s22+$0xFFFFFF90]  }
0x251: {  	v12 =	vand.u32 $0xFFFFFFFD, v12  }
0x252: {  	v12 =	vbroadcast v12, $0x0;
	v8 =	vmul.f32 v8, v7  }
0x253: {  	v9 =	vmul.f32 v9, v7  }
0x254: {  	[tilespmem:s22+$0xFFFFFF70] =	vst v8;
	v8 =	vmul.f32 v10, v7  }
0x255: {  	v7 =	vmul.f32 v11, v7;
	[tilespmem:s22+$0xFFFFFFA0] =	vst v9  }
0x256: {  	[tilespmem:s22+$0xFFFFFF80] =	vst v8  }
0x257: {  	[tilespmem:s22+$0xFFFFFF90] =	vst v7;
	v8 =	vld [tilespmem:s22+$0xFFFFFFB8]  }
0x258: {  	v7 =	vld.idx.msk [tilespmem:v12+s7+$0x0], $0xffff  }
0x259: {  	v9 =	vld [tilespmem:s22+$0xFFFFFFD8]  }
0x25a: {  	s26 =	simm.s32 $0x2;
	v10 =	vld [tilespmem:s22+$0xFFFFFFE8]  }
0x25b: {  	v63 =	vmov s26;
	v11 =	vld [tilespmem:s22+$0xFFFFFFC8]  }
0x25c: {  	v12 =	vand.u32 $0xFFFFFFFE, v63  }
0x25d: {  	v12 =	vbroadcast v12, $0x0;
	v8 =	vmul.f32 v8, v7  }
0x25e: {  	v9 =	vmul.f32 v9, v7  }
0x25f: {  	v10 =	vmul.f32 v10, v7;
	[tilespmem:s22+$0xFFFFFFB8] =	vst v8  }
0x260: {  	v7 =	vmul.f32 v11, v7;
	[tilespmem:s22+$0xFFFFFFD8] =	vst v9  }
0x261: {  	[tilespmem:s22+$0xFFFFFFE8] =	vst v10  }
0x262: {  	[tilespmem:s22+$0xFFFFFFC8] =	vst v7;
	v7 =	vld [tilespmem:s22+$0x0]  }
0x263: {  	v8 =	vld.idx.msk [tilespmem:v12+s7+$0x0], $0xffff  }
0x264: {  	v9 =	vld [tilespmem:s22+$0x10]  }
0x265: {  	v10 =	vld [tilespmem:s22+$0x30];
	_ =	sdelay $0x1  }
0x266: {  	v11 =	vld [tilespmem:s22+$0x20]  }
0x267: {  	v7 =	vmul.f32 v7, v8  }
0x268: {  	v9 =	vmul.f32 v9, v8  }
0x269: {  	v10 =	vmul.f32 v10, v8;
	[tilespmem:s22+$0x0] =	vst v7;
	v7 =	vmov s24  }
0x26a: {  	[tilespmem:s22+$0x10] =	vst v9  }
0x26b: {  	s23 =	simm.s32 $0x7;
	v8 =	vmul.f32 v11, v8;
	[tilespmem:s22+$0x30] =	vst v10;
	s24 =	simm.s32 $0x7E40  }
.LBB2_9:
0x26c: {  	p1 =	sne.s32 s23, $0x4F  }
0x26d: {  	[tilespmem:s22+$0x20] =	vst v8;
	v8 =	vld [tilespmem:s22+$0x68];
	s24 =	sadd.s32 $0x120, s24;
	s25 =	smov.u32 s23;
	s23 =	sadd.s32 $0x4, s23  }
0x26e: {  	v7 =	vld.idx.msk [tilespmem:v7+s7+$0x0], $0xffff  }
0x26f: {  	v9 =	vld [tilespmem:s22+$0x48]  }
0x270: {  	v10 =	vld [tilespmem:s22+$0x58]  }
0x271: {  	s26 =	sadd.s32 $0xFFFFFFFD, s25;
	v11 =	vld [tilespmem:s22+$0x78]  }
0x272: {  	v12 =	vmov s26  }
0x273: {  	v12 =	vand.u32 $0xFFFFFFFC, v12  }
0x274: {  	v12 =	vbroadcast v12, $0x0;
	v9 =	vmul.f32 v9, v7  }
0x275: {  	v8 =	vmul.f32 v8, v7;
	v10 =	vmul.f32 v10, v7  }
0x276: {  	[tilespmem:s22+$0x48] =	vst v9;
	v7 =	vmul.f32 v11, v7  }
0x277: {  	[tilespmem:s22+$0x68] =	vst v8  }
0x278: {  	v8 =	vld [tilespmem:s24+$0xFFFFFF90];
	[tilespmem:s22+$0x78] =	vst v7  }
0x279: {  	v7 =	vld [tilespmem:s24+$0xFFFFFFA0];
	[tilespmem:s22+$0x58] =	vst v10;
	s22 =	smov.u32 s24  }
0x27a: {  	v9 =	vld.idx.msk [tilespmem:v12+s7+$0x0], $0xffff  }
0x27b: {  	v10 =	vld [tilespmem:s24+$0xFFFFFF70]  }
0x27c: {  	v11 =	vld [tilespmem:s24+$0xFFFFFF80]  }
0x27d: {  	s26 =	sadd.s32 $0xFFFFFFFE, s25  }
0x27e: {  	v12 =	vmov s26  }
0x27f: {  	v12 =	vand.u32 $0xFFFFFFFD, v12  }
0x280: {  	v12 =	vbroadcast v12, $0x0;
	v10 =	vmul.f32 v10, v9  }
0x281: {  	v8 =	vmul.f32 v8, v9;
	v7 =	vmul.f32 v7, v9  }
0x282: {  	v9 =	vmul.f32 v11, v9;
	[tilespmem:s24+$0xFFFFFF70] =	vst v10  }
0x283: {  	[tilespmem:s24+$0xFFFFFFA0] =	vst v7  }
0x284: {  	[tilespmem:s24+$0xFFFFFF80] =	vst v9;
	v7 =	vld [tilespmem:s24+$0xFFFFFFE8]  }
0x285: {  	[tilespmem:s24+$0xFFFFFF90] =	vst v8;
	v8 =	vld [tilespmem:s24+$0xFFFFFFC8]  }
0x286: {  	v9 =	vld.idx.msk [tilespmem:v12+s7+$0x0], $0xffff  }
0x287: {  	v10 =	vld [tilespmem:s24+$0xFFFFFFB8]  }
0x288: {  	v11 =	vld [tilespmem:s24+$0xFFFFFFD8]  }
0x289: {  	s26 =	sadd.s32 $0xFFFFFFFF, s25  }
0x28a: {  	v12 =	vmov s26  }
0x28b: {  	v12 =	vand.u32 $0xFFFFFFFE, v12  }
0x28c: {  	v12 =	vbroadcast v12, $0x0;
	v10 =	vmul.f32 v10, v9  }
0x28d: {  	v7 =	vmul.f32 v7, v9;
	v11 =	vmul.f32 v11, v9  }
0x28e: {  	v8 =	vmul.f32 v8, v9;
	[tilespmem:s24+$0xFFFFFFB8] =	vst v10  }
0x28f: {  	[tilespmem:s24+$0xFFFFFFD8] =	vst v11  }
0x290: {  	[tilespmem:s24+$0xFFFFFFE8] =	vst v7;
	v7 =	vld [tilespmem:s24+$0x30]  }
0x291: {  	[tilespmem:s24+$0xFFFFFFC8] =	vst v8;
	v8 =	vld [tilespmem:s24+$0x0]  }
0x292: {  	v9 =	vld.idx.msk [tilespmem:v12+s7+$0x0], $0xffff  }
0x293: {  	v10 =	vld [tilespmem:s24+$0x10]  }
0x294: {  	v11 =	vld [tilespmem:s24+$0x20];
	_ =	sdelay $0x3  }
.Ltmp5:
0x295: {  	v12 =	vmul.f32 v8, v9;
	v10 =	vmul.f32 v10, v9;
	(pc) =	sbr.rel @p1 .LBB2_9-.Ltmp5, $4  }
0x296: {  	v8 =	vmul.f32 v11, v9;
	v9 =	vmul.f32 v7, v9;
	v7 =	vmov s25  }
0x297: {  	[tilespmem:s24+$0x0] =	vst v12  }
0x298: {  	[tilespmem:s24+$0x10] =	vst v10  }
0x299: {  	[tilespmem:s24+$0x30] =	vst v9  }
0x29a: {  	_ =	sdelay $0x2  }
0x29b: {  	[tilespmem:s22+$0x20] =	vst v8;
	v8 =	vld [tilespmem:s22+$0x48]  }
0x29c: {  	v7 =	vld.idx.msk [tilespmem:v7+s7+$0x0], $0xffff  }
0x29d: {  	v9 =	vld [tilespmem:s22+$0x68]  }
0x29e: {  	v10 =	vld [tilespmem:s22+$0x78]  }
0x29f: {  	v11 =	vld [tilespmem:s22+$0x58];
	_ =	sdelay $0x1  }
0x2a0: {  	v8 =	vmul.f32 v8, v7  }
0x2a1: {  	v9 =	vmul.f32 v9, v7  }
0x2a2: {  	[tilespmem:s22+$0x48] =	vst v8;
	v8 =	vmul.f32 v10, v7  }
0x2a3: {  	v7 =	vmul.f32 v11, v7;
	[tilespmem:s22+$0x68] =	vst v9  }
0x2a4: {  	[tilespmem:s22+$0x78] =	vst v8  }
.Ltmp6:
0x2a5: {  	[tilespmem:s22+$0x58] =	vst v7;
	(pc) =	sbr.rel @p0 .LBB2_12-.Ltmp6, $4  }
0x2a6: {  	[spmem:s3] =	stream.indirect.scatter.add.f32 [tilespmem:s10], [sflag:$0x6], $0x48, s14, s31, $0xb8;
	[tilespmem:$0x1F7F8] =	vst v63  }
0x2a7: {  	_ =	swait.ge [sflag:s16], $0x1680  }
0x2a8: {  	[sflag:s16] =	ssyncset.done $0x0  }
0x2a9: {  	[sflag:s16] =	ssyncadd.s32 $0xFFFFE980  }
0x2aa: {  	v7 =	vld [tilespmem:s21+$0x28B0];
	_ =	sdelay $0x4  }
0x2ab: {  	v8 =	vshrl.u32 v7, $0x10  }
0x2ac: {  	v7 =	vand.u32 $0xFFFF, v7;
	[tilespmem:$0x4F20] =	vst v8  }
0x2ad: {  	[tilespmem:$0x5010] =	vst v7  }
0x2ae: {  	v7 =	vld [tilespmem:s21+$0x28C0];
	_ =	sdelay $0x4  }
0x2af: {  	v8 =	vshrl.u32 v7, $0x10  }
0x2b0: {  	v7 =	vand.u32 $0xFFFF, v7;
	[tilespmem:$0x4F30] =	vst v8  }
0x2b1: {  	[tilespmem:$0x5020] =	vst v7  }
0x2b2: {  	v7 =	vld [tilespmem:s21+$0x28D0];
	_ =	sdelay $0x4  }
0x2b3: {  	v8 =	vshrl.u32 v7, $0x10  }
0x2b4: {  	v7 =	vand.u32 $0xFFFF, v7;
	[tilespmem:$0x4F40] =	vst v8  }
0x2b5: {  	[tilespmem:$0x5030] =	vst v7  }
0x2b6: {  	v7 =	vld [tilespmem:s21+$0x28E0];
	_ =	sdelay $0x4  }
0x2b7: {  	v8 =	vshrl.u32 v7, $0x10  }
0x2b8: {  	v7 =	vand.u32 $0xFFFF, v7;
	[tilespmem:$0x4F50] =	vst v8  }
0x2b9: {  	[tilespmem:$0x5040] =	vst v7  }
0x2ba: {  	v7 =	vld [tilespmem:s21+$0x28F0];
	_ =	sdelay $0x3  }
.Ltmp7:
0x2bb: {  	_ = 	snop;
	(pc) =	sbr.rel .LBB2_4-.Ltmp7, $4  }
0x2bc: {  	v8 =	vshrl.u32 v7, $0x10  }
0x2bd: {  	v7 =	vand.u32 $0xFFFF, v7;
	[tilespmem:$0x4F60] =	vst v8  }
0x2be: {  	s20 =	sadd.s32 $0x1, s20;
	[tilespmem:$0x5050] =	vst v7  }
0x2bf: {  	[tilespmem:s1], [sflag:$0x2] =	stream.indirect.gather [spmem:s4], $0x48, s0, s31, $0xb8;
	[tilespmem:$0x1F7F8] =	vst v63  }
.LBB2_13:
0x2c0: {  	_ =	sfence.sel $0x180000  }
0x2c1: {  	[bflag:$0x0] =	sbarrier.arrive $0xFFFF  }
0x2c2: {  	_ =	strace $0x90000047  }
0x2c3: {  	s0 =	stileid.u32;
	[bflag:$0x2] =	sbarrier.arrive $0xFFFF  }
0x2c4: {  	p0 =	sne.s32 s0, $0x0;
	s0 =	rddreg [dreg:$0x4]  }
0x2c5: {  	s0 =	sadd.s32 @!p0 $0x100000, s0  }
0x2c6: {  	[sflag:s0] =	ssyncadd.tile.s32 @!p0 $0x1;
	_ =	shalt  }
.Lfunc_end2:
_tile_overlayer_lowered:
.L_overlay_start_2:
0x2c7: {  	(tag) =	ssettag $0x2  }
0x2c8: {  	s0 =	rddreg [dreg:$0x0];
	s2 =	stileid.u32  }
0x2c9: {  	s1 =	rddreg [dreg:$0x1];
	p0 =	sne.s32 s2, $0x0  }
0x2ca: {  	s3 =	rddreg [dreg:$0x2];
	[bflag:$0x3] =	sbarrier.arrive $0xFFFF;
	s2 =	simm.s32 @!p0 $0x1C07  }
0x2cb: {  	[timem:s3], [sflag:s2] =	dma.local @!p0 [hbm:s0], s1  }
0x2cc: {  	s0 =	simm.s32 @!p0 $0x7  }
0x2cd: {  	_ =	swait.ge @!p0 [sflag:s0], s1  }
0x2ce: {  	s1 =	ssub.s32 @!p0 $0x0, s1;
	[sflag:s0] =	ssyncset.done @!p0 $0x0  }
0x2cf: {  	[sflag:s0] =	ssyncadd.s32 @!p0 s1  }
0x2d0: {  	[bflag:$0x3] =	sbarrier.arrive $0xFFFF  }
0x2d1: {  	_ =	shalt  }

</sc_bundles>
